<compile_context>
chip_gen: v7x
topology: tpu7x:2x2x1
jax: 0.10.2.dev20260603
libtpu: 0.0.44.dev20260713+nightly
codegen_flags: <defaults>
</compile_context>

<pallas_src>
import functools

import jax
import jax.numpy as jnp
from jax import lax
from jax.experimental import pallas as pl
from jax.experimental.pallas import tpu as pltpu
from jax.experimental.pallas import tpu_sc as plsc

N_ATOMS = 1_000_000
NUM_ELEMENTS = 87
EMBED_DIM = 28
TABLE_WORDS = NUM_ELEMENTS * EMBED_DIM

CHUNK = 1792
NUM_CHUNKS = N_ATOMS // CHUNK
TAIL = N_ATOMS - NUM_CHUNKS * CHUNK
LANES = 16


def _make_sc_gather():
    info = plsc.get_sparse_core_info()
    nc, ns = info.num_cores, info.num_subcores
    nw = nc * ns
    max_t = (NUM_CHUNKS + nw - 1) // nw
    mesh = plsc.VectorSubcoreMesh(core_axis_name="c", subcore_axis_name="s")

    @functools.partial(
        pl.kernel,
        mesh=mesh,
        out_type=jax.ShapeDtypeStruct((EMBED_DIM, N_ATOMS), jnp.float32),
        scratch_types=[
            pltpu.VMEM((TABLE_WORDS,), jnp.float32),
            [pltpu.VMEM((CHUNK,), jnp.int32) for _ in range(4)],
            [pltpu.VMEM((EMBED_DIM, CHUNK), jnp.float32) for _ in range(2)],
            pltpu.VMEM((TAIL,), jnp.int32),
            pltpu.VMEM((EMBED_DIM, TAIL), jnp.float32),
            [pltpu.SemaphoreType.DMA for _ in range(4)],
            [pltpu.SemaphoreType.DMA for _ in range(2)],
        ],
        compiler_params=pltpu.CompilerParams(needs_layout_passes=False),
    )
    def gather_kernel(
        idx_hbm, table_hbm, out_hbm, table_v, idx, rows, idx_t, rows_t, isem, osem
    ):
        wid = lax.axis_index("s") * nc + lax.axis_index("c")

        def idx_start(slot, chunk):
            pltpu.make_async_copy(
                idx_hbm.at[pl.ds(chunk * CHUNK, CHUNK)], idx[slot], isem[slot]
            ).start()

        def idx_wait(slot):
            pltpu.make_async_copy(
                idx_hbm.at[pl.ds(0, CHUNK)], idx[slot], isem[slot]
            ).wait()

        for t0 in (0, 1):
            c0 = wid + t0 * nw

            @pl.when(c0 < NUM_CHUNKS)
            def _(t0=t0, c0=c0):
                idx_start(t0, c0)

        pltpu.sync_copy(table_hbm, table_v)

        def compute(idx_v, rows_v, n_atoms):
            @plsc.parallel_loop(0, n_atoms, step=LANES, unroll=2)
            def _body(off):
                at_base = idx_v[pl.ds(off, LANES)] * EMBED_DIM
                for d in range(EMBED_DIM):
                    rows_v[d, pl.ds(off, LANES)] = plsc.load_gather(
                        table_v, [at_base + d]
                    )

        def do_chunk(q, j):
            t = 4 * q + j
            chunk = wid + t * nw

            @pl.when(chunk < NUM_CHUNKS)
            def _():
                chunk2 = chunk + 2 * nw

                @pl.when(chunk2 < NUM_CHUNKS)
                def _():
                    idx_start((j + 2) % 4, chunk2)

                idx_wait(j)

                @pl.when(t >= 2)
                def _():
                    pltpu.make_async_copy(
                        rows[j % 2], out_hbm.at[:, pl.ds(0, CHUNK)], osem[j % 2]
                    ).wait()

                compute(idx[j], rows[j % 2], CHUNK)
                pltpu.make_async_copy(
                    rows[j % 2], out_hbm.at[:, pl.ds(chunk * CHUNK, CHUNK)], osem[j % 2]
                ).start()

        def quad_body(q, carry):
            for j in range(4):
                do_chunk(q, j)
            return carry

        lax.fori_loop(0, (max_t + 3) // 4, quad_body, 0)

        pltpu.make_async_copy(rows[0], out_hbm.at[:, pl.ds(0, CHUNK)], osem[0]).wait()
        pltpu.make_async_copy(rows[1], out_hbm.at[:, pl.ds(0, CHUNK)], osem[1]).wait()

        @pl.when(wid == 0)
        def _():
            base = NUM_CHUNKS * CHUNK
            pltpu.sync_copy(idx_hbm.at[pl.ds(base, TAIL)], idx_t)
            compute(idx_t, rows_t, TAIL)
            pltpu.sync_copy(rows_t, out_hbm.at[:, pl.ds(base, TAIL)])

    return gather_kernel


_gather = _make_sc_gather()


@jax.jit
def kernel(at_no, embed_ten):
    out_t = _gather(at_no.astype(jnp.int32), embed_ten.reshape(-1))
    return out_t.T

# --- scband reference (transcript-rebuilt; emitter-appended) ---
"""Pipeline reference for scband-int2c1e-embedding-29154238005846 (READ-ONLY COPY).

The authoritative reference and input builder live on the scoring server;
editing this copy changes nothing except your own understanding.
"""

import jax, jax.numpy as jnp
import numpy as np

N_ATOMS = 1000000
NUM_ELEMENTS = 87
EMBED_DIM = 28


def setup_inputs(seed: int = 0) -> dict:
    key = jax.random.key(seed)
    k_idx, k_tab = jax.random.split(key)
    at_no = jax.random.randint(k_idx, (N_ATOMS,), 0, NUM_ELEMENTS)
    # Precomputed 2c1e embedding tensor (registered buffer in the torch module),
    # sized per (embed_basis='gfn2-xtb', aux_basis='aux28') -> [87, 28].
    embed_ten = jax.random.normal(k_tab, (NUM_ELEMENTS, EMBED_DIM), dtype=jnp.float32)
    return {"at_no": at_no, "embed_ten": embed_ten}


def reference(at_no, embed_ten):
    # forward: row-gather of the fixed embedding table by atomic number
    return embed_ten[at_no]

if __name__ == "__main__":
    import jax
    _d = setup_inputs()
    print(jax.jit(kernel)(*tuple(_d.values())))

</pallas_src>

<mosaic_0001>
#map = affine_map<(d0, d1) -> (0)>
#map1 = affine_map<(d0, d1) -> (0, 0)>
module attributes {stable_mosaic.version = 14 : i64} {
  func.func @gather_kernel(%arg0: i32, %arg1: i32, %arg2: memref<1000000xi32, #tpu.memory_space<hbm>>, %arg3: memref<2436xf32, #tpu.memory_space<hbm>>, %arg4: memref<28x1000000xf32, #tpu.memory_space<hbm>>, %arg5: memref<2436xf32, #tpu.memory_space<vmem>>, %arg6: memref<1792xi32, #tpu.memory_space<vmem>>, %arg7: memref<1792xi32, #tpu.memory_space<vmem>>, %arg8: memref<1792xi32, #tpu.memory_space<vmem>>, %arg9: memref<1792xi32, #tpu.memory_space<vmem>>, %arg10: memref<28x1792xf32, #tpu.memory_space<vmem>>, %arg11: memref<28x1792xf32, #tpu.memory_space<vmem>>, %arg12: memref<64xi32, #tpu.memory_space<vmem>>, %arg13: memref<28x64xf32, #tpu.memory_space<vmem>>, %arg14: memref<!tpu.dma_semaphore, #tpu.memory_space<semaphore_mem>>, %arg15: memref<!tpu.dma_semaphore, #tpu.memory_space<semaphore_mem>>, %arg16: memref<!tpu.dma_semaphore, #tpu.memory_space<semaphore_mem>>, %arg17: memref<!tpu.dma_semaphore, #tpu.memory_space<semaphore_mem>>, %arg18: memref<!tpu.dma_semaphore, #tpu.memory_space<semaphore_mem>>, %arg19: memref<!tpu.dma_semaphore, #tpu.memory_space<semaphore_mem>>) attributes {dimension_semantics = [#tpu.dimension_semantics<core_parallel>, #tpu.dimension_semantics<subcore_parallel>], iteration_bounds = array<i64: 2, 16>, scalar_prefetch = 0 : i64, scratch_operands = 15 : i64, tpu.core_type = #tpu.core_type<sc_vector_subcore>, window_params = [{transform_indices = #map}, {transform_indices = #map}, {transform_indices = #map1}]} {
    %mul3A = arith.constant 2 : i32
    %mul3A_0 = arith.muli %arg1, %mul3A : i32
    %add3A = arith.addi %mul3A_0, %arg0 : i32
    %add3A_1 = arith.constant 0 : i32
    %add3A_2 = arith.addi %add3A, %add3A_1 : i32
    %lt3A = arith.constant 558 : i32
    %lt3A_3 = arith.cmpi slt, %add3A_2, %lt3A : i32
    %convert_element_type3A = arith.extui %lt3A_3 : i1 to i32
    %cond3A = arith.constant 0 : i32
    %cond3A_4 = arith.cmpi ne, %convert_element_type3A, %cond3A : i32
    scf.if %cond3A_4 {
      %mul3A_32 = arith.constant 1792 : i32
      %mul3A_33 = arith.muli %add3A_2, %mul3A_32 : i32
      %dma_start3A = tpu.memref_slice %arg2[%mul3A_33] : memref<1000000xi32, #tpu.memory_space<hbm>> -> memref<1792xi32, #tpu.memory_space<hbm>>
      %dma_start3A_34 = tpu.memref_slice %arg2[%mul3A_33] : memref<1000000xi32, #tpu.memory_space<hbm>> -> memref<1792xi32, #tpu.memory_space<hbm>>
      tpu.enqueue_dma source(%dma_start3A_34 : memref<1792xi32, #tpu.memory_space<hbm>>) target(%arg6 : memref<1792xi32, #tpu.memory_space<vmem>>) target_semaphore(%arg14 : memref<!tpu.dma_semaphore, #tpu.memory_space<semaphore_mem>>)
    } else {
    }
    %add3A_5 = arith.constant 32 : i32
    %add3A_6 = arith.addi %add3A, %add3A_5 : i32
    %lt3A_7 = arith.constant 558 : i32
    %lt3A_8 = arith.cmpi slt, %add3A_6, %lt3A_7 : i32
    %convert_element_type3A_9 = arith.extui %lt3A_8 : i1 to i32
    %cond3A_10 = arith.constant 0 : i32
    %cond3A_11 = arith.cmpi ne, %convert_element_type3A_9, %cond3A_10 : i32
    scf.if %cond3A_11 {
      %mul3A_32 = arith.constant 1792 : i32
      %mul3A_33 = arith.muli %add3A_6, %mul3A_32 : i32
      %dma_start3A = tpu.memref_slice %arg2[%mul3A_33] : memref<1000000xi32, #tpu.memory_space<hbm>> -> memref<1792xi32, #tpu.memory_space<hbm>>
      %dma_start3A_34 = tpu.memref_slice %arg2[%mul3A_33] : memref<1000000xi32, #tpu.memory_space<hbm>> -> memref<1792xi32, #tpu.memory_space<hbm>>
      tpu.enqueue_dma source(%dma_start3A_34 : memref<1792xi32, #tpu.memory_space<hbm>>) target(%arg7 : memref<1792xi32, #tpu.memory_space<vmem>>) target_semaphore(%arg15 : memref<!tpu.dma_semaphore, #tpu.memory_space<semaphore_mem>>)
    } else {
    }
    "tpu.region"() ({
      %run_scoped3A = tpu.sem_alloc : memref<!tpu.dma_semaphore, #tpu.memory_space<semaphore_mem>>
      tpu.enqueue_dma source(%arg3 : memref<2436xf32, #tpu.memory_space<hbm>>) target(%arg5 : memref<2436xf32, #tpu.memory_space<vmem>>) target_semaphore(%run_scoped3A : memref<!tpu.dma_semaphore, #tpu.memory_space<semaphore_mem>>)
      tpu.wait_dma2 semaphore(%run_scoped3A : memref<!tpu.dma_semaphore, #tpu.memory_space<semaphore_mem>>) src(%arg3 : memref<2436xf32, #tpu.memory_space<hbm>>) dst(%arg5 : memref<2436xf32, #tpu.memory_space<vmem>>)
      tpu.yield
    }) : () -> ()
    %scan3A = arith.constant 0 : i32
    %scan3A_12 = arith.constant 0 : i32
    %scan3A_13 = arith.constant 5 : i32
    %scan3A_14 = arith.addi %scan3A_12, %scan3A_13 : i32
    %scan3A_15 = arith.constant 1 : i32
    scf.for %scan3A_32 = %scan3A_12 to %scan3A_14 step %scan3A_15  : i32 {
      %mul3A_33 = arith.constant 4 : i32
      %mul3A_34 = arith.muli %mul3A_33, %scan3A_32 : i32
      %add3A_35 = arith.constant 0 : i32
      %add3A_36 = arith.addi %mul3A_34, %add3A_35 : i32
      %mul3A_37 = arith.constant 32 : i32
      %mul3A_38 = arith.muli %add3A_36, %mul3A_37 : i32
      %add3A_39 = arith.addi %add3A, %mul3A_38 : i32
      %lt3A_40 = arith.constant 558 : i32
      %lt3A_41 = arith.cmpi slt, %add3A_39, %lt3A_40 : i32
      %convert_element_type3A_42 = arith.extui %lt3A_41 : i1 to i32
      %cond3A_43 = arith.constant 0 : i32
      %cond3A_44 = arith.cmpi ne, %convert_element_type3A_42, %cond3A_43 : i32
      scf.if %cond3A_44 {
        %add3A_81 = arith.constant 64 : i32
        %add3A_82 = arith.addi %add3A_39, %add3A_81 : i32
        %lt3A_83 = arith.constant 558 : i32
        %lt3A_84 = arith.cmpi slt, %add3A_82, %lt3A_83 : i32
        %convert_element_type3A_85 = arith.extui %lt3A_84 : i1 to i32
        %cond3A_86 = arith.constant 0 : i32
        %cond3A_87 = arith.cmpi ne, %convert_element_type3A_85, %cond3A_86 : i32
        scf.if %cond3A_87 {
          %mul3A_103 = arith.constant 1792 : i32
          %mul3A_104 = arith.muli %add3A_82, %mul3A_103 : i32
          %dma_start3A_105 = tpu.memref_slice %arg2[%mul3A_104] : memref<1000000xi32, #tpu.memory_space<hbm>> -> memref<1792xi32, #tpu.memory_space<hbm>>
          %dma_start3A_106 = tpu.memref_slice %arg2[%mul3A_104] : memref<1000000xi32, #tpu.memory_space<hbm>> -> memref<1792xi32, #tpu.memory_space<hbm>>
          tpu.enqueue_dma source(%dma_start3A_106 : memref<1792xi32, #tpu.memory_space<hbm>>) target(%arg8 : memref<1792xi32, #tpu.memory_space<vmem>>) target_semaphore(%arg16 : memref<!tpu.dma_semaphore, #tpu.memory_space<semaphore_mem>>)
        } else {
        }
        %dma_wait3A_88 = arith.constant 0 : i32
        %dma_wait3A_89 = tpu.memref_slice %arg2[%dma_wait3A_88] : memref<1000000xi32, #tpu.memory_space<hbm>> -> memref<1792xi32, #tpu.memory_space<hbm>>
        %dma_wait3A_90 = arith.constant 0 : i32
        %dma_wait3A_91 = tpu.memref_slice %arg2[%dma_wait3A_90] : memref<1000000xi32, #tpu.memory_space<hbm>> -> memref<1792xi32, #tpu.memory_space<hbm>>
        tpu.wait_dma2 semaphore(%arg14 : memref<!tpu.dma_semaphore, #tpu.memory_space<semaphore_mem>>) src(%dma_wait3A_91 : memref<1792xi32, #tpu.memory_space<hbm>>) dst(%arg6 : memref<1792xi32, #tpu.memory_space<vmem>>)
        %ge3A = arith.constant 2 : i32
        %ge3A_92 = arith.cmpi sge, %add3A_36, %ge3A : i32
        %convert_element_type3A_93 = arith.extui %ge3A_92 : i1 to i32
        %cond3A_94 = arith.constant 0 : i32
        %cond3A_95 = arith.cmpi ne, %convert_element_type3A_93, %cond3A_94 : i32
        scf.if %cond3A_95 {
          %dma_wait3A_103 = arith.constant 0 : i32
          %dma_wait3A_104 = arith.constant 0 : i32
          %dma_wait3A_105 = tpu.memref_slice %arg4[%dma_wait3A_103, %dma_wait3A_104] : memref<28x1000000xf32, #tpu.memory_space<hbm>> -> memref<28x1792xf32, #tpu.memory_space<hbm>>
          %dma_wait3A_106 = arith.constant 0 : i32
          %dma_wait3A_107 = arith.constant 0 : i32
          %dma_wait3A_108 = tpu.memref_slice %arg4[%dma_wait3A_106, %dma_wait3A_107] : memref<28x1000000xf32, #tpu.memory_space<hbm>> -> memref<28x1792xf32, #tpu.memory_space<hbm>>
          tpu.wait_dma2 semaphore(%arg18 : memref<!tpu.dma_semaphore, #tpu.memory_space<semaphore_mem>>) src(%arg10 : memref<28x1792xf32, #tpu.memory_space<vmem>>) dst(%dma_wait3A_108 : memref<28x1792xf32, #tpu.memory_space<hbm>>)
        } else {
        }
        %parallel_loop3A = arith.constant 0 : i32
        %parallel_loop3A_96 = arith.constant 1792 : i32
        %parallel_loop3A_97 = arith.constant 16 : i32
        scf.for %parallel_loop3A_103 = %parallel_loop3A to %parallel_loop3A_96 step %parallel_loop3A_97  : i32 {
          %parallel_loop3A_104 = arith.index_cast %parallel_loop3A_103 : i32 to index
          %parallel_loop3A_105 = tpu.vector_load %arg6[%parallel_loop3A_104] {strides = array<i32>} : memref<1792xi32, #tpu.memory_space<vmem>>, vector<16xi32>,
          %parallel_loop3A_106 = arith.constant 28 : i32
          %parallel_loop3A_107 = vector.broadcast %parallel_loop3A_106 : i32 to vector<16xi32>
          %parallel_loop3A_108 = arith.muli %parallel_loop3A_105, %parallel_loop3A_107 : vector<16xi32>
          %parallel_loop3A_109 = arith.constant 0 : i32
          %parallel_loop3A_110 = vector.broadcast %parallel_loop3A_109 : i32 to vector<16xi32>
          %parallel_loop3A_111 = arith.addi %parallel_loop3A_108, %parallel_loop3A_110 : vector<16xi32>
          %parallel_loop3A_112 = tpu.vector_load_idx %arg5[%parallel_loop3A_111] : memref<2436xf32, #tpu.memory_space<vmem>>[vector<16xi32>], vector<16xf32>,
          %parallel_loop3A_113 = arith.constant 0 : i32
          %parallel_loop3A_114 = arith.index_cast %parallel_loop3A_113 : i32 to index
          %parallel_loop3A_115 = arith.index_cast %parallel_loop3A_103 : i32 to index
          %parallel_loop3A_116 = tpu.vector_load %arg10[%parallel_loop3A_114, %parallel_loop3A_115] {strides = array<i32>} : memref<28x1792xf32, #tpu.memory_space<vmem>>, vector<16xf32>,
          tpu.vector_store %arg10[%parallel_loop3A_114, %parallel_loop3A_115], %parallel_loop3A_112 {strides = array<i32>} : memref<28x1792xf32, #tpu.memory_space<vmem>>, vector<16xf32>,
          %parallel_loop3A_117 = arith.constant 1 : i32
          %parallel_loop3A_118 = vector.broadcast %parallel_loop3A_117 : i32 to vector<16xi32>
          %parallel_loop3A_119 = arith.addi %parallel_loop3A_108, %parallel_loop3A_118 : vector<16xi32>
          %parallel_loop3A_120 = tpu.vector_load_idx %arg5[%parallel_loop3A_119] : memref<2436xf32, #tpu.memory_space<vmem>>[vector<16xi32>], vector<16xf32>,
          %parallel_loop3A_121 = arith.constant 1 : i32
          %parallel_loop3A_122 = arith.index_cast %parallel_loop3A_121 : i32 to index
          %parallel_loop3A_123 = arith.index_cast %parallel_loop3A_103 : i32 to index
          %parallel_loop3A_124 = tpu.vector_load %arg10[%parallel_loop3A_122, %parallel_loop3A_123] {strides = array<i32>} : memref<28x1792xf32, #tpu.memory_space<vmem>>, vector<16xf32>,
          tpu.vector_store %arg10[%parallel_loop3A_122, %parallel_loop3A_123], %parallel_loop3A_120 {strides = array<i32>} : memref<28x1792xf32, #tpu.memory_space<vmem>>, vector<16xf32>,
          %parallel_loop3A_125 = arith.constant 2 : i32
          %parallel_loop3A_126 = vector.broadcast %parallel_loop3A_125 : i32 to vector<16xi32>
          %parallel_loop3A_127 = arith.addi %parallel_loop3A_108, %parallel_loop3A_126 : vector<16xi32>
          %parallel_loop3A_128 = tpu.vector_load_idx %arg5[%parallel_loop3A_127] : memref<2436xf32, #tpu.memory_space<vmem>>[vector<16xi32>], vector<16xf32>,
          %parallel_loop3A_129 = arith.constant 2 : i32
          %parallel_loop3A_130 = arith.index_cast %parallel_loop3A_129 : i32 to index
          %parallel_loop3A_131 = arith.index_cast %parallel_loop3A_103 : i32 to index
          %parallel_loop3A_132 = tpu.vector_load %arg10[%parallel_loop3A_130, %parallel_loop3A_131] {strides = array<i32>} : memref<28x1792xf32, #tpu.memory_space<vmem>>, vector<16xf32>,
          tpu.vector_store %arg10[%parallel_loop3A_130, %parallel_loop3A_131], %parallel_loop3A_128 {strides = array<i32>} : memref<28x1792xf32, #tpu.memory_space<vmem>>, vector<16xf32>,
          %parallel_loop3A_133 = arith.constant 3 : i32
          %parallel_loop3A_134 = vector.broadcast %parallel_loop3A_133 : i32 to vector<16xi32>
          %parallel_loop3A_135 = arith.addi %parallel_loop3A_108, %parallel_loop3A_134 : vector<16xi32>
          %parallel_loop3A_136 = tpu.vector_load_idx %arg5[%parallel_loop3A_135] : memref<2436xf32, #tpu.memory_space<vmem>>[vector<16xi32>], vector<16xf32>,
          %parallel_loop3A_137 = arith.constant 3 : i32
          %parallel_loop3A_138 = arith.index_cast %parallel_loop3A_137 : i32 to index
          %parallel_loop3A_139 = arith.index_cast %parallel_loop3A_103 : i32 to index
          %parallel_loop3A_140 = tpu.vector_load %arg10[%parallel_loop3A_138, %parallel_loop3A_139] {strides = array<i32>} : memref<28x1792xf32, #tpu.memory_space<vmem>>, vector<16xf32>,
          tpu.vector_store %arg10[%parallel_loop3A_138, %parallel_loop3A_139], %parallel_loop3A_136 {strides = array<i32>} : memref<28x1792xf32, #tpu.memory_space<vmem>>, vector<16xf32>,
          %parallel_loop3A_141 = arith.constant 4 : i32
          %parallel_loop3A_142 = vector.broadcast %parallel_loop3A_141 : i32 to vector<16xi32>
          %parallel_loop3A_143 = arith.addi %parallel_loop3A_108, %parallel_loop3A_142 : vector<16xi32>
          %parallel_loop3A_144 = tpu.vector_load_idx %arg5[%parallel_loop3A_143] : memref<2436xf32, #tpu.memory_space<vmem>>[vector<16xi32>], vector<16xf32>,
          %parallel_loop3A_145 = arith.constant 4 : i32
          %parallel_loop3A_146 = arith.index_cast %parallel_loop3A_145 : i32 to index
          %parallel_loop3A_147 = arith.index_cast %parallel_loop3A_103 : i32 to index
          %parallel_loop3A_148 = tpu.vector_load %arg10[%parallel_loop3A_146, %parallel_loop3A_147] {strides = array<i32>} : memref<28x1792xf32, #tpu.memory_space<vmem>>, vector<16xf32>,
          tpu.vector_store %arg10[%parallel_loop3A_146, %parallel_loop3A_147], %parallel_loop3A_144 {strides = array<i32>} : memref<28x1792xf32, #tpu.memory_space<vmem>>, vector<16xf32>,
          %parallel_loop3A_149 = arith.constant 5 : i32
          %parallel_loop3A_150 = vector.broadcast %parallel_loop3A_149 : i32 to vector<16xi32>
          %parallel_loop3A_151 = arith.addi %parallel_loop3A_108, %parallel_loop3A_150 : vector<16xi32>
          %parallel_loop3A_152 = tpu.vector_load_idx %arg5[%parallel_loop3A_151] : memref<2436xf32, #tpu.memory_space<vmem>>[vector<16xi32>], vector<16xf32>,
          %parallel_loop3A_153 = arith.constant 5 : i32
          %parallel_loop3A_154 = arith.index_cast %parallel_loop3A_153 : i32 to index
          %parallel_loop3A_155 = arith.index_cast %parallel_loop3A_103 : i32 to index
          %parallel_loop3A_156 = tpu.vector_load %arg10[%parallel_loop3A_154, %parallel_loop3A_155] {strides = array<i32>} : memref<28x1792xf32, #tpu.memory_space<vmem>>, vector<16xf32>,
          tpu.vector_store %arg10[%parallel_loop3A_154, %parallel_loop3A_155], %parallel_loop3A_152 {strides = array<i32>} : memref<28x1792xf32, #tpu.memory_space<vmem>>, vector<16xf32>,
          %parallel_loop3A_157 = arith.constant 6 : i32
          %parallel_loop3A_158 = vector.broadcast %parallel_loop3A_157 : i32 to vector<16xi32>
          %parallel_loop3A_159 = arith.addi %parallel_loop3A_108, %parallel_loop3A_158 : vector<16xi32>
          %parallel_loop3A_160 = tpu.vector_load_idx %arg5[%parallel_loop3A_159] : memref<2436xf32, #tpu.memory_space<vmem>>[vector<16xi32>], vector<16xf32>,
          %parallel_loop3A_161 = arith.constant 6 : i32
          %parallel_loop3A_162 = arith.index_cast %parallel_loop3A_161 : i32 to index
          %parallel_loop3A_163 = arith.index_cast %parallel_loop3A_103 : i32 to index
          %parallel_loop3A_164 = tpu.vector_load %arg10[%parallel_loop3A_162, %parallel_loop3A_163] {strides = array<i32>} : memref<28x1792xf32, #tpu.memory_space<vmem>>, vector<16xf32>,
          tpu.vector_store %arg10[%parallel_loop3A_162, %parallel_loop3A_163], %parallel_loop3A_160 {strides = array<i32>} : memref<28x1792xf32, #tpu.memory_space<vmem>>, vector<16xf32>,
          %parallel_loop3A_165 = arith.constant 7 : i32
          %parallel_loop3A_166 = vector.broadcast %parallel_loop3A_165 : i32 to vector<16xi32>
          %parallel_loop3A_167 = arith.addi %parallel_loop3A_108, %parallel_loop3A_166 : vector<16xi32>
          %parallel_loop3A_168 = tpu.vector_load_idx %arg5[%parallel_loop3A_167] : memref<2436xf32, #tpu.memory_space<vmem>>[vector<16xi32>], vector<16xf32>,
          %parallel_loop3A_169 = arith.constant 7 : i32
          %parallel_loop3A_170 = arith.index_cast %parallel_loop3A_169 : i32 to index
          %parallel_loop3A_171 = arith.index_cast %parallel_loop3A_103 : i32 to index
          %parallel_loop3A_172 = tpu.vector_load %arg10[%parallel_loop3A_170, %parallel_loop3A_171] {strides = array<i32>} : memref<28x1792xf32, #tpu.memory_space<vmem>>, vector<16xf32>,
          tpu.vector_store %arg10[%parallel_loop3A_170, %parallel_loop3A_171], %parallel_loop3A_168 {strides = array<i32>} : memref<28x1792xf32, #tpu.memory_space<vmem>>, vector<16xf32>,
          %parallel_loop3A_173 = arith.constant 8 : i32
          %parallel_loop3A_174 = vector.broadcast %parallel_loop3A_173 : i32 to vector<16xi32>
          %parallel_loop3A_175 = arith.addi %parallel_loop3A_108, %parallel_loop3A_174 : vector<16xi32>
          %parallel_loop3A_176 = tpu.vector_load_idx %arg5[%parallel_loop3A_175] : memref<2436xf32, #tpu.memory_space<vmem>>[vector<16xi32>], vector<16xf32>,
          %parallel_loop3A_177 = arith.constant 8 : i32
          %parallel_loop3A_178 = arith.index_cast %parallel_loop3A_177 : i32 to index
          %parallel_loop3A_179 = arith.index_cast %parallel_loop3A_103 : i32 to index
          %parallel_loop3A_180 = tpu.vector_load %arg10[%parallel_loop3A_178, %parallel_loop3A_179] {strides = array<i32>} : memref<28x1792xf32, #tpu.memory_space<vmem>>, vector<16xf32>,
          tpu.vector_store %arg10[%parallel_loop3A_178, %parallel_loop3A_179], %parallel_loop3A_176 {strides = array<i32>} : memref<28x1792xf32, #tpu.memory_space<vmem>>, vector<16xf32>,
          %parallel_loop3A_181 = arith.constant 9 : i32
          %parallel_loop3A_182 = vector.broadcast %parallel_loop3A_181 : i32 to vector<16xi32>
          %parallel_loop3A_183 = arith.addi %parallel_loop3A_108, %parallel_loop3A_182 : vector<16xi32>
          %parallel_loop3A_184 = tpu.vector_load_idx %arg5[%parallel_loop3A_183] : memref<2436xf32, #tpu.memory_space<vmem>>[vector<16xi32>], vector<16xf32>,
          %parallel_loop3A_185 = arith.constant 9 : i32
          %parallel_loop3A_186 = arith.index_cast %parallel_loop3A_185 : i32 to index
          %parallel_loop3A_187 = arith.index_cast %parallel_loop3A_103 : i32 to index
          %parallel_loop3A_188 = tpu.vector_load %arg10[%parallel_loop3A_186, %parallel_loop3A_187] {strides = array<i32>} : memref<28x1792xf32, #tpu.memory_space<vmem>>, vector<16xf32>,
          tpu.vector_store %arg10[%parallel_loop3A_186, %parallel_loop3A_187], %parallel_loop3A_184 {strides = array<i32>} : memref<28x1792xf32, #tpu.memory_space<vmem>>, vector<16xf32>,
          %parallel_loop3A_189 = arith.constant 10 : i32
          %parallel_loop3A_190 = vector.broadcast %parallel_loop3A_189 : i32 to vector<16xi32>
          %parallel_loop3A_191 = arith.addi %parallel_loop3A_108, %parallel_loop3A_190 : vector<16xi32>
          %parallel_loop3A_192 = tpu.vector_load_idx %arg5[%parallel_loop3A_191] : memref<2436xf32, #tpu.memory_space<vmem>>[vector<16xi32>], vector<16xf32>,
          %parallel_loop3A_193 = arith.constant 10 : i32
          %parallel_loop3A_194 = arith.index_cast %parallel_loop3A_193 : i32 to index
          %parallel_loop3A_195 = arith.index_cast %parallel_loop3A_103 : i32 to index
          %parallel_loop3A_196 = tpu.vector_load %arg10[%parallel_loop3A_194, %parallel_loop3A_195] {strides = array<i32>} : memref<28x1792xf32, #tpu.memory_space<vmem>>, vector<16xf32>,
          tpu.vector_store %arg10[%parallel_loop3A_194, %parallel_loop3A_195], %parallel_loop3A_192 {strides = array<i32>} : memref<28x1792xf32, #tpu.memory_space<vmem>>, vector<16xf32>,
          %parallel_loop3A_197 = arith.constant 11 : i32
          %parallel_loop3A_198 = vector.broadcast %parallel_loop3A_197 : i32 to vector<16xi32>
          %parallel_loop3A_199 = arith.addi %parallel_loop3A_108, %parallel_loop3A_198 : vector<16xi32>
          %parallel_loop3A_200 = tpu.vector_load_idx %arg5[%parallel_loop3A_199] : memref<2436xf32, #tpu.memory_space<vmem>>[vector<16xi32>], vector<16xf32>,
          %parallel_loop3A_201 = arith.constant 11 : i32
          %parallel_loop3A_202 = arith.index_cast %parallel_loop3A_201 : i32 to index
          %parallel_loop3A_203 = arith.index_cast %parallel_loop3A_103 : i32 to index
          %parallel_loop3A_204 = tpu.vector_load %arg10[%parallel_loop3A_202, %parallel_loop3A_203] {strides = array<i32>} : memref<28x1792xf32, #tpu.memory_space<vmem>>, vector<16xf32>,
          tpu.vector_store %arg10[%parallel_loop3A_202, %parallel_loop3A_203], %parallel_loop3A_200 {strides = array<i32>} : memref<28x1792xf32, #tpu.memory_space<vmem>>, vector<16xf32>,
          %parallel_loop3A_205 = arith.constant 12 : i32
          %parallel_loop3A_206 = vector.broadcast %parallel_loop3A_205 : i32 to vector<16xi32>
          %parallel_loop3A_207 = arith.addi %parallel_loop3A_108, %parallel_loop3A_206 : vector<16xi32>
          %parallel_loop3A_208 = tpu.vector_load_idx %arg5[%parallel_loop3A_207] : memref<2436xf32, #tpu.memory_space<vmem>>[vector<16xi32>], vector<16xf32>,
          %parallel_loop3A_209 = arith.constant 12 : i32
          %parallel_loop3A_210 = arith.index_cast %parallel_loop3A_209 : i32 to index
          %parallel_loop3A_211 = arith.index_cast %parallel_loop3A_103 : i32 to index
          %parallel_loop3A_212 = tpu.vector_load %arg10[%parallel_loop3A_210, %parallel_loop3A_211] {strides = array<i32>} : memref<28x1792xf32, #tpu.memory_space<vmem>>, vector<16xf32>,
          tpu.vector_store %arg10[%parallel_loop3A_210, %parallel_loop3A_211], %parallel_loop3A_208 {strides = array<i32>} : memref<28x1792xf32, #tpu.memory_space<vmem>>, vector<16xf32>,
          %parallel_loop3A_213 = arith.constant 13 : i32
          %parallel_loop3A_214 = vector.broadcast %parallel_loop3A_213 : i32 to vector<16xi32>
          %parallel_loop3A_215 = arith.addi %parallel_loop3A_108, %parallel_loop3A_214 : vector<16xi32>
          %parallel_loop3A_216 = tpu.vector_load_idx %arg5[%parallel_loop3A_215] : memref<2436xf32, #tpu.memory_space<vmem>>[vector<16xi32>], vector<16xf32>,
          %parallel_loop3A_217 = arith.constant 13 : i32
          %parallel_loop3A_218 = arith.index_cast %parallel_loop3A_217 : i32 to index
          %parallel_loop3A_219 = arith.index_cast %parallel_loop3A_103 : i32 to index
          %parallel_loop3A_220 = tpu.vector_load %arg10[%parallel_loop3A_218, %parallel_loop3A_219] {strides = array<i32>} : memref<28x1792xf32, #tpu.memory_space<vmem>>, vector<16xf32>,
          tpu.vector_store %arg10[%parallel_loop3A_218, %parallel_loop3A_219], %parallel_loop3A_216 {strides = array<i32>} : memref<28x1792xf32, #tpu.memory_space<vmem>>, vector<16xf32>,
          %parallel_loop3A_221 = arith.constant 14 : i32
          %parallel_loop3A_222 = vector.broadcast %parallel_loop3A_221 : i32 to vector<16xi32>
          %parallel_loop3A_223 = arith.addi %parallel_loop3A_108, %parallel_loop3A_222 : vector<16xi32>
          %parallel_loop3A_224 = tpu.vector_load_idx %arg5[%parallel_loop3A_223] : memref<2436xf32, #tpu.memory_space<vmem>>[vector<16xi32>], vector<16xf32>,
          %parallel_loop3A_225 = arith.constant 14 : i32
          %parallel_loop3A_226 = arith.index_cast %parallel_loop3A_225 : i32 to index
          %parallel_loop3A_227 = arith.index_cast %parallel_loop3A_103 : i32 to index
          %parallel_loop3A_228 = tpu.vector_load %arg10[%parallel_loop3A_226, %parallel_loop3A_227] {strides = array<i32>} : memref<28x1792xf32, #tpu.memory_space<vmem>>, vector<16xf32>,
          tpu.vector_store %arg10[%parallel_loop3A_226, %parallel_loop3A_227], %parallel_loop3A_224 {strides = array<i32>} : memref<28x1792xf32, #tpu.memory_space<vmem>>, vector<16xf32>,
          %parallel_loop3A_229 = arith.constant 15 : i32
          %parallel_loop3A_230 = vector.broadcast %parallel_loop3A_229 : i32 to vector<16xi32>
          %parallel_loop3A_231 = arith.addi %parallel_loop3A_108, %parallel_loop3A_230 : vector<16xi32>
          %parallel_loop3A_232 = tpu.vector_load_idx %arg5[%parallel_loop3A_231] : memref<2436xf32, #tpu.memory_space<vmem>>[vector<16xi32>], vector<16xf32>,
          %parallel_loop3A_233 = arith.constant 15 : i32
          %parallel_loop3A_234 = arith.index_cast %parallel_loop3A_233 : i32 to index
          %parallel_loop3A_235 = arith.index_cast %parallel_loop3A_103 : i32 to index
          %parallel_loop3A_236 = tpu.vector_load %arg10[%parallel_loop3A_234, %parallel_loop3A_235] {strides = array<i32>} : memref<28x1792xf32, #tpu.memory_space<vmem>>, vector<16xf32>,
          tpu.vector_store %arg10[%parallel_loop3A_234, %parallel_loop3A_235], %parallel_loop3A_232 {strides = array<i32>} : memref<28x1792xf32, #tpu.memory_space<vmem>>, vector<16xf32>,
          %parallel_loop3A_237 = arith.constant 16 : i32
          %parallel_loop3A_238 = vector.broadcast %parallel_loop3A_237 : i32 to vector<16xi32>
          %parallel_loop3A_239 = arith.addi %parallel_loop3A_108, %parallel_loop3A_238 : vector<16xi32>
          %parallel_loop3A_240 = tpu.vector_load_idx %arg5[%parallel_loop3A_239] : memref<2436xf32, #tpu.memory_space<vmem>>[vector<16xi32>], vector<16xf32>,
          %parallel_loop3A_241 = arith.constant 16 : i32
          %parallel_loop3A_242 = arith.index_cast %parallel_loop3A_241 : i32 to index
          %parallel_loop3A_243 = arith.index_cast %parallel_loop3A_103 : i32 to index
          %parallel_loop3A_244 = tpu.vector_load %arg10[%parallel_loop3A_242, %parallel_loop3A_243] {strides = array<i32>} : memref<28x1792xf32, #tpu.memory_space<vmem>>, vector<16xf32>,
          tpu.vector_store %arg10[%parallel_loop3A_242, %parallel_loop3A_243], %parallel_loop3A_240 {strides = array<i32>} : memref<28x1792xf32, #tpu.memory_space<vmem>>, vector<16xf32>,
          %parallel_loop3A_245 = arith.constant 17 : i32
          %parallel_loop3A_246 = vector.broadcast %parallel_loop3A_245 : i32 to vector<16xi32>
          %parallel_loop3A_247 = arith.addi %parallel_loop3A_108, %parallel_loop3A_246 : vector<16xi32>
          %parallel_loop3A_248 = tpu.vector_load_idx %arg5[%parallel_loop3A_247] : memref<2436xf32, #tpu.memory_space<vmem>>[vector<16xi32>], vector<16xf32>,
          %parallel_loop3A_249 = arith.constant 17 : i32
          %parallel_loop3A_250 = arith.index_cast %parallel_loop3A_249 : i32 to index
          %parallel_loop3A_251 = arith.index_cast %parallel_loop3A_103 : i32 to index
          %parallel_loop3A_252 = tpu.vector_load %arg10[%parallel_loop3A_250, %parallel_loop3A_251] {strides = array<i32>} : memref<28x1792xf32, #tpu.memory_space<vmem>>, vector<16xf32>,
          tpu.vector_store %arg10[%parallel_loop3A_250, %parallel_loop3A_251], %parallel_loop3A_248 {strides = array<i32>} : memref<28x1792xf32, #tpu.memory_space<vmem>>, vector<16xf32>,
          %parallel_loop3A_253 = arith.constant 18 : i32
          %parallel_loop3A_254 = vector.broadcast %parallel_loop3A_253 : i32 to vector<16xi32>
          %parallel_loop3A_255 = arith.addi %parallel_loop3A_108, %parallel_loop3A_254 : vector<16xi32>
          %parallel_loop3A_256 = tpu.vector_load_idx %arg5[%parallel_loop3A_255] : memref<2436xf32, #tpu.memory_space<vmem>>[vector<16xi32>], vector<16xf32>,
          %parallel_loop3A_257 = arith.constant 18 : i32
          %parallel_loop3A_258 = arith.index_cast %parallel_loop3A_257 : i32 to index
          %parallel_loop3A_259 = arith.index_cast %parallel_loop3A_103 : i32 to index
          %parallel_loop3A_260 = tpu.vector_load %arg10[%parallel_loop3A_258, %parallel_loop3A_259] {strides = array<i32>} : memref<28x1792xf32, #tpu.memory_space<vmem>>, vector<16xf32>,
          tpu.vector_store %arg10[%parallel_loop3A_258, %parallel_loop3A_259], %parallel_loop3A_256 {strides = array<i32>} : memref<28x1792xf32, #tpu.memory_space<vmem>>, vector<16xf32>,
          %parallel_loop3A_261 = arith.constant 19 : i32
          %parallel_loop3A_262 = vector.broadcast %parallel_loop3A_261 : i32 to vector<16xi32>
          %parallel_loop3A_263 = arith.addi %parallel_loop3A_108, %parallel_loop3A_262 : vector<16xi32>
          %parallel_loop3A_264 = tpu.vector_load_idx %arg5[%parallel_loop3A_263] : memref<2436xf32, #tpu.memory_space<vmem>>[vector<16xi32>], vector<16xf32>,
          %parallel_loop3A_265 = arith.constant 19 : i32
          %parallel_loop3A_266 = arith.index_cast %parallel_loop3A_265 : i32 to index
          %parallel_loop3A_267 = arith.index_cast %parallel_loop3A_103 : i32 to index
          %parallel_loop3A_268 = tpu.vector_load %arg10[%parallel_loop3A_266, %parallel_loop3A_267] {strides = array<i32>} : memref<28x1792xf32, #tpu.memory_space<vmem>>, vector<16xf32>,
          tpu.vector_store %arg10[%parallel_loop3A_266, %parallel_loop3A_267], %parallel_loop3A_264 {strides = array<i32>} : memref<28x1792xf32, #tpu.memory_space<vmem>>, vector<16xf32>,
          %parallel_loop3A_269 = arith.constant 20 : i32
          %parallel_loop3A_270 = vector.broadcast %parallel_loop3A_269 : i32 to vector<16xi32>
          %parallel_loop3A_271 = arith.addi %parallel_loop3A_108, %parallel_loop3A_270 : vector<16xi32>
          %parallel_loop3A_272 = tpu.vector_load_idx %arg5[%parallel_loop3A_271] : memref<2436xf32, #tpu.memory_space<vmem>>[vector<16xi32>], vector<16xf32>,
          %parallel_loop3A_273 = arith.constant 20 : i32
          %parallel_loop3A_274 = arith.index_cast %parallel_loop3A_273 : i32 to index
          %parallel_loop3A_275 = arith.index_cast %parallel_loop3A_103 : i32 to index
          %parallel_loop3A_276 = tpu.vector_load %arg10[%parallel_loop3A_274, %parallel_loop3A_275] {strides = array<i32>} : memref<28x1792xf32, #tpu.memory_space<vmem>>, vector<16xf32>,
          tpu.vector_store %arg10[%parallel_loop3A_274, %parallel_loop3A_275], %parallel_loop3A_272 {strides = array<i32>} : memref<28x1792xf32, #tpu.memory_space<vmem>>, vector<16xf32>,
          %parallel_loop3A_277 = arith.constant 21 : i32
          %parallel_loop3A_278 = vector.broadcast %parallel_loop3A_277 : i32 to vector<16xi32>
          %parallel_loop3A_279 = arith.addi %parallel_loop3A_108, %parallel_loop3A_278 : vector<16xi32>
          %parallel_loop3A_280 = tpu.vector_load_idx %arg5[%parallel_loop3A_279] : memref<2436xf32, #tpu.memory_space<vmem>>[vector<16xi32>], vector<16xf32>,
          %parallel_loop3A_281 = arith.constant 21 : i32
          %parallel_loop3A_282 = arith.index_cast %parallel_loop3A_281 : i32 to index
          %parallel_loop3A_283 = arith.index_cast %parallel_loop3A_103 : i32 to index
          %parallel_loop3A_284 = tpu.vector_load %arg10[%parallel_loop3A_282, %parallel_loop3A_283] {strides = array<i32>} : memref<28x1792xf32, #tpu.memory_space<vmem>>, vector<16xf32>,
          tpu.vector_store %arg10[%parallel_loop3A_282, %parallel_loop3A_283], %parallel_loop3A_280 {strides = array<i32>} : memref<28x1792xf32, #tpu.memory_space<vmem>>, vector<16xf32>,
          %parallel_loop3A_285 = arith.constant 22 : i32
          %parallel_loop3A_286 = vector.broadcast %parallel_loop3A_285 : i32 to vector<16xi32>
          %parallel_loop3A_287 = arith.addi %parallel_loop3A_108, %parallel_loop3A_286 : vector<16xi32>
          %parallel_loop3A_288 = tpu.vector_load_idx %arg5[%parallel_loop3A_287] : memref<2436xf32, #tpu.memory_space<vmem>>[vector<16xi32>], vector<16xf32>,
          %parallel_loop3A_289 = arith.constant 22 : i32
          %parallel_loop3A_290 = arith.index_cast %parallel_loop3A_289 : i32 to index
          %parallel_loop3A_291 = arith.index_cast %parallel_loop3A_103 : i32 to index
          %parallel_loop3A_292 = tpu.vector_load %arg10[%parallel_loop3A_290, %parallel_loop3A_291] {strides = array<i32>} : memref<28x1792xf32, #tpu.memory_space<vmem>>, vector<16xf32>,
          tpu.vector_store %arg10[%parallel_loop3A_290, %parallel_loop3A_291], %parallel_loop3A_288 {strides = array<i32>} : memref<28x1792xf32, #tpu.memory_space<vmem>>, vector<16xf32>,
          %parallel_loop3A_293 = arith.constant 23 : i32
          %parallel_loop3A_294 = vector.broadcast %parallel_loop3A_293 : i32 to vector<16xi32>
          %parallel_loop3A_295 = arith.addi %parallel_loop3A_108, %parallel_loop3A_294 : vector<16xi32>
          %parallel_loop3A_296 = tpu.vector_load_idx %arg5[%parallel_loop3A_295] : memref<2436xf32, #tpu.memory_space<vmem>>[vector<16xi32>], vector<16xf32>,
          %parallel_loop3A_297 = arith.constant 23 : i32
          %parallel_loop3A_298 = arith.index_cast %parallel_loop3A_297 : i32 to index
          %parallel_loop3A_299 = arith.index_cast %parallel_loop3A_103 : i32 to index
          %parallel_loop3A_300 = tpu.vector_load %arg10[%parallel_loop3A_298, %parallel_loop3A_299] {strides = array<i32>} : memref<28x1792xf32, #tpu.memory_space<vmem>>, vector<16xf32>,
          tpu.vector_store %arg10[%parallel_loop3A_298, %parallel_loop3A_299], %parallel_loop3A_296 {strides = array<i32>} : memref<28x1792xf32, #tpu.memory_space<vmem>>, vector<16xf32>,
          %parallel_loop3A_301 = arith.constant 24 : i32
          %parallel_loop3A_302 = vector.broadcast %parallel_loop3A_301 : i32 to vector<16xi32>
          %parallel_loop3A_303 = arith.addi %parallel_loop3A_108, %parallel_loop3A_302 : vector<16xi32>
          %parallel_loop3A_304 = tpu.vector_load_idx %arg5[%parallel_loop3A_303] : memref<2436xf32, #tpu.memory_space<vmem>>[vector<16xi32>], vector<16xf32>,
          %parallel_loop3A_305 = arith.constant 24 : i32
          %parallel_loop3A_306 = arith.index_cast %parallel_loop3A_305 : i32 to index
          %parallel_loop3A_307 = arith.index_cast %parallel_loop3A_103 : i32 to index
          %parallel_loop3A_308 = tpu.vector_load %arg10[%parallel_loop3A_306, %parallel_loop3A_307] {strides = array<i32>} : memref<28x1792xf32, #tpu.memory_space<vmem>>, vector<16xf32>,
          tpu.vector_store %arg10[%parallel_loop3A_306, %parallel_loop3A_307], %parallel_loop3A_304 {strides = array<i32>} : memref<28x1792xf32, #tpu.memory_space<vmem>>, vector<16xf32>,
          %parallel_loop3A_309 = arith.constant 25 : i32
          %parallel_loop3A_310 = vector.broadcast %parallel_loop3A_309 : i32 to vector<16xi32>
          %parallel_loop3A_311 = arith.addi %parallel_loop3A_108, %parallel_loop3A_310 : vector<16xi32>
          %parallel_loop3A_312 = tpu.vector_load_idx %arg5[%parallel_loop3A_311] : memref<2436xf32, #tpu.memory_space<vmem>>[vector<16xi32>], vector<16xf32>,
          %parallel_loop3A_313 = arith.constant 25 : i32
          %parallel_loop3A_314 = arith.index_cast %parallel_loop3A_313 : i32 to index
          %parallel_loop3A_315 = arith.index_cast %parallel_loop3A_103 : i32 to index
          %parallel_loop3A_316 = tpu.vector_load %arg10[%parallel_loop3A_314, %parallel_loop3A_315] {strides = array<i32>} : memref<28x1792xf32, #tpu.memory_space<vmem>>, vector<16xf32>,
          tpu.vector_store %arg10[%parallel_loop3A_314, %parallel_loop3A_315], %parallel_loop3A_312 {strides = array<i32>} : memref<28x1792xf32, #tpu.memory_space<vmem>>, vector<16xf32>,
          %parallel_loop3A_317 = arith.constant 26 : i32
          %parallel_loop3A_318 = vector.broadcast %parallel_loop3A_317 : i32 to vector<16xi32>
          %parallel_loop3A_319 = arith.addi %parallel_loop3A_108, %parallel_loop3A_318 : vector<16xi32>
          %parallel_loop3A_320 = tpu.vector_load_idx %arg5[%parallel_loop3A_319] : memref<2436xf32, #tpu.memory_space<vmem>>[vector<16xi32>], vector<16xf32>,
          %parallel_loop3A_321 = arith.constant 26 : i32
          %parallel_loop3A_322 = arith.index_cast %parallel_loop3A_321 : i32 to index
          %parallel_loop3A_323 = arith.index_cast %parallel_loop3A_103 : i32 to index
          %parallel_loop3A_324 = tpu.vector_load %arg10[%parallel_loop3A_322, %parallel_loop3A_323] {strides = array<i32>} : memref<28x1792xf32, #tpu.memory_space<vmem>>, vector<16xf32>,
          tpu.vector_store %arg10[%parallel_loop3A_322, %parallel_loop3A_323], %parallel_loop3A_320 {strides = array<i32>} : memref<28x1792xf32, #tpu.memory_space<vmem>>, vector<16xf32>,
          %parallel_loop3A_325 = arith.constant 27 : i32
          %parallel_loop3A_326 = vector.broadcast %parallel_loop3A_325 : i32 to vector<16xi32>
          %parallel_loop3A_327 = arith.addi %parallel_loop3A_108, %parallel_loop3A_326 : vector<16xi32>
          %parallel_loop3A_328 = tpu.vector_load_idx %arg5[%parallel_loop3A_327] : memref<2436xf32, #tpu.memory_space<vmem>>[vector<16xi32>], vector<16xf32>,
          %parallel_loop3A_329 = arith.constant 27 : i32
          %parallel_loop3A_330 = arith.index_cast %parallel_loop3A_329 : i32 to index
          %parallel_loop3A_331 = arith.index_cast %parallel_loop3A_103 : i32 to index
          %parallel_loop3A_332 = tpu.vector_load %arg10[%parallel_loop3A_330, %parallel_loop3A_331] {strides = array<i32>} : memref<28x1792xf32, #tpu.memory_space<vmem>>, vector<16xf32>,
          tpu.vector_store %arg10[%parallel_loop3A_330, %parallel_loop3A_331], %parallel_loop3A_328 {strides = array<i32>} : memref<28x1792xf32, #tpu.memory_space<vmem>>, vector<16xf32>,
        } {sc.loop_unroll_factor = 2 : i64, sc.parallel_access}
        %mul3A_98 = arith.constant 1792 : i32
        %mul3A_99 = arith.muli %add3A_39, %mul3A_98 : i32
        %dma_start3A = arith.constant 0 : i32
        %dma_start3A_100 = tpu.memref_slice %arg4[%dma_start3A, %mul3A_99] : memref<28x1000000xf32, #tpu.memory_space<hbm>> -> memref<28x1792xf32, #tpu.memory_space<hbm>>
        %dma_start3A_101 = arith.constant 0 : i32
        %dma_start3A_102 = tpu.memref_slice %arg4[%dma_start3A_101, %mul3A_99] : memref<28x1000000xf32, #tpu.memory_space<hbm>> -> memref<28x1792xf32, #tpu.memory_space<hbm>>
        tpu.enqueue_dma source(%arg10 : memref<28x1792xf32, #tpu.memory_space<vmem>>) target(%dma_start3A_102 : memref<28x1792xf32, #tpu.memory_space<hbm>>) target_semaphore(%arg18 : memref<!tpu.dma_semaphore, #tpu.memory_space<semaphore_mem>>)
      } else {
      }
      %mul3A_45 = arith.constant 4 : i32
      %mul3A_46 = arith.muli %mul3A_45, %scan3A_32 : i32
      %add3A_47 = arith.constant 1 : i32
      %add3A_48 = arith.addi %mul3A_46, %add3A_47 : i32
      %mul3A_49 = arith.constant 32 : i32
      %mul3A_50 = arith.muli %add3A_48, %mul3A_49 : i32
      %add3A_51 = arith.addi %add3A, %mul3A_50 : i32
      %lt3A_52 = arith.constant 558 : i32
      %lt3A_53 = arith.cmpi slt, %add3A_51, %lt3A_52 : i32
      %convert_element_type3A_54 = arith.extui %lt3A_53 : i1 to i32
      %cond3A_55 = arith.constant 0 : i32
      %cond3A_56 = arith.cmpi ne, %convert_element_type3A_54, %cond3A_55 : i32
      scf.if %cond3A_56 {
        %add3A_81 = arith.constant 64 : i32
        %add3A_82 = arith.addi %add3A_51, %add3A_81 : i32
        %lt3A_83 = arith.constant 558 : i32
        %lt3A_84 = arith.cmpi slt, %add3A_82, %lt3A_83 : i32
        %convert_element_type3A_85 = arith.extui %lt3A_84 : i1 to i32
        %cond3A_86 = arith.constant 0 : i32
        %cond3A_87 = arith.cmpi ne, %convert_element_type3A_85, %cond3A_86 : i32
        scf.if %cond3A_87 {
          %mul3A_103 = arith.constant 1792 : i32
          %mul3A_104 = arith.muli %add3A_82, %mul3A_103 : i32
          %dma_start3A_105 = tpu.memref_slice %arg2[%mul3A_104] : memref<1000000xi32, #tpu.memory_space<hbm>> -> memref<1792xi32, #tpu.memory_space<hbm>>
          %dma_start3A_106 = tpu.memref_slice %arg2[%mul3A_104] : memref<1000000xi32, #tpu.memory_space<hbm>> -> memref<1792xi32, #tpu.memory_space<hbm>>
          tpu.enqueue_dma source(%dma_start3A_106 : memref<1792xi32, #tpu.memory_space<hbm>>) target(%arg9 : memref<1792xi32, #tpu.memory_space<vmem>>) target_semaphore(%arg17 : memref<!tpu.dma_semaphore, #tpu.memory_space<semaphore_mem>>)
        } else {
        }
        %dma_wait3A_88 = arith.constant 0 : i32
        %dma_wait3A_89 = tpu.memref_slice %arg2[%dma_wait3A_88] : memref<1000000xi32, #tpu.memory_space<hbm>> -> memref<1792xi32, #tpu.memory_space<hbm>>
        %dma_wait3A_90 = arith.constant 0 : i32
        %dma_wait3A_91 = tpu.memref_slice %arg2[%dma_wait3A_90] : memref<1000000xi32, #tpu.memory_space<hbm>> -> memref<1792xi32, #tpu.memory_space<hbm>>
        tpu.wait_dma2 semaphore(%arg15 : memref<!tpu.dma_semaphore, #tpu.memory_space<semaphore_mem>>) src(%dma_wait3A_91 : memref<1792xi32, #tpu.memory_space<hbm>>) dst(%arg7 : memref<1792xi32, #tpu.memory_space<vmem>>)
        %ge3A = arith.constant 2 : i32
        %ge3A_92 = arith.cmpi sge, %add3A_48, %ge3A : i32
        %convert_element_type3A_93 = arith.extui %ge3A_92 : i1 to i32
        %cond3A_94 = arith.constant 0 : i32
        %cond3A_95 = arith.cmpi ne, %convert_element_type3A_93, %cond3A_94 : i32
        scf.if %cond3A_95 {
          %dma_wait3A_103 = arith.constant 0 : i32
          %dma_wait3A_104 = arith.constant 0 : i32
          %dma_wait3A_105 = tpu.memref_slice %arg4[%dma_wait3A_103, %dma_wait3A_104] : memref<28x1000000xf32, #tpu.memory_space<hbm>> -> memref<28x1792xf32, #tpu.memory_space<hbm>>
          %dma_wait3A_106 = arith.constant 0 : i32
          %dma_wait3A_107 = arith.constant 0 : i32
          %dma_wait3A_108 = tpu.memref_slice %arg4[%dma_wait3A_106, %dma_wait3A_107] : memref<28x1000000xf32, #tpu.memory_space<hbm>> -> memref<28x1792xf32, #tpu.memory_space<hbm>>
          tpu.wait_dma2 semaphore(%arg19 : memref<!tpu.dma_semaphore, #tpu.memory_space<semaphore_mem>>) src(%arg11 : memref<28x1792xf32, #tpu.memory_space<vmem>>) dst(%dma_wait3A_108 : memref<28x1792xf32, #tpu.memory_space<hbm>>)
        } else {
        }
        %parallel_loop3A = arith.constant 0 : i32
        %parallel_loop3A_96 = arith.constant 1792 : i32
        %parallel_loop3A_97 = arith.constant 16 : i32
        scf.for %parallel_loop3A_103 = %parallel_loop3A to %parallel_loop3A_96 step %parallel_loop3A_97  : i32 {
          %parallel_loop3A_104 = arith.index_cast %parallel_loop3A_103 : i32 to index
          %parallel_loop3A_105 = tpu.vector_load %arg7[%parallel_loop3A_104] {strides = array<i32>} : memref<1792xi32, #tpu.memory_space<vmem>>, vector<16xi32>,
          %parallel_loop3A_106 = arith.constant 28 : i32
          %parallel_loop3A_107 = vector.broadcast %parallel_loop3A_106 : i32 to vector<16xi32>
          %parallel_loop3A_108 = arith.muli %parallel_loop3A_105, %parallel_loop3A_107 : vector<16xi32>
          %parallel_loop3A_109 = arith.constant 0 : i32
          %parallel_loop3A_110 = vector.broadcast %parallel_loop3A_109 : i32 to vector<16xi32>
          %parallel_loop3A_111 = arith.addi %parallel_loop3A_108, %parallel_loop3A_110 : vector<16xi32>
          %parallel_loop3A_112 = tpu.vector_load_idx %arg5[%parallel_loop3A_111] : memref<2436xf32, #tpu.memory_space<vmem>>[vector<16xi32>], vector<16xf32>,
          %parallel_loop3A_113 = arith.constant 0 : i32
          %parallel_loop3A_114 = arith.index_cast %parallel_loop3A_113 : i32 to index
          %parallel_loop3A_115 = arith.index_cast %parallel_loop3A_103 : i32 to index
          %parallel_loop3A_116 = tpu.vector_load %arg11[%parallel_loop3A_114, %parallel_loop3A_115] {strides = array<i32>} : memref<28x1792xf32, #tpu.memory_space<vmem>>, vector<16xf32>,
          tpu.vector_store %arg11[%parallel_loop3A_114, %parallel_loop3A_115], %parallel_loop3A_112 {strides = array<i32>} : memref<28x1792xf32, #tpu.memory_space<vmem>>, vector<16xf32>,
          %parallel_loop3A_117 = arith.constant 1 : i32
          %parallel_loop3A_118 = vector.broadcast %parallel_loop3A_117 : i32 to vector<16xi32>
          %parallel_loop3A_119 = arith.addi %parallel_loop3A_108, %parallel_loop3A_118 : vector<16xi32>
          %parallel_loop3A_120 = tpu.vector_load_idx %arg5[%parallel_loop3A_119] : memref<2436xf32, #tpu.memory_space<vmem>>[vector<16xi32>], vector<16xf32>,
          %parallel_loop3A_121 = arith.constant 1 : i32
          %parallel_loop3A_122 = arith.index_cast %parallel_loop3A_121 : i32 to index
          %parallel_loop3A_123 = arith.index_cast %parallel_loop3A_103 : i32 to index
          %parallel_loop3A_124 = tpu.vector_load %arg11[%parallel_loop3A_122, %parallel_loop3A_123] {strides = array<i32>} : memref<28x1792xf32, #tpu.memory_space<vmem>>, vector<16xf32>,
          tpu.vector_store %arg11[%parallel_loop3A_122, %parallel_loop3A_123], %parallel_loop3A_120 {strides = array<i32>} : memref<28x1792xf32, #tpu.memory_space<vmem>>, vector<16xf32>,
          %parallel_loop3A_125 = arith.constant 2 : i32
          %parallel_loop3A_126 = vector.broadcast %parallel_loop3A_125 : i32 to vector<16xi32>
          %parallel_loop3A_127 = arith.addi %parallel_loop3A_108, %parallel_loop3A_126 : vector<16xi32>
          %parallel_loop3A_128 = tpu.vector_load_idx %arg5[%parallel_loop3A_127] : memref<2436xf32, #tpu.memory_space<vmem>>[vector<16xi32>], vector<16xf32>,
          %parallel_loop3A_129 = arith.constant 2 : i32
          %parallel_loop3A_130 = arith.index_cast %parallel_loop3A_129 : i32 to index
          %parallel_loop3A_131 = arith.index_cast %parallel_loop3A_103 : i32 to index
          %parallel_loop3A_132 = tpu.vector_load %arg11[%parallel_loop3A_130, %parallel_loop3A_131] {strides = array<i32>} : memref<28x1792xf32, #tpu.memory_space<vmem>>, vector<16xf32>,
          tpu.vector_store %arg11[%parallel_loop3A_130, %parallel_loop3A_131], %parallel_loop3A_128 {strides = array<i32>} : memref<28x1792xf32, #tpu.memory_space<vmem>>, vector<16xf32>,
          %parallel_loop3A_133 = arith.constant 3 : i32
          %parallel_loop3A_134 = vector.broadcast %parallel_loop3A_133 : i32 to vector<16xi32>
          %parallel_loop3A_135 = arith.addi %parallel_loop3A_108, %parallel_loop3A_134 : vector<16xi32>
          %parallel_loop3A_136 = tpu.vector_load_idx %arg5[%parallel_loop3A_135] : memref<2436xf32, #tpu.memory_space<vmem>>[vector<16xi32>], vector<16xf32>,
          %parallel_loop3A_137 = arith.constant 3 : i32
          %parallel_loop3A_138 = arith.index_cast %parallel_loop3A_137 : i32 to index
          %parallel_loop3A_139 = arith.index_cast %parallel_loop3A_103 : i32 to index
          %parallel_loop3A_140 = tpu.vector_load %arg11[%parallel_loop3A_138, %parallel_loop3A_139] {strides = array<i32>} : memref<28x1792xf32, #tpu.memory_space<vmem>>, vector<16xf32>,
          tpu.vector_store %arg11[%parallel_loop3A_138, %parallel_loop3A_139], %parallel_loop3A_136 {strides = array<i32>} : memref<28x1792xf32, #tpu.memory_space<vmem>>, vector<16xf32>,
          %parallel_loop3A_141 = arith.constant 4 : i32
          %parallel_loop3A_142 = vector.broadcast %parallel_loop3A_141 : i32 to vector<16xi32>
          %parallel_loop3A_143 = arith.addi %parallel_loop3A_108, %parallel_loop3A_142 : vector<16xi32>
          %parallel_loop3A_144 = tpu.vector_load_idx %arg5[%parallel_loop3A_143] : memref<2436xf32, #tpu.memory_space<vmem>>[vector<16xi32>], vector<16xf32>,
          %parallel_loop3A_145 = arith.constant 4 : i32
          %parallel_loop3A_146 = arith.index_cast %parallel_loop3A_145 : i32 to index
          %parallel_loop3A_147 = arith.index_cast %parallel_loop3A_103 : i32 to index
          %parallel_loop3A_148 = tpu.vector_load %arg11[%parallel_loop3A_146, %parallel_loop3A_147] {strides = array<i32>} : memref<28x1792xf32, #tpu.memory_space<vmem>>, vector<16xf32>,
          tpu.vector_store %arg11[%parallel_loop3A_146, %parallel_loop3A_147], %parallel_loop3A_144 {strides = array<i32>} : memref<28x1792xf32, #tpu.memory_space<vmem>>, vector<16xf32>,
          %parallel_loop3A_149 = arith.constant 5 : i32
          %parallel_loop3A_150 = vector.broadcast %parallel_loop3A_149 : i32 to vector<16xi32>
          %parallel_loop3A_151 = arith.addi %parallel_loop3A_108, %parallel_loop3A_150 : vector<16xi32>
          %parallel_loop3A_152 = tpu.vector_load_idx %arg5[%parallel_loop3A_151] : memref<2436xf32, #tpu.memory_space<vmem>>[vector<16xi32>], vector<16xf32>,
          %parallel_loop3A_153 = arith.constant 5 : i32
          %parallel_loop3A_154 = arith.index_cast %parallel_loop3A_153 : i32 to index
          %parallel_loop3A_155 = arith.index_cast %parallel_loop3A_103 : i32 to index
          %parallel_loop3A_156 = tpu.vector_load %arg11[%parallel_loop3A_154, %parallel_loop3A_155] {strides = array<i32>} : memref<28x1792xf32, #tpu.memory_space<vmem>>, vector<16xf32>,
          tpu.vector_store %arg11[%parallel_loop3A_154, %parallel_loop3A_155], %parallel_loop3A_152 {strides = array<i32>} : memref<28x1792xf32, #tpu.memory_space<vmem>>, vector<16xf32>,
          %parallel_loop3A_157 = arith.constant 6 : i32
          %parallel_loop3A_158 = vector.broadcast %parallel_loop3A_157 : i32 to vector<16xi32>
          %parallel_loop3A_159 = arith.addi %parallel_loop3A_108, %parallel_loop3A_158 : vector<16xi32>
          %parallel_loop3A_160 = tpu.vector_load_idx %arg5[%parallel_loop3A_159] : memref<2436xf32, #tpu.memory_space<vmem>>[vector<16xi32>], vector<16xf32>,
          %parallel_loop3A_161 = arith.constant 6 : i32
          %parallel_loop3A_162 = arith.index_cast %parallel_loop3A_161 : i32 to index
          %parallel_loop3A_163 = arith.index_cast %parallel_loop3A_103 : i32 to index
          %parallel_loop3A_164 = tpu.vector_load %arg11[%parallel_loop3A_162, %parallel_loop3A_163] {strides = array<i32>} : memref<28x1792xf32, #tpu.memory_space<vmem>>, vector<16xf32>,
          tpu.vector_store %arg11[%parallel_loop3A_162, %parallel_loop3A_163], %parallel_loop3A_160 {strides = array<i32>} : memref<28x1792xf32, #tpu.memory_space<vmem>>, vector<16xf32>,
          %parallel_loop3A_165 = arith.constant 7 : i32
          %parallel_loop3A_166 = vector.broadcast %parallel_loop3A_165 : i32 to vector<16xi32>
          %parallel_loop3A_167 = arith.addi %parallel_loop3A_108, %parallel_loop3A_166 : vector<16xi32>
          %parallel_loop3A_168 = tpu.vector_load_idx %arg5[%parallel_loop3A_167] : memref<2436xf32, #tpu.memory_space<vmem>>[vector<16xi32>], vector<16xf32>,
          %parallel_loop3A_169 = arith.constant 7 : i32
          %parallel_loop3A_170 = arith.index_cast %parallel_loop3A_169 : i32 to index
          %parallel_loop3A_171 = arith.index_cast %parallel_loop3A_103 : i32 to index
          %parallel_loop3A_172 = tpu.vector_load %arg11[%parallel_loop3A_170, %parallel_loop3A_171] {strides = array<i32>} : memref<28x1792xf32, #tpu.memory_space<vmem>>, vector<16xf32>,
          tpu.vector_store %arg11[%parallel_loop3A_170, %parallel_loop3A_171], %parallel_loop3A_168 {strides = array<i32>} : memref<28x1792xf32, #tpu.memory_space<vmem>>, vector<16xf32>,
          %parallel_loop3A_173 = arith.constant 8 : i32
          %parallel_loop3A_174 = vector.broadcast %parallel_loop3A_173 : i32 to vector<16xi32>
          %parallel_loop3A_175 = arith.addi %parallel_loop3A_108, %parallel_loop3A_174 : vector<16xi32>
          %parallel_loop3A_176 = tpu.vector_load_idx %arg5[%parallel_loop3A_175] : memref<2436xf32, #tpu.memory_space<vmem>>[vector<16xi32>], vector<16xf32>,
          %parallel_loop3A_177 = arith.constant 8 : i32
          %parallel_loop3A_178 = arith.index_cast %parallel_loop3A_177 : i32 to index
          %parallel_loop3A_179 = arith.index_cast %parallel_loop3A_103 : i32 to index
          %parallel_loop3A_180 = tpu.vector_load %arg11[%parallel_loop3A_178, %parallel_loop3A_179] {strides = array<i32>} : memref<28x1792xf32, #tpu.memory_space<vmem>>, vector<16xf32>,
          tpu.vector_store %arg11[%parallel_loop3A_178, %parallel_loop3A_179], %parallel_loop3A_176 {strides = array<i32>} : memref<28x1792xf32, #tpu.memory_space<vmem>>, vector<16xf32>,
          %parallel_loop3A_181 = arith.constant 9 : i32
          %parallel_loop3A_182 = vector.broadcast %parallel_loop3A_181 : i32 to vector<16xi32>
          %parallel_loop3A_183 = arith.addi %parallel_loop3A_108, %parallel_loop3A_182 : vector<16xi32>
          %parallel_loop3A_184 = tpu.vector_load_idx %arg5[%parallel_loop3A_183] : memref<2436xf32, #tpu.memory_space<vmem>>[vector<16xi32>], vector<16xf32>,
          %parallel_loop3A_185 = arith.constant 9 : i32
          %parallel_loop3A_186 = arith.index_cast %parallel_loop3A_185 : i32 to index
          %parallel_loop3A_187 = arith.index_cast %parallel_loop3A_103 : i32 to index
          %parallel_loop3A_188 = tpu.vector_load %arg11[%parallel_loop3A_186, %parallel_loop3A_187] {strides = array<i32>} : memref<28x1792xf32, #tpu.memory_space<vmem>>, vector<16xf32>,
          tpu.vector_store %arg11[%parallel_loop3A_186, %parallel_loop3A_187], %parallel_loop3A_184 {strides = array<i32>} : memref<28x1792xf32, #tpu.memory_space<vmem>>, vector<16xf32>,
          %parallel_loop3A_189 = arith.constant 10 : i32
          %parallel_loop3A_190 = vector.broadcast %parallel_loop3A_189 : i32 to vector<16xi32>
          %parallel_loop3A_191 = arith.addi %parallel_loop3A_108, %parallel_loop3A_190 : vector<16xi32>
          %parallel_loop3A_192 = tpu.vector_load_idx %arg5[%parallel_loop3A_191] : memref<2436xf32, #tpu.memory_space<vmem>>[vector<16xi32>], vector<16xf32>,
          %parallel_loop3A_193 = arith.constant 10 : i32
          %parallel_loop3A_194 = arith.index_cast %parallel_loop3A_193 : i32 to index
          %parallel_loop3A_195 = arith.index_cast %parallel_loop3A_103 : i32 to index
          %parallel_loop3A_196 = tpu.vector_load %arg11[%parallel_loop3A_194, %parallel_loop3A_195] {strides = array<i32>} : memref<28x1792xf32, #tpu.memory_space<vmem>>, vector<16xf32>,
          tpu.vector_store %arg11[%parallel_loop3A_194, %parallel_loop3A_195], %parallel_loop3A_192 {strides = array<i32>} : memref<28x1792xf32, #tpu.memory_space<vmem>>, vector<16xf32>,
          %parallel_loop3A_197 = arith.constant 11 : i32
          %parallel_loop3A_198 = vector.broadcast %parallel_loop3A_197 : i32 to vector<16xi32>
          %parallel_loop3A_199 = arith.addi %parallel_loop3A_108, %parallel_loop3A_198 : vector<16xi32>
          %parallel_loop3A_200 = tpu.vector_load_idx %arg5[%parallel_loop3A_199] : memref<2436xf32, #tpu.memory_space<vmem>>[vector<16xi32>], vector<16xf32>,
          %parallel_loop3A_201 = arith.constant 11 : i32
          %parallel_loop3A_202 = arith.index_cast %parallel_loop3A_201 : i32 to index
          %parallel_loop3A_203 = arith.index_cast %parallel_loop3A_103 : i32 to index
          %parallel_loop3A_204 = tpu.vector_load %arg11[%parallel_loop3A_202, %parallel_loop3A_203] {strides = array<i32>} : memref<28x1792xf32, #tpu.memory_space<vmem>>, vector<16xf32>,
          tpu.vector_store %arg11[%parallel_loop3A_202, %parallel_loop3A_203], %parallel_loop3A_200 {strides = array<i32>} : memref<28x1792xf32, #tpu.memory_space<vmem>>, vector<16xf32>,
          %parallel_loop3A_205 = arith.constant 12 : i32
          %parallel_loop3A_206 = vector.broadcast %parallel_loop3A_205 : i32 to vector<16xi32>
          %parallel_loop3A_207 = arith.addi %parallel_loop3A_108, %parallel_loop3A_206 : vector<16xi32>
          %parallel_loop3A_208 = tpu.vector_load_idx %arg5[%parallel_loop3A_207] : memref<2436xf32, #tpu.memory_space<vmem>>[vector<16xi32>], vector<16xf32>,
          %parallel_loop3A_209 = arith.constant 12 : i32
          %parallel_loop3A_210 = arith.index_cast %parallel_loop3A_209 : i32 to index
          %parallel_loop3A_211 = arith.index_cast %parallel_loop3A_103 : i32 to index
          %parallel_loop3A_212 = tpu.vector_load %arg11[%parallel_loop3A_210, %parallel_loop3A_211] {strides = array<i32>} : memref<28x1792xf32, #tpu.memory_space<vmem>>, vector<16xf32>,
          tpu.vector_store %arg11[%parallel_loop3A_210, %parallel_loop3A_211], %parallel_loop3A_208 {strides = array<i32>} : memref<28x1792xf32, #tpu.memory_space<vmem>>, vector<16xf32>,
          %parallel_loop3A_213 = arith.constant 13 : i32
          %parallel_loop3A_214 = vector.broadcast %parallel_loop3A_213 : i32 to vector<16xi32>
          %parallel_loop3A_215 = arith.addi %parallel_loop3A_108, %parallel_loop3A_214 : vector<16xi32>
          %parallel_loop3A_216 = tpu.vector_load_idx %arg5[%parallel_loop3A_215] : memref<2436xf32, #tpu.memory_space<vmem>>[vector<16xi32>], vector<16xf32>,
          %parallel_loop3A_217 = arith.constant 13 : i32
          %parallel_loop3A_218 = arith.index_cast %parallel_loop3A_217 : i32 to index
          %parallel_loop3A_219 = arith.index_cast %parallel_loop3A_103 : i32 to index
          %parallel_loop3A_220 = tpu.vector_load %arg11[%parallel_loop3A_218, %parallel_loop3A_219] {strides = array<i32>} : memref<28x1792xf32, #tpu.memory_space<vmem>>, vector<16xf32>,
          tpu.vector_store %arg11[%parallel_loop3A_218, %parallel_loop3A_219], %parallel_loop3A_216 {strides = array<i32>} : memref<28x1792xf32, #tpu.memory_space<vmem>>, vector<16xf32>,
          %parallel_loop3A_221 = arith.constant 14 : i32
          %parallel_loop3A_222 = vector.broadcast %parallel_loop3A_221 : i32 to vector<16xi32>
          %parallel_loop3A_223 = arith.addi %parallel_loop3A_108, %parallel_loop3A_222 : vector<16xi32>
          %parallel_loop3A_224 = tpu.vector_load_idx %arg5[%parallel_loop3A_223] : memref<2436xf32, #tpu.memory_space<vmem>>[vector<16xi32>], vector<16xf32>,
          %parallel_loop3A_225 = arith.constant 14 : i32
          %parallel_loop3A_226 = arith.index_cast %parallel_loop3A_225 : i32 to index
          %parallel_loop3A_227 = arith.index_cast %parallel_loop3A_103 : i32 to index
          %parallel_loop3A_228 = tpu.vector_load %arg11[%parallel_loop3A_226, %parallel_loop3A_227] {strides = array<i32>} : memref<28x1792xf32, #tpu.memory_space<vmem>>, vector<16xf32>,
          tpu.vector_store %arg11[%parallel_loop3A_226, %parallel_loop3A_227], %parallel_loop3A_224 {strides = array<i32>} : memref<28x1792xf32, #tpu.memory_space<vmem>>, vector<16xf32>,
          %parallel_loop3A_229 = arith.constant 15 : i32
          %parallel_loop3A_230 = vector.broadcast %parallel_loop3A_229 : i32 to vector<16xi32>
          %parallel_loop3A_231 = arith.addi %parallel_loop3A_108, %parallel_loop3A_230 : vector<16xi32>
          %parallel_loop3A_232 = tpu.vector_load_idx %arg5[%parallel_loop3A_231] : memref<2436xf32, #tpu.memory_space<vmem>>[vector<16xi32>], vector<16xf32>,
          %parallel_loop3A_233 = arith.constant 15 : i32
          %parallel_loop3A_234 = arith.index_cast %parallel_loop3A_233 : i32 to index
          %parallel_loop3A_235 = arith.index_cast %parallel_loop3A_103 : i32 to index
          %parallel_loop3A_236 = tpu.vector_load %arg11[%parallel_loop3A_234, %parallel_loop3A_235] {strides = array<i32>} : memref<28x1792xf32, #tpu.memory_space<vmem>>, vector<16xf32>,
          tpu.vector_store %arg11[%parallel_loop3A_234, %parallel_loop3A_235], %parallel_loop3A_232 {strides = array<i32>} : memref<28x1792xf32, #tpu.memory_space<vmem>>, vector<16xf32>,
          %parallel_loop3A_237 = arith.constant 16 : i32
          %parallel_loop3A_238 = vector.broadcast %parallel_loop3A_237 : i32 to vector<16xi32>
          %parallel_loop3A_239 = arith.addi %parallel_loop3A_108, %parallel_loop3A_238 : vector<16xi32>
          %parallel_loop3A_240 = tpu.vector_load_idx %arg5[%parallel_loop3A_239] : memref<2436xf32, #tpu.memory_space<vmem>>[vector<16xi32>], vector<16xf32>,
          %parallel_loop3A_241 = arith.constant 16 : i32
          %parallel_loop3A_242 = arith.index_cast %parallel_loop3A_241 : i32 to index
          %parallel_loop3A_243 = arith.index_cast %parallel_loop3A_103 : i32 to index
          %parallel_loop3A_244 = tpu.vector_load %arg11[%parallel_loop3A_242, %parallel_loop3A_243] {strides = array<i32>} : memref<28x1792xf32, #tpu.memory_space<vmem>>, vector<16xf32>,
          tpu.vector_store %arg11[%parallel_loop3A_242, %parallel_loop3A_243], %parallel_loop3A_240 {strides = array<i32>} : memref<28x1792xf32, #tpu.memory_space<vmem>>, vector<16xf32>,
          %parallel_loop3A_245 = arith.constant 17 : i32
          %parallel_loop3A_246 = vector.broadcast %parallel_loop3A_245 : i32 to vector<16xi32>
          %parallel_loop3A_247 = arith.addi %parallel_loop3A_108, %parallel_loop3A_246 : vector<16xi32>
          %parallel_loop3A_248 = tpu.vector_load_idx %arg5[%parallel_loop3A_247] : memref<2436xf32, #tpu.memory_space<vmem>>[vector<16xi32>], vector<16xf32>,
          %parallel_loop3A_249 = arith.constant 17 : i32
          %parallel_loop3A_250 = arith.index_cast %parallel_loop3A_249 : i32 to index
          %parallel_loop3A_251 = arith.index_cast %parallel_loop3A_103 : i32 to index
          %parallel_loop3A_252 = tpu.vector_load %arg11[%parallel_loop3A_250, %parallel_loop3A_251] {strides = array<i32>} : memref<28x1792xf32, #tpu.memory_space<vmem>>, vector<16xf32>,
          tpu.vector_store %arg11[%parallel_loop3A_250, %parallel_loop3A_251], %parallel_loop3A_248 {strides = array<i32>} : memref<28x1792xf32, #tpu.memory_space<vmem>>, vector<16xf32>,
          %parallel_loop3A_253 = arith.constant 18 : i32
          %parallel_loop3A_254 = vector.broadcast %parallel_loop3A_253 : i32 to vector<16xi32>
          %parallel_loop3A_255 = arith.addi %parallel_loop3A_108, %parallel_loop3A_254 : vector<16xi32>
          %parallel_loop3A_256 = tpu.vector_load_idx %arg5[%parallel_loop3A_255] : memref<2436xf32, #tpu.memory_space<vmem>>[vector<16xi32>], vector<16xf32>,
          %parallel_loop3A_257 = arith.constant 18 : i32
          %parallel_loop3A_258 = arith.index_cast %parallel_loop3A_257 : i32 to index
          %parallel_loop3A_259 = arith.index_cast %parallel_loop3A_103 : i32 to index
          %parallel_loop3A_260 = tpu.vector_load %arg11[%parallel_loop3A_258, %parallel_loop3A_259] {strides = array<i32>} : memref<28x1792xf32, #tpu.memory_space<vmem>>, vector<16xf32>,
          tpu.vector_store %arg11[%parallel_loop3A_258, %parallel_loop3A_259], %parallel_loop3A_256 {strides = array<i32>} : memref<28x1792xf32, #tpu.memory_space<vmem>>, vector<16xf32>,
          %parallel_loop3A_261 = arith.constant 19 : i32
          %parallel_loop3A_262 = vector.broadcast %parallel_loop3A_261 : i32 to vector<16xi32>
          %parallel_loop3A_263 = arith.addi %parallel_loop3A_108, %parallel_loop3A_262 : vector<16xi32>
          %parallel_loop3A_264 = tpu.vector_load_idx %arg5[%parallel_loop3A_263] : memref<2436xf32, #tpu.memory_space<vmem>>[vector<16xi32>], vector<16xf32>,
          %parallel_loop3A_265 = arith.constant 19 : i32
          %parallel_loop3A_266 = arith.index_cast %parallel_loop3A_265 : i32 to index
          %parallel_loop3A_267 = arith.index_cast %parallel_loop3A_103 : i32 to index
          %parallel_loop3A_268 = tpu.vector_load %arg11[%parallel_loop3A_266, %parallel_loop3A_267] {strides = array<i32>} : memref<28x1792xf32, #tpu.memory_space<vmem>>, vector<16xf32>,
          tpu.vector_store %arg11[%parallel_loop3A_266, %parallel_loop3A_267], %parallel_loop3A_264 {strides = array<i32>} : memref<28x1792xf32, #tpu.memory_space<vmem>>, vector<16xf32>,
          %parallel_loop3A_269 = arith.constant 20 : i32
          %parallel_loop3A_270 = vector.broadcast %parallel_loop3A_269 : i32 to vector<16xi32>
          %parallel_loop3A_271 = arith.addi %parallel_loop3A_108, %parallel_loop3A_270 : vector<16xi32>
          %parallel_loop3A_272 = tpu.vector_load_idx %arg5[%parallel_loop3A_271] : memref<2436xf32, #tpu.memory_space<vmem>>[vector<16xi32>], vector<16xf32>,
          %parallel_loop3A_273 = arith.constant 20 : i32
          %parallel_loop3A_274 = arith.index_cast %parallel_loop3A_273 : i32 to index
          %parallel_loop3A_275 = arith.index_cast %parallel_loop3A_103 : i32 to index
          %parallel_loop3A_276 = tpu.vector_load %arg11[%parallel_loop3A_274, %parallel_loop3A_275] {strides = array<i32>} : memref<28x1792xf32, #tpu.memory_space<vmem>>, vector<16xf32>,
          tpu.vector_store %arg11[%parallel_loop3A_274, %parallel_loop3A_275], %parallel_loop3A_272 {strides = array<i32>} : memref<28x1792xf32, #tpu.memory_space<vmem>>, vector<16xf32>,
          %parallel_loop3A_277 = arith.constant 21 : i32
          %parallel_loop3A_278 = vector.broadcast %parallel_loop3A_277 : i32 to vector<16xi32>
          %parallel_loop3A_279 = arith.addi %parallel_loop3A_108, %parallel_loop3A_278 : vector<16xi32>
          %parallel_loop3A_280 = tpu.vector_load_idx %arg5[%parallel_loop3A_279] : memref<2436xf32, #tpu.memory_space<vmem>>[vector<16xi32>], vector<16xf32>,
          %parallel_loop3A_281 = arith.constant 21 : i32
          %parallel_loop3A_282 = arith.index_cast %parallel_loop3A_281 : i32 to index
          %parallel_loop3A_283 = arith.index_cast %parallel_loop3A_103 : i32 to index
          %parallel_loop3A_284 = tpu.vector_load %arg11[%parallel_loop3A_282, %parallel_loop3A_283] {strides = array<i32>} : memref<28x1792xf32, #tpu.memory_space<vmem>>, vector<16xf32>,
          tpu.vector_store %arg11[%parallel_loop3A_282, %parallel_loop3A_283], %parallel_loop3A_280 {strides = array<i32>} : memref<28x1792xf32, #tpu.memory_space<vmem>>, vector<16xf32>,
          %parallel_loop3A_285 = arith.constant 22 : i32
          %parallel_loop3A_286 = vector.broadcast %parallel_loop3A_285 : i32 to vector<16xi32>
          %parallel_loop3A_287 = arith.addi %parallel_loop3A_108, %parallel_loop3A_286 : vector<16xi32>
          %parallel_loop3A_288 = tpu.vector_load_idx %arg5[%parallel_loop3A_287] : memref<2436xf32, #tpu.memory_space<vmem>>[vector<16xi32>], vector<16xf32>,
          %parallel_loop3A_289 = arith.constant 22 : i32
          %parallel_loop3A_290 = arith.index_cast %parallel_loop3A_289 : i32 to index
          %parallel_loop3A_291 = arith.index_cast %parallel_loop3A_103 : i32 to index
          %parallel_loop3A_292 = tpu.vector_load %arg11[%parallel_loop3A_290, %parallel_loop3A_291] {strides = array<i32>} : memref<28x1792xf32, #tpu.memory_space<vmem>>, vector<16xf32>,
          tpu.vector_store %arg11[%parallel_loop3A_290, %parallel_loop3A_291], %parallel_loop3A_288 {strides = array<i32>} : memref<28x1792xf32, #tpu.memory_space<vmem>>, vector<16xf32>,
          %parallel_loop3A_293 = arith.constant 23 : i32
          %parallel_loop3A_294 = vector.broadcast %parallel_loop3A_293 : i32 to vector<16xi32>
          %parallel_loop3A_295 = arith.addi %parallel_loop3A_108, %parallel_loop3A_294 : vector<16xi32>
          %parallel_loop3A_296 = tpu.vector_load_idx %arg5[%parallel_loop3A_295] : memref<2436xf32, #tpu.memory_space<vmem>>[vector<16xi32>], vector<16xf32>,
          %parallel_loop3A_297 = arith.constant 23 : i32
          %parallel_loop3A_298 = arith.index_cast %parallel_loop3A_297 : i32 to index
          %parallel_loop3A_299 = arith.index_cast %parallel_loop3A_103 : i32 to index
          %parallel_loop3A_300 = tpu.vector_load %arg11[%parallel_loop3A_298, %parallel_loop3A_299] {strides = array<i32>} : memref<28x1792xf32, #tpu.memory_space<vmem>>, vector<16xf32>,
          tpu.vector_store %arg11[%parallel_loop3A_298, %parallel_loop3A_299], %parallel_loop3A_296 {strides = array<i32>} : memref<28x1792xf32, #tpu.memory_space<vmem>>, vector<16xf32>,
          %parallel_loop3A_301 = arith.constant 24 : i32
          %parallel_loop3A_302 = vector.broadcast %parallel_loop3A_301 : i32 to vector<16xi32>
          %parallel_loop3A_303 = arith.addi %parallel_loop3A_108, %parallel_loop3A_302 : vector<16xi32>
          %parallel_loop3A_304 = tpu.vector_load_idx %arg5[%parallel_loop3A_303] : memref<2436xf32, #tpu.memory_space<vmem>>[vector<16xi32>], vector<16xf32>,
          %parallel_loop3A_305 = arith.constant 24 : i32
          %parallel_loop3A_306 = arith.index_cast %parallel_loop3A_305 : i32 to index
          %parallel_loop3A_307 = arith.index_cast %parallel_loop3A_103 : i32 to index
          %parallel_loop3A_308 = tpu.vector_load %arg11[%parallel_loop3A_306, %parallel_loop3A_307] {strides = array<i32>} : memref<28x1792xf32, #tpu.memory_space<vmem>>, vector<16xf32>,
          tpu.vector_store %arg11[%parallel_loop3A_306, %parallel_loop3A_307], %parallel_loop3A_304 {strides = array<i32>} : memref<28x1792xf32, #tpu.memory_space<vmem>>, vector<16xf32>,
          %parallel_loop3A_309 = arith.constant 25 : i32
          %parallel_loop3A_310 = vector.broadcast %parallel_loop3A_309 : i32 to vector<16xi32>
          %parallel_loop3A_311 = arith.addi %parallel_loop3A_108, %parallel_loop3A_310 : vector<16xi32>
          %parallel_loop3A_312 = tpu.vector_load_idx %arg5[%parallel_loop3A_311] : memref<2436xf32, #tpu.memory_space<vmem>>[vector<16xi32>], vector<16xf32>,
          %parallel_loop3A_313 = arith.constant 25 : i32
          %parallel_loop3A_314 = arith.index_cast %parallel_loop3A_313 : i32 to index
          %parallel_loop3A_315 = arith.index_cast %parallel_loop3A_103 : i32 to index
          %parallel_loop3A_316 = tpu.vector_load %arg11[%parallel_loop3A_314, %parallel_loop3A_315] {strides = array<i32>} : memref<28x1792xf32, #tpu.memory_space<vmem>>, vector<16xf32>,
          tpu.vector_store %arg11[%parallel_loop3A_314, %parallel_loop3A_315], %parallel_loop3A_312 {strides = array<i32>} : memref<28x1792xf32, #tpu.memory_space<vmem>>, vector<16xf32>,
          %parallel_loop3A_317 = arith.constant 26 : i32
          %parallel_loop3A_318 = vector.broadcast %parallel_loop3A_317 : i32 to vector<16xi32>
          %parallel_loop3A_319 = arith.addi %parallel_loop3A_108, %parallel_loop3A_318 : vector<16xi32>
          %parallel_loop3A_320 = tpu.vector_load_idx %arg5[%parallel_loop3A_319] : memref<2436xf32, #tpu.memory_space<vmem>>[vector<16xi32>], vector<16xf32>,
          %parallel_loop3A_321 = arith.constant 26 : i32
          %parallel_loop3A_322 = arith.index_cast %parallel_loop3A_321 : i32 to index
          %parallel_loop3A_323 = arith.index_cast %parallel_loop3A_103 : i32 to index
          %parallel_loop3A_324 = tpu.vector_load %arg11[%parallel_loop3A_322, %parallel_loop3A_323] {strides = array<i32>} : memref<28x1792xf32, #tpu.memory_space<vmem>>, vector<16xf32>,
          tpu.vector_store %arg11[%parallel_loop3A_322, %parallel_loop3A_323], %parallel_loop3A_320 {strides = array<i32>} : memref<28x1792xf32, #tpu.memory_space<vmem>>, vector<16xf32>,
          %parallel_loop3A_325 = arith.constant 27 : i32
          %parallel_loop3A_326 = vector.broadcast %parallel_loop3A_325 : i32 to vector<16xi32>
          %parallel_loop3A_327 = arith.addi %parallel_loop3A_108, %parallel_loop3A_326 : vector<16xi32>
          %parallel_loop3A_328 = tpu.vector_load_idx %arg5[%parallel_loop3A_327] : memref<2436xf32, #tpu.memory_space<vmem>>[vector<16xi32>], vector<16xf32>,
          %parallel_loop3A_329 = arith.constant 27 : i32
          %parallel_loop3A_330 = arith.index_cast %parallel_loop3A_329 : i32 to index
          %parallel_loop3A_331 = arith.index_cast %parallel_loop3A_103 : i32 to index
          %parallel_loop3A_332 = tpu.vector_load %arg11[%parallel_loop3A_330, %parallel_loop3A_331] {strides = array<i32>} : memref<28x1792xf32, #tpu.memory_space<vmem>>, vector<16xf32>,
          tpu.vector_store %arg11[%parallel_loop3A_330, %parallel_loop3A_331], %parallel_loop3A_328 {strides = array<i32>} : memref<28x1792xf32, #tpu.memory_space<vmem>>, vector<16xf32>,
        } {sc.loop_unroll_factor = 2 : i64, sc.parallel_access}
        %mul3A_98 = arith.constant 1792 : i32
        %mul3A_99 = arith.muli %add3A_51, %mul3A_98 : i32
        %dma_start3A = arith.constant 0 : i32
        %dma_start3A_100 = tpu.memref_slice %arg4[%dma_start3A, %mul3A_99] : memref<28x1000000xf32, #tpu.memory_space<hbm>> -> memref<28x1792xf32, #tpu.memory_space<hbm>>
        %dma_start3A_101 = arith.constant 0 : i32
        %dma_start3A_102 = tpu.memref_slice %arg4[%dma_start3A_101, %mul3A_99] : memref<28x1000000xf32, #tpu.memory_space<hbm>> -> memref<28x1792xf32, #tpu.memory_space<hbm>>
        tpu.enqueue_dma source(%arg11 : memref<28x1792xf32, #tpu.memory_space<vmem>>) target(%dma_start3A_102 : memref<28x1792xf32, #tpu.memory_space<hbm>>) target_semaphore(%arg19 : memref<!tpu.dma_semaphore, #tpu.memory_space<semaphore_mem>>)
      } else {
      }
      %mul3A_57 = arith.constant 4 : i32
      %mul3A_58 = arith.muli %mul3A_57, %scan3A_32 : i32
      %add3A_59 = arith.constant 2 : i32
      %add3A_60 = arith.addi %mul3A_58, %add3A_59 : i32
      %mul3A_61 = arith.constant 32 : i32
      %mul3A_62 = arith.muli %add3A_60, %mul3A_61 : i32
      %add3A_63 = arith.addi %add3A, %mul3A_62 : i32
      %lt3A_64 = arith.constant 558 : i32
      %lt3A_65 = arith.cmpi slt, %add3A_63, %lt3A_64 : i32
      %convert_element_type3A_66 = arith.extui %lt3A_65 : i1 to i32
      %cond3A_67 = arith.constant 0 : i32
      %cond3A_68 = arith.cmpi ne, %convert_element_type3A_66, %cond3A_67 : i32
      scf.if %cond3A_68 {
        %add3A_81 = arith.constant 64 : i32
        %add3A_82 = arith.addi %add3A_63, %add3A_81 : i32
        %lt3A_83 = arith.constant 558 : i32
        %lt3A_84 = arith.cmpi slt, %add3A_82, %lt3A_83 : i32
        %convert_element_type3A_85 = arith.extui %lt3A_84 : i1 to i32
        %cond3A_86 = arith.constant 0 : i32
        %cond3A_87 = arith.cmpi ne, %convert_element_type3A_85, %cond3A_86 : i32
        scf.if %cond3A_87 {
          %mul3A_103 = arith.constant 1792 : i32
          %mul3A_104 = arith.muli %add3A_82, %mul3A_103 : i32
          %dma_start3A_105 = tpu.memref_slice %arg2[%mul3A_104] : memref<1000000xi32, #tpu.memory_space<hbm>> -> memref<1792xi32, #tpu.memory_space<hbm>>
          %dma_start3A_106 = tpu.memref_slice %arg2[%mul3A_104] : memref<1000000xi32, #tpu.memory_space<hbm>> -> memref<1792xi32, #tpu.memory_space<hbm>>
          tpu.enqueue_dma source(%dma_start3A_106 : memref<1792xi32, #tpu.memory_space<hbm>>) target(%arg6 : memref<1792xi32, #tpu.memory_space<vmem>>) target_semaphore(%arg14 : memref<!tpu.dma_semaphore, #tpu.memory_space<semaphore_mem>>)
        } else {
        }
        %dma_wait3A_88 = arith.constant 0 : i32
        %dma_wait3A_89 = tpu.memref_slice %arg2[%dma_wait3A_88] : memref<1000000xi32, #tpu.memory_space<hbm>> -> memref<1792xi32, #tpu.memory_space<hbm>>
        %dma_wait3A_90 = arith.constant 0 : i32
        %dma_wait3A_91 = tpu.memref_slice %arg2[%dma_wait3A_90] : memref<1000000xi32, #tpu.memory_space<hbm>> -> memref<1792xi32, #tpu.memory_space<hbm>>
        tpu.wait_dma2 semaphore(%arg16 : memref<!tpu.dma_semaphore, #tpu.memory_space<semaphore_mem>>) src(%dma_wait3A_91 : memref<1792xi32, #tpu.memory_space<hbm>>) dst(%arg8 : memref<1792xi32, #tpu.memory_space<vmem>>)
        %ge3A = arith.constant 2 : i32
        %ge3A_92 = arith.cmpi sge, %add3A_60, %ge3A : i32
        %convert_element_type3A_93 = arith.extui %ge3A_92 : i1 to i32
        %cond3A_94 = arith.constant 0 : i32
        %cond3A_95 = arith.cmpi ne, %convert_element_type3A_93, %cond3A_94 : i32
        scf.if %cond3A_95 {
          %dma_wait3A_103 = arith.constant 0 : i32
          %dma_wait3A_104 = arith.constant 0 : i32
          %dma_wait3A_105 = tpu.memref_slice %arg4[%dma_wait3A_103, %dma_wait3A_104] : memref<28x1000000xf32, #tpu.memory_space<hbm>> -> memref<28x1792xf32, #tpu.memory_space<hbm>>
          %dma_wait3A_106 = arith.constant 0 : i32
          %dma_wait3A_107 = arith.constant 0 : i32
          %dma_wait3A_108 = tpu.memref_slice %arg4[%dma_wait3A_106, %dma_wait3A_107] : memref<28x1000000xf32, #tpu.memory_space<hbm>> -> memref<28x1792xf32, #tpu.memory_space<hbm>>
          tpu.wait_dma2 semaphore(%arg18 : memref<!tpu.dma_semaphore, #tpu.memory_space<semaphore_mem>>) src(%arg10 : memref<28x1792xf32, #tpu.memory_space<vmem>>) dst(%dma_wait3A_108 : memref<28x1792xf32, #tpu.memory_space<hbm>>)
        } else {
        }
        %parallel_loop3A = arith.constant 0 : i32
        %parallel_loop3A_96 = arith.constant 1792 : i32
        %parallel_loop3A_97 = arith.constant 16 : i32
        scf.for %parallel_loop3A_103 = %parallel_loop3A to %parallel_loop3A_96 step %parallel_loop3A_97  : i32 {
          %parallel_loop3A_104 = arith.index_cast %parallel_loop3A_103 : i32 to index
          %parallel_loop3A_105 = tpu.vector_load %arg8[%parallel_loop3A_104] {strides = array<i32>} : memref<1792xi32, #tpu.memory_space<vmem>>, vector<16xi32>,
          %parallel_loop3A_106 = arith.constant 28 : i32
          %parallel_loop3A_107 = vector.broadcast %parallel_loop3A_106 : i32 to vector<16xi32>
          %parallel_loop3A_108 = arith.muli %parallel_loop3A_105, %parallel_loop3A_107 : vector<16xi32>
          %parallel_loop3A_109 = arith.constant 0 : i32
          %parallel_loop3A_110 = vector.broadcast %parallel_loop3A_109 : i32 to vector<16xi32>
          %parallel_loop3A_111 = arith.addi %parallel_loop3A_108, %parallel_loop3A_110 : vector<16xi32>
          %parallel_loop3A_112 = tpu.vector_load_idx %arg5[%parallel_loop3A_111] : memref<2436xf32, #tpu.memory_space<vmem>>[vector<16xi32>], vector<16xf32>,
          %parallel_loop3A_113 = arith.constant 0 : i32
          %parallel_loop3A_114 = arith.index_cast %parallel_loop3A_113 : i32 to index
          %parallel_loop3A_115 = arith.index_cast %parallel_loop3A_103 : i32 to index
          %parallel_loop3A_116 = tpu.vector_load %arg10[%parallel_loop3A_114, %parallel_loop3A_115] {strides = array<i32>} : memref<28x1792xf32, #tpu.memory_space<vmem>>, vector<16xf32>,
          tpu.vector_store %arg10[%parallel_loop3A_114, %parallel_loop3A_115], %parallel_loop3A_112 {strides = array<i32>} : memref<28x1792xf32, #tpu.memory_space<vmem>>, vector<16xf32>,
          %parallel_loop3A_117 = arith.constant 1 : i32
          %parallel_loop3A_118 = vector.broadcast %parallel_loop3A_117 : i32 to vector<16xi32>
          %parallel_loop3A_119 = arith.addi %parallel_loop3A_108, %parallel_loop3A_118 : vector<16xi32>
          %parallel_loop3A_120 = tpu.vector_load_idx %arg5[%parallel_loop3A_119] : memref<2436xf32, #tpu.memory_space<vmem>>[vector<16xi32>], vector<16xf32>,
          %parallel_loop3A_121 = arith.constant 1 : i32
          %parallel_loop3A_122 = arith.index_cast %parallel_loop3A_121 : i32 to index
          %parallel_loop3A_123 = arith.index_cast %parallel_loop3A_103 : i32 to index
          %parallel_loop3A_124 = tpu.vector_load %arg10[%parallel_loop3A_122, %parallel_loop3A_123] {strides = array<i32>} : memref<28x1792xf32, #tpu.memory_space<vmem>>, vector<16xf32>,
          tpu.vector_store %arg10[%parallel_loop3A_122, %parallel_loop3A_123], %parallel_loop3A_120 {strides = array<i32>} : memref<28x1792xf32, #tpu.memory_space<vmem>>, vector<16xf32>,
          %parallel_loop3A_125 = arith.constant 2 : i32
          %parallel_loop3A_126 = vector.broadcast %parallel_loop3A_125 : i32 to vector<16xi32>
          %parallel_loop3A_127 = arith.addi %parallel_loop3A_108, %parallel_loop3A_126 : vector<16xi32>
          %parallel_loop3A_128 = tpu.vector_load_idx %arg5[%parallel_loop3A_127] : memref<2436xf32, #tpu.memory_space<vmem>>[vector<16xi32>], vector<16xf32>,
          %parallel_loop3A_129 = arith.constant 2 : i32
          %parallel_loop3A_130 = arith.index_cast %parallel_loop3A_129 : i32 to index
          %parallel_loop3A_131 = arith.index_cast %parallel_loop3A_103 : i32 to index
          %parallel_loop3A_132 = tpu.vector_load %arg10[%parallel_loop3A_130, %parallel_loop3A_131] {strides = array<i32>} : memref<28x1792xf32, #tpu.memory_space<vmem>>, vector<16xf32>,
          tpu.vector_store %arg10[%parallel_loop3A_130, %parallel_loop3A_131], %parallel_loop3A_128 {strides = array<i32>} : memref<28x1792xf32, #tpu.memory_space<vmem>>, vector<16xf32>,
          %parallel_loop3A_133 = arith.constant 3 : i32
          %parallel_loop3A_134 = vector.broadcast %parallel_loop3A_133 : i32 to vector<16xi32>
          %parallel_loop3A_135 = arith.addi %parallel_loop3A_108, %parallel_loop3A_134 : vector<16xi32>
          %parallel_loop3A_136 = tpu.vector_load_idx %arg5[%parallel_loop3A_135] : memref<2436xf32, #tpu.memory_space<vmem>>[vector<16xi32>], vector<16xf32>,
          %parallel_loop3A_137 = arith.constant 3 : i32
          %parallel_loop3A_138 = arith.index_cast %parallel_loop3A_137 : i32 to index
          %parallel_loop3A_139 = arith.index_cast %parallel_loop3A_103 : i32 to index
          %parallel_loop3A_140 = tpu.vector_load %arg10[%parallel_loop3A_138, %parallel_loop3A_139] {strides = array<i32>} : memref<28x1792xf32, #tpu.memory_space<vmem>>, vector<16xf32>,
          tpu.vector_store %arg10[%parallel_loop3A_138, %parallel_loop3A_139], %parallel_loop3A_136 {strides = array<i32>} : memref<28x1792xf32, #tpu.memory_space<vmem>>, vector<16xf32>,
          %parallel_loop3A_141 = arith.constant 4 : i32
          %parallel_loop3A_142 = vector.broadcast %parallel_loop3A_141 : i32 to vector<16xi32>
          %parallel_loop3A_143 = arith.addi %parallel_loop3A_108, %parallel_loop3A_142 : vector<16xi32>
          %parallel_loop3A_144 = tpu.vector_load_idx %arg5[%parallel_loop3A_143] : memref<2436xf32, #tpu.memory_space<vmem>>[vector<16xi32>], vector<16xf32>,
          %parallel_loop3A_145 = arith.constant 4 : i32
          %parallel_loop3A_146 = arith.index_cast %parallel_loop3A_145 : i32 to index
          %parallel_loop3A_147 = arith.index_cast %parallel_loop3A_103 : i32 to index
          %parallel_loop3A_148 = tpu.vector_load %arg10[%parallel_loop3A_146, %parallel_loop3A_147] {strides = array<i32>} : memref<28x1792xf32, #tpu.memory_space<vmem>>, vector<16xf32>,
          tpu.vector_store %arg10[%parallel_loop3A_146, %parallel_loop3A_147], %parallel_loop3A_144 {strides = array<i32>} : memref<28x1792xf32, #tpu.memory_space<vmem>>, vector<16xf32>,
          %parallel_loop3A_149 = arith.constant 5 : i32
          %parallel_loop3A_150 = vector.broadcast %parallel_loop3A_149 : i32 to vector<16xi32>
          %parallel_loop3A_151 = arith.addi %parallel_loop3A_108, %parallel_loop3A_150 : vector<16xi32>
          %parallel_loop3A_152 = tpu.vector_load_idx %arg5[%parallel_loop3A_151] : memref<2436xf32, #tpu.memory_space<vmem>>[vector<16xi32>], vector<16xf32>,
          %parallel_loop3A_153 = arith.constant 5 : i32
          %parallel_loop3A_154 = arith.index_cast %parallel_loop3A_153 : i32 to index
          %parallel_loop3A_155 = arith.index_cast %parallel_loop3A_103 : i32 to index
          %parallel_loop3A_156 = tpu.vector_load %arg10[%parallel_loop3A_154, %parallel_loop3A_155] {strides = array<i32>} : memref<28x1792xf32, #tpu.memory_space<vmem>>, vector<16xf32>,
          tpu.vector_store %arg10[%parallel_loop3A_154, %parallel_loop3A_155], %parallel_loop3A_152 {strides = array<i32>} : memref<28x1792xf32, #tpu.memory_space<vmem>>, vector<16xf32>,
          %parallel_loop3A_157 = arith.constant 6 : i32
          %parallel_loop3A_158 = vector.broadcast %parallel_loop3A_157 : i32 to vector<16xi32>
          %parallel_loop3A_159 = arith.addi %parallel_loop3A_108, %parallel_loop3A_158 : vector<16xi32>
          %parallel_loop3A_160 = tpu.vector_load_idx %arg5[%parallel_loop3A_159] : memref<2436xf32, #tpu.memory_space<vmem>>[vector<16xi32>], vector<16xf32>,
          %parallel_loop3A_161 = arith.constant 6 : i32
          %parallel_loop3A_162 = arith.index_cast %parallel_loop3A_161 : i32 to index
          %parallel_loop3A_163 = arith.index_cast %parallel_loop3A_103 : i32 to index
          %parallel_loop3A_164 = tpu.vector_load %arg10[%parallel_loop3A_162, %parallel_loop3A_163] {strides = array<i32>} : memref<28x1792xf32, #tpu.memory_space<vmem>>, vector<16xf32>,
          tpu.vector_store %arg10[%parallel_loop3A_162, %parallel_loop3A_163], %parallel_loop3A_160 {strides = array<i32>} : memref<28x1792xf32, #tpu.memory_space<vmem>>, vector<16xf32>,
          %parallel_loop3A_165 = arith.constant 7 : i32
          %parallel_loop3A_166 = vector.broadcast %parallel_loop3A_165 : i32 to vector<16xi32>
          %parallel_loop3A_167 = arith.addi %parallel_loop3A_108, %parallel_loop3A_166 : vector<16xi32>
          %parallel_loop3A_168 = tpu.vector_load_idx %arg5[%parallel_loop3A_167] : memref<2436xf32, #tpu.memory_space<vmem>>[vector<16xi32>], vector<16xf32>,
          %parallel_loop3A_169 = arith.constant 7 : i32
          %parallel_loop3A_170 = arith.index_cast %parallel_loop3A_169 : i32 to index
          %parallel_loop3A_171 = arith.index_cast %parallel_loop3A_103 : i32 to index
          %parallel_loop3A_172 = tpu.vector_load %arg10[%parallel_loop3A_170, %parallel_loop3A_171] {strides = array<i32>} : memref<28x1792xf32, #tpu.memory_space<vmem>>, vector<16xf32>,
          tpu.vector_store %arg10[%parallel_loop3A_170, %parallel_loop3A_171], %parallel_loop3A_168 {strides = array<i32>} : memref<28x1792xf32, #tpu.memory_space<vmem>>, vector<16xf32>,
          %parallel_loop3A_173 = arith.constant 8 : i32
          %parallel_loop3A_174 = vector.broadcast %parallel_loop3A_173 : i32 to vector<16xi32>
          %parallel_loop3A_175 = arith.addi %parallel_loop3A_108, %parallel_loop3A_174 : vector<16xi32>
          %parallel_loop3A_176 = tpu.vector_load_idx %arg5[%parallel_loop3A_175] : memref<2436xf32, #tpu.memory_space<vmem>>[vector<16xi32>], vector<16xf32>,
          %parallel_loop3A_177 = arith.constant 8 : i32
          %parallel_loop3A_178 = arith.index_cast %parallel_loop3A_177 : i32 to index
          %parallel_loop3A_179 = arith.index_cast %parallel_loop3A_103 : i32 to index
          %parallel_loop3A_180 = tpu.vector_load %arg10[%parallel_loop3A_178, %parallel_loop3A_179] {strides = array<i32>} : memref<28x1792xf32, #tpu.memory_space<vmem>>, vector<16xf32>,
          tpu.vector_store %arg10[%parallel_loop3A_178, %parallel_loop3A_179], %parallel_loop3A_176 {strides = array<i32>} : memref<28x1792xf32, #tpu.memory_space<vmem>>, vector<16xf32>,
          %parallel_loop3A_181 = arith.constant 9 : i32
          %parallel_loop3A_182 = vector.broadcast %parallel_loop3A_181 : i32 to vector<16xi32>
          %parallel_loop3A_183 = arith.addi %parallel_loop3A_108, %parallel_loop3A_182 : vector<16xi32>
          %parallel_loop3A_184 = tpu.vector_load_idx %arg5[%parallel_loop3A_183] : memref<2436xf32, #tpu.memory_space<vmem>>[vector<16xi32>], vector<16xf32>,
          %parallel_loop3A_185 = arith.constant 9 : i32
          %parallel_loop3A_186 = arith.index_cast %parallel_loop3A_185 : i32 to index
          %parallel_loop3A_187 = arith.index_cast %parallel_loop3A_103 : i32 to index
          %parallel_loop3A_188 = tpu.vector_load %arg10[%parallel_loop3A_186, %parallel_loop3A_187] {strides = array<i32>} : memref<28x1792xf32, #tpu.memory_space<vmem>>, vector<16xf32>,
          tpu.vector_store %arg10[%parallel_loop3A_186, %parallel_loop3A_187], %parallel_loop3A_184 {strides = array<i32>} : memref<28x1792xf32, #tpu.memory_space<vmem>>, vector<16xf32>,
          %parallel_loop3A_189 = arith.constant 10 : i32
          %parallel_loop3A_190 = vector.broadcast %parallel_loop3A_189 : i32 to vector<16xi32>
          %parallel_loop3A_191 = arith.addi %parallel_loop3A_108, %parallel_loop3A_190 : vector<16xi32>
          %parallel_loop3A_192 = tpu.vector_load_idx %arg5[%parallel_loop3A_191] : memref<2436xf32, #tpu.memory_space<vmem>>[vector<16xi32>], vector<16xf32>,
          %parallel_loop3A_193 = arith.constant 10 : i32
          %parallel_loop3A_194 = arith.index_cast %parallel_loop3A_193 : i32 to index
          %parallel_loop3A_195 = arith.index_cast %parallel_loop3A_103 : i32 to index
          %parallel_loop3A_196 = tpu.vector_load %arg10[%parallel_loop3A_194, %parallel_loop3A_195] {strides = array<i32>} : memref<28x1792xf32, #tpu.memory_space<vmem>>, vector<16xf32>,
          tpu.vector_store %arg10[%parallel_loop3A_194, %parallel_loop3A_195], %parallel_loop3A_192 {strides = array<i32>} : memref<28x1792xf32, #tpu.memory_space<vmem>>, vector<16xf32>,
          %parallel_loop3A_197 = arith.constant 11 : i32
          %parallel_loop3A_198 = vector.broadcast %parallel_loop3A_197 : i32 to vector<16xi32>
          %parallel_loop3A_199 = arith.addi %parallel_loop3A_108, %parallel_loop3A_198 : vector<16xi32>
          %parallel_loop3A_200 = tpu.vector_load_idx %arg5[%parallel_loop3A_199] : memref<2436xf32, #tpu.memory_space<vmem>>[vector<16xi32>], vector<16xf32>,
          %parallel_loop3A_201 = arith.constant 11 : i32
          %parallel_loop3A_202 = arith.index_cast %parallel_loop3A_201 : i32 to index
          %parallel_loop3A_203 = arith.index_cast %parallel_loop3A_103 : i32 to index
          %parallel_loop3A_204 = tpu.vector_load %arg10[%parallel_loop3A_202, %parallel_loop3A_203] {strides = array<i32>} : memref<28x1792xf32, #tpu.memory_space<vmem>>, vector<16xf32>,
          tpu.vector_store %arg10[%parallel_loop3A_202, %parallel_loop3A_203], %parallel_loop3A_200 {strides = array<i32>} : memref<28x1792xf32, #tpu.memory_space<vmem>>, vector<16xf32>,
          %parallel_loop3A_205 = arith.constant 12 : i32
          %parallel_loop3A_206 = vector.broadcast %parallel_loop3A_205 : i32 to vector<16xi32>
          %parallel_loop3A_207 = arith.addi %parallel_loop3A_108, %parallel_loop3A_206 : vector<16xi32>
          %parallel_loop3A_208 = tpu.vector_load_idx %arg5[%parallel_loop3A_207] : memref<2436xf32, #tpu.memory_space<vmem>>[vector<16xi32>], vector<16xf32>,
          %parallel_loop3A_209 = arith.constant 12 : i32
          %parallel_loop3A_210 = arith.index_cast %parallel_loop3A_209 : i32 to index
          %parallel_loop3A_211 = arith.index_cast %parallel_loop3A_103 : i32 to index
          %parallel_loop3A_212 = tpu.vector_load %arg10[%parallel_loop3A_210, %parallel_loop3A_211] {strides = array<i32>} : memref<28x1792xf32, #tpu.memory_space<vmem>>, vector<16xf32>,
          tpu.vector_store %arg10[%parallel_loop3A_210, %parallel_loop3A_211], %parallel_loop3A_208 {strides = array<i32>} : memref<28x1792xf32, #tpu.memory_space<vmem>>, vector<16xf32>,
          %parallel_loop3A_213 = arith.constant 13 : i32
          %parallel_loop3A_214 = vector.broadcast %parallel_loop3A_213 : i32 to vector<16xi32>
          %parallel_loop3A_215 = arith.addi %parallel_loop3A_108, %parallel_loop3A_214 : vector<16xi32>
          %parallel_loop3A_216 = tpu.vector_load_idx %arg5[%parallel_loop3A_215] : memref<2436xf32, #tpu.memory_space<vmem>>[vector<16xi32>], vector<16xf32>,
          %parallel_loop3A_217 = arith.constant 13 : i32
          %parallel_loop3A_218 = arith.index_cast %parallel_loop3A_217 : i32 to index
          %parallel_loop3A_219 = arith.index_cast %parallel_loop3A_103 : i32 to index
          %parallel_loop3A_220 = tpu.vector_load %arg10[%parallel_loop3A_218, %parallel_loop3A_219] {strides = array<i32>} : memref<28x1792xf32, #tpu.memory_space<vmem>>, vector<16xf32>,
          tpu.vector_store %arg10[%parallel_loop3A_218, %parallel_loop3A_219], %parallel_loop3A_216 {strides = array<i32>} : memref<28x1792xf32, #tpu.memory_space<vmem>>, vector<16xf32>,
          %parallel_loop3A_221 = arith.constant 14 : i32
          %parallel_loop3A_222 = vector.broadcast %parallel_loop3A_221 : i32 to vector<16xi32>
          %parallel_loop3A_223 = arith.addi %parallel_loop3A_108, %parallel_loop3A_222 : vector<16xi32>
          %parallel_loop3A_224 = tpu.vector_load_idx %arg5[%parallel_loop3A_223] : memref<2436xf32, #tpu.memory_space<vmem>>[vector<16xi32>], vector<16xf32>,
          %parallel_loop3A_225 = arith.constant 14 : i32
          %parallel_loop3A_226 = arith.index_cast %parallel_loop3A_225 : i32 to index
          %parallel_loop3A_227 = arith.index_cast %parallel_loop3A_103 : i32 to index
          %parallel_loop3A_228 = tpu.vector_load %arg10[%parallel_loop3A_226, %parallel_loop3A_227] {strides = array<i32>} : memref<28x1792xf32, #tpu.memory_space<vmem>>, vector<16xf32>,
          tpu.vector_store %arg10[%parallel_loop3A_226, %parallel_loop3A_227], %parallel_loop3A_224 {strides = array<i32>} : memref<28x1792xf32, #tpu.memory_space<vmem>>, vector<16xf32>,
          %parallel_loop3A_229 = arith.constant 15 : i32
          %parallel_loop3A_230 = vector.broadcast %parallel_loop3A_229 : i32 to vector<16xi32>
          %parallel_loop3A_231 = arith.addi %parallel_loop3A_108, %parallel_loop3A_230 : vector<16xi32>
          %parallel_loop3A_232 = tpu.vector_load_idx %arg5[%parallel_loop3A_231] : memref<2436xf32, #tpu.memory_space<vmem>>[vector<16xi32>], vector<16xf32>,
          %parallel_loop3A_233 = arith.constant 15 : i32
          %parallel_loop3A_234 = arith.index_cast %parallel_loop3A_233 : i32 to index
          %parallel_loop3A_235 = arith.index_cast %parallel_loop3A_103 : i32 to index
          %parallel_loop3A_236 = tpu.vector_load %arg10[%parallel_loop3A_234, %parallel_loop3A_235] {strides = array<i32>} : memref<28x1792xf32, #tpu.memory_space<vmem>>, vector<16xf32>,
          tpu.vector_store %arg10[%parallel_loop3A_234, %parallel_loop3A_235], %parallel_loop3A_232 {strides = array<i32>} : memref<28x1792xf32, #tpu.memory_space<vmem>>, vector<16xf32>,
          %parallel_loop3A_237 = arith.constant 16 : i32
          %parallel_loop3A_238 = vector.broadcast %parallel_loop3A_237 : i32 to vector<16xi32>
          %parallel_loop3A_239 = arith.addi %parallel_loop3A_108, %parallel_loop3A_238 : vector<16xi32>
          %parallel_loop3A_240 = tpu.vector_load_idx %arg5[%parallel_loop3A_239] : memref<2436xf32, #tpu.memory_space<vmem>>[vector<16xi32>], vector<16xf32>,
          %parallel_loop3A_241 = arith.constant 16 : i32
          %parallel_loop3A_242 = arith.index_cast %parallel_loop3A_241 : i32 to index
          %parallel_loop3A_243 = arith.index_cast %parallel_loop3A_103 : i32 to index
          %parallel_loop3A_244 = tpu.vector_load %arg10[%parallel_loop3A_242, %parallel_loop3A_243] {strides = array<i32>} : memref<28x1792xf32, #tpu.memory_space<vmem>>, vector<16xf32>,
          tpu.vector_store %arg10[%parallel_loop3A_242, %parallel_loop3A_243], %parallel_loop3A_240 {strides = array<i32>} : memref<28x1792xf32, #tpu.memory_space<vmem>>, vector<16xf32>,
          %parallel_loop3A_245 = arith.constant 17 : i32
          %parallel_loop3A_246 = vector.broadcast %parallel_loop3A_245 : i32 to vector<16xi32>
          %parallel_loop3A_247 = arith.addi %parallel_loop3A_108, %parallel_loop3A_246 : vector<16xi32>
          %parallel_loop3A_248 = tpu.vector_load_idx %arg5[%parallel_loop3A_247] : memref<2436xf32, #tpu.memory_space<vmem>>[vector<16xi32>], vector<16xf32>,
          %parallel_loop3A_249 = arith.constant 17 : i32
          %parallel_loop3A_250 = arith.index_cast %parallel_loop3A_249 : i32 to index
          %parallel_loop3A_251 = arith.index_cast %parallel_loop3A_103 : i32 to index
          %parallel_loop3A_252 = tpu.vector_load %arg10[%parallel_loop3A_250, %parallel_loop3A_251] {strides = array<i32>} : memref<28x1792xf32, #tpu.memory_space<vmem>>, vector<16xf32>,
          tpu.vector_store %arg10[%parallel_loop3A_250, %parallel_loop3A_251], %parallel_loop3A_248 {strides = array<i32>} : memref<28x1792xf32, #tpu.memory_space<vmem>>, vector<16xf32>,
          %parallel_loop3A_253 = arith.constant 18 : i32
          %parallel_loop3A_254 = vector.broadcast %parallel_loop3A_253 : i32 to vector<16xi32>
          %parallel_loop3A_255 = arith.addi %parallel_loop3A_108, %parallel_loop3A_254 : vector<16xi32>
          %parallel_loop3A_256 = tpu.vector_load_idx %arg5[%parallel_loop3A_255] : memref<2436xf32, #tpu.memory_space<vmem>>[vector<16xi32>], vector<16xf32>,
          %parallel_loop3A_257 = arith.constant 18 : i32
          %parallel_loop3A_258 = arith.index_cast %parallel_loop3A_257 : i32 to index
          %parallel_loop3A_259 = arith.index_cast %parallel_loop3A_103 : i32 to index
          %parallel_loop3A_260 = tpu.vector_load %arg10[%parallel_loop3A_258, %parallel_loop3A_259] {strides = array<i32>} : memref<28x1792xf32, #tpu.memory_space<vmem>>, vector<16xf32>,
          tpu.vector_store %arg10[%parallel_loop3A_258, %parallel_loop3A_259], %parallel_loop3A_256 {strides = array<i32>} : memref<28x1792xf32, #tpu.memory_space<vmem>>, vector<16xf32>,
          %parallel_loop3A_261 = arith.constant 19 : i32
          %parallel_loop3A_262 = vector.broadcast %parallel_loop3A_261 : i32 to vector<16xi32>
          %parallel_loop3A_263 = arith.addi %parallel_loop3A_108, %parallel_loop3A_262 : vector<16xi32>
          %parallel_loop3A_264 = tpu.vector_load_idx %arg5[%parallel_loop3A_263] : memref<2436xf32, #tpu.memory_space<vmem>>[vector<16xi32>], vector<16xf32>,
          %parallel_loop3A_265 = arith.constant 19 : i32
          %parallel_loop3A_266 = arith.index_cast %parallel_loop3A_265 : i32 to index
          %parallel_loop3A_267 = arith.index_cast %parallel_loop3A_103 : i32 to index
          %parallel_loop3A_268 = tpu.vector_load %arg10[%parallel_loop3A_266, %parallel_loop3A_267] {strides = array<i32>} : memref<28x1792xf32, #tpu.memory_space<vmem>>, vector<16xf32>,
          tpu.vector_store %arg10[%parallel_loop3A_266, %parallel_loop3A_267], %parallel_loop3A_264 {strides = array<i32>} : memref<28x1792xf32, #tpu.memory_space<vmem>>, vector<16xf32>,
          %parallel_loop3A_269 = arith.constant 20 : i32
          %parallel_loop3A_270 = vector.broadcast %parallel_loop3A_269 : i32 to vector<16xi32>
          %parallel_loop3A_271 = arith.addi %parallel_loop3A_108, %parallel_loop3A_270 : vector<16xi32>
          %parallel_loop3A_272 = tpu.vector_load_idx %arg5[%parallel_loop3A_271] : memref<2436xf32, #tpu.memory_space<vmem>>[vector<16xi32>], vector<16xf32>,
          %parallel_loop3A_273 = arith.constant 20 : i32
          %parallel_loop3A_274 = arith.index_cast %parallel_loop3A_273 : i32 to index
          %parallel_loop3A_275 = arith.index_cast %parallel_loop3A_103 : i32 to index
          %parallel_loop3A_276 = tpu.vector_load %arg10[%parallel_loop3A_274, %parallel_loop3A_275] {strides = array<i32>} : memref<28x1792xf32, #tpu.memory_space<vmem>>, vector<16xf32>,
          tpu.vector_store %arg10[%parallel_loop3A_274, %parallel_loop3A_275], %parallel_loop3A_272 {strides = array<i32>} : memref<28x1792xf32, #tpu.memory_space<vmem>>, vector<16xf32>,
          %parallel_loop3A_277 = arith.constant 21 : i32
          %parallel_loop3A_278 = vector.broadcast %parallel_loop3A_277 : i32 to vector<16xi32>
          %parallel_loop3A_279 = arith.addi %parallel_loop3A_108, %parallel_loop3A_278 : vector<16xi32>
          %parallel_loop3A_280 = tpu.vector_load_idx %arg5[%parallel_loop3A_279] : memref<2436xf32, #tpu.memory_space<vmem>>[vector<16xi32>], vector<16xf32>,
          %parallel_loop3A_281 = arith.constant 21 : i32
          %parallel_loop3A_282 = arith.index_cast %parallel_loop3A_281 : i32 to index
          %parallel_loop3A_283 = arith.index_cast %parallel_loop3A_103 : i32 to index
          %parallel_loop3A_284 = tpu.vector_load %arg10[%parallel_loop3A_282, %parallel_loop3A_283] {strides = array<i32>} : memref<28x1792xf32, #tpu.memory_space<vmem>>, vector<16xf32>,
          tpu.vector_store %arg10[%parallel_loop3A_282, %parallel_loop3A_283], %parallel_loop3A_280 {strides = array<i32>} : memref<28x1792xf32, #tpu.memory_space<vmem>>, vector<16xf32>,
          %parallel_loop3A_285 = arith.constant 22 : i32
          %parallel_loop3A_286 = vector.broadcast %parallel_loop3A_285 : i32 to vector<16xi32>
          %parallel_loop3A_287 = arith.addi %parallel_loop3A_108, %parallel_loop3A_286 : vector<16xi32>
          %parallel_loop3A_288 = tpu.vector_load_idx %arg5[%parallel_loop3A_287] : memref<2436xf32, #tpu.memory_space<vmem>>[vector<16xi32>], vector<16xf32>,
          %parallel_loop3A_289 = arith.constant 22 : i32
          %parallel_loop3A_290 = arith.index_cast %parallel_loop3A_289 : i32 to index
          %parallel_loop3A_291 = arith.index_cast %parallel_loop3A_103 : i32 to index
          %parallel_loop3A_292 = tpu.vector_load %arg10[%parallel_loop3A_290, %parallel_loop3A_291] {strides = array<i32>} : memref<28x1792xf32, #tpu.memory_space<vmem>>, vector<16xf32>,
          tpu.vector_store %arg10[%parallel_loop3A_290, %parallel_loop3A_291], %parallel_loop3A_288 {strides = array<i32>} : memref<28x1792xf32, #tpu.memory_space<vmem>>, vector<16xf32>,
          %parallel_loop3A_293 = arith.constant 23 : i32
          %parallel_loop3A_294 = vector.broadcast %parallel_loop3A_293 : i32 to vector<16xi32>
          %parallel_loop3A_295 = arith.addi %parallel_loop3A_108, %parallel_loop3A_294 : vector<16xi32>
          %parallel_loop3A_296 = tpu.vector_load_idx %arg5[%parallel_loop3A_295] : memref<2436xf32, #tpu.memory_space<vmem>>[vector<16xi32>], vector<16xf32>,
          %parallel_loop3A_297 = arith.constant 23 : i32
          %parallel_loop3A_298 = arith.index_cast %parallel_loop3A_297 : i32 to index
          %parallel_loop3A_299 = arith.index_cast %parallel_loop3A_103 : i32 to index
          %parallel_loop3A_300 = tpu.vector_load %arg10[%parallel_loop3A_298, %parallel_loop3A_299] {strides = array<i32>} : memref<28x1792xf32, #tpu.memory_space<vmem>>, vector<16xf32>,
          tpu.vector_store %arg10[%parallel_loop3A_298, %parallel_loop3A_299], %parallel_loop3A_296 {strides = array<i32>} : memref<28x1792xf32, #tpu.memory_space<vmem>>, vector<16xf32>,
          %parallel_loop3A_301 = arith.constant 24 : i32
          %parallel_loop3A_302 = vector.broadcast %parallel_loop3A_301 : i32 to vector<16xi32>
          %parallel_loop3A_303 = arith.addi %parallel_loop3A_108, %parallel_loop3A_302 : vector<16xi32>
          %parallel_loop3A_304 = tpu.vector_load_idx %arg5[%parallel_loop3A_303] : memref<2436xf32, #tpu.memory_space<vmem>>[vector<16xi32>], vector<16xf32>,
          %parallel_loop3A_305 = arith.constant 24 : i32
          %parallel_loop3A_306 = arith.index_cast %parallel_loop3A_305 : i32 to index
          %parallel_loop3A_307 = arith.index_cast %parallel_loop3A_103 : i32 to index
          %parallel_loop3A_308 = tpu.vector_load %arg10[%parallel_loop3A_306, %parallel_loop3A_307] {strides = array<i32>} : memref<28x1792xf32, #tpu.memory_space<vmem>>, vector<16xf32>,
          tpu.vector_store %arg10[%parallel_loop3A_306, %parallel_loop3A_307], %parallel_loop3A_304 {strides = array<i32>} : memref<28x1792xf32, #tpu.memory_space<vmem>>, vector<16xf32>,
          %parallel_loop3A_309 = arith.constant 25 : i32
          %parallel_loop3A_310 = vector.broadcast %parallel_loop3A_309 : i32 to vector<16xi32>
          %parallel_loop3A_311 = arith.addi %parallel_loop3A_108, %parallel_loop3A_310 : vector<16xi32>
          %parallel_loop3A_312 = tpu.vector_load_idx %arg5[%parallel_loop3A_311] : memref<2436xf32, #tpu.memory_space<vmem>>[vector<16xi32>], vector<16xf32>,
          %parallel_loop3A_313 = arith.constant 25 : i32
          %parallel_loop3A_314 = arith.index_cast %parallel_loop3A_313 : i32 to index
          %parallel_loop3A_315 = arith.index_cast %parallel_loop3A_103 : i32 to index
          %parallel_loop3A_316 = tpu.vector_load %arg10[%parallel_loop3A_314, %parallel_loop3A_315] {strides = array<i32>} : memref<28x1792xf32, #tpu.memory_space<vmem>>, vector<16xf32>,
          tpu.vector_store %arg10[%parallel_loop3A_314, %parallel_loop3A_315], %parallel_loop3A_312 {strides = array<i32>} : memref<28x1792xf32, #tpu.memory_space<vmem>>, vector<16xf32>,
          %parallel_loop3A_317 = arith.constant 26 : i32
          %parallel_loop3A_318 = vector.broadcast %parallel_loop3A_317 : i32 to vector<16xi32>
          %parallel_loop3A_319 = arith.addi %parallel_loop3A_108, %parallel_loop3A_318 : vector<16xi32>
          %parallel_loop3A_320 = tpu.vector_load_idx %arg5[%parallel_loop3A_319] : memref<2436xf32, #tpu.memory_space<vmem>>[vector<16xi32>], vector<16xf32>,
          %parallel_loop3A_321 = arith.constant 26 : i32
          %parallel_loop3A_322 = arith.index_cast %parallel_loop3A_321 : i32 to index
          %parallel_loop3A_323 = arith.index_cast %parallel_loop3A_103 : i32 to index
          %parallel_loop3A_324 = tpu.vector_load %arg10[%parallel_loop3A_322, %parallel_loop3A_323] {strides = array<i32>} : memref<28x1792xf32, #tpu.memory_space<vmem>>, vector<16xf32>,
          tpu.vector_store %arg10[%parallel_loop3A_322, %parallel_loop3A_323], %parallel_loop3A_320 {strides = array<i32>} : memref<28x1792xf32, #tpu.memory_space<vmem>>, vector<16xf32>,
          %parallel_loop3A_325 = arith.constant 27 : i32
          %parallel_loop3A_326 = vector.broadcast %parallel_loop3A_325 : i32 to vector<16xi32>
          %parallel_loop3A_327 = arith.addi %parallel_loop3A_108, %parallel_loop3A_326 : vector<16xi32>
          %parallel_loop3A_328 = tpu.vector_load_idx %arg5[%parallel_loop3A_327] : memref<2436xf32, #tpu.memory_space<vmem>>[vector<16xi32>], vector<16xf32>,
          %parallel_loop3A_329 = arith.constant 27 : i32
          %parallel_loop3A_330 = arith.index_cast %parallel_loop3A_329 : i32 to index
          %parallel_loop3A_331 = arith.index_cast %parallel_loop3A_103 : i32 to index
          %parallel_loop3A_332 = tpu.vector_load %arg10[%parallel_loop3A_330, %parallel_loop3A_331] {strides = array<i32>} : memref<28x1792xf32, #tpu.memory_space<vmem>>, vector<16xf32>,
          tpu.vector_store %arg10[%parallel_loop3A_330, %parallel_loop3A_331], %parallel_loop3A_328 {strides = array<i32>} : memref<28x1792xf32, #tpu.memory_space<vmem>>, vector<16xf32>,
        } {sc.loop_unroll_factor = 2 : i64, sc.parallel_access}
        %mul3A_98 = arith.constant 1792 : i32
        %mul3A_99 = arith.muli %add3A_63, %mul3A_98 : i32
        %dma_start3A = arith.constant 0 : i32
        %dma_start3A_100 = tpu.memref_slice %arg4[%dma_start3A, %mul3A_99] : memref<28x1000000xf32, #tpu.memory_space<hbm>> -> memref<28x1792xf32, #tpu.memory_space<hbm>>
        %dma_start3A_101 = arith.constant 0 : i32
        %dma_start3A_102 = tpu.memref_slice %arg4[%dma_start3A_101, %mul3A_99] : memref<28x1000000xf32, #tpu.memory_space<hbm>> -> memref<28x1792xf32, #tpu.memory_space<hbm>>
        tpu.enqueue_dma source(%arg10 : memref<28x1792xf32, #tpu.memory_space<vmem>>) target(%dma_start3A_102 : memref<28x1792xf32, #tpu.memory_space<hbm>>) target_semaphore(%arg18 : memref<!tpu.dma_semaphore, #tpu.memory_space<semaphore_mem>>)
      } else {
      }
      %mul3A_69 = arith.constant 4 : i32
      %mul3A_70 = arith.muli %mul3A_69, %scan3A_32 : i32
      %add3A_71 = arith.constant 3 : i32
      %add3A_72 = arith.addi %mul3A_70, %add3A_71 : i32
      %mul3A_73 = arith.constant 32 : i32
      %mul3A_74 = arith.muli %add3A_72, %mul3A_73 : i32
      %add3A_75 = arith.addi %add3A, %mul3A_74 : i32
      %lt3A_76 = arith.constant 558 : i32
      %lt3A_77 = arith.cmpi slt, %add3A_75, %lt3A_76 : i32
      %convert_element_type3A_78 = arith.extui %lt3A_77 : i1 to i32
      %cond3A_79 = arith.constant 0 : i32
      %cond3A_80 = arith.cmpi ne, %convert_element_type3A_78, %cond3A_79 : i32
      scf.if %cond3A_80 {
        %add3A_81 = arith.constant 64 : i32
        %add3A_82 = arith.addi %add3A_75, %add3A_81 : i32
        %lt3A_83 = arith.constant 558 : i32
        %lt3A_84 = arith.cmpi slt, %add3A_82, %lt3A_83 : i32
        %convert_element_type3A_85 = arith.extui %lt3A_84 : i1 to i32
        %cond3A_86 = arith.constant 0 : i32
        %cond3A_87 = arith.cmpi ne, %convert_element_type3A_85, %cond3A_86 : i32
        scf.if %cond3A_87 {
          %mul3A_103 = arith.constant 1792 : i32
          %mul3A_104 = arith.muli %add3A_82, %mul3A_103 : i32
          %dma_start3A_105 = tpu.memref_slice %arg2[%mul3A_104] : memref<1000000xi32, #tpu.memory_space<hbm>> -> memref<1792xi32, #tpu.memory_space<hbm>>
          %dma_start3A_106 = tpu.memref_slice %arg2[%mul3A_104] : memref<1000000xi32, #tpu.memory_space<hbm>> -> memref<1792xi32, #tpu.memory_space<hbm>>
          tpu.enqueue_dma source(%dma_start3A_106 : memref<1792xi32, #tpu.memory_space<hbm>>) target(%arg7 : memref<1792xi32, #tpu.memory_space<vmem>>) target_semaphore(%arg15 : memref<!tpu.dma_semaphore, #tpu.memory_space<semaphore_mem>>)
        } else {
        }
        %dma_wait3A_88 = arith.constant 0 : i32
        %dma_wait3A_89 = tpu.memref_slice %arg2[%dma_wait3A_88] : memref<1000000xi32, #tpu.memory_space<hbm>> -> memref<1792xi32, #tpu.memory_space<hbm>>
        %dma_wait3A_90 = arith.constant 0 : i32
        %dma_wait3A_91 = tpu.memref_slice %arg2[%dma_wait3A_90] : memref<1000000xi32, #tpu.memory_space<hbm>> -> memref<1792xi32, #tpu.memory_space<hbm>>
        tpu.wait_dma2 semaphore(%arg17 : memref<!tpu.dma_semaphore, #tpu.memory_space<semaphore_mem>>) src(%dma_wait3A_91 : memref<1792xi32, #tpu.memory_space<hbm>>) dst(%arg9 : memref<1792xi32, #tpu.memory_space<vmem>>)
        %ge3A = arith.constant 2 : i32
        %ge3A_92 = arith.cmpi sge, %add3A_72, %ge3A : i32
        %convert_element_type3A_93 = arith.extui %ge3A_92 : i1 to i32
        %cond3A_94 = arith.constant 0 : i32
        %cond3A_95 = arith.cmpi ne, %convert_element_type3A_93, %cond3A_94 : i32
        scf.if %cond3A_95 {
          %dma_wait3A_103 = arith.constant 0 : i32
          %dma_wait3A_104 = arith.constant 0 : i32
          %dma_wait3A_105 = tpu.memref_slice %arg4[%dma_wait3A_103, %dma_wait3A_104] : memref<28x1000000xf32, #tpu.memory_space<hbm>> -> memref<28x1792xf32, #tpu.memory_space<hbm>>
          %dma_wait3A_106 = arith.constant 0 : i32
          %dma_wait3A_107 = arith.constant 0 : i32
          %dma_wait3A_108 = tpu.memref_slice %arg4[%dma_wait3A_106, %dma_wait3A_107] : memref<28x1000000xf32, #tpu.memory_space<hbm>> -> memref<28x1792xf32, #tpu.memory_space<hbm>>
          tpu.wait_dma2 semaphore(%arg19 : memref<!tpu.dma_semaphore, #tpu.memory_space<semaphore_mem>>) src(%arg11 : memref<28x1792xf32, #tpu.memory_space<vmem>>) dst(%dma_wait3A_108 : memref<28x1792xf32, #tpu.memory_space<hbm>>)
        } else {
        }
        %parallel_loop3A = arith.constant 0 : i32
        %parallel_loop3A_96 = arith.constant 1792 : i32
        %parallel_loop3A_97 = arith.constant 16 : i32
        scf.for %parallel_loop3A_103 = %parallel_loop3A to %parallel_loop3A_96 step %parallel_loop3A_97  : i32 {
          %parallel_loop3A_104 = arith.index_cast %parallel_loop3A_103 : i32 to index
          %parallel_loop3A_105 = tpu.vector_load %arg9[%parallel_loop3A_104] {strides = array<i32>} : memref<1792xi32, #tpu.memory_space<vmem>>, vector<16xi32>,
          %parallel_loop3A_106 = arith.constant 28 : i32
          %parallel_loop3A_107 = vector.broadcast %parallel_loop3A_106 : i32 to vector<16xi32>
          %parallel_loop3A_108 = arith.muli %parallel_loop3A_105, %parallel_loop3A_107 : vector<16xi32>
          %parallel_loop3A_109 = arith.constant 0 : i32
          %parallel_loop3A_110 = vector.broadcast %parallel_loop3A_109 : i32 to vector<16xi32>
          %parallel_loop3A_111 = arith.addi %parallel_loop3A_108, %parallel_loop3A_110 : vector<16xi32>
          %parallel_loop3A_112 = tpu.vector_load_idx %arg5[%parallel_loop3A_111] : memref<2436xf32, #tpu.memory_space<vmem>>[vector<16xi32>], vector<16xf32>,
          %parallel_loop3A_113 = arith.constant 0 : i32
          %parallel_loop3A_114 = arith.index_cast %parallel_loop3A_113 : i32 to index
          %parallel_loop3A_115 = arith.index_cast %parallel_loop3A_103 : i32 to index
          %parallel_loop3A_116 = tpu.vector_load %arg11[%parallel_loop3A_114, %parallel_loop3A_115] {strides = array<i32>} : memref<28x1792xf32, #tpu.memory_space<vmem>>, vector<16xf32>,
          tpu.vector_store %arg11[%parallel_loop3A_114, %parallel_loop3A_115], %parallel_loop3A_112 {strides = array<i32>} : memref<28x1792xf32, #tpu.memory_space<vmem>>, vector<16xf32>,
          %parallel_loop3A_117 = arith.constant 1 : i32
          %parallel_loop3A_118 = vector.broadcast %parallel_loop3A_117 : i32 to vector<16xi32>
          %parallel_loop3A_119 = arith.addi %parallel_loop3A_108, %parallel_loop3A_118 : vector<16xi32>
          %parallel_loop3A_120 = tpu.vector_load_idx %arg5[%parallel_loop3A_119] : memref<2436xf32, #tpu.memory_space<vmem>>[vector<16xi32>], vector<16xf32>,
          %parallel_loop3A_121 = arith.constant 1 : i32
          %parallel_loop3A_122 = arith.index_cast %parallel_loop3A_121 : i32 to index
          %parallel_loop3A_123 = arith.index_cast %parallel_loop3A_103 : i32 to index
          %parallel_loop3A_124 = tpu.vector_load %arg11[%parallel_loop3A_122, %parallel_loop3A_123] {strides = array<i32>} : memref<28x1792xf32, #tpu.memory_space<vmem>>, vector<16xf32>,
          tpu.vector_store %arg11[%parallel_loop3A_122, %parallel_loop3A_123], %parallel_loop3A_120 {strides = array<i32>} : memref<28x1792xf32, #tpu.memory_space<vmem>>, vector<16xf32>,
          %parallel_loop3A_125 = arith.constant 2 : i32
          %parallel_loop3A_126 = vector.broadcast %parallel_loop3A_125 : i32 to vector<16xi32>
          %parallel_loop3A_127 = arith.addi %parallel_loop3A_108, %parallel_loop3A_126 : vector<16xi32>
          %parallel_loop3A_128 = tpu.vector_load_idx %arg5[%parallel_loop3A_127] : memref<2436xf32, #tpu.memory_space<vmem>>[vector<16xi32>], vector<16xf32>,
          %parallel_loop3A_129 = arith.constant 2 : i32
          %parallel_loop3A_130 = arith.index_cast %parallel_loop3A_129 : i32 to index
          %parallel_loop3A_131 = arith.index_cast %parallel_loop3A_103 : i32 to index
          %parallel_loop3A_132 = tpu.vector_load %arg11[%parallel_loop3A_130, %parallel_loop3A_131] {strides = array<i32>} : memref<28x1792xf32, #tpu.memory_space<vmem>>, vector<16xf32>,
          tpu.vector_store %arg11[%parallel_loop3A_130, %parallel_loop3A_131], %parallel_loop3A_128 {strides = array<i32>} : memref<28x1792xf32, #tpu.memory_space<vmem>>, vector<16xf32>,
          %parallel_loop3A_133 = arith.constant 3 : i32
          %parallel_loop3A_134 = vector.broadcast %parallel_loop3A_133 : i32 to vector<16xi32>
          %parallel_loop3A_135 = arith.addi %parallel_loop3A_108, %parallel_loop3A_134 : vector<16xi32>
          %parallel_loop3A_136 = tpu.vector_load_idx %arg5[%parallel_loop3A_135] : memref<2436xf32, #tpu.memory_space<vmem>>[vector<16xi32>], vector<16xf32>,
          %parallel_loop3A_137 = arith.constant 3 : i32
          %parallel_loop3A_138 = arith.index_cast %parallel_loop3A_137 : i32 to index
          %parallel_loop3A_139 = arith.index_cast %parallel_loop3A_103 : i32 to index
          %parallel_loop3A_140 = tpu.vector_load %arg11[%parallel_loop3A_138, %parallel_loop3A_139] {strides = array<i32>} : memref<28x1792xf32, #tpu.memory_space<vmem>>, vector<16xf32>,
          tpu.vector_store %arg11[%parallel_loop3A_138, %parallel_loop3A_139], %parallel_loop3A_136 {strides = array<i32>} : memref<28x1792xf32, #tpu.memory_space<vmem>>, vector<16xf32>,
          %parallel_loop3A_141 = arith.constant 4 : i32
          %parallel_loop3A_142 = vector.broadcast %parallel_loop3A_141 : i32 to vector<16xi32>
          %parallel_loop3A_143 = arith.addi %parallel_loop3A_108, %parallel_loop3A_142 : vector<16xi32>
          %parallel_loop3A_144 = tpu.vector_load_idx %arg5[%parallel_loop3A_143] : memref<2436xf32, #tpu.memory_space<vmem>>[vector<16xi32>], vector<16xf32>,
          %parallel_loop3A_145 = arith.constant 4 : i32
          %parallel_loop3A_146 = arith.index_cast %parallel_loop3A_145 : i32 to index
          %parallel_loop3A_147 = arith.index_cast %parallel_loop3A_103 : i32 to index
          %parallel_loop3A_148 = tpu.vector_load %arg11[%parallel_loop3A_146, %parallel_loop3A_147] {strides = array<i32>} : memref<28x1792xf32, #tpu.memory_space<vmem>>, vector<16xf32>,
          tpu.vector_store %arg11[%parallel_loop3A_146, %parallel_loop3A_147], %parallel_loop3A_144 {strides = array<i32>} : memref<28x1792xf32, #tpu.memory_space<vmem>>, vector<16xf32>,
          %parallel_loop3A_149 = arith.constant 5 : i32
          %parallel_loop3A_150 = vector.broadcast %parallel_loop3A_149 : i32 to vector<16xi32>
          %parallel_loop3A_151 = arith.addi %parallel_loop3A_108, %parallel_loop3A_150 : vector<16xi32>
          %parallel_loop3A_152 = tpu.vector_load_idx %arg5[%parallel_loop3A_151] : memref<2436xf32, #tpu.memory_space<vmem>>[vector<16xi32>], vector<16xf32>,
          %parallel_loop3A_153 = arith.constant 5 : i32
          %parallel_loop3A_154 = arith.index_cast %parallel_loop3A_153 : i32 to index
          %parallel_loop3A_155 = arith.index_cast %parallel_loop3A_103 : i32 to index
          %parallel_loop3A_156 = tpu.vector_load %arg11[%parallel_loop3A_154, %parallel_loop3A_155] {strides = array<i32>} : memref<28x1792xf32, #tpu.memory_space<vmem>>, vector<16xf32>,
          tpu.vector_store %arg11[%parallel_loop3A_154, %parallel_loop3A_155], %parallel_loop3A_152 {strides = array<i32>} : memref<28x1792xf32, #tpu.memory_space<vmem>>, vector<16xf32>,
          %parallel_loop3A_157 = arith.constant 6 : i32
          %parallel_loop3A_158 = vector.broadcast %parallel_loop3A_157 : i32 to vector<16xi32>
          %parallel_loop3A_159 = arith.addi %parallel_loop3A_108, %parallel_loop3A_158 : vector<16xi32>
          %parallel_loop3A_160 = tpu.vector_load_idx %arg5[%parallel_loop3A_159] : memref<2436xf32, #tpu.memory_space<vmem>>[vector<16xi32>], vector<16xf32>,
          %parallel_loop3A_161 = arith.constant 6 : i32
          %parallel_loop3A_162 = arith.index_cast %parallel_loop3A_161 : i32 to index
          %parallel_loop3A_163 = arith.index_cast %parallel_loop3A_103 : i32 to index
          %parallel_loop3A_164 = tpu.vector_load %arg11[%parallel_loop3A_162, %parallel_loop3A_163] {strides = array<i32>} : memref<28x1792xf32, #tpu.memory_space<vmem>>, vector<16xf32>,
          tpu.vector_store %arg11[%parallel_loop3A_162, %parallel_loop3A_163], %parallel_loop3A_160 {strides = array<i32>} : memref<28x1792xf32, #tpu.memory_space<vmem>>, vector<16xf32>,
          %parallel_loop3A_165 = arith.constant 7 : i32
          %parallel_loop3A_166 = vector.broadcast %parallel_loop3A_165 : i32 to vector<16xi32>
          %parallel_loop3A_167 = arith.addi %parallel_loop3A_108, %parallel_loop3A_166 : vector<16xi32>
          %parallel_loop3A_168 = tpu.vector_load_idx %arg5[%parallel_loop3A_167] : memref<2436xf32, #tpu.memory_space<vmem>>[vector<16xi32>], vector<16xf32>,
          %parallel_loop3A_169 = arith.constant 7 : i32
          %parallel_loop3A_170 = arith.index_cast %parallel_loop3A_169 : i32 to index
          %parallel_loop3A_171 = arith.index_cast %parallel_loop3A_103 : i32 to index
          %parallel_loop3A_172 = tpu.vector_load %arg11[%parallel_loop3A_170, %parallel_loop3A_171] {strides = array<i32>} : memref<28x1792xf32, #tpu.memory_space<vmem>>, vector<16xf32>,
          tpu.vector_store %arg11[%parallel_loop3A_170, %parallel_loop3A_171], %parallel_loop3A_168 {strides = array<i32>} : memref<28x1792xf32, #tpu.memory_space<vmem>>, vector<16xf32>,
          %parallel_loop3A_173 = arith.constant 8 : i32
          %parallel_loop3A_174 = vector.broadcast %parallel_loop3A_173 : i32 to vector<16xi32>
          %parallel_loop3A_175 = arith.addi %parallel_loop3A_108, %parallel_loop3A_174 : vector<16xi32>
          %parallel_loop3A_176 = tpu.vector_load_idx %arg5[%parallel_loop3A_175] : memref<2436xf32, #tpu.memory_space<vmem>>[vector<16xi32>], vector<16xf32>,
          %parallel_loop3A_177 = arith.constant 8 : i32
          %parallel_loop3A_178 = arith.index_cast %parallel_loop3A_177 : i32 to index
          %parallel_loop3A_179 = arith.index_cast %parallel_loop3A_103 : i32 to index
          %parallel_loop3A_180 = tpu.vector_load %arg11[%parallel_loop3A_178, %parallel_loop3A_179] {strides = array<i32>} : memref<28x1792xf32, #tpu.memory_space<vmem>>, vector<16xf32>,
          tpu.vector_store %arg11[%parallel_loop3A_178, %parallel_loop3A_179], %parallel_loop3A_176 {strides = array<i32>} : memref<28x1792xf32, #tpu.memory_space<vmem>>, vector<16xf32>,
          %parallel_loop3A_181 = arith.constant 9 : i32
          %parallel_loop3A_182 = vector.broadcast %parallel_loop3A_181 : i32 to vector<16xi32>
          %parallel_loop3A_183 = arith.addi %parallel_loop3A_108, %parallel_loop3A_182 : vector<16xi32>
          %parallel_loop3A_184 = tpu.vector_load_idx %arg5[%parallel_loop3A_183] : memref<2436xf32, #tpu.memory_space<vmem>>[vector<16xi32>], vector<16xf32>,
          %parallel_loop3A_185 = arith.constant 9 : i32
          %parallel_loop3A_186 = arith.index_cast %parallel_loop3A_185 : i32 to index
          %parallel_loop3A_187 = arith.index_cast %parallel_loop3A_103 : i32 to index
          %parallel_loop3A_188 = tpu.vector_load %arg11[%parallel_loop3A_186, %parallel_loop3A_187] {strides = array<i32>} : memref<28x1792xf32, #tpu.memory_space<vmem>>, vector<16xf32>,
          tpu.vector_store %arg11[%parallel_loop3A_186, %parallel_loop3A_187], %parallel_loop3A_184 {strides = array<i32>} : memref<28x1792xf32, #tpu.memory_space<vmem>>, vector<16xf32>,
          %parallel_loop3A_189 = arith.constant 10 : i32
          %parallel_loop3A_190 = vector.broadcast %parallel_loop3A_189 : i32 to vector<16xi32>
          %parallel_loop3A_191 = arith.addi %parallel_loop3A_108, %parallel_loop3A_190 : vector<16xi32>
          %parallel_loop3A_192 = tpu.vector_load_idx %arg5[%parallel_loop3A_191] : memref<2436xf32, #tpu.memory_space<vmem>>[vector<16xi32>], vector<16xf32>,
          %parallel_loop3A_193 = arith.constant 10 : i32
          %parallel_loop3A_194 = arith.index_cast %parallel_loop3A_193 : i32 to index
          %parallel_loop3A_195 = arith.index_cast %parallel_loop3A_103 : i32 to index
          %parallel_loop3A_196 = tpu.vector_load %arg11[%parallel_loop3A_194, %parallel_loop3A_195] {strides = array<i32>} : memref<28x1792xf32, #tpu.memory_space<vmem>>, vector<16xf32>,
          tpu.vector_store %arg11[%parallel_loop3A_194, %parallel_loop3A_195], %parallel_loop3A_192 {strides = array<i32>} : memref<28x1792xf32, #tpu.memory_space<vmem>>, vector<16xf32>,
          %parallel_loop3A_197 = arith.constant 11 : i32
          %parallel_loop3A_198 = vector.broadcast %parallel_loop3A_197 : i32 to vector<16xi32>
          %parallel_loop3A_199 = arith.addi %parallel_loop3A_108, %parallel_loop3A_198 : vector<16xi32>
          %parallel_loop3A_200 = tpu.vector_load_idx %arg5[%parallel_loop3A_199] : memref<2436xf32, #tpu.memory_space<vmem>>[vector<16xi32>], vector<16xf32>,
          %parallel_loop3A_201 = arith.constant 11 : i32
          %parallel_loop3A_202 = arith.index_cast %parallel_loop3A_201 : i32 to index
          %parallel_loop3A_203 = arith.index_cast %parallel_loop3A_103 : i32 to index
          %parallel_loop3A_204 = tpu.vector_load %arg11[%parallel_loop3A_202, %parallel_loop3A_203] {strides = array<i32>} : memref<28x1792xf32, #tpu.memory_space<vmem>>, vector<16xf32>,
          tpu.vector_store %arg11[%parallel_loop3A_202, %parallel_loop3A_203], %parallel_loop3A_200 {strides = array<i32>} : memref<28x1792xf32, #tpu.memory_space<vmem>>, vector<16xf32>,
          %parallel_loop3A_205 = arith.constant 12 : i32
          %parallel_loop3A_206 = vector.broadcast %parallel_loop3A_205 : i32 to vector<16xi32>
          %parallel_loop3A_207 = arith.addi %parallel_loop3A_108, %parallel_loop3A_206 : vector<16xi32>
          %parallel_loop3A_208 = tpu.vector_load_idx %arg5[%parallel_loop3A_207] : memref<2436xf32, #tpu.memory_space<vmem>>[vector<16xi32>], vector<16xf32>,
          %parallel_loop3A_209 = arith.constant 12 : i32
          %parallel_loop3A_210 = arith.index_cast %parallel_loop3A_209 : i32 to index
          %parallel_loop3A_211 = arith.index_cast %parallel_loop3A_103 : i32 to index
          %parallel_loop3A_212 = tpu.vector_load %arg11[%parallel_loop3A_210, %parallel_loop3A_211] {strides = array<i32>} : memref<28x1792xf32, #tpu.memory_space<vmem>>, vector<16xf32>,
          tpu.vector_store %arg11[%parallel_loop3A_210, %parallel_loop3A_211], %parallel_loop3A_208 {strides = array<i32>} : memref<28x1792xf32, #tpu.memory_space<vmem>>, vector<16xf32>,
          %parallel_loop3A_213 = arith.constant 13 : i32
          %parallel_loop3A_214 = vector.broadcast %parallel_loop3A_213 : i32 to vector<16xi32>
          %parallel_loop3A_215 = arith.addi %parallel_loop3A_108, %parallel_loop3A_214 : vector<16xi32>
          %parallel_loop3A_216 = tpu.vector_load_idx %arg5[%parallel_loop3A_215] : memref<2436xf32, #tpu.memory_space<vmem>>[vector<16xi32>], vector<16xf32>,
          %parallel_loop3A_217 = arith.constant 13 : i32
          %parallel_loop3A_218 = arith.index_cast %parallel_loop3A_217 : i32 to index
          %parallel_loop3A_219 = arith.index_cast %parallel_loop3A_103 : i32 to index
          %parallel_loop3A_220 = tpu.vector_load %arg11[%parallel_loop3A_218, %parallel_loop3A_219] {strides = array<i32>} : memref<28x1792xf32, #tpu.memory_space<vmem>>, vector<16xf32>,
          tpu.vector_store %arg11[%parallel_loop3A_218, %parallel_loop3A_219], %parallel_loop3A_216 {strides = array<i32>} : memref<28x1792xf32, #tpu.memory_space<vmem>>, vector<16xf32>,
          %parallel_loop3A_221 = arith.constant 14 : i32
          %parallel_loop3A_222 = vector.broadcast %parallel_loop3A_221 : i32 to vector<16xi32>
          %parallel_loop3A_223 = arith.addi %parallel_loop3A_108, %parallel_loop3A_222 : vector<16xi32>
          %parallel_loop3A_224 = tpu.vector_load_idx %arg5[%parallel_loop3A_223] : memref<2436xf32, #tpu.memory_space<vmem>>[vector<16xi32>], vector<16xf32>,
          %parallel_loop3A_225 = arith.constant 14 : i32
          %parallel_loop3A_226 = arith.index_cast %parallel_loop3A_225 : i32 to index
          %parallel_loop3A_227 = arith.index_cast %parallel_loop3A_103 : i32 to index
          %parallel_loop3A_228 = tpu.vector_load %arg11[%parallel_loop3A_226, %parallel_loop3A_227] {strides = array<i32>} : memref<28x1792xf32, #tpu.memory_space<vmem>>, vector<16xf32>,
          tpu.vector_store %arg11[%parallel_loop3A_226, %parallel_loop3A_227], %parallel_loop3A_224 {strides = array<i32>} : memref<28x1792xf32, #tpu.memory_space<vmem>>, vector<16xf32>,
          %parallel_loop3A_229 = arith.constant 15 : i32
          %parallel_loop3A_230 = vector.broadcast %parallel_loop3A_229 : i32 to vector<16xi32>
          %parallel_loop3A_231 = arith.addi %parallel_loop3A_108, %parallel_loop3A_230 : vector<16xi32>
          %parallel_loop3A_232 = tpu.vector_load_idx %arg5[%parallel_loop3A_231] : memref<2436xf32, #tpu.memory_space<vmem>>[vector<16xi32>], vector<16xf32>,
          %parallel_loop3A_233 = arith.constant 15 : i32
          %parallel_loop3A_234 = arith.index_cast %parallel_loop3A_233 : i32 to index
          %parallel_loop3A_235 = arith.index_cast %parallel_loop3A_103 : i32 to index
          %parallel_loop3A_236 = tpu.vector_load %arg11[%parallel_loop3A_234, %parallel_loop3A_235] {strides = array<i32>} : memref<28x1792xf32, #tpu.memory_space<vmem>>, vector<16xf32>,
          tpu.vector_store %arg11[%parallel_loop3A_234, %parallel_loop3A_235], %parallel_loop3A_232 {strides = array<i32>} : memref<28x1792xf32, #tpu.memory_space<vmem>>, vector<16xf32>,
          %parallel_loop3A_237 = arith.constant 16 : i32
          %parallel_loop3A_238 = vector.broadcast %parallel_loop3A_237 : i32 to vector<16xi32>
          %parallel_loop3A_239 = arith.addi %parallel_loop3A_108, %parallel_loop3A_238 : vector<16xi32>
          %parallel_loop3A_240 = tpu.vector_load_idx %arg5[%parallel_loop3A_239] : memref<2436xf32, #tpu.memory_space<vmem>>[vector<16xi32>], vector<16xf32>,
          %parallel_loop3A_241 = arith.constant 16 : i32
          %parallel_loop3A_242 = arith.index_cast %parallel_loop3A_241 : i32 to index
          %parallel_loop3A_243 = arith.index_cast %parallel_loop3A_103 : i32 to index
          %parallel_loop3A_244 = tpu.vector_load %arg11[%parallel_loop3A_242, %parallel_loop3A_243] {strides = array<i32>} : memref<28x1792xf32, #tpu.memory_space<vmem>>, vector<16xf32>,
          tpu.vector_store %arg11[%parallel_loop3A_242, %parallel_loop3A_243], %parallel_loop3A_240 {strides = array<i32>} : memref<28x1792xf32, #tpu.memory_space<vmem>>, vector<16xf32>,
          %parallel_loop3A_245 = arith.constant 17 : i32
          %parallel_loop3A_246 = vector.broadcast %parallel_loop3A_245 : i32 to vector<16xi32>
          %parallel_loop3A_247 = arith.addi %parallel_loop3A_108, %parallel_loop3A_246 : vector<16xi32>
          %parallel_loop3A_248 = tpu.vector_load_idx %arg5[%parallel_loop3A_247] : memref<2436xf32, #tpu.memory_space<vmem>>[vector<16xi32>], vector<16xf32>,
          %parallel_loop3A_249 = arith.constant 17 : i32
          %parallel_loop3A_250 = arith.index_cast %parallel_loop3A_249 : i32 to index
          %parallel_loop3A_251 = arith.index_cast %parallel_loop3A_103 : i32 to index
          %parallel_loop3A_252 = tpu.vector_load %arg11[%parallel_loop3A_250, %parallel_loop3A_251] {strides = array<i32>} : memref<28x1792xf32, #tpu.memory_space<vmem>>, vector<16xf32>,
          tpu.vector_store %arg11[%parallel_loop3A_250, %parallel_loop3A_251], %parallel_loop3A_248 {strides = array<i32>} : memref<28x1792xf32, #tpu.memory_space<vmem>>, vector<16xf32>,
          %parallel_loop3A_253 = arith.constant 18 : i32
          %parallel_loop3A_254 = vector.broadcast %parallel_loop3A_253 : i32 to vector<16xi32>
          %parallel_loop3A_255 = arith.addi %parallel_loop3A_108, %parallel_loop3A_254 : vector<16xi32>
          %parallel_loop3A_256 = tpu.vector_load_idx %arg5[%parallel_loop3A_255] : memref<2436xf32, #tpu.memory_space<vmem>>[vector<16xi32>], vector<16xf32>,
          %parallel_loop3A_257 = arith.constant 18 : i32
          %parallel_loop3A_258 = arith.index_cast %parallel_loop3A_257 : i32 to index
          %parallel_loop3A_259 = arith.index_cast %parallel_loop3A_103 : i32 to index
          %parallel_loop3A_260 = tpu.vector_load %arg11[%parallel_loop3A_258, %parallel_loop3A_259] {strides = array<i32>} : memref<28x1792xf32, #tpu.memory_space<vmem>>, vector<16xf32>,
          tpu.vector_store %arg11[%parallel_loop3A_258, %parallel_loop3A_259], %parallel_loop3A_256 {strides = array<i32>} : memref<28x1792xf32, #tpu.memory_space<vmem>>, vector<16xf32>,
          %parallel_loop3A_261 = arith.constant 19 : i32
          %parallel_loop3A_262 = vector.broadcast %parallel_loop3A_261 : i32 to vector<16xi32>
          %parallel_loop3A_263 = arith.addi %parallel_loop3A_108, %parallel_loop3A_262 : vector<16xi32>
          %parallel_loop3A_264 = tpu.vector_load_idx %arg5[%parallel_loop3A_263] : memref<2436xf32, #tpu.memory_space<vmem>>[vector<16xi32>], vector<16xf32>,
          %parallel_loop3A_265 = arith.constant 19 : i32
          %parallel_loop3A_266 = arith.index_cast %parallel_loop3A_265 : i32 to index
          %parallel_loop3A_267 = arith.index_cast %parallel_loop3A_103 : i32 to index
          %parallel_loop3A_268 = tpu.vector_load %arg11[%parallel_loop3A_266, %parallel_loop3A_267] {strides = array<i32>} : memref<28x1792xf32, #tpu.memory_space<vmem>>, vector<16xf32>,
          tpu.vector_store %arg11[%parallel_loop3A_266, %parallel_loop3A_267], %parallel_loop3A_264 {strides = array<i32>} : memref<28x1792xf32, #tpu.memory_space<vmem>>, vector<16xf32>,
          %parallel_loop3A_269 = arith.constant 20 : i32
          %parallel_loop3A_270 = vector.broadcast %parallel_loop3A_269 : i32 to vector<16xi32>
          %parallel_loop3A_271 = arith.addi %parallel_loop3A_108, %parallel_loop3A_270 : vector<16xi32>
          %parallel_loop3A_272 = tpu.vector_load_idx %arg5[%parallel_loop3A_271] : memref<2436xf32, #tpu.memory_space<vmem>>[vector<16xi32>], vector<16xf32>,
          %parallel_loop3A_273 = arith.constant 20 : i32
          %parallel_loop3A_274 = arith.index_cast %parallel_loop3A_273 : i32 to index
          %parallel_loop3A_275 = arith.index_cast %parallel_loop3A_103 : i32 to index
          %parallel_loop3A_276 = tpu.vector_load %arg11[%parallel_loop3A_274, %parallel_loop3A_275] {strides = array<i32>} : memref<28x1792xf32, #tpu.memory_space<vmem>>, vector<16xf32>,
          tpu.vector_store %arg11[%parallel_loop3A_274, %parallel_loop3A_275], %parallel_loop3A_272 {strides = array<i32>} : memref<28x1792xf32, #tpu.memory_space<vmem>>, vector<16xf32>,
          %parallel_loop3A_277 = arith.constant 21 : i32
          %parallel_loop3A_278 = vector.broadcast %parallel_loop3A_277 : i32 to vector<16xi32>
          %parallel_loop3A_279 = arith.addi %parallel_loop3A_108, %parallel_loop3A_278 : vector<16xi32>
          %parallel_loop3A_280 = tpu.vector_load_idx %arg5[%parallel_loop3A_279] : memref<2436xf32, #tpu.memory_space<vmem>>[vector<16xi32>], vector<16xf32>,
          %parallel_loop3A_281 = arith.constant 21 : i32
          %parallel_loop3A_282 = arith.index_cast %parallel_loop3A_281 : i32 to index
          %parallel_loop3A_283 = arith.index_cast %parallel_loop3A_103 : i32 to index
          %parallel_loop3A_284 = tpu.vector_load %arg11[%parallel_loop3A_282, %parallel_loop3A_283] {strides = array<i32>} : memref<28x1792xf32, #tpu.memory_space<vmem>>, vector<16xf32>,
          tpu.vector_store %arg11[%parallel_loop3A_282, %parallel_loop3A_283], %parallel_loop3A_280 {strides = array<i32>} : memref<28x1792xf32, #tpu.memory_space<vmem>>, vector<16xf32>,
          %parallel_loop3A_285 = arith.constant 22 : i32
          %parallel_loop3A_286 = vector.broadcast %parallel_loop3A_285 : i32 to vector<16xi32>
          %parallel_loop3A_287 = arith.addi %parallel_loop3A_108, %parallel_loop3A_286 : vector<16xi32>
          %parallel_loop3A_288 = tpu.vector_load_idx %arg5[%parallel_loop3A_287] : memref<2436xf32, #tpu.memory_space<vmem>>[vector<16xi32>], vector<16xf32>,
          %parallel_loop3A_289 = arith.constant 22 : i32
          %parallel_loop3A_290 = arith.index_cast %parallel_loop3A_289 : i32 to index
          %parallel_loop3A_291 = arith.index_cast %parallel_loop3A_103 : i32 to index
          %parallel_loop3A_292 = tpu.vector_load %arg11[%parallel_loop3A_290, %parallel_loop3A_291] {strides = array<i32>} : memref<28x1792xf32, #tpu.memory_space<vmem>>, vector<16xf32>,
          tpu.vector_store %arg11[%parallel_loop3A_290, %parallel_loop3A_291], %parallel_loop3A_288 {strides = array<i32>} : memref<28x1792xf32, #tpu.memory_space<vmem>>, vector<16xf32>,
          %parallel_loop3A_293 = arith.constant 23 : i32
          %parallel_loop3A_294 = vector.broadcast %parallel_loop3A_293 : i32 to vector<16xi32>
          %parallel_loop3A_295 = arith.addi %parallel_loop3A_108, %parallel_loop3A_294 : vector<16xi32>
          %parallel_loop3A_296 = tpu.vector_load_idx %arg5[%parallel_loop3A_295] : memref<2436xf32, #tpu.memory_space<vmem>>[vector<16xi32>], vector<16xf32>,
          %parallel_loop3A_297 = arith.constant 23 : i32
          %parallel_loop3A_298 = arith.index_cast %parallel_loop3A_297 : i32 to index
          %parallel_loop3A_299 = arith.index_cast %parallel_loop3A_103 : i32 to index
          %parallel_loop3A_300 = tpu.vector_load %arg11[%parallel_loop3A_298, %parallel_loop3A_299] {strides = array<i32>} : memref<28x1792xf32, #tpu.memory_space<vmem>>, vector<16xf32>,
          tpu.vector_store %arg11[%parallel_loop3A_298, %parallel_loop3A_299], %parallel_loop3A_296 {strides = array<i32>} : memref<28x1792xf32, #tpu.memory_space<vmem>>, vector<16xf32>,
          %parallel_loop3A_301 = arith.constant 24 : i32
          %parallel_loop3A_302 = vector.broadcast %parallel_loop3A_301 : i32 to vector<16xi32>
          %parallel_loop3A_303 = arith.addi %parallel_loop3A_108, %parallel_loop3A_302 : vector<16xi32>
          %parallel_loop3A_304 = tpu.vector_load_idx %arg5[%parallel_loop3A_303] : memref<2436xf32, #tpu.memory_space<vmem>>[vector<16xi32>], vector<16xf32>,
          %parallel_loop3A_305 = arith.constant 24 : i32
          %parallel_loop3A_306 = arith.index_cast %parallel_loop3A_305 : i32 to index
          %parallel_loop3A_307 = arith.index_cast %parallel_loop3A_103 : i32 to index
          %parallel_loop3A_308 = tpu.vector_load %arg11[%parallel_loop3A_306, %parallel_loop3A_307] {strides = array<i32>} : memref<28x1792xf32, #tpu.memory_space<vmem>>, vector<16xf32>,
          tpu.vector_store %arg11[%parallel_loop3A_306, %parallel_loop3A_307], %parallel_loop3A_304 {strides = array<i32>} : memref<28x1792xf32, #tpu.memory_space<vmem>>, vector<16xf32>,
          %parallel_loop3A_309 = arith.constant 25 : i32
          %parallel_loop3A_310 = vector.broadcast %parallel_loop3A_309 : i32 to vector<16xi32>
          %parallel_loop3A_311 = arith.addi %parallel_loop3A_108, %parallel_loop3A_310 : vector<16xi32>
          %parallel_loop3A_312 = tpu.vector_load_idx %arg5[%parallel_loop3A_311] : memref<2436xf32, #tpu.memory_space<vmem>>[vector<16xi32>], vector<16xf32>,
          %parallel_loop3A_313 = arith.constant 25 : i32
          %parallel_loop3A_314 = arith.index_cast %parallel_loop3A_313 : i32 to index
          %parallel_loop3A_315 = arith.index_cast %parallel_loop3A_103 : i32 to index
          %parallel_loop3A_316 = tpu.vector_load %arg11[%parallel_loop3A_314, %parallel_loop3A_315] {strides = array<i32>} : memref<28x1792xf32, #tpu.memory_space<vmem>>, vector<16xf32>,
          tpu.vector_store %arg11[%parallel_loop3A_314, %parallel_loop3A_315], %parallel_loop3A_312 {strides = array<i32>} : memref<28x1792xf32, #tpu.memory_space<vmem>>, vector<16xf32>,
          %parallel_loop3A_317 = arith.constant 26 : i32
          %parallel_loop3A_318 = vector.broadcast %parallel_loop3A_317 : i32 to vector<16xi32>
          %parallel_loop3A_319 = arith.addi %parallel_loop3A_108, %parallel_loop3A_318 : vector<16xi32>
          %parallel_loop3A_320 = tpu.vector_load_idx %arg5[%parallel_loop3A_319] : memref<2436xf32, #tpu.memory_space<vmem>>[vector<16xi32>], vector<16xf32>,
          %parallel_loop3A_321 = arith.constant 26 : i32
          %parallel_loop3A_322 = arith.index_cast %parallel_loop3A_321 : i32 to index
          %parallel_loop3A_323 = arith.index_cast %parallel_loop3A_103 : i32 to index
          %parallel_loop3A_324 = tpu.vector_load %arg11[%parallel_loop3A_322, %parallel_loop3A_323] {strides = array<i32>} : memref<28x1792xf32, #tpu.memory_space<vmem>>, vector<16xf32>,
          tpu.vector_store %arg11[%parallel_loop3A_322, %parallel_loop3A_323], %parallel_loop3A_320 {strides = array<i32>} : memref<28x1792xf32, #tpu.memory_space<vmem>>, vector<16xf32>,
          %parallel_loop3A_325 = arith.constant 27 : i32
          %parallel_loop3A_326 = vector.broadcast %parallel_loop3A_325 : i32 to vector<16xi32>
          %parallel_loop3A_327 = arith.addi %parallel_loop3A_108, %parallel_loop3A_326 : vector<16xi32>
          %parallel_loop3A_328 = tpu.vector_load_idx %arg5[%parallel_loop3A_327] : memref<2436xf32, #tpu.memory_space<vmem>>[vector<16xi32>], vector<16xf32>,
          %parallel_loop3A_329 = arith.constant 27 : i32
          %parallel_loop3A_330 = arith.index_cast %parallel_loop3A_329 : i32 to index
          %parallel_loop3A_331 = arith.index_cast %parallel_loop3A_103 : i32 to index
          %parallel_loop3A_332 = tpu.vector_load %arg11[%parallel_loop3A_330, %parallel_loop3A_331] {strides = array<i32>} : memref<28x1792xf32, #tpu.memory_space<vmem>>, vector<16xf32>,
          tpu.vector_store %arg11[%parallel_loop3A_330, %parallel_loop3A_331], %parallel_loop3A_328 {strides = array<i32>} : memref<28x1792xf32, #tpu.memory_space<vmem>>, vector<16xf32>,
        } {sc.loop_unroll_factor = 2 : i64, sc.parallel_access}
        %mul3A_98 = arith.constant 1792 : i32
        %mul3A_99 = arith.muli %add3A_75, %mul3A_98 : i32
        %dma_start3A = arith.constant 0 : i32
        %dma_start3A_100 = tpu.memref_slice %arg4[%dma_start3A, %mul3A_99] : memref<28x1000000xf32, #tpu.memory_space<hbm>> -> memref<28x1792xf32, #tpu.memory_space<hbm>>
        %dma_start3A_101 = arith.constant 0 : i32
        %dma_start3A_102 = tpu.memref_slice %arg4[%dma_start3A_101, %mul3A_99] : memref<28x1000000xf32, #tpu.memory_space<hbm>> -> memref<28x1792xf32, #tpu.memory_space<hbm>>
        tpu.enqueue_dma source(%arg11 : memref<28x1792xf32, #tpu.memory_space<vmem>>) target(%dma_start3A_102 : memref<28x1792xf32, #tpu.memory_space<hbm>>) target_semaphore(%arg19 : memref<!tpu.dma_semaphore, #tpu.memory_space<semaphore_mem>>)
      } else {
      }
    }
    %scan3A_16 = arith.constant 5 : i32
    %dma_wait3A = arith.constant 0 : i32
    %dma_wait3A_17 = arith.constant 0 : i32
    %dma_wait3A_18 = tpu.memref_slice %arg4[%dma_wait3A, %dma_wait3A_17] : memref<28x1000000xf32, #tpu.memory_space<hbm>> -> memref<28x1792xf32, #tpu.memory_space<hbm>>
    %dma_wait3A_19 = arith.constant 0 : i32
    %dma_wait3A_20 = arith.constant 0 : i32
    %dma_wait3A_21 = tpu.memref_slice %arg4[%dma_wait3A_19, %dma_wait3A_20] : memref<28x1000000xf32, #tpu.memory_space<hbm>> -> memref<28x1792xf32, #tpu.memory_space<hbm>>
    tpu.wait_dma2 semaphore(%arg18 : memref<!tpu.dma_semaphore, #tpu.memory_space<semaphore_mem>>) src(%arg10 : memref<28x1792xf32, #tpu.memory_space<vmem>>) dst(%dma_wait3A_21 : memref<28x1792xf32, #tpu.memory_space<hbm>>)
    %dma_wait3A_22 = arith.constant 0 : i32
    %dma_wait3A_23 = arith.constant 0 : i32
    %dma_wait3A_24 = tpu.memref_slice %arg4[%dma_wait3A_22, %dma_wait3A_23] : memref<28x1000000xf32, #tpu.memory_space<hbm>> -> memref<28x1792xf32, #tpu.memory_space<hbm>>
    %dma_wait3A_25 = arith.constant 0 : i32
    %dma_wait3A_26 = arith.constant 0 : i32
    %dma_wait3A_27 = tpu.memref_slice %arg4[%dma_wait3A_25, %dma_wait3A_26] : memref<28x1000000xf32, #tpu.memory_space<hbm>> -> memref<28x1792xf32, #tpu.memory_space<hbm>>
    tpu.wait_dma2 semaphore(%arg19 : memref<!tpu.dma_semaphore, #tpu.memory_space<semaphore_mem>>) src(%arg11 : memref<28x1792xf32, #tpu.memory_space<vmem>>) dst(%dma_wait3A_27 : memref<28x1792xf32, #tpu.memory_space<hbm>>)
    %eq3A = arith.constant 0 : i32
    %eq3A_28 = arith.cmpi eq, %add3A, %eq3A : i32
    %convert_element_type3A_29 = arith.extui %eq3A_28 : i1 to i32
    %cond3A_30 = arith.constant 0 : i32
    %cond3A_31 = arith.cmpi ne, %convert_element_type3A_29, %cond3A_30 : i32
    scf.if %cond3A_31 {
      "tpu.region"() ({
        %run_scoped3A = tpu.sem_alloc : memref<!tpu.dma_semaphore, #tpu.memory_space<semaphore_mem>>
        %dma_start3A = arith.constant 999936 : i32
        %dma_start3A_34 = tpu.memref_slice %arg2[%dma_start3A] : memref<1000000xi32, #tpu.memory_space<hbm>> -> memref<64xi32, #tpu.memory_space<hbm>>
        %dma_start3A_35 = arith.constant 999936 : i32
        %dma_start3A_36 = tpu.memref_slice %arg2[%dma_start3A_35] : memref<1000000xi32, #tpu.memory_space<hbm>> -> memref<64xi32, #tpu.memory_space<hbm>>
        tpu.enqueue_dma source(%dma_start3A_36 : memref<64xi32, #tpu.memory_space<hbm>>) target(%arg12 : memref<64xi32, #tpu.memory_space<vmem>>) target_semaphore(%run_scoped3A : memref<!tpu.dma_semaphore, #tpu.memory_space<semaphore_mem>>)
        %dma_wait3A_37 = arith.constant 999936 : i32
        %dma_wait3A_38 = tpu.memref_slice %arg2[%dma_wait3A_37] : memref<1000000xi32, #tpu.memory_space<hbm>> -> memref<64xi32, #tpu.memory_space<hbm>>
        %dma_wait3A_39 = arith.constant 999936 : i32
        %dma_wait3A_40 = tpu.memref_slice %arg2[%dma_wait3A_39] : memref<1000000xi32, #tpu.memory_space<hbm>> -> memref<64xi32, #tpu.memory_space<hbm>>
        tpu.wait_dma2 semaphore(%run_scoped3A : memref<!tpu.dma_semaphore, #tpu.memory_space<semaphore_mem>>) src(%dma_wait3A_40 : memref<64xi32, #tpu.memory_space<hbm>>) dst(%arg12 : memref<64xi32, #tpu.memory_space<vmem>>)
        tpu.yield
      }) : () -> ()
      %parallel_loop3A = arith.constant 0 : i32
      %parallel_loop3A_32 = arith.constant 64 : i32
      %parallel_loop3A_33 = arith.constant 16 : i32
      scf.for %parallel_loop3A_34 = %parallel_loop3A to %parallel_loop3A_32 step %parallel_loop3A_33  : i32 {
        %parallel_loop3A_35 = arith.index_cast %parallel_loop3A_34 : i32 to index
        %parallel_loop3A_36 = tpu.vector_load %arg12[%parallel_loop3A_35] {strides = array<i32>} : memref<64xi32, #tpu.memory_space<vmem>>, vector<16xi32>,
        %parallel_loop3A_37 = arith.constant 28 : i32
        %parallel_loop3A_38 = vector.broadcast %parallel_loop3A_37 : i32 to vector<16xi32>
        %parallel_loop3A_39 = arith.muli %parallel_loop3A_36, %parallel_loop3A_38 : vector<16xi32>
        %parallel_loop3A_40 = arith.constant 0 : i32
        %parallel_loop3A_41 = vector.broadcast %parallel_loop3A_40 : i32 to vector<16xi32>
        %parallel_loop3A_42 = arith.addi %parallel_loop3A_39, %parallel_loop3A_41 : vector<16xi32>
        %parallel_loop3A_43 = tpu.vector_load_idx %arg5[%parallel_loop3A_42] : memref<2436xf32, #tpu.memory_space<vmem>>[vector<16xi32>], vector<16xf32>,
        %parallel_loop3A_44 = arith.constant 0 : i32
        %parallel_loop3A_45 = arith.index_cast %parallel_loop3A_44 : i32 to index
        %parallel_loop3A_46 = arith.index_cast %parallel_loop3A_34 : i32 to index
        %parallel_loop3A_47 = tpu.vector_load %arg13[%parallel_loop3A_45, %parallel_loop3A_46] {strides = array<i32>} : memref<28x64xf32, #tpu.memory_space<vmem>>, vector<16xf32>,
        tpu.vector_store %arg13[%parallel_loop3A_45, %parallel_loop3A_46], %parallel_loop3A_43 {strides = array<i32>} : memref<28x64xf32, #tpu.memory_space<vmem>>, vector<16xf32>,
        %parallel_loop3A_48 = arith.constant 1 : i32
        %parallel_loop3A_49 = vector.broadcast %parallel_loop3A_48 : i32 to vector<16xi32>
        %parallel_loop3A_50 = arith.addi %parallel_loop3A_39, %parallel_loop3A_49 : vector<16xi32>
        %parallel_loop3A_51 = tpu.vector_load_idx %arg5[%parallel_loop3A_50] : memref<2436xf32, #tpu.memory_space<vmem>>[vector<16xi32>], vector<16xf32>,
        %parallel_loop3A_52 = arith.constant 1 : i32
        %parallel_loop3A_53 = arith.index_cast %parallel_loop3A_52 : i32 to index
        %parallel_loop3A_54 = arith.index_cast %parallel_loop3A_34 : i32 to index
        %parallel_loop3A_55 = tpu.vector_load %arg13[%parallel_loop3A_53, %parallel_loop3A_54] {strides = array<i32>} : memref<28x64xf32, #tpu.memory_space<vmem>>, vector<16xf32>,
        tpu.vector_store %arg13[%parallel_loop3A_53, %parallel_loop3A_54], %parallel_loop3A_51 {strides = array<i32>} : memref<28x64xf32, #tpu.memory_space<vmem>>, vector<16xf32>,
        %parallel_loop3A_56 = arith.constant 2 : i32
        %parallel_loop3A_57 = vector.broadcast %parallel_loop3A_56 : i32 to vector<16xi32>
        %parallel_loop3A_58 = arith.addi %parallel_loop3A_39, %parallel_loop3A_57 : vector<16xi32>
        %parallel_loop3A_59 = tpu.vector_load_idx %arg5[%parallel_loop3A_58] : memref<2436xf32, #tpu.memory_space<vmem>>[vector<16xi32>], vector<16xf32>,
        %parallel_loop3A_60 = arith.constant 2 : i32
        %parallel_loop3A_61 = arith.index_cast %parallel_loop3A_60 : i32 to index
        %parallel_loop3A_62 = arith.index_cast %parallel_loop3A_34 : i32 to index
        %parallel_loop3A_63 = tpu.vector_load %arg13[%parallel_loop3A_61, %parallel_loop3A_62] {strides = array<i32>} : memref<28x64xf32, #tpu.memory_space<vmem>>, vector<16xf32>,
        tpu.vector_store %arg13[%parallel_loop3A_61, %parallel_loop3A_62], %parallel_loop3A_59 {strides = array<i32>} : memref<28x64xf32, #tpu.memory_space<vmem>>, vector<16xf32>,
        %parallel_loop3A_64 = arith.constant 3 : i32
        %parallel_loop3A_65 = vector.broadcast %parallel_loop3A_64 : i32 to vector<16xi32>
        %parallel_loop3A_66 = arith.addi %parallel_loop3A_39, %parallel_loop3A_65 : vector<16xi32>
        %parallel_loop3A_67 = tpu.vector_load_idx %arg5[%parallel_loop3A_66] : memref<2436xf32, #tpu.memory_space<vmem>>[vector<16xi32>], vector<16xf32>,
        %parallel_loop3A_68 = arith.constant 3 : i32
        %parallel_loop3A_69 = arith.index_cast %parallel_loop3A_68 : i32 to index
        %parallel_loop3A_70 = arith.index_cast %parallel_loop3A_34 : i32 to index
        %parallel_loop3A_71 = tpu.vector_load %arg13[%parallel_loop3A_69, %parallel_loop3A_70] {strides = array<i32>} : memref<28x64xf32, #tpu.memory_space<vmem>>, vector<16xf32>,
        tpu.vector_store %arg13[%parallel_loop3A_69, %parallel_loop3A_70], %parallel_loop3A_67 {strides = array<i32>} : memref<28x64xf32, #tpu.memory_space<vmem>>, vector<16xf32>,
        %parallel_loop3A_72 = arith.constant 4 : i32
        %parallel_loop3A_73 = vector.broadcast %parallel_loop3A_72 : i32 to vector<16xi32>
        %parallel_loop3A_74 = arith.addi %parallel_loop3A_39, %parallel_loop3A_73 : vector<16xi32>
        %parallel_loop3A_75 = tpu.vector_load_idx %arg5[%parallel_loop3A_74] : memref<2436xf32, #tpu.memory_space<vmem>>[vector<16xi32>], vector<16xf32>,
        %parallel_loop3A_76 = arith.constant 4 : i32
        %parallel_loop3A_77 = arith.index_cast %parallel_loop3A_76 : i32 to index
        %parallel_loop3A_78 = arith.index_cast %parallel_loop3A_34 : i32 to index
        %parallel_loop3A_79 = tpu.vector_load %arg13[%parallel_loop3A_77, %parallel_loop3A_78] {strides = array<i32>} : memref<28x64xf32, #tpu.memory_space<vmem>>, vector<16xf32>,
        tpu.vector_store %arg13[%parallel_loop3A_77, %parallel_loop3A_78], %parallel_loop3A_75 {strides = array<i32>} : memref<28x64xf32, #tpu.memory_space<vmem>>, vector<16xf32>,
        %parallel_loop3A_80 = arith.constant 5 : i32
        %parallel_loop3A_81 = vector.broadcast %parallel_loop3A_80 : i32 to vector<16xi32>
        %parallel_loop3A_82 = arith.addi %parallel_loop3A_39, %parallel_loop3A_81 : vector<16xi32>
        %parallel_loop3A_83 = tpu.vector_load_idx %arg5[%parallel_loop3A_82] : memref<2436xf32, #tpu.memory_space<vmem>>[vector<16xi32>], vector<16xf32>,
        %parallel_loop3A_84 = arith.constant 5 : i32
        %parallel_loop3A_85 = arith.index_cast %parallel_loop3A_84 : i32 to index
        %parallel_loop3A_86 = arith.index_cast %parallel_loop3A_34 : i32 to index
        %parallel_loop3A_87 = tpu.vector_load %arg13[%parallel_loop3A_85, %parallel_loop3A_86] {strides = array<i32>} : memref<28x64xf32, #tpu.memory_space<vmem>>, vector<16xf32>,
        tpu.vector_store %arg13[%parallel_loop3A_85, %parallel_loop3A_86], %parallel_loop3A_83 {strides = array<i32>} : memref<28x64xf32, #tpu.memory_space<vmem>>, vector<16xf32>,
        %parallel_loop3A_88 = arith.constant 6 : i32
        %parallel_loop3A_89 = vector.broadcast %parallel_loop3A_88 : i32 to vector<16xi32>
        %parallel_loop3A_90 = arith.addi %parallel_loop3A_39, %parallel_loop3A_89 : vector<16xi32>
        %parallel_loop3A_91 = tpu.vector_load_idx %arg5[%parallel_loop3A_90] : memref<2436xf32, #tpu.memory_space<vmem>>[vector<16xi32>], vector<16xf32>,
        %parallel_loop3A_92 = arith.constant 6 : i32
        %parallel_loop3A_93 = arith.index_cast %parallel_loop3A_92 : i32 to index
        %parallel_loop3A_94 = arith.index_cast %parallel_loop3A_34 : i32 to index
        %parallel_loop3A_95 = tpu.vector_load %arg13[%parallel_loop3A_93, %parallel_loop3A_94] {strides = array<i32>} : memref<28x64xf32, #tpu.memory_space<vmem>>, vector<16xf32>,
        tpu.vector_store %arg13[%parallel_loop3A_93, %parallel_loop3A_94], %parallel_loop3A_91 {strides = array<i32>} : memref<28x64xf32, #tpu.memory_space<vmem>>, vector<16xf32>,
        %parallel_loop3A_96 = arith.constant 7 : i32
        %parallel_loop3A_97 = vector.broadcast %parallel_loop3A_96 : i32 to vector<16xi32>
        %parallel_loop3A_98 = arith.addi %parallel_loop3A_39, %parallel_loop3A_97 : vector<16xi32>
        %parallel_loop3A_99 = tpu.vector_load_idx %arg5[%parallel_loop3A_98] : memref<2436xf32, #tpu.memory_space<vmem>>[vector<16xi32>], vector<16xf32>,
        %parallel_loop3A_100 = arith.constant 7 : i32
        %parallel_loop3A_101 = arith.index_cast %parallel_loop3A_100 : i32 to index
        %parallel_loop3A_102 = arith.index_cast %parallel_loop3A_34 : i32 to index
        %parallel_loop3A_103 = tpu.vector_load %arg13[%parallel_loop3A_101, %parallel_loop3A_102] {strides = array<i32>} : memref<28x64xf32, #tpu.memory_space<vmem>>, vector<16xf32>,
        tpu.vector_store %arg13[%parallel_loop3A_101, %parallel_loop3A_102], %parallel_loop3A_99 {strides = array<i32>} : memref<28x64xf32, #tpu.memory_space<vmem>>, vector<16xf32>,
        %parallel_loop3A_104 = arith.constant 8 : i32
        %parallel_loop3A_105 = vector.broadcast %parallel_loop3A_104 : i32 to vector<16xi32>
        %parallel_loop3A_106 = arith.addi %parallel_loop3A_39, %parallel_loop3A_105 : vector<16xi32>
        %parallel_loop3A_107 = tpu.vector_load_idx %arg5[%parallel_loop3A_106] : memref<2436xf32, #tpu.memory_space<vmem>>[vector<16xi32>], vector<16xf32>,
        %parallel_loop3A_108 = arith.constant 8 : i32
        %parallel_loop3A_109 = arith.index_cast %parallel_loop3A_108 : i32 to index
        %parallel_loop3A_110 = arith.index_cast %parallel_loop3A_34 : i32 to index
        %parallel_loop3A_111 = tpu.vector_load %arg13[%parallel_loop3A_109, %parallel_loop3A_110] {strides = array<i32>} : memref<28x64xf32, #tpu.memory_space<vmem>>, vector<16xf32>,
        tpu.vector_store %arg13[%parallel_loop3A_109, %parallel_loop3A_110], %parallel_loop3A_107 {strides = array<i32>} : memref<28x64xf32, #tpu.memory_space<vmem>>, vector<16xf32>,
        %parallel_loop3A_112 = arith.constant 9 : i32
        %parallel_loop3A_113 = vector.broadcast %parallel_loop3A_112 : i32 to vector<16xi32>
        %parallel_loop3A_114 = arith.addi %parallel_loop3A_39, %parallel_loop3A_113 : vector<16xi32>
        %parallel_loop3A_115 = tpu.vector_load_idx %arg5[%parallel_loop3A_114] : memref<2436xf32, #tpu.memory_space<vmem>>[vector<16xi32>], vector<16xf32>,
        %parallel_loop3A_116 = arith.constant 9 : i32
        %parallel_loop3A_117 = arith.index_cast %parallel_loop3A_116 : i32 to index
        %parallel_loop3A_118 = arith.index_cast %parallel_loop3A_34 : i32 to index
        %parallel_loop3A_119 = tpu.vector_load %arg13[%parallel_loop3A_117, %parallel_loop3A_118] {strides = array<i32>} : memref<28x64xf32, #tpu.memory_space<vmem>>, vector<16xf32>,
        tpu.vector_store %arg13[%parallel_loop3A_117, %parallel_loop3A_118], %parallel_loop3A_115 {strides = array<i32>} : memref<28x64xf32, #tpu.memory_space<vmem>>, vector<16xf32>,
        %parallel_loop3A_120 = arith.constant 10 : i32
        %parallel_loop3A_121 = vector.broadcast %parallel_loop3A_120 : i32 to vector<16xi32>
        %parallel_loop3A_122 = arith.addi %parallel_loop3A_39, %parallel_loop3A_121 : vector<16xi32>
        %parallel_loop3A_123 = tpu.vector_load_idx %arg5[%parallel_loop3A_122] : memref<2436xf32, #tpu.memory_space<vmem>>[vector<16xi32>], vector<16xf32>,
        %parallel_loop3A_124 = arith.constant 10 : i32
        %parallel_loop3A_125 = arith.index_cast %parallel_loop3A_124 : i32 to index
        %parallel_loop3A_126 = arith.index_cast %parallel_loop3A_34 : i32 to index
        %parallel_loop3A_127 = tpu.vector_load %arg13[%parallel_loop3A_125, %parallel_loop3A_126] {strides = array<i32>} : memref<28x64xf32, #tpu.memory_space<vmem>>, vector<16xf32>,
        tpu.vector_store %arg13[%parallel_loop3A_125, %parallel_loop3A_126], %parallel_loop3A_123 {strides = array<i32>} : memref<28x64xf32, #tpu.memory_space<vmem>>, vector<16xf32>,
        %parallel_loop3A_128 = arith.constant 11 : i32
        %parallel_loop3A_129 = vector.broadcast %parallel_loop3A_128 : i32 to vector<16xi32>
        %parallel_loop3A_130 = arith.addi %parallel_loop3A_39, %parallel_loop3A_129 : vector<16xi32>
        %parallel_loop3A_131 = tpu.vector_load_idx %arg5[%parallel_loop3A_130] : memref<2436xf32, #tpu.memory_space<vmem>>[vector<16xi32>], vector<16xf32>,
        %parallel_loop3A_132 = arith.constant 11 : i32
        %parallel_loop3A_133 = arith.index_cast %parallel_loop3A_132 : i32 to index
        %parallel_loop3A_134 = arith.index_cast %parallel_loop3A_34 : i32 to index
        %parallel_loop3A_135 = tpu.vector_load %arg13[%parallel_loop3A_133, %parallel_loop3A_134] {strides = array<i32>} : memref<28x64xf32, #tpu.memory_space<vmem>>, vector<16xf32>,
        tpu.vector_store %arg13[%parallel_loop3A_133, %parallel_loop3A_134], %parallel_loop3A_131 {strides = array<i32>} : memref<28x64xf32, #tpu.memory_space<vmem>>, vector<16xf32>,
        %parallel_loop3A_136 = arith.constant 12 : i32
        %parallel_loop3A_137 = vector.broadcast %parallel_loop3A_136 : i32 to vector<16xi32>
        %parallel_loop3A_138 = arith.addi %parallel_loop3A_39, %parallel_loop3A_137 : vector<16xi32>
        %parallel_loop3A_139 = tpu.vector_load_idx %arg5[%parallel_loop3A_138] : memref<2436xf32, #tpu.memory_space<vmem>>[vector<16xi32>], vector<16xf32>,
        %parallel_loop3A_140 = arith.constant 12 : i32
        %parallel_loop3A_141 = arith.index_cast %parallel_loop3A_140 : i32 to index
        %parallel_loop3A_142 = arith.index_cast %parallel_loop3A_34 : i32 to index
        %parallel_loop3A_143 = tpu.vector_load %arg13[%parallel_loop3A_141, %parallel_loop3A_142] {strides = array<i32>} : memref<28x64xf32, #tpu.memory_space<vmem>>, vector<16xf32>,
        tpu.vector_store %arg13[%parallel_loop3A_141, %parallel_loop3A_142], %parallel_loop3A_139 {strides = array<i32>} : memref<28x64xf32, #tpu.memory_space<vmem>>, vector<16xf32>,
        %parallel_loop3A_144 = arith.constant 13 : i32
        %parallel_loop3A_145 = vector.broadcast %parallel_loop3A_144 : i32 to vector<16xi32>
        %parallel_loop3A_146 = arith.addi %parallel_loop3A_39, %parallel_loop3A_145 : vector<16xi32>
        %parallel_loop3A_147 = tpu.vector_load_idx %arg5[%parallel_loop3A_146] : memref<2436xf32, #tpu.memory_space<vmem>>[vector<16xi32>], vector<16xf32>,
        %parallel_loop3A_148 = arith.constant 13 : i32
        %parallel_loop3A_149 = arith.index_cast %parallel_loop3A_148 : i32 to index
        %parallel_loop3A_150 = arith.index_cast %parallel_loop3A_34 : i32 to index
        %parallel_loop3A_151 = tpu.vector_load %arg13[%parallel_loop3A_149, %parallel_loop3A_150] {strides = array<i32>} : memref<28x64xf32, #tpu.memory_space<vmem>>, vector<16xf32>,
        tpu.vector_store %arg13[%parallel_loop3A_149, %parallel_loop3A_150], %parallel_loop3A_147 {strides = array<i32>} : memref<28x64xf32, #tpu.memory_space<vmem>>, vector<16xf32>,
        %parallel_loop3A_152 = arith.constant 14 : i32
        %parallel_loop3A_153 = vector.broadcast %parallel_loop3A_152 : i32 to vector<16xi32>
        %parallel_loop3A_154 = arith.addi %parallel_loop3A_39, %parallel_loop3A_153 : vector<16xi32>
        %parallel_loop3A_155 = tpu.vector_load_idx %arg5[%parallel_loop3A_154] : memref<2436xf32, #tpu.memory_space<vmem>>[vector<16xi32>], vector<16xf32>,
        %parallel_loop3A_156 = arith.constant 14 : i32
        %parallel_loop3A_157 = arith.index_cast %parallel_loop3A_156 : i32 to index
        %parallel_loop3A_158 = arith.index_cast %parallel_loop3A_34 : i32 to index
        %parallel_loop3A_159 = tpu.vector_load %arg13[%parallel_loop3A_157, %parallel_loop3A_158] {strides = array<i32>} : memref<28x64xf32, #tpu.memory_space<vmem>>, vector<16xf32>,
        tpu.vector_store %arg13[%parallel_loop3A_157, %parallel_loop3A_158], %parallel_loop3A_155 {strides = array<i32>} : memref<28x64xf32, #tpu.memory_space<vmem>>, vector<16xf32>,
        %parallel_loop3A_160 = arith.constant 15 : i32
        %parallel_loop3A_161 = vector.broadcast %parallel_loop3A_160 : i32 to vector<16xi32>
        %parallel_loop3A_162 = arith.addi %parallel_loop3A_39, %parallel_loop3A_161 : vector<16xi32>
        %parallel_loop3A_163 = tpu.vector_load_idx %arg5[%parallel_loop3A_162] : memref<2436xf32, #tpu.memory_space<vmem>>[vector<16xi32>], vector<16xf32>,
        %parallel_loop3A_164 = arith.constant 15 : i32
        %parallel_loop3A_165 = arith.index_cast %parallel_loop3A_164 : i32 to index
        %parallel_loop3A_166 = arith.index_cast %parallel_loop3A_34 : i32 to index
        %parallel_loop3A_167 = tpu.vector_load %arg13[%parallel_loop3A_165, %parallel_loop3A_166] {strides = array<i32>} : memref<28x64xf32, #tpu.memory_space<vmem>>, vector<16xf32>,
        tpu.vector_store %arg13[%parallel_loop3A_165, %parallel_loop3A_166], %parallel_loop3A_163 {strides = array<i32>} : memref<28x64xf32, #tpu.memory_space<vmem>>, vector<16xf32>,
        %parallel_loop3A_168 = arith.constant 16 : i32
        %parallel_loop3A_169 = vector.broadcast %parallel_loop3A_168 : i32 to vector<16xi32>
        %parallel_loop3A_170 = arith.addi %parallel_loop3A_39, %parallel_loop3A_169 : vector<16xi32>
        %parallel_loop3A_171 = tpu.vector_load_idx %arg5[%parallel_loop3A_170] : memref<2436xf32, #tpu.memory_space<vmem>>[vector<16xi32>], vector<16xf32>,
        %parallel_loop3A_172 = arith.constant 16 : i32
        %parallel_loop3A_173 = arith.index_cast %parallel_loop3A_172 : i32 to index
        %parallel_loop3A_174 = arith.index_cast %parallel_loop3A_34 : i32 to index
        %parallel_loop3A_175 = tpu.vector_load %arg13[%parallel_loop3A_173, %parallel_loop3A_174] {strides = array<i32>} : memref<28x64xf32, #tpu.memory_space<vmem>>, vector<16xf32>,
        tpu.vector_store %arg13[%parallel_loop3A_173, %parallel_loop3A_174], %parallel_loop3A_171 {strides = array<i32>} : memref<28x64xf32, #tpu.memory_space<vmem>>, vector<16xf32>,
        %parallel_loop3A_176 = arith.constant 17 : i32
        %parallel_loop3A_177 = vector.broadcast %parallel_loop3A_176 : i32 to vector<16xi32>
        %parallel_loop3A_178 = arith.addi %parallel_loop3A_39, %parallel_loop3A_177 : vector<16xi32>
        %parallel_loop3A_179 = tpu.vector_load_idx %arg5[%parallel_loop3A_178] : memref<2436xf32, #tpu.memory_space<vmem>>[vector<16xi32>], vector<16xf32>,
        %parallel_loop3A_180 = arith.constant 17 : i32
        %parallel_loop3A_181 = arith.index_cast %parallel_loop3A_180 : i32 to index
        %parallel_loop3A_182 = arith.index_cast %parallel_loop3A_34 : i32 to index
        %parallel_loop3A_183 = tpu.vector_load %arg13[%parallel_loop3A_181, %parallel_loop3A_182] {strides = array<i32>} : memref<28x64xf32, #tpu.memory_space<vmem>>, vector<16xf32>,
        tpu.vector_store %arg13[%parallel_loop3A_181, %parallel_loop3A_182], %parallel_loop3A_179 {strides = array<i32>} : memref<28x64xf32, #tpu.memory_space<vmem>>, vector<16xf32>,
        %parallel_loop3A_184 = arith.constant 18 : i32
        %parallel_loop3A_185 = vector.broadcast %parallel_loop3A_184 : i32 to vector<16xi32>
        %parallel_loop3A_186 = arith.addi %parallel_loop3A_39, %parallel_loop3A_185 : vector<16xi32>
        %parallel_loop3A_187 = tpu.vector_load_idx %arg5[%parallel_loop3A_186] : memref<2436xf32, #tpu.memory_space<vmem>>[vector<16xi32>], vector<16xf32>,
        %parallel_loop3A_188 = arith.constant 18 : i32
        %parallel_loop3A_189 = arith.index_cast %parallel_loop3A_188 : i32 to index
        %parallel_loop3A_190 = arith.index_cast %parallel_loop3A_34 : i32 to index
        %parallel_loop3A_191 = tpu.vector_load %arg13[%parallel_loop3A_189, %parallel_loop3A_190] {strides = array<i32>} : memref<28x64xf32, #tpu.memory_space<vmem>>, vector<16xf32>,
        tpu.vector_store %arg13[%parallel_loop3A_189, %parallel_loop3A_190], %parallel_loop3A_187 {strides = array<i32>} : memref<28x64xf32, #tpu.memory_space<vmem>>, vector<16xf32>,
        %parallel_loop3A_192 = arith.constant 19 : i32
        %parallel_loop3A_193 = vector.broadcast %parallel_loop3A_192 : i32 to vector<16xi32>
        %parallel_loop3A_194 = arith.addi %parallel_loop3A_39, %parallel_loop3A_193 : vector<16xi32>
        %parallel_loop3A_195 = tpu.vector_load_idx %arg5[%parallel_loop3A_194] : memref<2436xf32, #tpu.memory_space<vmem>>[vector<16xi32>], vector<16xf32>,
        %parallel_loop3A_196 = arith.constant 19 : i32
        %parallel_loop3A_197 = arith.index_cast %parallel_loop3A_196 : i32 to index
        %parallel_loop3A_198 = arith.index_cast %parallel_loop3A_34 : i32 to index
        %parallel_loop3A_199 = tpu.vector_load %arg13[%parallel_loop3A_197, %parallel_loop3A_198] {strides = array<i32>} : memref<28x64xf32, #tpu.memory_space<vmem>>, vector<16xf32>,
        tpu.vector_store %arg13[%parallel_loop3A_197, %parallel_loop3A_198], %parallel_loop3A_195 {strides = array<i32>} : memref<28x64xf32, #tpu.memory_space<vmem>>, vector<16xf32>,
        %parallel_loop3A_200 = arith.constant 20 : i32
        %parallel_loop3A_201 = vector.broadcast %parallel_loop3A_200 : i32 to vector<16xi32>
        %parallel_loop3A_202 = arith.addi %parallel_loop3A_39, %parallel_loop3A_201 : vector<16xi32>
        %parallel_loop3A_203 = tpu.vector_load_idx %arg5[%parallel_loop3A_202] : memref<2436xf32, #tpu.memory_space<vmem>>[vector<16xi32>], vector<16xf32>,
        %parallel_loop3A_204 = arith.constant 20 : i32
        %parallel_loop3A_205 = arith.index_cast %parallel_loop3A_204 : i32 to index
        %parallel_loop3A_206 = arith.index_cast %parallel_loop3A_34 : i32 to index
        %parallel_loop3A_207 = tpu.vector_load %arg13[%parallel_loop3A_205, %parallel_loop3A_206] {strides = array<i32>} : memref<28x64xf32, #tpu.memory_space<vmem>>, vector<16xf32>,
        tpu.vector_store %arg13[%parallel_loop3A_205, %parallel_loop3A_206], %parallel_loop3A_203 {strides = array<i32>} : memref<28x64xf32, #tpu.memory_space<vmem>>, vector<16xf32>,
        %parallel_loop3A_208 = arith.constant 21 : i32
        %parallel_loop3A_209 = vector.broadcast %parallel_loop3A_208 : i32 to vector<16xi32>
        %parallel_loop3A_210 = arith.addi %parallel_loop3A_39, %parallel_loop3A_209 : vector<16xi32>
        %parallel_loop3A_211 = tpu.vector_load_idx %arg5[%parallel_loop3A_210] : memref<2436xf32, #tpu.memory_space<vmem>>[vector<16xi32>], vector<16xf32>,
        %parallel_loop3A_212 = arith.constant 21 : i32
        %parallel_loop3A_213 = arith.index_cast %parallel_loop3A_212 : i32 to index
        %parallel_loop3A_214 = arith.index_cast %parallel_loop3A_34 : i32 to index
        %parallel_loop3A_215 = tpu.vector_load %arg13[%parallel_loop3A_213, %parallel_loop3A_214] {strides = array<i32>} : memref<28x64xf32, #tpu.memory_space<vmem>>, vector<16xf32>,
        tpu.vector_store %arg13[%parallel_loop3A_213, %parallel_loop3A_214], %parallel_loop3A_211 {strides = array<i32>} : memref<28x64xf32, #tpu.memory_space<vmem>>, vector<16xf32>,
        %parallel_loop3A_216 = arith.constant 22 : i32
        %parallel_loop3A_217 = vector.broadcast %parallel_loop3A_216 : i32 to vector<16xi32>
        %parallel_loop3A_218 = arith.addi %parallel_loop3A_39, %parallel_loop3A_217 : vector<16xi32>
        %parallel_loop3A_219 = tpu.vector_load_idx %arg5[%parallel_loop3A_218] : memref<2436xf32, #tpu.memory_space<vmem>>[vector<16xi32>], vector<16xf32>,
        %parallel_loop3A_220 = arith.constant 22 : i32
        %parallel_loop3A_221 = arith.index_cast %parallel_loop3A_220 : i32 to index
        %parallel_loop3A_222 = arith.index_cast %parallel_loop3A_34 : i32 to index
        %parallel_loop3A_223 = tpu.vector_load %arg13[%parallel_loop3A_221, %parallel_loop3A_222] {strides = array<i32>} : memref<28x64xf32, #tpu.memory_space<vmem>>, vector<16xf32>,
        tpu.vector_store %arg13[%parallel_loop3A_221, %parallel_loop3A_222], %parallel_loop3A_219 {strides = array<i32>} : memref<28x64xf32, #tpu.memory_space<vmem>>, vector<16xf32>,
        %parallel_loop3A_224 = arith.constant 23 : i32
        %parallel_loop3A_225 = vector.broadcast %parallel_loop3A_224 : i32 to vector<16xi32>
        %parallel_loop3A_226 = arith.addi %parallel_loop3A_39, %parallel_loop3A_225 : vector<16xi32>
        %parallel_loop3A_227 = tpu.vector_load_idx %arg5[%parallel_loop3A_226] : memref<2436xf32, #tpu.memory_space<vmem>>[vector<16xi32>], vector<16xf32>,
        %parallel_loop3A_228 = arith.constant 23 : i32
        %parallel_loop3A_229 = arith.index_cast %parallel_loop3A_228 : i32 to index
        %parallel_loop3A_230 = arith.index_cast %parallel_loop3A_34 : i32 to index
        %parallel_loop3A_231 = tpu.vector_load %arg13[%parallel_loop3A_229, %parallel_loop3A_230] {strides = array<i32>} : memref<28x64xf32, #tpu.memory_space<vmem>>, vector<16xf32>,
        tpu.vector_store %arg13[%parallel_loop3A_229, %parallel_loop3A_230], %parallel_loop3A_227 {strides = array<i32>} : memref<28x64xf32, #tpu.memory_space<vmem>>, vector<16xf32>,
        %parallel_loop3A_232 = arith.constant 24 : i32
        %parallel_loop3A_233 = vector.broadcast %parallel_loop3A_232 : i32 to vector<16xi32>
        %parallel_loop3A_234 = arith.addi %parallel_loop3A_39, %parallel_loop3A_233 : vector<16xi32>
        %parallel_loop3A_235 = tpu.vector_load_idx %arg5[%parallel_loop3A_234] : memref<2436xf32, #tpu.memory_space<vmem>>[vector<16xi32>], vector<16xf32>,
        %parallel_loop3A_236 = arith.constant 24 : i32
        %parallel_loop3A_237 = arith.index_cast %parallel_loop3A_236 : i32 to index
        %parallel_loop3A_238 = arith.index_cast %parallel_loop3A_34 : i32 to index
        %parallel_loop3A_239 = tpu.vector_load %arg13[%parallel_loop3A_237, %parallel_loop3A_238] {strides = array<i32>} : memref<28x64xf32, #tpu.memory_space<vmem>>, vector<16xf32>,
        tpu.vector_store %arg13[%parallel_loop3A_237, %parallel_loop3A_238], %parallel_loop3A_235 {strides = array<i32>} : memref<28x64xf32, #tpu.memory_space<vmem>>, vector<16xf32>,
        %parallel_loop3A_240 = arith.constant 25 : i32
        %parallel_loop3A_241 = vector.broadcast %parallel_loop3A_240 : i32 to vector<16xi32>
        %parallel_loop3A_242 = arith.addi %parallel_loop3A_39, %parallel_loop3A_241 : vector<16xi32>
        %parallel_loop3A_243 = tpu.vector_load_idx %arg5[%parallel_loop3A_242] : memref<2436xf32, #tpu.memory_space<vmem>>[vector<16xi32>], vector<16xf32>,
        %parallel_loop3A_244 = arith.constant 25 : i32
        %parallel_loop3A_245 = arith.index_cast %parallel_loop3A_244 : i32 to index
        %parallel_loop3A_246 = arith.index_cast %parallel_loop3A_34 : i32 to index
        %parallel_loop3A_247 = tpu.vector_load %arg13[%parallel_loop3A_245, %parallel_loop3A_246] {strides = array<i32>} : memref<28x64xf32, #tpu.memory_space<vmem>>, vector<16xf32>,
        tpu.vector_store %arg13[%parallel_loop3A_245, %parallel_loop3A_246], %parallel_loop3A_243 {strides = array<i32>} : memref<28x64xf32, #tpu.memory_space<vmem>>, vector<16xf32>,
        %parallel_loop3A_248 = arith.constant 26 : i32
        %parallel_loop3A_249 = vector.broadcast %parallel_loop3A_248 : i32 to vector<16xi32>
        %parallel_loop3A_250 = arith.addi %parallel_loop3A_39, %parallel_loop3A_249 : vector<16xi32>
        %parallel_loop3A_251 = tpu.vector_load_idx %arg5[%parallel_loop3A_250] : memref<2436xf32, #tpu.memory_space<vmem>>[vector<16xi32>], vector<16xf32>,
        %parallel_loop3A_252 = arith.constant 26 : i32
        %parallel_loop3A_253 = arith.index_cast %parallel_loop3A_252 : i32 to index
        %parallel_loop3A_254 = arith.index_cast %parallel_loop3A_34 : i32 to index
        %parallel_loop3A_255 = tpu.vector_load %arg13[%parallel_loop3A_253, %parallel_loop3A_254] {strides = array<i32>} : memref<28x64xf32, #tpu.memory_space<vmem>>, vector<16xf32>,
        tpu.vector_store %arg13[%parallel_loop3A_253, %parallel_loop3A_254], %parallel_loop3A_251 {strides = array<i32>} : memref<28x64xf32, #tpu.memory_space<vmem>>, vector<16xf32>,
        %parallel_loop3A_256 = arith.constant 27 : i32
        %parallel_loop3A_257 = vector.broadcast %parallel_loop3A_256 : i32 to vector<16xi32>
        %parallel_loop3A_258 = arith.addi %parallel_loop3A_39, %parallel_loop3A_257 : vector<16xi32>
        %parallel_loop3A_259 = tpu.vector_load_idx %arg5[%parallel_loop3A_258] : memref<2436xf32, #tpu.memory_space<vmem>>[vector<16xi32>], vector<16xf32>,
        %parallel_loop3A_260 = arith.constant 27 : i32
        %parallel_loop3A_261 = arith.index_cast %parallel_loop3A_260 : i32 to index
        %parallel_loop3A_262 = arith.index_cast %parallel_loop3A_34 : i32 to index
        %parallel_loop3A_263 = tpu.vector_load %arg13[%parallel_loop3A_261, %parallel_loop3A_262] {strides = array<i32>} : memref<28x64xf32, #tpu.memory_space<vmem>>, vector<16xf32>,
        tpu.vector_store %arg13[%parallel_loop3A_261, %parallel_loop3A_262], %parallel_loop3A_259 {strides = array<i32>} : memref<28x64xf32, #tpu.memory_space<vmem>>, vector<16xf32>,
      } {sc.loop_unroll_factor = 2 : i64, sc.parallel_access}
      "tpu.region"() ({
        %run_scoped3A = tpu.sem_alloc : memref<!tpu.dma_semaphore, #tpu.memory_space<semaphore_mem>>
        %dma_start3A = arith.constant 0 : i32
        %dma_start3A_34 = arith.constant 999936 : i32
        %dma_start3A_35 = tpu.memref_slice %arg4[%dma_start3A, %dma_start3A_34] : memref<28x1000000xf32, #tpu.memory_space<hbm>> -> memref<28x64xf32, #tpu.memory_space<hbm>>
        %dma_start3A_36 = arith.constant 0 : i32
        %dma_start3A_37 = arith.constant 999936 : i32
        %dma_start3A_38 = tpu.memref_slice %arg4[%dma_start3A_36, %dma_start3A_37] : memref<28x1000000xf32, #tpu.memory_space<hbm>> -> memref<28x64xf32, #tpu.memory_space<hbm>>
        tpu.enqueue_dma source(%arg13 : memref<28x64xf32, #tpu.memory_space<vmem>>) target(%dma_start3A_38 : memref<28x64xf32, #tpu.memory_space<hbm>>) target_semaphore(%run_scoped3A : memref<!tpu.dma_semaphore, #tpu.memory_space<semaphore_mem>>)
        %dma_wait3A_39 = arith.constant 0 : i32
        %dma_wait3A_40 = arith.constant 999936 : i32
        %dma_wait3A_41 = tpu.memref_slice %arg4[%dma_wait3A_39, %dma_wait3A_40] : memref<28x1000000xf32, #tpu.memory_space<hbm>> -> memref<28x64xf32, #tpu.memory_space<hbm>>
        %dma_wait3A_42 = arith.constant 0 : i32
        %dma_wait3A_43 = arith.constant 999936 : i32
        %dma_wait3A_44 = tpu.memref_slice %arg4[%dma_wait3A_42, %dma_wait3A_43] : memref<28x1000000xf32, #tpu.memory_space<hbm>> -> memref<28x64xf32, #tpu.memory_space<hbm>>
        tpu.wait_dma2 semaphore(%run_scoped3A : memref<!tpu.dma_semaphore, #tpu.memory_space<semaphore_mem>>) src(%arg13 : memref<28x64xf32, #tpu.memory_space<vmem>>) dst(%dma_wait3A_44 : memref<28x64xf32, #tpu.memory_space<hbm>>)
        tpu.yield
      }) : () -> ()
    } else {
    }
    return
  }
}

</mosaic_0001>

<sc_bundles>
// kernel: kernel.3.cloned.1.call-start
scs
__scs_entry_jumppad:
0x0: {  	(pc) =	sbr.rel $0x88, $3  }
0x1: {  	(tag) =	ssettag $0x0;
	lr =	simm.s32 $0x1  }
0x2: {  	[smem:$0x3F9F] =	sst lr;
	_ =	strace $0xD0000000  }
0x3: {  	_ = 	snop  }
0x4: {  	_ = 	snop  }
0x5: {  	_ = 	snop  }
0x6: {  	_ = 	snop  }
0x7: {  	_ = 	snop  }
__scs_overlays_trampoline_lowered:
0x8: {  	[smem:$0x3FAE] =	sst s0  }
0x9: {  	[smem:$0x3FAF] =	sst s1  }
0xa: {  	[smem:$0x3FB0] =	sst s2  }
0xb: {  	[smem:$0x3FB1] =	sst s3  }
0xc: {  	[smem:$0x3FB2] =	sst s4  }
0xd: {  	[smem:$0x3FB3] =	sst s5  }
0xe: {  	[smem:$0x3FB4] =	sst s6  }
0xf: {  	[smem:$0x3FB5] =	sst s7  }
0x10: {  	[smem:$0x3FB6] =	sst s8  }
0x11: {  	[smem:$0x3FB7] =	sst s9;
	s0 =	simm.s32 @!p0 $0x0  }
0x12: {  	s1 =	sld [smem:$0x3F9D];
	s0 =	simm.s32 @p0 $0x1  }
0x13: {  	[smem:$0x3FB8] =	sst s0;
	s0 =	simm.s32 @!p1 $0x0  }
0x14: {  	s2 =	sld [smem:$0x3F9C];
	s0 =	simm.s32 @p1 $0x1  }
0x15: {  	[smem:$0x3FB9] =	sst s0;
	s0 =	simm.s32 @!p2 $0x0  }
0x16: {  	s3 =	sld [smem:$0x3FDB];
	s0 =	simm.s32 @p2 $0x1  }
0x17: {  	s4 =	simm.s32 $0x1BF5;
	[smem:$0x3FBB] =	sst s0  }
0x18: {  	s0 =	sld [smem:$0x3F9E];
	_ =	swait.ge [sflag:s4], $0x0  }
0x19: {  	s7 =	sld [smem:$0x3F9F]  }
0x1a: {  	s8 =	sadd.s32 $0xFFFFE003, lr  }
0x1b: {  	s9 =	sadd.s32 $0xFFFFFEF7, lr;
	s5 =	simm.s32 $0xFFFFFFFF;
	p2 =	slt.u32 s8, $0xFFFFF086  }
0x1c: {  	p1 =	slt.u32 s9, $0xF7A;
	s5 =	simm.s32 @!p2 $0x0  }
0x1d: {  	s5 =	simm.s32 @p1 $0x1;
	p0 =	seq.s32 s7, s2  }
0x1e: {  	s7 =	smul.u32 @!p0 $0xF7A, s2;
	p2 =	seq.s32 @!p0 s5, $0x0  }
0x1f: {  	s9 =	smul.u32 $0xF7A, s1;
	s8 =	simm.s32 @!p0 $0x1BF5;
	p2 =	por !p2, p0  }
0x20: {  	[sflag:s8] =	ssyncset.s32 @!p0 $0xFFFFF086;
	s6 =	sadd.s32 @!p0 s3, s7;
	s7 =	simm.s32 @!p0 $0x108  }
0x21: {  	s3 =	sadd.s32 s3, s9;
	s6 =	sadd.s32 @!p0 $0x88, s6;
	s7 =	simm.s32 @p2 $0x1082  }
0x22: {  	[simem:s7], [sflag:s8] =	dma.local @!p0 [hbm:s6], $0xF7A  }
0x23: {  	s9 =	sor.u32 $0xD0000000, s2;
	s6 =	simm.s32 $0x108;
	_ =	swait.ge @!p0 [sflag:s8], $0x0  }
0x24: {  	s3 =	sadd.s32 $0x88, s3;
	s6 =	simm.s32 @!p1 $0x1082;
	[sflag:s4] =	ssyncset.s32 $0xFFFFF086  }
0x25: {  	[simem:s6], [sflag:s4] =	dma.local [hbm:s3], $0xF7A  }
0x26: {  	[smem:$0x3F9F] =	sst s1;
	(tag) =	ssettag s2;
	_ =	strace s9  }
0x27: {  	s1 =	sld [smem:$0x3FAF]  }
0x28: {  	s2 =	sld [smem:$0x3FB0]  }
0x29: {  	s4 =	sld [smem:$0x3FB2]  }
0x2a: {  	p0 =	seq.s32 s5, $0x0;
	s5 =	sld [smem:$0x3FB3]  }
0x2b: {  	s6 =	sld [smem:$0x3FB4]  }
0x2c: {  	s7 =	sld [smem:$0x3FB5]  }
0x2d: {  	s3 =	simm.s32 $0x108;
	s8 =	sld [smem:$0x3FB6]  }
0x2e: {  	s3 =	simm.s32 @!p0 $0x1082;
	s9 =	sld [smem:$0x3FB7]  }
0x2f: {  	lr =	sadd.s32 s0, s3;
	s0 =	sld [smem:$0x3FAE]  }
0x30: {  	s3 =	sld [smem:$0x3FB1]  }
0x31: {  	[smem:$0x3FBA] =	sst s10  }
0x32: {  	s10 =	sld [smem:$0x3FB8];
	_ =	sdelay $0x3  }
0x33: {  	p0 =	seq.s32 s10, $0x1;
	s10 =	sld [smem:$0x3FBA];
	_ =	sdelay $0x3  }
0x34: {  	[smem:$0x3FBA] =	sst s10  }
0x35: {  	s10 =	sld [smem:$0x3FB9];
	_ =	sdelay $0x3  }
0x36: {  	p1 =	seq.s32 s10, $0x1;
	s10 =	sld [smem:$0x3FBA];
	_ =	sdelay $0x3  }
0x37: {  	[smem:$0x3FBA] =	sst s10  }
0x38: {  	s10 =	sld [smem:$0x3FBB]  }
0x39: {  	_ = 	snop;
	(pc) =	sbr.ind lr, $3  }
0x3a: {  	_ = 	snop  }
0x3b: {  	_ = 	snop  }
0x3c: {  	p2 =	seq.s32 s10, $0x1;
	s10 =	sld [smem:$0x3FBA]  }
0x3d: {  	_ =	shalt  }
0x3e: {  	_ =	shalt  }
0x3f: {  	_ =	shalt  }
0x40: {  	_ =	shalt  }
0x41: {  	_ =	shalt  }
0x42: {  	_ =	shalt  }
0x43: {  	_ =	shalt  }
0x44: {  	_ =	shalt  }
0x45: {  	_ =	shalt  }
0x46: {  	_ =	shalt  }
0x47: {  	_ =	shalt  }
0x48: {  	_ =	shalt  }
0x49: {  	_ =	shalt  }
0x4a: {  	_ =	shalt  }
0x4b: {  	_ =	shalt  }
0x4c: {  	_ =	shalt  }
0x4d: {  	_ =	shalt  }
0x4e: {  	_ =	shalt  }
0x4f: {  	_ =	shalt  }
0x50: {  	_ =	shalt  }
0x51: {  	_ =	shalt  }
0x52: {  	_ =	shalt  }
0x53: {  	_ =	shalt  }
0x54: {  	_ =	shalt  }
0x55: {  	_ =	shalt  }
0x56: {  	_ =	shalt  }
0x57: {  	_ =	shalt  }
0x58: {  	_ =	shalt  }
0x59: {  	_ =	shalt  }
0x5a: {  	_ =	shalt  }
0x5b: {  	_ =	shalt  }
0x5c: {  	_ =	shalt  }
0x5d: {  	_ =	shalt  }
0x5e: {  	_ =	shalt  }
0x5f: {  	_ =	shalt  }
0x60: {  	_ =	shalt  }
0x61: {  	_ =	shalt  }
0x62: {  	_ =	shalt  }
0x63: {  	_ =	shalt  }
0x64: {  	_ =	shalt  }
0x65: {  	_ =	shalt  }
0x66: {  	_ =	shalt  }
0x67: {  	_ =	shalt  }
0x68: {  	_ =	shalt  }
0x69: {  	_ =	shalt  }
0x6a: {  	_ =	shalt  }
0x6b: {  	_ =	shalt  }
0x6c: {  	_ =	shalt  }
0x6d: {  	_ =	shalt  }
0x6e: {  	_ =	shalt  }
0x6f: {  	_ =	shalt  }
0x70: {  	_ =	shalt  }
0x71: {  	_ =	shalt  }
0x72: {  	_ =	shalt  }
0x73: {  	_ =	shalt  }
0x74: {  	_ =	shalt  }
0x75: {  	_ =	shalt  }
0x76: {  	_ =	shalt  }
0x77: {  	_ =	shalt  }
0x78: {  	_ =	shalt  }
0x79: {  	_ =	shalt  }
0x7a: {  	_ =	shalt  }
0x7b: {  	_ =	shalt  }
0x7c: {  	_ =	shalt  }
0x7d: {  	_ =	shalt  }
0x7e: {  	_ =	shalt  }
0x7f: {  	_ =	shalt  }
0x80: {  	_ =	shalt  }
0x81: {  	_ =	shalt  }
0x82: {  	_ =	shalt  }
0x83: {  	_ =	shalt  }
0x84: {  	_ =	shalt  }
0x85: {  	_ =	shalt  }
0x86: {  	_ =	shalt  }
0x87: {  	_ =	shalt  }
.Lfunc_end0:
.L_simem_size_0:
called_computation_lowered:
.L_overlay_start_0:
0x88: {  	s2 =	sld [smem:$0x3FD9]  }
0x89: {  	s3 =	sld [smem:$0x3FFE];
	_ =	sdelay $0x1  }
0x8a: {  	s1 =	srdreg.scid  }
0x8b: {  	s0 =	sand.u32 $0x1, s1  }
0x8c: {  	s17 =	sshll.u32 s0, $0xA;
	s2 =	sadd.s32 s3, s2  }
0x8d: {  	s2 =	sadd.s32 s2, s17  }
0x8e: {  	[smem:$0x3FC6] =	sst s2  }
0x8f: {  	_ = 	snop  }
0x90: {  	s2 =	sld [smem:$0x3FC9]  }
0x91: {  	s18 =	sld [smem:$0x3FD0];
	(tm) =	ssettm $0x1  }
0x92: {  	s4 =	sld [smem:$0x3FFB];
	_ =	sdelay $0x3  }
0x93: {  	_ =	strace s4  }
0x94: {  	s4 =	sld [smem:$0x3FFC];
	_ =	sdelay $0x3  }
0x95: {  	_ =	strace s4  }
0x96: {  	s4 =	sld [smem:$0x3FFD];
	_ =	sdelay $0x3  }
0x97: {  	_ =	strace s4  }
0x98: {  	_ =	strace $0x8FFFFFFF  }
0x99: {  	s19 =	sld [smem:$0x3FDB];
	_ =	sdelay $0x1  }
0x9a: {  	s5 =	simm.s32 $_scs_section_size  }
0x9b: {  	s6 =	simm.s32 $_size__tile_overlayer_lowered;
	s7 =	simm.s32 $_tile_overlayer_lowered  }
0x9c: {  	s22 =	simm.s32 $0x1BFF;
	s21 =	sshll.u32 s7, $0x1;
	s4 =	sadd.s32 s5, s19  }
0x9d: {  	s8 =	simm.s32 $0x0;
	s20 =	sshll.u32 s6, $0x1;
	s6 =	sadd.s32 s21, s4  }
0x9e: {  	[timem:s8], [sflag:s22] =	dma.local [hbm:s6], s20  }
0x9f: {  	_ =	swait.ge [sflag:s22], s20  }
0xa0: {  	s5 =	ssub.s32 $0x0, s20;
	[sflag:s22] =	ssyncset.done $0x0  }
0xa1: {  	[sflag:s22] =	ssyncadd.s32 s5;
	_ =	sdelay $0x1  }
0xa2: {  	s23 =	simm.s32 $0x1B8B  }
0xa3: {  	_ =	swait.ge [sflag:s23], $0x1  }
0xa4: {  	[sflag:s23] =	ssyncset.done $0x0  }
0xa5: {  	s25 =	simm.s32 $0x1B8E;
	s24 =	sld [smem:$0x3FFE];
	[sflag:s23] =	ssyncadd.s32 $0xFFFFFFFF  }
0xa6: {  	s26 =	simm.s32 $execute0_lowered;
	[smem:$0x3FD2] =	sst s25  }
0xa7: {  	s6 =	sshll.u32 s26, $0x1;
	_ =	strace $0x80000046;
	[dreg:$0x1] =	wrdreg $0xFFFFFFFF  }
0xa8: {  	s28 =	simm.s32 $_size_execute0_lowered;
	s4 =	sadd.s32 s4, s6;
	[dreg:$0x0] =	wrdreg $0x0  }
0xa9: {  	s6 =	sshll.u32 s28, $0x1;
	[dreg:$0x2] =	wrdreg s4  }
0xaa: {  	[dreg:$0x3] =	wrdreg s6  }
0xab: {  	[dreg:$0x4] =	wrdreg $0xC0  }
0xac: {  	_ =	task [dreg:s8], $0x5FFFF  }
0xad: {  	[dreg:$0x1] =	wrdreg $0xFFFFFFFF  }
0xae: {  	[dreg:$0x0] =	wrdreg $0x60  }
0xaf: {  	[dreg:$0x2] =	wrdreg s2  }
0xb0: {  	[dreg:$0x3] =	wrdreg s24  }
0xb1: {  	[dreg:$0x4] =	wrdreg s18  }
0xb2: {  	[dreg:$0x5] =	wrdreg $0x9  }
0xb3: {  	_ =	task.clear_ibuf [dreg:s8], $0x6FFFF;
	_ =	strace $0x90000046  }
0xb4: {  	s29 =	simm.s32 $0x9;
	_ =	strace $0x80000048  }
0xb5: {  	_ =	swait.ge [sflag:s29], $0x1  }
0xb6: {  	[sflag:s29] =	ssyncadd.s32 $0xFFFFFFFF  }
0xb7: {  	_ =	strace $0x90000048  }
0xb8: {  	_ =	sfence  }
0xb9: {  	s30 =	sld [smem:$0x0];
	_ =	sdelay $0x2  }
0xba: {  	s31 =	sshll.u32 s1, $0xD;
	s1 =	sshrl.u32 s1, $0x2  }
0xbb: {  	s3 =	sand.u32 $0x4000, s31;
	s1 =	sadd.s32 s1, s30  }
0xbc: {  	s0 =	sor.u32 s3, s0;
	s1 =	sshll.u32 s1, $0x11  }
0xbd: {  	s0 =	sor.u32 s1, s0  }
0xbe: {  	s0 =	sadd.s32 $0x8F2B, s0  }
0xbf: {  	[sflag:s0] =	ssyncadd.remote.s32 $0x1  }
0xc0: {  	_ =	sfence.sel $0xFFFF  }
0xc1: {  	[dreg:$0x0] =	wrdreg $0xFFFFFFFF;
	(pc) =	sbr.abs _section_cstart, $3  }
0xc2: {  	[dreg:$0x1] =	wrdreg $0xFFFFFFFF  }
0xc3: {  	_ =	task.clear_ibuf [dreg:s8], $0x2FFFF;
	_ =	strace $0x9FFFFFFF  }
0xc4: {  	(tm) =	ssettm $0x7FFFFFFF  }
0xc5: {  	_ =	shalt  }
tec
execute0_lowered:
.L_overlay_start_1:
0x0: {  	(tag) =	ssettag $0x1  }
0x1: {  	s6 =	rddreg [dreg:$0x0]  }
0x2: {  	s0 =	rddreg [dreg:$0x1];
	s1 =	srdreg.scid  }
0x3: {  	s2 =	stileid.u32;
	s7 =	rddreg [dreg:$0x2]  }
0x4: {  	s4 =	simm.s32 $0x0;
	s1 =	sand.u32 $0x1, s1;
	s2 =	sshll.u32 s2, $0x1  }
0x5: {  	[smem:$0x7FF] =	sst s4;
	s0 =	sadd.s32 $0x400, s0;
	s30 =	sadd.s32 $0x1E840, s6  }
0x6: {  	s8 =	sor.u32 s1, s2;
	_ =	strace $0x80000047;
	[dreg:$0x5] =	wrdreg s0  }
0x7: {  	s31 =	sadd.s32 $0xF4200, s7;
	[dreg:$0x8] =	wrdreg s30;
	s2 =	smul.u32 $0x700, s8  }
0x8: {  	s1 =	ssub.s32 $0x2, s1;
	[dreg:$0x9] =	wrdreg s31;
	s5 =	smul.u32 $0xE0, s8  }
.Ltmp0:
0x9: {  	s3 =	sshrl.u32 s1, $0x1;
	[dreg:$0x4] =	wrdreg s8;
	(pc) =	sbr.rel .LBB2_1-.Ltmp0, $4  }
0xa: {  	s26 =	ssub.s32 s1, s3;
	s2 =	sshrl.u32 s2, $0x3;
	s29 =	sadd.s32 s6, s5  }
0xb: {  	s0 =	smax.u32 s26, $0x1;
	s28 =	sadd.s32 s6, s2;
	[dreg:$0x6] =	wrdreg s29  }
0xc: {  	[dreg:$0xa] =	wrdreg s0;
	s1 =	sadd.s32 $0x1C00, s28  }
0xd: {  	p0 =	sne.s32 s8, $0x0;
	[dreg:$0x7] =	wrdreg s1;
	s1 =	simm.s32 $0x0  }
.LBB2_17:
0xe: {  	s0 =	simm.s32 $0x5  }
0xf: {  	_ =	swait.ge [sflag:s0], $0xE000  }
.Ltmp1:
0x10: {  	[sflag:s0] =	ssyncset.done $0x0;
	(pc) =	sbr.rel @!p0 .LBB2_18-.Ltmp1, $4  }
0x11: {  	s31 =	simm.s32 $0x6;
	[sflag:s0] =	ssyncadd.s32 $0xFFFF2000  }
0x12: {  	_ =	swait.ge [sflag:s31], $0xE000  }
0x13: {  	[sflag:s31] =	ssyncset.done $0x0  }
0x14: {  	s1 =	rddreg [dreg:$0xb];
	[sflag:s31] =	ssyncadd.s32 $0xFFFF2000  }
.LBB2_21:
0x15: {  	s1 =	sadd.s32 $0x1, s1;
	s0 =	rddreg [dreg:$0xa]  }
0x16: {  	p1 =	sne.s32 s1, s0  }
.Ltmp2:
0x17: {  	_ = 	snop;
	(pc) =	sbr.rel @!p1 .LBB2_22-.Ltmp2, $1  }
0x18: {  	_ =	sdelay $0x3  }
.LBB2_1:
0x19: {  	[dreg:$0xb] =	wrdreg s1  }
0x1a: {  	s0 =	rddreg [dreg:$0x6];
	s25 =	simm.s32 $0xA00  }
0x1b: {  	[tilespmem:s25], [sflag:$0x1] =	stream.linear.gather [hbm4b:s0+s4], $0x700, $0x38;
	[tilespmem:$0x1F680] =	vst v63  }
0x1c: {  	s26 =	rddreg [dreg:$0x7];
	s28 =	simm.s32 $0x1100  }
0x1d: {  	[tilespmem:s28], [sflag:$0x2] =	stream.linear.gather [hbm4b:s26+s4], $0x700, $0x38;
	[tilespmem:$0x1F680] =	vst v63  }
.Ltmp3:
0x1e: {  	s29 =	rddreg [dreg:$0x5];
	s30 =	simm.s32 $0x7;
	(pc) =	sbr.rel .LBB2_2-.Ltmp3, $4  }
0x1f: {  	[tilespmem:s4], [sflag:$0x7] =	stream.linear.gather [hbm4b:s29+s4], $0xA00, $0x38;
	[tilespmem:$0x1F680] =	vst v63  }
0x20: {  	_ =	swait.ge [sflag:s30], $0xA00  }
0x21: {  	[sflag:s30] =	ssyncset.done $0x0  }
0x22: {  	s31 =	simm.s32 $0x0;
	[sflag:s30] =	ssyncadd.s32 $0xFFFFF600  }
.LBB2_16:
0x23: {  	s31 =	sadd.s32 $0x1, s31  }
0x24: {  	p1 =	sne.s32 s31, $0x5  }
.Ltmp4:
0x25: {  	_ = 	snop;
	(pc) =	sbr.rel @!p1 .LBB2_17-.Ltmp4, $1  }
0x26: {  	_ =	sdelay $0x3  }
.LBB2_2:
0x27: {  	s0 =	sshll.u32 s31, $0x7;
	s1 =	rddreg [dreg:$0x4]  }
0x28: {  	s2 =	sor.u32 s1, s0  }
0x29: {  	s0 =	sor.u32 $0x40, s2  }
0x2a: {  	p2 =	sgt.u32 s0, $0x22D  }
0x2b: {  	s1 =	smul.u32 @!p2 $0xE0, s0  }
0x2c: {  	s3 =	rddreg [dreg:$0x0];
	s25 =	simm.s32 $0x1  }
0x2d: {  	s5 =	simm.s32 @!p2 $0x1800;
	s1 =	sadd.s32 @!p2 s3, s1;
	s3 =	simm.s32 @!p2 $0x0  }
0x2e: {  	[tilespmem:s5], [sflag:$0x3] =	stream.linear.gather @!p2 [hbm4b:s1+s3], $0x700, $0x38;
	[tilespmem:$0x1F680] =	vst v63  }
0x2f: {  	_ =	swait.ge [sflag:s25], $0x700  }
0x30: {  	p3 =	seq.s32 s31, $0x0;
	[sflag:s25] =	ssyncset.done $0x0  }
0x31: {  	s26 =	simm.s32 $0x0;
	s1 =	simm.s32 @!p3 $0x5;
	[sflag:s25] =	ssyncadd.s32 $0xFFFFF900  }
0x32: {  	s7 =	sand.u32 $0x60, s26;
	_ =	swait.ge @!p3 [sflag:s1], $0xE000  }
0x33: {  	s8 =	sor.u32 $0x10, s7;
	s3 =	sand.u32 $0x780, s26;
	[sflag:s1] =	ssyncset.done @!p3 $0x0  }
0x34: {  	s5 =	sor.u32 s8, s3;
	[sflag:s1] =	ssyncadd.s32 @!p3 $0xFFFF2000  }
0x35: {  	v0 =	vld [tilespmem:s5+$0xA00];
	_ =	sdelay $0x4  }
0x36: {  	v7 =	vmul.u32 $0x1C, v0;
	_ =	sdelay $0x1  }
0x37: {  	s6 =	simm.s32 $0xA00  }
0x38: {  	v0 =	vld [tilespmem:s6+$0x0];
	_ =	sdelay $0x2  }
0x39: {  	v1 =	vld.idx.msk [tilespmem:v7+s4+$0x0], $0xffff  }
0x3a: {  	s9 =	simm.s32 $0x0;
	v3 =	vor.u32 $0x1, v7  }
0x3b: {  	s14 =	sand.u32 $0x3C00, s9;
	v2 =	vmul.u32 $0x1C, v0  }
0x3c: {  	s10 =	sadd.s32 $0x2600, s14  }
0x3d: {  	s11 =	sor.u32 s8, s10  }
0x3e: {  	[tilespmem:s11+$0x0] =	vst v1  }
0x3f: {  	v0 =	vld.idx.msk [tilespmem:v3+s4+$0x0], $0xffff  }
0x40: {  	v1 =	vor.u32 $0x2, v7  }
0x41: {  	v3 =	vld.idx.msk [tilespmem:v2+s4+$0x0], $0xffff  }
0x42: {  	v4 =	vor.u32 $0x1, v2;
	_ =	sdelay $0x1  }
0x43: {  	[tilespmem:s11+$0x80] =	vst v0  }
0x44: {  	s3 =	sor.u32 s7, s10;
	v0 =	vld.idx.msk [tilespmem:v1+s4+$0x0], $0xffff  }
0x45: {  	[tilespmem:s3+$0x0] =	vst v3;
	v1 =	vor.u32 $0x3, v7  }
0x46: {  	v3 =	vld.idx.msk [tilespmem:v4+s4+$0x0], $0xffff  }
0x47: {  	v4 =	vor.u32 $0x2, v2;
	_ =	sdelay $0x1  }
0x48: {  	[tilespmem:s11+$0x100] =	vst v0  }
0x49: {  	v0 =	vld.idx.msk [tilespmem:v1+s4+$0x0], $0xffff  }
0x4a: {  	[tilespmem:s3+$0x80] =	vst v3;
	v1 =	vadd.s32 $0x4, v7  }
0x4b: {  	v3 =	vld.idx.msk [tilespmem:v4+s4+$0x0], $0xffff  }
0x4c: {  	v4 =	vor.u32 $0x3, v2;
	_ =	sdelay $0x1  }
0x4d: {  	[tilespmem:s11+$0x180] =	vst v0  }
0x4e: {  	v0 =	vld.idx.msk [tilespmem:v1+s4+$0x0], $0xffff  }
0x4f: {  	[tilespmem:s3+$0x100] =	vst v3;
	v1 =	vadd.s32 $0x5, v7  }
0x50: {  	v3 =	vld.idx.msk [tilespmem:v4+s4+$0x0], $0xffff  }
0x51: {  	v4 =	vadd.s32 $0x4, v2;
	_ =	sdelay $0x1  }
0x52: {  	[tilespmem:s11+$0x200] =	vst v0  }
0x53: {  	v0 =	vld.idx.msk [tilespmem:v1+s4+$0x0], $0xffff  }
0x54: {  	[tilespmem:s3+$0x180] =	vst v3;
	v1 =	vadd.s32 $0x6, v7  }
0x55: {  	v3 =	vld.idx.msk [tilespmem:v4+s4+$0x0], $0xffff  }
0x56: {  	v4 =	vadd.s32 $0x5, v2;
	_ =	sdelay $0x1  }
0x57: {  	s12 =	simm.s32 $0x20;
	[tilespmem:s11+$0x280] =	vst v0  }
0x58: {  	s25 =	sand.u32 $0x60, s12;
	s1 =	sand.u32 $0x3, s9;
	v0 =	vld.idx.msk [tilespmem:v1+s4+$0x0], $0xffff  }
0x59: {  	s26 =	sor.u32 $0x10, s25;
	s5 =	sand.u32 $0x780, s12;
	s1 =	sshll.u32 s1, $0x5;
	[tilespmem:s3+$0x200] =	vst v3;
	v1 =	vadd.s32 $0x7, v7  }
0x5a: {  	s5 =	sor.u32 s26, s5;
	s1 =	sadd.s32 $0x0, s1;
	v3 =	vld.idx.msk [tilespmem:v4+s4+$0x0], $0xffff  }
0x5b: {  	s13 =	sadd.s32 $0x10, s1;
	v4 =	vld [tilespmem:s5+$0xA00]  }
0x5c: {  	s6 =	sor.u32 $0x300, s13;
	v5 =	vadd.s32 $0x6, v2  }
0x5d: {  	[tilespmem:s6+$0x2600] =	vst v0  }
0x5e: {  	v1 =	vld.idx.msk [tilespmem:v1+s4+$0x0], $0xffff  }
0x5f: {  	s15 =	simm.s32 $0xA20;
	v6 =	vadd.s32 $0x8, v7  }
0x60: {  	v8 =	vld [tilespmem:s15+$0x0];
	[tilespmem:s3+$0x280] =	vst v3;
	v0 =	vmul.u32 $0x1C, v4  }
0x61: {  	v3 =	vld.idx.msk [tilespmem:v5+s4+$0x0], $0xffff  }
0x62: {  	s16 =	sor.u32 $0x380, s13;
	v4 =	vadd.s32 $0x7, v2  }
0x63: {  	[tilespmem:s16+$0x2600] =	vst v1  }
0x64: {  	v5 =	vld.idx.msk [tilespmem:v6+s4+$0x0], $0xffff  }
0x65: {  	s17 =	sor.u32 $0x300, s1;
	v1 =	vmul.u32 $0x1C, v8;
	v6 =	vadd.s32 $0x9, v7  }
0x66: {  	[tilespmem:s17+$0x2600] =	vst v3;
	v3 =	vld.idx.msk [tilespmem:v0+s4+$0x0], $0xffff  }
0x67: {  	s19 =	simm.s32 $0x100;
	s18 =	sadd.s32 $0x5E00, s14;
	v8 =	vor.u32 $0x1, v0;
	v4 =	vld.idx.msk [tilespmem:v4+s4+$0x0], $0xffff  }
0x68: {  	s28 =	sand.u32 $0x3C00, s19;
	s20 =	sor.u32 s8, s18;
	v9 =	vadd.s32 $0x8, v2  }
0x69: {  	s21 =	sadd.s32 $0x2600, s28;
	[tilespmem:s20+$0x0] =	vst v5  }
0x6a: {  	s22 =	sor.u32 s26, s21;
	v5 =	vld.idx.msk [tilespmem:v6+s4+$0x0], $0xffff  }
0x6b: {  	s1 =	sor.u32 $0x380, s1;
	[tilespmem:s22+$0x0] =	vst v3;
	v3 =	vadd.s32 $0xA, v7;
	v6 =	vld.idx.msk [tilespmem:v1+s4+$0x0], $0xffff  }
0x6c: {  	[tilespmem:s1+$0x2600] =	vst v4;
	v4 =	vor.u32 $0x1, v1;
	v8 =	vld.idx.msk [tilespmem:v8+s4+$0x0], $0xffff  }
0x6d: {  	s9 =	sadd.s32 $0x5E80, s14;
	v10 =	vor.u32 $0x2, v0;
	v9 =	vld.idx.msk [tilespmem:v9+s4+$0x0], $0xffff  }
0x6e: {  	s10 =	sor.u32 s8, s9;
	v11 =	vadd.s32 $0x9, v2  }
0x6f: {  	s1 =	sor.u32 s25, s21;
	[tilespmem:s10+$0x0] =	vst v5  }
0x70: {  	[tilespmem:s1+$0x0] =	vst v6;
	v3 =	vld.idx.msk [tilespmem:v3+s4+$0x0], $0xffff  }
0x71: {  	s5 =	sor.u32 s7, s18;
	[tilespmem:s22+$0x80] =	vst v8;
	v5 =	vadd.s32 $0xB, v7;
	v4 =	vld.idx.msk [tilespmem:v4+s4+$0x0], $0xffff  }
0x72: {  	[tilespmem:s5+$0x0] =	vst v9;
	v6 =	vor.u32 $0x2, v1;
	v8 =	vld.idx.msk [tilespmem:v10+s4+$0x0], $0xffff  }
0x73: {  	s23 =	sadd.s32 $0x5F00, s14;
	v10 =	vor.u32 $0x3, v0;
	v9 =	vld.idx.msk [tilespmem:v11+s4+$0x0], $0xffff  }
0x74: {  	s24 =	sor.u32 s8, s23;
	v11 =	vadd.s32 $0xA, v2  }
0x75: {  	[tilespmem:s24+$0x0] =	vst v3  }
0x76: {  	[tilespmem:s1+$0x80] =	vst v4;
	v3 =	vld.idx.msk [tilespmem:v5+s4+$0x0], $0xffff  }
0x77: {  	s9 =	sor.u32 s7, s9;
	[tilespmem:s22+$0x100] =	vst v8;
	v4 =	vld.idx.msk [tilespmem:v6+s4+$0x0], $0xffff;
	v5 =	vadd.s32 $0xC, v7  }
0x78: {  	[tilespmem:s9+$0x0] =	vst v9;
	v8 =	vld.idx.msk [tilespmem:v10+s4+$0x0], $0xffff;
	v6 =	vor.u32 $0x3, v1  }
0x79: {  	s10 =	sadd.s32 $0x5F80, s14;
	v10 =	vadd.s32 $0x4, v0;
	v9 =	vld.idx.msk [tilespmem:v11+s4+$0x0], $0xffff  }
0x7a: {  	s11 =	sor.u32 s8, s10;
	v11 =	vadd.s32 $0xB, v2  }
0x7b: {  	[tilespmem:s11+$0x0] =	vst v3  }
0x7c: {  	[tilespmem:s1+$0x100] =	vst v4;
	v3 =	vld.idx.msk [tilespmem:v5+s4+$0x0], $0xffff  }
0x7d: {  	s5 =	sor.u32 s7, s23;
	[tilespmem:s22+$0x180] =	vst v8;
	v4 =	vld.idx.msk [tilespmem:v6+s4+$0x0], $0xffff;
	v5 =	vadd.s32 $0xD, v7  }
0x7e: {  	[tilespmem:s5+$0x0] =	vst v9;
	v8 =	vld.idx.msk [tilespmem:v10+s4+$0x0], $0xffff;
	v6 =	vadd.s32 $0x4, v1  }
0x7f: {  	s12 =	sadd.s32 $0x6000, s14;
	v10 =	vadd.s32 $0x5, v0;
	v9 =	vld.idx.msk [tilespmem:v11+s4+$0x0], $0xffff  }
0x80: {  	s13 =	sor.u32 s8, s12;
	v11 =	vadd.s32 $0xC, v2  }
0x81: {  	[tilespmem:s13+$0x0] =	vst v3  }
0x82: {  	[tilespmem:s1+$0x180] =	vst v4;
	v3 =	vld.idx.msk [tilespmem:v5+s4+$0x0], $0xffff  }
0x83: {  	s6 =	sor.u32 s7, s10;
	[tilespmem:s22+$0x200] =	vst v8;
	v4 =	vld.idx.msk [tilespmem:v6+s4+$0x0], $0xffff;
	v5 =	vadd.s32 $0xE, v7  }
0x84: {  	[tilespmem:s6+$0x0] =	vst v9;
	v8 =	vld.idx.msk [tilespmem:v10+s4+$0x0], $0xffff;
	v6 =	vadd.s32 $0x5, v1  }
0x85: {  	s15 =	sadd.s32 $0x6080, s14;
	v10 =	vadd.s32 $0x6, v0;
	v9 =	vld.idx.msk [tilespmem:v11+s4+$0x0], $0xffff  }
0x86: {  	s16 =	sor.u32 s8, s15;
	v11 =	vadd.s32 $0xD, v2  }
0x87: {  	[tilespmem:s16+$0x0] =	vst v3  }
0x88: {  	s18 =	simm.s32 $0x1;
	[tilespmem:s1+$0x200] =	vst v4;
	v3 =	vld.idx.msk [tilespmem:v5+s4+$0x0], $0xffff  }
0x89: {  	s19 =	simm.s32 $0x40;
	s3 =	sand.u32 $0x3, s18;
	s5 =	sor.u32 s7, s12;
	[tilespmem:s22+$0x280] =	vst v8;
	v4 =	vld.idx.msk [tilespmem:v6+s4+$0x0], $0xffff;
	v5 =	vadd.s32 $0xF, v7  }
0x8a: {  	s29 =	sand.u32 $0x60, s19;
	s3 =	sshll.u32 s3, $0x5;
	s17 =	simm.s32 $0xA40;
	[tilespmem:s5+$0x0] =	vst v9;
	v8 =	vld.idx.msk [tilespmem:v10+s4+$0x0], $0xffff;
	v6 =	vadd.s32 $0x6, v1  }
0x8b: {  	s20 =	sand.u32 $0x780, s19;
	s9 =	sor.u32 $0x10, s29;
	s11 =	sadd.s32 $0x6100, s14;
	v10 =	vadd.s32 $0x7, v0;
	v9 =	vld.idx.msk [tilespmem:v11+s4+$0x0], $0xffff  }
0x8c: {  	v12 =	vadd.s32 $0xE, v2;
	s3 =	sadd.s32 $0x100, s3;
	s21 =	sor.u32 s8, s11;
	s5 =	sor.u32 s9, s20;
	v11 =	vld [tilespmem:s17+$0x0]  }
0x8d: {  	s22 =	sadd.s32 $0x10, s3;
	v13 =	vld [tilespmem:s5+$0xA00];
	[tilespmem:s21+$0x0] =	vst v3  }
0x8e: {  	s23 =	sor.u32 $0x300, s22;
	[tilespmem:s1+$0x280] =	vst v4;
	v5 =	vld.idx.msk [tilespmem:v5+s4+$0x0], $0xffff  }
0x8f: {  	s6 =	sor.u32 s7, s15;
	[tilespmem:s23+$0x2600] =	vst v8;
	v8 =	vadd.s32 $0x10, v7;
	v6 =	vld.idx.msk [tilespmem:v6+s4+$0x0], $0xffff  }
0x90: {  	[tilespmem:s6+$0x0] =	vst v9;
	v9 =	vadd.s32 $0x7, v1;
	v10 =	vld.idx.msk [tilespmem:v10+s4+$0x0], $0xffff  }
0x91: {  	v14 =	vadd.s32 $0x8, v0;
	s24 =	sadd.s32 $0x6180, s14;
	v12 =	vld.idx.msk [tilespmem:v12+s4+$0x0], $0xffff  }
0x92: {  	v15 =	vadd.s32 $0xF, v2;
	s10 =	sor.u32 s8, s24;
	v4 =	vmul.u32 $0x1C, v13  }
0x93: {  	s12 =	sor.u32 $0x300, s3;
	v3 =	vmul.u32 $0x1C, v11;
	[tilespmem:s10+$0x0] =	vst v5  }
0x94: {  	s5 =	sor.u32 $0x380, s22;
	[tilespmem:s12+$0x2600] =	vst v6;
	v5 =	vld.idx.msk [tilespmem:v8+s4+$0x0], $0xffff  }
0x95: {  	s13 =	sor.u32 s7, s11;
	[tilespmem:s5+$0x2600] =	vst v10;
	v6 =	vld.idx.msk [tilespmem:v9+s4+$0x0], $0xffff;
	v8 =	vadd.s32 $0x11, v7  }
0x96: {  	[tilespmem:s13+$0x0] =	vst v12;
	v10 =	vld.idx.msk [tilespmem:v14+s4+$0x0], $0xffff;
	v9 =	vadd.s32 $0x8, v1  }
0x97: {  	s15 =	sadd.s32 $0x9600, s14;
	v12 =	vadd.s32 $0x9, v0;
	v11 =	vld.idx.msk [tilespmem:v15+s4+$0x0], $0xffff  }
0x98: {  	s16 =	sor.u32 s8, s15;
	v13 =	vadd.s32 $0x10, v2;
	v14 =	vld.idx.msk [tilespmem:v4+s4+$0x0], $0xffff  }
0x99: {  	s18 =	simm.s32 $0x200;
	s3 =	sor.u32 $0x380, s3;
	s17 =	sadd.s32 $0x5E00, s28;
	v16 =	vor.u32 $0x1, v4;
	v15 =	vld.idx.msk [tilespmem:v3+s4+$0x0], $0xffff;
	[tilespmem:s16+$0x0] =	vst v5  }
0x9a: {  	s19 =	sor.u32 s26, s17;
	s12 =	sand.u32 $0x3C00, s18;
	[tilespmem:s3+$0x2600] =	vst v6;
	v6 =	vor.u32 $0x1, v3;
	v5 =	vld.idx.msk [tilespmem:v8+s4+$0x0], $0xffff  }
0x9b: {  	s1 =	sor.u32 s7, s24;
	s20 =	sadd.s32 $0x2600, s12;
	[tilespmem:s19+$0x0] =	vst v10;
	v8 =	vld.idx.msk [tilespmem:v9+s4+$0x0], $0xffff;
	v9 =	vadd.s32 $0x12, v7  }
0x9c: {  	[tilespmem:s1+$0x0] =	vst v11;
	s3 =	sor.u32 s9, s20;
	v10 =	vld.idx.msk [tilespmem:v12+s4+$0x0], $0xffff;
	v11 =	vadd.s32 $0x9, v1  }
0x9d: {  	s21 =	sadd.s32 $0x9680, s14;
	s1 =	sor.u32 s29, s20;
	v12 =	vld.idx.msk [tilespmem:v13+s4+$0x0], $0xffff;
	[tilespmem:s3+$0x0] =	vst v14;
	v13 =	vadd.s32 $0xA, v0  }
0x9e: {  	s22 =	sor.u32 s8, s21;
	[tilespmem:s1+$0x0] =	vst v15;
	v15 =	vadd.s32 $0x11, v2;
	v14 =	vld.idx.msk [tilespmem:v16+s4+$0x0], $0xffff  }
0x9f: {  	s10 =	sor.u32 s25, s17;
	s13 =	sadd.s32 $0x5E80, s28;
	v16 =	vor.u32 $0x2, v4;
	v6 =	vld.idx.msk [tilespmem:v6+s4+$0x0], $0xffff;
	[tilespmem:s22+$0x0] =	vst v5  }
0xa0: {  	s23 =	sor.u32 s26, s13;
	[tilespmem:s10+$0x0] =	vst v8;
	v5 =	vld.idx.msk [tilespmem:v9+s4+$0x0], $0xffff  }
0xa1: {  	s5 =	sor.u32 s7, s15;
	[tilespmem:s23+$0x0] =	vst v10;
	v8 =	vor.u32 $0x2, v3;
	v9 =	vld.idx.msk [tilespmem:v11+s4+$0x0], $0xffff  }
0xa2: {  	v10 =	vadd.s32 $0x13, v7;
	[tilespmem:s5+$0x0] =	vst v12;
	v11 =	vld.idx.msk [tilespmem:v13+s4+$0x0], $0xffff  }
0xa3: {  	s24 =	sadd.s32 $0x9700, s14;
	v12 =	vadd.s32 $0xA, v1;
	[tilespmem:s3+$0x80] =	vst v14;
	v13 =	vld.idx.msk [tilespmem:v15+s4+$0x0], $0xffff  }
0xa4: {  	s11 =	sor.u32 s8, s24;
	v14 =	vadd.s32 $0xB, v0;
	v15 =	vld.idx.msk [tilespmem:v16+s4+$0x0], $0xffff;
	[tilespmem:s1+$0x80] =	vst v6  }
0xa5: {  	s15 =	sor.u32 s25, s13;
	s16 =	sadd.s32 $0x5F00, s28;
	v16 =	vor.u32 $0x3, v4;
	[tilespmem:s11+$0x0] =	vst v5  }
0xa6: {  	s17 =	sor.u32 s26, s16;
	v6 =	vadd.s32 $0x12, v2;
	v8 =	vld.idx.msk [tilespmem:v8+s4+$0x0], $0xffff;
	[tilespmem:s15+$0x0] =	vst v9  }
0xa7: {  	s6 =	sor.u32 s7, s21;
	v9 =	vor.u32 $0x3, v3;
	[tilespmem:s17+$0x0] =	vst v11;
	v5 =	vld.idx.msk [tilespmem:v10+s4+$0x0], $0xffff  }
0xa8: {  	[tilespmem:s6+$0x0] =	vst v13;
	v10 =	vld.idx.msk [tilespmem:v12+s4+$0x0], $0xffff;
	v12 =	vadd.s32 $0x14, v7  }
0xa9: {  	v13 =	vadd.s32 $0xB, v1;
	v11 =	vld.idx.msk [tilespmem:v14+s4+$0x0], $0xffff;
	[tilespmem:s3+$0x100] =	vst v15  }
0xaa: {  	s19 =	sadd.s32 $0x9780, s14;
	v15 =	vadd.s32 $0xC, v0;
	v14 =	vld.idx.msk [tilespmem:v16+s4+$0x0], $0xffff  }
0xab: {  	v17 =	vadd.s32 $0x4, v4;
	s20 =	sor.u32 s8, s19;
	v6 =	vld.idx.msk [tilespmem:v6+s4+$0x0], $0xffff;
	[tilespmem:s1+$0x100] =	vst v8  }
0xac: {  	s21 =	sor.u32 s25, s16;
	s22 =	sadd.s32 $0x5F80, s28;
	v8 =	vadd.s32 $0x13, v2;
	v9 =	vld.idx.msk [tilespmem:v9+s4+$0x0], $0xffff;
	[tilespmem:s20+$0x0] =	vst v5  }
0xad: {  	s23 =	sor.u32 s26, s22;
	[tilespmem:s21+$0x0] =	vst v10;
	v5 =	vld.idx.msk [tilespmem:v12+s4+$0x0], $0xffff  }
0xae: {  	v10 =	vadd.s32 $0x4, v3;
	[tilespmem:s23+$0x0] =	vst v11;
	v12 =	vld.idx.msk [tilespmem:v13+s4+$0x0], $0xffff  }
0xaf: {  	s5 =	sor.u32 s7, s24;
	v11 =	vadd.s32 $0x15, v7;
	v13 =	vld.idx.msk [tilespmem:v15+s4+$0x0], $0xffff;
	[tilespmem:s3+$0x180] =	vst v14  }
0xb0: {  	s24 =	sadd.s32 $0x9800, s14;
	[tilespmem:s5+$0x0] =	vst v6;
	v6 =	vadd.s32 $0xC, v1;
	v15 =	vld.idx.msk [tilespmem:v17+s4+$0x0], $0xffff  }
0xb1: {  	s18 =	simm.s32 $0xA60;
	s11 =	sor.u32 s8, s24;
	v14 =	vadd.s32 $0xD, v0;
	v8 =	vld.idx.msk [tilespmem:v8+s4+$0x0], $0xffff;
	[tilespmem:s1+$0x180] =	vst v9  }
0xb2: {  	s13 =	sor.u32 s25, s22;
	s15 =	sadd.s32 $0x6000, s28;
	v16 =	vld [tilespmem:s18+$0x0];
	v17 =	vadd.s32 $0x5, v4;
	[tilespmem:s11+$0x0] =	vst v5  }
0xb3: {  	s16 =	sor.u32 s26, s15;
	v9 =	vadd.s32 $0x14, v2;
	v10 =	vld.idx.msk [tilespmem:v10+s4+$0x0], $0xffff;
	[tilespmem:s13+$0x0] =	vst v12  }
0xb4: {  	[tilespmem:s16+$0x0] =	vst v13;
	v5 =	vld.idx.msk [tilespmem:v11+s4+$0x0], $0xffff;
	v11 =	vadd.s32 $0x5, v3  }
0xb5: {  	s10 =	sor.u32 s7, s19;
	v12 =	vadd.s32 $0x16, v7;
	v6 =	vld.idx.msk [tilespmem:v6+s4+$0x0], $0xffff;
	[tilespmem:s3+$0x200] =	vst v15  }
0xb6: {  	v13 =	vld.idx.msk [tilespmem:v14+s4+$0x0], $0xffff;
	[tilespmem:s10+$0x0] =	vst v8;
	v8 =	vadd.s32 $0xD, v1  }
0xb7: {  	s6 =	sadd.s32 $0x9880, s14;
	v14 =	vadd.s32 $0xE, v0;
	v15 =	vld.idx.msk [tilespmem:v17+s4+$0x0], $0xffff  }
0xb8: {  	s17 =	sor.u32 s8, s6;
	v17 =	vadd.s32 $0x6, v4;
	v9 =	vld.idx.msk [tilespmem:v9+s4+$0x0], $0xffff;
	[tilespmem:s1+$0x200] =	vst v10  }
0xb9: {  	s18 =	sor.u32 s25, s15;
	s16 =	sadd.s32 $0x6080, s28;
	v10 =	vadd.s32 $0x15, v2;
	v11 =	vld.idx.msk [tilespmem:v11+s4+$0x0], $0xffff;
	[tilespmem:s17+$0x0] =	vst v5  }
0xba: {  	s19 =	sor.u32 s26, s16;
	[tilespmem:s18+$0x0] =	vst v6;
	v5 =	vld.idx.msk [tilespmem:v12+s4+$0x0], $0xffff  }
0xbb: {  	s30 =	simm.s32 $0x60;
	[tilespmem:s19+$0x0] =	vst v13;
	v8 =	vld.idx.msk [tilespmem:v8+s4+$0x0], $0xffff  }
0xbc: {  	s5 =	sor.u32 s7, s24;
	s11 =	simm.s32 $0x2;
	s13 =	sand.u32 $0x60, s30;
	v6 =	vadd.s32 $0x6, v3;
	v13 =	vld.idx.msk [tilespmem:v14+s4+$0x0], $0xffff;
	[tilespmem:s3+$0x280] =	vst v15  }
0xbd: {  	s20 =	sand.u32 $0x3, s11;
	s10 =	sor.u32 $0x10, s13;
	v12 =	vadd.s32 $0x17, v7;
	[tilespmem:s5+$0x0] =	vst v9;
	v14 =	vld.idx.msk [tilespmem:v17+s4+$0x0], $0xffff  }
0xbe: {  	s18 =	sand.u32 $0x780, s30;
	s19 =	sadd.s32 $0x6100, s28;
	s5 =	sadd.s32 $0x9900, s14;
	v9 =	vld.idx.msk [tilespmem:v10+s4+$0x0], $0xffff;
	v10 =	vadd.s32 $0xF, v0  }
0xbf: {  	s3 =	sshll.u32 s20, $0x5;
	s22 =	sor.u32 s10, s18;
	v17 =	vadd.s32 $0x7, v4;
	s21 =	sor.u32 s8, s5;
	[tilespmem:s1+$0x280] =	vst v11  }
0xc0: {  	s23 =	sor.u32 s26, s19;
	s3 =	sadd.s32 $0x200, s3;
	v18 =	vld [tilespmem:s22+$0xA00];
	v11 =	vadd.s32 $0xE, v1;
	[tilespmem:s21+$0x0] =	vst v5  }
0xc1: {  	s16 =	sor.u32 s25, s16;
	s24 =	sadd.s32 $0x10, s3;
	v15 =	vld.idx.msk [tilespmem:v6+s4+$0x0], $0xffff;
	v5 =	vadd.s32 $0x16, v2;
	[tilespmem:s23+$0x0] =	vst v13  }
0xc2: {  	v19 =	vadd.s32 $0x7, v3;
	s15 =	sor.u32 $0x300, s24;
	[tilespmem:s16+$0x0] =	vst v8;
	v6 =	vmul.u32 $0x1C, v16;
	v12 =	vld.idx.msk [tilespmem:v12+s4+$0x0], $0xffff  }
0xc3: {  	s6 =	sor.u32 s7, s6;
	[tilespmem:s15+$0x2600] =	vst v14;
	v8 =	vld.idx.msk [tilespmem:v10+s4+$0x0], $0xffff  }
0xc4: {  	v10 =	vadd.s32 $0x18, v7;
	[tilespmem:s6+$0x0] =	vst v9;
	v9 =	vld.idx.msk [tilespmem:v17+s4+$0x0], $0xffff  }
0xc5: {  	s17 =	sor.u32 $0x300, s3;
	v13 =	vadd.s32 $0x10, v0;
	v11 =	vld.idx.msk [tilespmem:v11+s4+$0x0], $0xffff  }
0xc6: {  	s20 =	sadd.s32 $0x9980, s14;
	v14 =	vadd.s32 $0xF, v1;
	[tilespmem:s17+$0x2600] =	vst v15;
	v15 =	vld.idx.msk [tilespmem:v5+s4+$0x0], $0xffff  }
0xc7: {  	s18 =	sor.u32 s8, s20;
	s21 =	sadd.s32 $0x6180, s28;
	v17 =	vadd.s32 $0x8, v4;
	v16 =	vld.idx.msk [tilespmem:v19+s4+$0x0], $0xffff  }
0xc8: {  	s22 =	sor.u32 s26, s21;
	v5 =	vmul.u32 $0x1C, v18;
	[tilespmem:s18+$0x0] =	vst v12;
	v12 =	vadd.s32 $0x17, v2;
	v18 =	vld.idx.msk [tilespmem:v6+s4+$0x0], $0xffff  }
0xc9: {  	s23 =	sor.u32 s25, s19;
	v10 =	vld.idx.msk [tilespmem:v10+s4+$0x0], $0xffff;
	[tilespmem:s22+$0x0] =	vst v8  }
0xca: {  	s1 =	sor.u32 $0x380, s24;
	v8 =	vld.idx.msk [tilespmem:v13+s4+$0x0], $0xffff;
	v13 =	vadd.s32 $0x8, v3;
	[tilespmem:s23+$0x0] =	vst v11  }
0xcb: {  	s5 =	sor.u32 s7, s5;
	[tilespmem:s1+$0x2600] =	vst v9;
	v11 =	vadd.s32 $0x19, v7;
	v9 =	vld.idx.msk [tilespmem:v14+s4+$0x0], $0xffff  }
0xcc: {  	s3 =	sor.u32 $0x380, s3;
	s1 =	sadd.s32 $0xCE00, s14;
	v14 =	vld.idx.msk [tilespmem:v17+s4+$0x0], $0xffff;
	v17 =	vadd.s32 $0x11, v0;
	[tilespmem:s5+$0x0] =	vst v15  }
0xcd: {  	s19 =	sadd.s32 $0x9600, s28;
	s24 =	sor.u32 s8, s1;
	v15 =	vadd.s32 $0x10, v1;
	v12 =	vld.idx.msk [tilespmem:v12+s4+$0x0], $0xffff;
	[tilespmem:s3+$0x2600] =	vst v16  }
0xce: {  	v20 =	vadd.s32 $0x9, v4;
	s6 =	sor.u32 s26, s19;
	v19 =	vld.idx.msk [tilespmem:v5+s4+$0x0], $0xffff;
	[tilespmem:s24+$0x0] =	vst v10  }
0xcf: {  	s16 =	sadd.s32 $0x5E00, s12;
	s15 =	sor.u32 s25, s21;
	s18 =	simm.s32 $0x300;
	v10 =	vadd.s32 $0x18, v2;
	v13 =	vld.idx.msk [tilespmem:v13+s4+$0x0], $0xffff;
	[tilespmem:s6+$0x0] =	vst v8  }
0xd0: {  	s17 =	sor.u32 s9, s16;
	v16 =	vor.u32 $0x1, v5;
	s6 =	sand.u32 $0x3C00, s18;
	v11 =	vld.idx.msk [tilespmem:v11+s4+$0x0], $0xffff;
	[tilespmem:s15+$0x0] =	vst v9  }
0xd1: {  	s20 =	sor.u32 s7, s20;
	v21 =	vor.u32 $0x1, v6;
	s21 =	sadd.s32 $0x2600, s6;
	v9 =	vld.idx.msk [tilespmem:v17+s4+$0x0], $0xffff;
	[tilespmem:s17+$0x0] =	vst v14  }
0xd2: {  	v17 =	vadd.s32 $0x1A, v7;
	s24 =	sor.u32 s10, s21;
	v14 =	vld.idx.msk [tilespmem:v15+s4+$0x0], $0xffff;
	[tilespmem:s20+$0x0] =	vst v12  }
0xd3: {  	s23 =	sor.u32 s13, s21;
	v15 =	vld.idx.msk [tilespmem:v20+s4+$0x0], $0xffff;
	v20 =	vadd.s32 $0x12, v0;
	[tilespmem:s24+$0x0] =	vst v19  }
0xd4: {  	s16 =	sor.u32 s29, s16;
	s3 =	sadd.s32 $0xCE80, s14;
	v12 =	vadd.s32 $0x9, v3;
	[tilespmem:s23+$0x0] =	vst v18;
	v8 =	vld.idx.msk [tilespmem:v10+s4+$0x0], $0xffff  }
0xd5: {  	s22 =	sor.u32 s8, s3;
	s20 =	sadd.s32 $0x9680, s28;
	v10 =	vld.idx.msk [tilespmem:v16+s4+$0x0], $0xffff;
	v16 =	vadd.s32 $0xA, v4;
	[tilespmem:s16+$0x0] =	vst v13  }
0xd6: {  	s21 =	sadd.s32 $0x5E80, s12;
	v19 =	vor.u32 $0x2, v5;
	s15 =	sor.u32 s26, s20;
	v18 =	vld.idx.msk [tilespmem:v21+s4+$0x0], $0xffff;
	[tilespmem:s22+$0x0] =	vst v11  }
0xd7: {  	s16 =	sor.u32 s9, s21;
	v11 =	vadd.s32 $0x11, v1;
	v17 =	vld.idx.msk [tilespmem:v17+s4+$0x0], $0xffff;
	[tilespmem:s15+$0x0] =	vst v9  }
0xd8: {  	s17 =	sor.u32 s25, s19;
	v13 =	vor.u32 $0x2, v6;
	v9 =	vld.idx.msk [tilespmem:v20+s4+$0x0], $0xffff;
	[tilespmem:s16+$0x0] =	vst v15  }
0xd9: {  	v7 =	vadd.s32 $0x1B, v7;
	v12 =	vld.idx.msk [tilespmem:v12+s4+$0x0], $0xffff;
	[tilespmem:s17+$0x0] =	vst v14  }
0xda: {  	v14 =	vadd.s32 $0x13, v0;
	v15 =	vld.idx.msk [tilespmem:v16+s4+$0x0], $0xffff;
	[tilespmem:s24+$0x80] =	vst v10  }
0xdb: {  	s5 =	sadd.s32 $0xCF00, s14;
	v20 =	vadd.s32 $0xA, v3;
	v19 =	vld.idx.msk [tilespmem:v19+s4+$0x0], $0xffff  }
0xdc: {  	v63 =	vadd.s32 $0xB, v4;
	s19 =	sor.u32 s8, s5;
	s22 =	sadd.s32 $0x9700, s28;
	[tilespmem:s23+$0x80] =	vst v18;
	v11 =	vld.idx.msk [tilespmem:v11+s4+$0x0], $0xffff  }
0xdd: {  	s15 =	sor.u32 s26, s22;
	v16 =	vld.idx.msk [tilespmem:v13+s4+$0x0], $0xffff;
	[tilespmem:s19+$0x0] =	vst v17;
	v17 =	vadd.s32 $0x12, v1  }
0xde: {  	v23 =	vor.u32 $0x3, v5;
	s17 =	sor.u32 s29, s21;
	s16 =	sadd.s32 $0x5F00, s12;
	v22 =	vld.idx.msk [tilespmem:v7+s4+$0x0], $0xffff;
	[tilespmem:s15+$0x0] =	vst v9  }
0xdf: {  	s21 =	sor.u32 s9, s16;
	[tilespmem:s17+$0x0] =	vst v12;
	v10 =	vld.idx.msk [tilespmem:v14+s4+$0x0], $0xffff  }
0xe0: {  	s16 =	sor.u32 s29, s16;
	v18 =	vor.u32 $0x3, v6;
	s15 =	sor.u32 s25, s20;
	[tilespmem:s21+$0x0] =	vst v15;
	v13 =	vld.idx.msk [tilespmem:v20+s4+$0x0], $0xffff  }
0xe1: {  	s19 =	sor.u32 s7, s3;
	s3 =	sor.u32 s25, s22;
	s17 =	sadd.s32 $0xCF80, s14;
	v9 =	vadd.s32 $0x14, v0;
	v12 =	vld.idx.msk [tilespmem:v63+s4+$0x0], $0xffff;
	[tilespmem:s15+$0x0] =	vst v11  }
0xe2: {  	s20 =	sor.u32 s7, s5;
	s21 =	sor.u32 s7, s1;
	s22 =	sor.u32 s8, s17;
	v15 =	vadd.s32 $0xB, v3;
	[tilespmem:s24+$0x100] =	vst v19;
	v7 =	vld.idx.msk [tilespmem:v17+s4+$0x0], $0xffff  }
0xe3: {  	s7 =	sor.u32 s7, s17;
	s8 =	simm.s32 $0xA80;
	v14 =	vadd.s32 $0xC, v4;
	s1 =	sadd.s32 $0x9780, s28;
	v17 =	vld.idx.msk [tilespmem:v23+s4+$0x0], $0xffff;
	[tilespmem:s22+$0x0] =	vst v22  }
.LBB2_3:
0xe4: {  	v11 =	vld [tilespmem:s8+$0x0];
	[tilespmem:s23+$0x100] =	vst v16;
	v16 =	vadd.s32 $0x13, v1;
	s17 =	sor.u32 s25, s1;
	s1 =	sor.u32 s26, s1;
	s14 =	smov.u32 s13  }
0xe5: {  	v19 =	vadd.s32 $0x4, v5;
	s5 =	sadd.s32 $0x5F80, s12;
	s22 =	smov.u32 s26;
	s26 =	smov.u32 s9;
	v18 =	vld.idx.msk [tilespmem:v18+s4+$0x0], $0xffff;
	[tilespmem:s1+$0x0] =	vst v10  }
0xe6: {  	s9 =	smov.u32 s10;
	s1 =	sor.u32 s29, s5;
	s5 =	sor.u32 s26, s5;
	v10 =	vadd.s32 $0x19, v2;
	[tilespmem:s16+$0x0] =	vst v13;
	v9 =	vld.idx.msk [tilespmem:v9+s4+$0x0], $0xffff  }
0xe7: {  	v13 =	vadd.s32 $0x4, v6;
	v15 =	vld.idx.msk [tilespmem:v15+s4+$0x0], $0xffff;
	[tilespmem:s5+$0x0] =	vst v12;
	s5 =	smov.u32 s6  }
0xe8: {  	v12 =	vld.idx.msk [tilespmem:v14+s4+$0x0], $0xffff;
	[tilespmem:s3+$0x0] =	vst v7;
	v7 =	vadd.s32 $0x15, v0  }
0xe9: {  	v14 =	vadd.s32 $0xC, v3;
	[tilespmem:s24+$0x180] =	vst v17;
	v16 =	vld.idx.msk [tilespmem:v16+s4+$0x0], $0xffff  }
0xea: {  	s3 =	sadd.s32 $0x9800, s28;
	v17 =	vld.idx.msk [tilespmem:v19+s4+$0x0], $0xffff;
	v19 =	vadd.s32 $0xD, v4;
	[tilespmem:s21+$0x0] =	vst v8  }
0xeb: {  	s6 =	sor.u32 s25, s3;
	s3 =	sor.u32 s22, s3;
	v8 =	vadd.s32 $0x14, v1;
	[tilespmem:s23+$0x180] =	vst v18;
	v10 =	vld.idx.msk [tilespmem:v10+s4+$0x0], $0xffff  }
0xec: {  	s10 =	sadd.s32 $0x6000, s12;
	v18 =	vadd.s32 $0x5, v5;
	v13 =	vld.idx.msk [tilespmem:v13+s4+$0x0], $0xffff;
	[tilespmem:s3+$0x0] =	vst v9  }
0xed: {  	s3 =	sor.u32 s29, s10;
	v9 =	vadd.s32 $0x1A, v2;
	[tilespmem:s1+$0x0] =	vst v15;
	s1 =	sor.u32 s26, s10;
	v7 =	vld.idx.msk [tilespmem:v7+s4+$0x0], $0xffff  }
0xee: {  	v15 =	vadd.s32 $0x5, v6;
	v14 =	vld.idx.msk [tilespmem:v14+s4+$0x0], $0xffff;
	[tilespmem:s1+$0x0] =	vst v12  }
0xef: {  	v12 =	vld.idx.msk [tilespmem:v19+s4+$0x0], $0xffff;
	[tilespmem:s17+$0x0] =	vst v16;
	v16 =	vadd.s32 $0x16, v0  }
0xf0: {  	[tilespmem:s24+$0x200] =	vst v17;
	v17 =	vadd.s32 $0xD, v3;
	v8 =	vld.idx.msk [tilespmem:v8+s4+$0x0], $0xffff  }
0xf1: {  	s10 =	sadd.s32 $0x9880, s28;
	v19 =	vadd.s32 $0xE, v4;
	v18 =	vld.idx.msk [tilespmem:v18+s4+$0x0], $0xffff;
	[tilespmem:s19+$0x0] =	vst v10  }
0xf2: {  	s1 =	sor.u32 s25, s10;
	s10 =	sor.u32 s22, s10;
	v10 =	vadd.s32 $0x15, v1;
	[tilespmem:s23+$0x200] =	vst v13;
	v9 =	vld.idx.msk [tilespmem:v9+s4+$0x0], $0xffff  }
0xf3: {  	s13 =	sadd.s32 $0x6080, s12;
	v13 =	vld.idx.msk [tilespmem:v15+s4+$0x0], $0xffff;
	v15 =	vadd.s32 $0x6, v5;
	[tilespmem:s10+$0x0] =	vst v7  }
0xf4: {  	s10 =	sor.u32 s26, s13;
	[tilespmem:s3+$0x0] =	vst v14;
	s3 =	sor.u32 s29, s13;
	v7 =	vld.idx.msk [tilespmem:v16+s4+$0x0], $0xffff;
	v14 =	vadd.s32 $0x1B, v2;
	v2 =	vmovc v1;
	v1 =	vmov v3;
	v3 =	vmov v6  }
0xf5: {  	v6 =	vadd.s32 $0x6, v3;
	v16 =	vld.idx.msk [tilespmem:v17+s4+$0x0], $0xffff;
	[tilespmem:s10+$0x0] =	vst v12  }
0xf6: {  	v12 =	vld.idx.msk [tilespmem:v19+s4+$0x0], $0xffff;
	[tilespmem:s6+$0x0] =	vst v8;
	v8 =	vadd.s32 $0x17, v0  }
0xf7: {  	s11 =	sadd.s32 $0x1, s11;
	[tilespmem:s24+$0x280] =	vst v18;
	v10 =	vld.idx.msk [tilespmem:v10+s4+$0x0], $0xffff  }
0xf8: {  	s30 =	sadd.s32 $0x20, s30;
	s16 =	sadd.s32 $0x9900, s28;
	v17 =	vadd.s32 $0xF, v4;
	s6 =	sand.u32 $0x3, s11;
	v15 =	vld.idx.msk [tilespmem:v15+s4+$0x0], $0xffff;
	[tilespmem:s20+$0x0] =	vst v9  }
0xf9: {  	s17 =	sand.u32 $0x780, s30;
	s19 =	sor.u32 s22, s16;
	s13 =	sand.u32 $0x60, s30;
	v9 =	vadd.s32 $0xE, v1;
	[tilespmem:s23+$0x280] =	vst v13;
	v13 =	vld.idx.msk [tilespmem:v14+s4+$0x0], $0xffff  }
0xfa: {  	s10 =	sor.u32 $0x10, s13;
	s6 =	sshll.u32 s6, $0x5;
	v18 =	vadd.s32 $0x7, v5;
	s20 =	sadd.s32 $0x6100, s12;
	v14 =	vld.idx.msk [tilespmem:v6+s4+$0x0], $0xffff;
	[tilespmem:s19+$0x0] =	vst v7  }
0xfb: {  	s17 =	sor.u32 s10, s17;
	s6 =	sadd.s32 s6, s18;
	v7 =	vadd.s32 $0x16, v2;
	[tilespmem:s3+$0x0] =	vst v16;
	s3 =	sor.u32 s26, s20;
	v8 =	vld.idx.msk [tilespmem:v8+s4+$0x0], $0xffff  }
0xfc: {  	v19 =	vadd.s32 $0x7, v3;
	s19 =	sor.u32 $0x380, s6;
	v16 =	vld [tilespmem:s17+$0xA00];
	s17 =	sor.u32 $0x300, s6;
	s6 =	sadd.s32 $0x10, s6;
	[tilespmem:s3+$0x0] =	vst v12  }
0xfd: {  	s16 =	sor.u32 s25, s16;
	v6 =	vmul.u32 $0x1C, v11;
	s20 =	sor.u32 s29, s20;
	s3 =	sor.u32 $0x300, s6;
	v11 =	vld.idx.msk [tilespmem:v17+s4+$0x0], $0xffff;
	[tilespmem:s1+$0x0] =	vst v10;
	v10 =	vadd.s32 $0x18, v0  }
0xfe: {  	p1 =	slt.u32 s30, $0x6E0;
	[tilespmem:s3+$0x2600] =	vst v15;
	v9 =	vld.idx.msk [tilespmem:v9+s4+$0x0], $0xffff  }
0xff: {  	v15 =	vadd.s32 $0x10, v4;
	s3 =	sadd.s32 $0x9980, s28;
	v12 =	vld.idx.msk [tilespmem:v18+s4+$0x0], $0xffff;
	[tilespmem:s7+$0x0] =	vst v13  }
0x100: {  	v13 =	vadd.s32 $0xF, v1;
	s1 =	sor.u32 s25, s3;
	s3 =	sor.u32 s22, s3;
	[tilespmem:s17+$0x2600] =	vst v14;
	v7 =	vld.idx.msk [tilespmem:v7+s4+$0x0], $0xffff  }
0x101: {  	v17 =	vadd.s32 $0x8, v5;
	s7 =	sadd.s32 $0x6180, s12;
	v14 =	vld.idx.msk [tilespmem:v19+s4+$0x0], $0xffff;
	[tilespmem:s3+$0x0] =	vst v8  }
0x102: {  	s17 =	sor.u32 s29, s7;
	v16 =	vmul.u32 $0x1C, v16;
	s3 =	sor.u32 s26, s7;
	v8 =	vadd.s32 $0x17, v2;
	v10 =	vld.idx.msk [tilespmem:v10+s4+$0x0], $0xffff  }
0x103: {  	v18 =	vld.idx.msk [tilespmem:v6+s4+$0x0], $0xffff;
	[tilespmem:s3+$0x0] =	vst v11  }
0x104: {  	s3 =	sor.u32 $0x380, s6;
	v11 =	vadd.s32 $0x19, v0;
	[tilespmem:s20+$0x0] =	vst v9;
	v9 =	vld.idx.msk [tilespmem:v15+s4+$0x0], $0xffff  }
0x105: {  	v15 =	vadd.s32 $0x8, v3;
	[tilespmem:s3+$0x2600] =	vst v12;
	v12 =	vld.idx.msk [tilespmem:v13+s4+$0x0], $0xffff  }
0x106: {  	s3 =	sadd.s32 $0xCE00, s28;
	v13 =	vld.idx.msk [tilespmem:v17+s4+$0x0], $0xffff;
	v17 =	vadd.s32 $0x11, v4;
	[tilespmem:s16+$0x0] =	vst v7  }
0x107: {  	v7 =	vadd.s32 $0x10, v1;
	s21 =	sor.u32 s25, s3;
	s3 =	sor.u32 s22, s3;
	[tilespmem:s19+$0x2600] =	vst v14;
	v8 =	vld.idx.msk [tilespmem:v8+s4+$0x0], $0xffff  }
0x108: {  	v19 =	vadd.s32 $0x9, v5;
	s6 =	sadd.s32 $0x9600, s12;
	v14 =	vld.idx.msk [tilespmem:v16+s4+$0x0], $0xffff;
	[tilespmem:s3+$0x0] =	vst v10  }
0x109: {  	s3 =	sor.u32 s29, s6;
	s6 =	sor.u32 s26, s6;
	v10 =	vadd.s32 $0x18, v2;
	v11 =	vld.idx.msk [tilespmem:v11+s4+$0x0], $0xffff  }
0x10a: {  	s18 =	sadd.s32 $0x100, s18;
	s7 =	sadd.s32 $0x5E00, s5;
	v20 =	vor.u32 $0x1, v16;
	v15 =	vld.idx.msk [tilespmem:v15+s4+$0x0], $0xffff;
	[tilespmem:s6+$0x0] =	vst v9  }
0x10b: {  	s16 =	sor.u32 s14, s7;
	s7 =	sor.u32 s9, s7;
	s6 =	sand.u32 $0x3C00, s18;
	[tilespmem:s17+$0x0] =	vst v12;
	v9 =	vld.idx.msk [tilespmem:v17+s4+$0x0], $0xffff;
	v12 =	vadd.s32 $0x1A, v0  }
0x10c: {  	s17 =	sadd.s32 $0x2600, s6;
	v17 =	vor.u32 $0x1, v6;
	[tilespmem:s7+$0x0] =	vst v13;
	v7 =	vld.idx.msk [tilespmem:v7+s4+$0x0], $0xffff  }
0x10d: {  	s23 =	sor.u32 s13, s17;
	s24 =	sor.u32 s10, s17;
	v13 =	vld.idx.msk [tilespmem:v19+s4+$0x0], $0xffff;
	v19 =	vadd.s32 $0x12, v4;
	[tilespmem:s1+$0x0] =	vst v8;
	s1 =	sadd.s32 $0xCE80, s28  }
0x10e: {  	[tilespmem:s24+$0x0] =	vst v14;
	v14 =	vadd.s32 $0x9, v3;
	v8 =	vld.idx.msk [tilespmem:v10+s4+$0x0], $0xffff;
	s19 =	sor.u32 s25, s1;
	s1 =	sor.u32 s22, s1  }
0x10f: {  	s7 =	sadd.s32 $0x9680, s12;
	v10 =	vld.idx.msk [tilespmem:v20+s4+$0x0], $0xffff;
	v20 =	vadd.s32 $0xA, v5;
	[tilespmem:s1+$0x0] =	vst v11  }
0x110: {  	v11 =	vadd.s32 $0x11, v1;
	s1 =	sor.u32 s29, s7;
	s7 =	sor.u32 s26, s7;
	[tilespmem:s23+$0x0] =	vst v18;
	v12 =	vld.idx.msk [tilespmem:v12+s4+$0x0], $0xffff  }
0x111: {  	s17 =	sadd.s32 $0x5E80, s5;
	v18 =	vor.u32 $0x2, v16;
	v17 =	vld.idx.msk [tilespmem:v17+s4+$0x0], $0xffff;
	[tilespmem:s7+$0x0] =	vst v9  }
0x112: {  	s7 =	sor.u32 s14, s17;
	[tilespmem:s16+$0x0] =	vst v15;
	s16 =	sor.u32 s9, s17;
	v9 =	vld.idx.msk [tilespmem:v19+s4+$0x0], $0xffff;
	v15 =	vadd.s32 $0x1B, v0;
	v0 =	vmovc v4;
	v4 =	vmov v5;
	v5 =	vmov v16  }
0x113: {  	v16 =	vor.u32 $0x2, v6;
	v14 =	vld.idx.msk [tilespmem:v14+s4+$0x0], $0xffff;
	[tilespmem:s16+$0x0] =	vst v13  }
0x114: {  	v19 =	vld.idx.msk [tilespmem:v20+s4+$0x0], $0xffff;
	[tilespmem:s3+$0x0] =	vst v7;
	v7 =	vadd.s32 $0x13, v0;
	s3 =	sadd.s32 $0xCF00, s28  }
0x115: {  	v13 =	vadd.s32 $0xA, v3;
	[tilespmem:s24+$0x80] =	vst v10;
	v11 =	vld.idx.msk [tilespmem:v11+s4+$0x0], $0xffff;
	s20 =	sor.u32 s25, s3;
	s3 =	sor.u32 s22, s3  }
0x116: {  	v21 =	vadd.s32 $0xB, v4;
	s16 =	sadd.s32 $0x9700, s12;
	v20 =	vld.idx.msk [tilespmem:v18+s4+$0x0], $0xffff;
	[tilespmem:s3+$0x0] =	vst v12  }
0x117: {  	s3 =	sor.u32 s29, s16;
	s16 =	sor.u32 s26, s16;
	[tilespmem:s23+$0x80] =	vst v17;
	v17 =	vadd.s32 $0x12, v1;
	v22 =	vld.idx.msk [tilespmem:v15+s4+$0x0], $0xffff  }
0x118: {  	s17 =	sadd.s32 $0x5F00, s5;
	v23 =	vor.u32 $0x3, v5;
	v16 =	vld.idx.msk [tilespmem:v16+s4+$0x0], $0xffff;
	[tilespmem:s16+$0x0] =	vst v9  }
.Ltmp5:
0x119: {  	s16 =	sor.u32 s14, s17;
	[tilespmem:s7+$0x0] =	vst v14;
	s7 =	sor.u32 s9, s17;
	v10 =	vld.idx.msk [tilespmem:v7+s4+$0x0], $0xffff;
	(pc) =	sbr.rel @p1 .LBB2_3-.Ltmp5, $4  }
0x11a: {  	v18 =	vor.u32 $0x3, v6;
	v13 =	vld.idx.msk [tilespmem:v13+s4+$0x0], $0xffff;
	[tilespmem:s7+$0x0] =	vst v19  }
0x11b: {  	v9 =	vadd.s32 $0x14, v0;
	v12 =	vld.idx.msk [tilespmem:v21+s4+$0x0], $0xffff;
	[tilespmem:s1+$0x0] =	vst v11;
	s1 =	sadd.s32 $0xCF80, s28;
	s28 =	smov.u32 s12;
	s12 =	smov.u32 s5  }
0x11c: {  	v15 =	vadd.s32 $0xB, v3;
	[tilespmem:s24+$0x100] =	vst v20;
	v7 =	vld.idx.msk [tilespmem:v17+s4+$0x0], $0xffff;
	s7 =	sor.u32 s25, s1;
	s5 =	sor.u32 s22, s1;
	s25 =	smov.u32 s29  }
0x11d: {  	s8 =	sadd.s32 $0x20, s8;
	v14 =	vadd.s32 $0xC, v4;
	s1 =	sadd.s32 $0x9780, s28;
	s29 =	smov.u32 s14;
	v17 =	vld.idx.msk [tilespmem:v23+s4+$0x0], $0xffff;
	[tilespmem:s5+$0x0] =	vst v22  }
0x11e: {  	_ =	sdelay $0x2  }
0x11f: {  	[tilespmem:s23+$0x100] =	vst v16  }
0x120: {  	v11 =	vld.idx.msk [tilespmem:v18+s4+$0x0], $0xffff  }
0x121: {  	v39 =	vadd.s32 $0x4, v6;
	_ =	sdelay $0x3  }
0x122: {  	[tilespmem:s23+$0x180] =	vst v11  }
0x123: {  	v38 =	vadd.s32 $0x4, v5;
	v11 =	vld.idx.msk [tilespmem:v39+s4+$0x0], $0xffff  }
0x124: {  	v41 =	vadd.s32 $0x5, v6;
	_ =	sdelay $0x2  }
0x125: {  	[tilespmem:s24+$0x180] =	vst v17  }
0x126: {  	v16 =	vld.idx.msk [tilespmem:v38+s4+$0x0], $0xffff;
	[tilespmem:s23+$0x200] =	vst v11  }
0x127: {  	v40 =	vadd.s32 $0x5, v5;
	v11 =	vld.idx.msk [tilespmem:v41+s4+$0x0], $0xffff  }
0x128: {  	v43 =	vadd.s32 $0x6, v6;
	_ =	sdelay $0x2  }
0x129: {  	[tilespmem:s24+$0x200] =	vst v16  }
0x12a: {  	v16 =	vld.idx.msk [tilespmem:v40+s4+$0x0], $0xffff;
	[tilespmem:s23+$0x280] =	vst v11  }
0x12b: {  	v42 =	vadd.s32 $0x6, v5;
	s5 =	sadd.s32 $0x1, s11;
	v11 =	vld.idx.msk [tilespmem:v43+s4+$0x0], $0xffff  }
0x12c: {  	v45 =	vadd.s32 $0x7, v6;
	s5 =	sand.u32 $0x3, s5  }
0x12d: {  	s5 =	sshll.u32 s5, $0x5  }
0x12e: {  	s5 =	sadd.s32 s5, s18  }
0x12f: {  	s18 =	sor.u32 $0x300, s5;
	[tilespmem:s24+$0x280] =	vst v16  }
0x130: {  	v16 =	vld.idx.msk [tilespmem:v42+s4+$0x0], $0xffff;
	[tilespmem:s18+$0x2600] =	vst v11  }
0x131: {  	v44 =	vadd.s32 $0x7, v5;
	v47 =	vld.idx.msk [tilespmem:v45+s4+$0x0], $0xffff  }
0x132: {  	v49 =	vadd.s32 $0x8, v6  }
0x133: {  	s8 =	sadd.s32 $0x10, s5  }
0x134: {  	s17 =	sor.u32 $0x300, s8  }
0x135: {  	s5 =	sor.u32 $0x380, s5;
	[tilespmem:s17+$0x2600] =	vst v16  }
0x136: {  	v46 =	vld.idx.msk [tilespmem:v44+s4+$0x0], $0xffff;
	[tilespmem:s5+$0x2600] =	vst v47  }
0x137: {  	v48 =	vadd.s32 $0x8, v5;
	v51 =	vld.idx.msk [tilespmem:v49+s4+$0x0], $0xffff  }
0x138: {  	v52 =	vadd.s32 $0x9, v6;
	_ =	sdelay $0x1  }
0x139: {  	s22 =	sadd.s32 $0x5E00, s6;
	s8 =	sor.u32 $0x380, s8  }
0x13a: {  	[tilespmem:s8+$0x2600] =	vst v46;
	s5 =	sor.u32 s13, s22  }
0x13b: {  	v11 =	vld.idx.msk [tilespmem:v48+s4+$0x0], $0xffff;
	[tilespmem:s5+$0x0] =	vst v51  }
0x13c: {  	v50 =	vadd.s32 $0x9, v5;
	v17 =	vld.idx.msk [tilespmem:v52+s4+$0x0], $0xffff  }
0x13d: {  	v54 =	vadd.s32 $0xA, v6;
	_ =	sdelay $0x1  }
0x13e: {  	s24 =	sadd.s32 $0x5E80, s6;
	s23 =	sor.u32 s10, s22  }
0x13f: {  	[tilespmem:s23+$0x0] =	vst v11;
	s5 =	sor.u32 s13, s24  }
0x140: {  	v11 =	vld.idx.msk [tilespmem:v50+s4+$0x0], $0xffff;
	[tilespmem:s5+$0x0] =	vst v17  }
0x141: {  	v53 =	vadd.s32 $0xA, v5;
	v17 =	vld.idx.msk [tilespmem:v54+s4+$0x0], $0xffff  }
0x142: {  	v56 =	vadd.s32 $0xB, v6;
	_ =	sdelay $0x1  }
0x143: {  	s14 =	sadd.s32 $0x5F00, s6;
	s11 =	sor.u32 s10, s24  }
0x144: {  	[tilespmem:s11+$0x0] =	vst v11;
	s5 =	sor.u32 s13, s14  }
0x145: {  	v11 =	vld.idx.msk [tilespmem:v53+s4+$0x0], $0xffff;
	[tilespmem:s5+$0x0] =	vst v17  }
0x146: {  	v55 =	vadd.s32 $0xB, v5;
	v17 =	vld.idx.msk [tilespmem:v56+s4+$0x0], $0xffff  }
0x147: {  	v60 =	vadd.s32 $0xC, v6  }
0x148: {  	[tilespmem:s16+$0x0] =	vst v13  }
0x149: {  	s15 =	sor.u32 s10, s14;
	v13 =	vld.idx.msk [tilespmem:v15+s4+$0x0], $0xffff;
	s18 =	sadd.s32 $0x5F80, s6  }
0x14a: {  	v57 =	vadd.s32 $0xC, v3;
	s8 =	sor.u32 s13, s18;
	[tilespmem:s15+$0x0] =	vst v11  }
0x14b: {  	s16 =	sadd.s32 $0x5F80, s12;
	v58 =	vld.idx.msk [tilespmem:v55+s4+$0x0], $0xffff;
	[tilespmem:s8+$0x0] =	vst v17  }
0x14c: {  	v59 =	vadd.s32 $0xC, v5;
	s17 =	sor.u32 s9, s16;
	v17 =	vld.idx.msk [tilespmem:v60+s4+$0x0], $0xffff  }
0x14d: {  	v21 =	vadd.s32 $0xD, v6;
	[tilespmem:s17+$0x0] =	vst v12;
	s5 =	sor.u32 s29, s16  }
0x14e: {  	v12 =	vld.idx.msk [tilespmem:v14+s4+$0x0], $0xffff;
	[tilespmem:s5+$0x0] =	vst v13  }
0x14f: {  	v61 =	vadd.s32 $0xD, v4;
	s22 =	sor.u32 s10, s18;
	s11 =	sadd.s32 $0x6000, s6;
	v11 =	vld.idx.msk [tilespmem:v57+s4+$0x0], $0xffff  }
0x150: {  	v62 =	vadd.s32 $0xD, v3;
	[tilespmem:s22+$0x0] =	vst v58;
	s8 =	sor.u32 s13, s11  }
0x151: {  	s23 =	sadd.s32 $0x6000, s12;
	v15 =	vld.idx.msk [tilespmem:v59+s4+$0x0], $0xffff;
	[tilespmem:s8+$0x0] =	vst v17  }
0x152: {  	v63 =	vadd.s32 $0xD, v5;
	s24 =	sor.u32 s9, s23;
	v17 =	vld.idx.msk [tilespmem:v21+s4+$0x0], $0xffff  }
0x153: {  	v26 =	vadd.s32 $0xE, v6;
	[tilespmem:s24+$0x0] =	vst v12;
	s5 =	sor.u32 s29, s23  }
0x154: {  	v12 =	vld.idx.msk [tilespmem:v61+s4+$0x0], $0xffff;
	[tilespmem:s5+$0x0] =	vst v11  }
0x155: {  	v22 =	vadd.s32 $0xE, v4;
	s17 =	sadd.s32 $0x6080, s6;
	s14 =	sor.u32 s10, s11;
	v23 =	vld.idx.msk [tilespmem:v62+s4+$0x0], $0xffff  }
0x156: {  	v24 =	vadd.s32 $0xE, v3;
	[tilespmem:s14+$0x0] =	vst v15;
	s8 =	sor.u32 s13, s17  }
0x157: {  	s15 =	sadd.s32 $0x6080, s12;
	v15 =	vld.idx.msk [tilespmem:v63+s4+$0x0], $0xffff;
	[tilespmem:s8+$0x0] =	vst v17  }
0x158: {  	v25 =	vadd.s32 $0xE, v5;
	s16 =	sor.u32 s9, s15;
	v17 =	vld.idx.msk [tilespmem:v26+s4+$0x0], $0xffff  }
0x159: {  	v30 =	vadd.s32 $0xF, v6;
	[tilespmem:s16+$0x0] =	vst v12;
	s5 =	sor.u32 s29, s15  }
0x15a: {  	v11 =	vld.idx.msk [tilespmem:v22+s4+$0x0], $0xffff;
	[tilespmem:s5+$0x0] =	vst v23  }
0x15b: {  	v27 =	vadd.s32 $0xF, v4;
	s18 =	sor.u32 s10, s17;
	s24 =	sadd.s32 $0x6100, s6;
	v13 =	vld.idx.msk [tilespmem:v24+s4+$0x0], $0xffff  }
0x15c: {  	v28 =	vadd.s32 $0xF, v3;
	s14 =	sor.u32 s13, s24;
	[tilespmem:s18+$0x0] =	vst v15  }
0x15d: {  	s22 =	sadd.s32 $0x6100, s12;
	v15 =	vld.idx.msk [tilespmem:v25+s4+$0x0], $0xffff;
	[tilespmem:s14+$0x0] =	vst v17  }
0x15e: {  	v29 =	vadd.s32 $0xF, v5;
	s23 =	sor.u32 s9, s22;
	v17 =	vld.idx.msk [tilespmem:v30+s4+$0x0], $0xffff  }
0x15f: {  	v34 =	vadd.s32 $0x10, v6;
	[tilespmem:s23+$0x0] =	vst v11;
	s5 =	sor.u32 s29, s22  }
0x160: {  	v11 =	vld.idx.msk [tilespmem:v27+s4+$0x0], $0xffff;
	[tilespmem:s5+$0x0] =	vst v13  }
0x161: {  	v31 =	vadd.s32 $0x10, v4;
	s11 =	sor.u32 s10, s24;
	s17 =	sadd.s32 $0x6180, s6;
	v13 =	vld.idx.msk [tilespmem:v28+s4+$0x0], $0xffff  }
0x162: {  	v32 =	vadd.s32 $0x10, v3;
	s8 =	sor.u32 s13, s17;
	[tilespmem:s11+$0x0] =	vst v15  }
0x163: {  	s15 =	sadd.s32 $0x6180, s12;
	v15 =	vld.idx.msk [tilespmem:v29+s4+$0x0], $0xffff;
	[tilespmem:s8+$0x0] =	vst v17  }
0x164: {  	v33 =	vadd.s32 $0x10, v5;
	s16 =	sor.u32 s9, s15;
	v17 =	vld.idx.msk [tilespmem:v34+s4+$0x0], $0xffff  }
0x165: {  	v38 =	vadd.s32 $0x11, v6;
	[tilespmem:s16+$0x0] =	vst v11;
	s5 =	sor.u32 s29, s15  }
0x166: {  	v11 =	vld.idx.msk [tilespmem:v31+s4+$0x0], $0xffff;
	[tilespmem:s5+$0x0] =	vst v13  }
0x167: {  	v35 =	vadd.s32 $0x11, v4;
	s18 =	sor.u32 s10, s17;
	s11 =	sadd.s32 $0x9600, s6;
	v13 =	vld.idx.msk [tilespmem:v32+s4+$0x0], $0xffff  }
0x168: {  	v36 =	vadd.s32 $0x11, v3;
	s5 =	sor.u32 s13, s11;
	[tilespmem:s18+$0x0] =	vst v15  }
0x169: {  	v39 =	vadd.s32 $0x13, v1;
	s23 =	sadd.s32 $0x9600, s12;
	s22 =	sor.u32 s26, s1;
	v15 =	vld.idx.msk [tilespmem:v33+s4+$0x0], $0xffff;
	[tilespmem:s5+$0x0] =	vst v17  }
0x16a: {  	v37 =	vadd.s32 $0x11, v5;
	s24 =	sor.u32 s9, s23;
	[tilespmem:s22+$0x0] =	vst v10;
	v10 =	vld.idx.msk [tilespmem:v38+s4+$0x0], $0xffff  }
0x16b: {  	v43 =	vadd.s32 $0x12, v6;
	[tilespmem:s24+$0x0] =	vst v11;
	s8 =	sor.u32 s29, s23  }
0x16c: {  	v12 =	vld.idx.msk [tilespmem:v35+s4+$0x0], $0xffff;
	[tilespmem:s8+$0x0] =	vst v13  }
0x16d: {  	[tilespmem:s3+$0x0] =	vst v7;
	v40 =	vadd.s32 $0x12, v4;
	s17 =	sadd.s32 $0x9680, s6;
	s14 =	sor.u32 s10, s11;
	v14 =	vld.idx.msk [tilespmem:v36+s4+$0x0], $0xffff  }
0x16e: {  	v41 =	vadd.s32 $0x12, v3;
	v11 =	vld.idx.msk [tilespmem:v39+s4+$0x0], $0xffff;
	[tilespmem:s14+$0x0] =	vst v15;
	s5 =	sor.u32 s13, s17  }
0x16f: {  	v44 =	vadd.s32 $0x19, v2;
	s15 =	sadd.s32 $0x9680, s12;
	v16 =	vld.idx.msk [tilespmem:v37+s4+$0x0], $0xffff;
	[tilespmem:s5+$0x0] =	vst v10  }
0x170: {  	[tilespmem:s21+$0x0] =	vst v8;
	v42 =	vadd.s32 $0x12, v5;
	s16 =	sor.u32 s9, s15;
	v8 =	vld.idx.msk [tilespmem:v43+s4+$0x0], $0xffff  }
0x171: {  	v50 =	vadd.s32 $0x13, v6;
	v9 =	vld.idx.msk [tilespmem:v9+s4+$0x0], $0xffff;
	s3 =	sor.u32 s29, s15;
	[tilespmem:s16+$0x0] =	vst v12  }
0x172: {  	v45 =	vadd.s32 $0x15, v0;
	s22 =	sor.u32 s25, s1;
	v13 =	vld.idx.msk [tilespmem:v40+s4+$0x0], $0xffff;
	[tilespmem:s3+$0x0] =	vst v14  }
0x173: {  	v46 =	vadd.s32 $0x13, v4;
	s18 =	sor.u32 s10, s17;
	[tilespmem:s22+$0x0] =	vst v11;
	s8 =	sadd.s32 $0x9700, s6;
	v15 =	vld.idx.msk [tilespmem:v41+s4+$0x0], $0xffff  }
0x174: {  	v47 =	vadd.s32 $0x13, v3;
	v49 =	vld.idx.msk [tilespmem:v44+s4+$0x0], $0xffff;
	s1 =	sor.u32 s13, s8;
	s3 =	sadd.s32 $0x9800, s28;
	[tilespmem:s18+$0x0] =	vst v16  }
0x175: {  	v51 =	vadd.s32 $0x14, v1;
	s23 =	sadd.s32 $0x9700, s12;
	s21 =	sor.u32 s26, s3;
	v7 =	vld.idx.msk [tilespmem:v42+s4+$0x0], $0xffff;
	[tilespmem:s1+$0x0] =	vst v8  }
0x176: {  	v48 =	vadd.s32 $0x13, v5;
	s24 =	sor.u32 s9, s23;
	[tilespmem:s21+$0x0] =	vst v9;
	v11 =	vld.idx.msk [tilespmem:v50+s4+$0x0], $0xffff  }
0x177: {  	v57 =	vadd.s32 $0x14, v6;
	[tilespmem:s24+$0x0] =	vst v13;
	v12 =	vld.idx.msk [tilespmem:v45+s4+$0x0], $0xffff;
	s5 =	sor.u32 s29, s23  }
0x178: {  	v52 =	vadd.s32 $0x1A, v2;
	v14 =	vld.idx.msk [tilespmem:v46+s4+$0x0], $0xffff;
	[tilespmem:s5+$0x0] =	vst v15  }
0x179: {  	[tilespmem:s19+$0x0] =	vst v49;
	v53 =	vadd.s32 $0x14, v4;
	s11 =	sor.u32 s10, s8;
	s17 =	sadd.s32 $0x9780, s6;
	v10 =	vld.idx.msk [tilespmem:v47+s4+$0x0], $0xffff  }
0x17a: {  	v54 =	vadd.s32 $0x14, v3;
	v56 =	vld.idx.msk [tilespmem:v51+s4+$0x0], $0xffff;
	s5 =	sadd.s32 $0x9880, s28;
	[tilespmem:s11+$0x0] =	vst v7;
	s1 =	sor.u32 s13, s17  }
0x17b: {  	v59 =	vadd.s32 $0x15, v1;
	s15 =	sadd.s32 $0x9780, s12;
	s14 =	sor.u32 s26, s5;
	v9 =	vld.idx.msk [tilespmem:v48+s4+$0x0], $0xffff;
	[tilespmem:s1+$0x0] =	vst v11  }
0x17c: {  	v55 =	vadd.s32 $0x14, v5;
	s16 =	sor.u32 s9, s15;
	[tilespmem:s14+$0x0] =	vst v12;
	v12 =	vld.idx.msk [tilespmem:v57+s4+$0x0], $0xffff  }
0x17d: {  	v20 =	vadd.s32 $0x15, v6;
	s8 =	sor.u32 s29, s15;
	v13 =	vld.idx.msk [tilespmem:v52+s4+$0x0], $0xffff;
	[tilespmem:s16+$0x0] =	vst v14  }
0x17e: {  	v21 =	vadd.s32 $0x1B, v2;
	s19 =	sor.u32 s25, s3;
	v15 =	vld.idx.msk [tilespmem:v53+s4+$0x0], $0xffff;
	[tilespmem:s8+$0x0] =	vst v10  }
0x17f: {  	v60 =	vadd.s32 $0x15, v4;
	[tilespmem:s19+$0x0] =	vst v56;
	s18 =	sor.u32 s10, s17;
	s23 =	sadd.s32 $0x9800, s6;
	v7 =	vld.idx.msk [tilespmem:v54+s4+$0x0], $0xffff  }
0x180: {  	v61 =	vadd.s32 $0x15, v3;
	v14 =	vld.idx.msk [tilespmem:v59+s4+$0x0], $0xffff;
	s3 =	sor.u32 s13, s23;
	[tilespmem:s18+$0x0] =	vst v9  }
0x181: {  	v22 =	vadd.s32 $0x16, v1;
	s21 =	sadd.s32 $0x9800, s12;
	v8 =	vld.idx.msk [tilespmem:v55+s4+$0x0], $0xffff;
	[tilespmem:s3+$0x0] =	vst v12  }
0x182: {  	v62 =	vadd.s32 $0x15, v5;
	s22 =	sor.u32 s9, s21;
	[tilespmem:s20+$0x0] =	vst v13;
	v13 =	vld.idx.msk [tilespmem:v20+s4+$0x0], $0xffff  }
0x183: {  	v27 =	vadd.s32 $0x16, v6;
	v2 =	vld.idx.msk [tilespmem:v21+s4+$0x0], $0xffff;
	[tilespmem:s22+$0x0] =	vst v15;
	s1 =	sor.u32 s29, s21  }
0x184: {  	v58 =	vadd.s32 $0x16, v0;
	s5 =	sor.u32 s25, s5;
	v9 =	vld.idx.msk [tilespmem:v60+s4+$0x0], $0xffff;
	[tilespmem:s1+$0x0] =	vst v7  }
0x185: {  	v23 =	vadd.s32 $0x16, v4;
	s16 =	sadd.s32 $0x9880, s6;
	s24 =	sor.u32 s10, s23;
	[tilespmem:s5+$0x0] =	vst v14;
	v24 =	vld.idx.msk [tilespmem:v61+s4+$0x0], $0xffff  }
0x186: {  	v25 =	vadd.s32 $0x16, v3;
	v15 =	vld.idx.msk [tilespmem:v22+s4+$0x0], $0xffff;
	s18 =	sor.u32 s13, s16;
	[tilespmem:s24+$0x0] =	vst v8  }
0x187: {  	v29 =	vadd.s32 $0x17, v1;
	s14 =	sadd.s32 $0x9880, s12;
	v11 =	vld.idx.msk [tilespmem:v62+s4+$0x0], $0xffff;
	[tilespmem:s18+$0x0] =	vst v13  }
0x188: {  	v26 =	vadd.s32 $0x16, v5;
	s15 =	sor.u32 s9, s14;
	[tilespmem:s7+$0x0] =	vst v2;
	v13 =	vld.idx.msk [tilespmem:v27+s4+$0x0], $0xffff  }
0x189: {  	v34 =	vadd.s32 $0x17, v6;
	v63 =	vld.idx.msk [tilespmem:v58+s4+$0x0], $0xffff;
	s8 =	sadd.s32 $0x9900, s28;
	[tilespmem:s15+$0x0] =	vst v9;
	s3 =	sor.u32 s29, s14  }
0x18a: {  	v28 =	vadd.s32 $0x17, v0;
	s1 =	sor.u32 s25, s8;
	v7 =	vld.idx.msk [tilespmem:v23+s4+$0x0], $0xffff;
	[tilespmem:s3+$0x0] =	vst v24  }
0x18b: {  	v30 =	vadd.s32 $0x17, v4;
	s17 =	sor.u32 s10, s16;
	s22 =	sadd.s32 $0x9900, s6;
	[tilespmem:s1+$0x0] =	vst v15;
	v10 =	vld.idx.msk [tilespmem:v25+s4+$0x0], $0xffff  }
0x18c: {  	v31 =	vadd.s32 $0x17, v3;
	v9 =	vld.idx.msk [tilespmem:v29+s4+$0x0], $0xffff;
	s3 =	sor.u32 s13, s22;
	[tilespmem:s17+$0x0] =	vst v11  }
0x18d: {  	v36 =	vadd.s32 $0x18, v1;
	s19 =	sadd.s32 $0x9900, s12;
	s11 =	sor.u32 s26, s8;
	v12 =	vld.idx.msk [tilespmem:v26+s4+$0x0], $0xffff;
	[tilespmem:s3+$0x0] =	vst v13  }
0x18e: {  	v32 =	vadd.s32 $0x17, v5;
	s20 =	sor.u32 s9, s19;
	[tilespmem:s11+$0x0] =	vst v63;
	v40 =	vld.idx.msk [tilespmem:v34+s4+$0x0], $0xffff  }
0x18f: {  	v42 =	vadd.s32 $0x18, v6;
	v33 =	vld.idx.msk [tilespmem:v28+s4+$0x0], $0xffff;
	s21 =	sor.u32 s29, s19;
	s24 =	sadd.s32 $0x9980, s28;
	[tilespmem:s20+$0x0] =	vst v7  }
0x190: {  	v35 =	vadd.s32 $0x18, v0;
	s1 =	sor.u32 s25, s24;
	v8 =	vld.idx.msk [tilespmem:v30+s4+$0x0], $0xffff;
	[tilespmem:s21+$0x0] =	vst v10  }
0x191: {  	v37 =	vadd.s32 $0x18, v4;
	s23 =	sor.u32 s10, s22;
	s11 =	sadd.s32 $0x9980, s6;
	[tilespmem:s1+$0x0] =	vst v9;
	v11 =	vld.idx.msk [tilespmem:v31+s4+$0x0], $0xffff  }
0x192: {  	v38 =	vadd.s32 $0x18, v3;
	s1 =	sor.u32 s13, s11;
	v7 =	vld.idx.msk [tilespmem:v36+s4+$0x0], $0xffff;
	[tilespmem:s23+$0x0] =	vst v12  }
0x193: {  	v44 =	vadd.s32 $0x19, v1;
	s7 =	sadd.s32 $0x9980, s12;
	s5 =	sor.u32 s26, s24;
	v2 =	vld.idx.msk [tilespmem:v32+s4+$0x0], $0xffff;
	[tilespmem:s1+$0x0] =	vst v40  }
0x194: {  	v39 =	vadd.s32 $0x18, v5;
	s8 =	sor.u32 s9, s7;
	[tilespmem:s5+$0x0] =	vst v33;
	v9 =	vld.idx.msk [tilespmem:v42+s4+$0x0], $0xffff  }
0x195: {  	v48 =	vadd.s32 $0x19, v6;
	s15 =	sadd.s32 $0xCE00, s28;
	v41 =	vld.idx.msk [tilespmem:v35+s4+$0x0], $0xffff;
	[tilespmem:s8+$0x0] =	vst v8;
	s3 =	sor.u32 s29, s7  }
0x196: {  	v43 =	vadd.s32 $0x19, v0;
	v10 =	vld.idx.msk [tilespmem:v37+s4+$0x0], $0xffff;
	[tilespmem:s3+$0x0] =	vst v11;
	s3 =	sor.u32 s25, s15  }
0x197: {  	v45 =	vadd.s32 $0x19, v4;
	s19 =	sadd.s32 $0xCE00, s6;
	s14 =	sor.u32 s10, s11;
	v11 =	vld.idx.msk [tilespmem:v38+s4+$0x0], $0xffff;
	[tilespmem:s3+$0x0] =	vst v7  }
0x198: {  	v46 =	vadd.s32 $0x19, v3;
	s3 =	sor.u32 s13, s19;
	v8 =	vld.idx.msk [tilespmem:v44+s4+$0x0], $0xffff;
	[tilespmem:s14+$0x0] =	vst v2  }
0x199: {  	v50 =	vadd.s32 $0x1A, v1;
	s16 =	sor.u32 s26, s15;
	s17 =	sadd.s32 $0xCE00, s12;
	v13 =	vld.idx.msk [tilespmem:v39+s4+$0x0], $0xffff;
	[tilespmem:s3+$0x0] =	vst v9  }
0x19a: {  	v47 =	vadd.s32 $0x19, v5;
	[tilespmem:s16+$0x0] =	vst v41;
	s18 =	sor.u32 s9, s17;
	v7 =	vld.idx.msk [tilespmem:v48+s4+$0x0], $0xffff  }
0x19b: {  	v54 =	vadd.s32 $0x1A, v6;
	v15 =	vld.idx.msk [tilespmem:v43+s4+$0x0], $0xffff;
	s21 =	sadd.s32 $0xCE80, s28;
	[tilespmem:s18+$0x0] =	vst v10;
	s1 =	sor.u32 s29, s17  }
0x19c: {  	v49 =	vadd.s32 $0x1A, v0;
	v2 =	vld.idx.msk [tilespmem:v45+s4+$0x0], $0xffff;
	[tilespmem:s1+$0x0] =	vst v11;
	s1 =	sor.u32 s25, s21  }
0x19d: {  	v51 =	vadd.s32 $0x1A, v4;
	s5 =	sadd.s32 $0xCE80, s6;
	s20 =	sor.u32 s10, s19;
	v12 =	vld.idx.msk [tilespmem:v46+s4+$0x0], $0xffff;
	[tilespmem:s1+$0x0] =	vst v8  }
0x19e: {  	v52 =	vadd.s32 $0x1A, v3;
	s1 =	sor.u32 s13, s5;
	v10 =	vld.idx.msk [tilespmem:v50+s4+$0x0], $0xffff;
	[tilespmem:s20+$0x0] =	vst v13  }
0x19f: {  	v56 =	vadd.s32 $0x1B, v1;
	s22 =	sor.u32 s26, s21;
	s23 =	sadd.s32 $0xCE80, s12;
	v13 =	vld.idx.msk [tilespmem:v47+s4+$0x0], $0xffff;
	[tilespmem:s1+$0x0] =	vst v7  }
0x1a0: {  	v53 =	vadd.s32 $0x1A, v5;
	s24 =	sor.u32 s9, s23;
	[tilespmem:s22+$0x0] =	vst v15;
	v8 =	vld.idx.msk [tilespmem:v54+s4+$0x0], $0xffff  }
0x1a1: {  	v61 =	vadd.s32 $0x1B, v6;
	s8 =	sadd.s32 $0xCF00, s28;
	v15 =	vld.idx.msk [tilespmem:v49+s4+$0x0], $0xffff;
	[tilespmem:s24+$0x0] =	vst v2;
	s3 =	sor.u32 s29, s23  }
0x1a2: {  	v2 =	vld.idx.msk [tilespmem:v51+s4+$0x0], $0xffff;
	[tilespmem:s3+$0x0] =	vst v12;
	s3 =	sor.u32 s25, s8  }
0x1a3: {  	v55 =	vadd.s32 $0x1B, v0;
	s16 =	sadd.s32 $0xCF00, s6;
	s7 =	sor.u32 s10, s5;
	v9 =	vld.idx.msk [tilespmem:v52+s4+$0x0], $0xffff;
	[tilespmem:s3+$0x0] =	vst v10  }
0x1a4: {  	v57 =	vadd.s32 $0x1B, v4;
	s3 =	sor.u32 s13, s16;
	v1 =	vld.idx.msk [tilespmem:v56+s4+$0x0], $0xffff;
	[tilespmem:s7+$0x0] =	vst v13  }
0x1a5: {  	v58 =	vadd.s32 $0x1B, v3;
	s11 =	sor.u32 s26, s8;
	s14 =	sadd.s32 $0xCF00, s12;
	v59 =	vld.idx.msk [tilespmem:v53+s4+$0x0], $0xffff;
	[tilespmem:s3+$0x0] =	vst v8  }
0x1a6: {  	v60 =	vadd.s32 $0x1B, v5;
	s15 =	sor.u32 s9, s14;
	[tilespmem:s11+$0x0] =	vst v15;
	v63 =	vld.idx.msk [tilespmem:v61+s4+$0x0], $0xffff  }
0x1a7: {  	s18 =	sadd.s32 $0xCF80, s28;
	[tilespmem:s15+$0x0] =	vst v2;
	s1 =	sor.u32 s29, s14  }
0x1a8: {  	v0 =	vld.idx.msk [tilespmem:v55+s4+$0x0], $0xffff;
	[tilespmem:s1+$0x0] =	vst v9;
	s1 =	sor.u32 s25, s18  }
0x1a9: {  	s22 =	sadd.s32 $0xCF80, s6;
	s17 =	sor.u32 s10, s16;
	s24 =	smul.u32 $0x700, s2;
	v2 =	vld.idx.msk [tilespmem:v57+s4+$0x0], $0xffff;
	[tilespmem:s1+$0x0] =	vst v1  }
0x1aa: {  	s25 =	rddreg [dreg:$0x2];
	v3 =	vld.idx.msk [tilespmem:v58+s4+$0x0], $0xffff;
	s1 =	sor.u32 s13, s22;
	[tilespmem:s17+$0x0] =	vst v59  }
0x1ab: {  	v62 =	vld.idx.msk [tilespmem:v60+s4+$0x0], $0xffff;
	[tilespmem:s1+$0x0] =	vst v63;
	s1 =	sadd.s32 s25, s24;
	s25 =	sor.u32 $0x20, s2  }
0x1ac: {  	s19 =	sor.u32 s26, s18;
	s20 =	sadd.s32 $0xCF80, s12;
	p4 =	sgt.u32 s25, $0x22D  }
.Ltmp6:
0x1ad: {  	s21 =	sor.u32 s9, s20;
	[tilespmem:s19+$0x0] =	vst v0;
	(pc) =	sbr.rel @p4 .LBB2_8-.Ltmp6, $4  }
0x1ae: {  	s30 =	sor.u32 $0x60, s2;
	[tilespmem:s21+$0x0] =	vst v2;
	s3 =	sor.u32 s29, s20  }
0x1af: {  	p1 =	sgt.u32 s30, $0x22D;
	s23 =	sor.u32 s10, s22;
	[tilespmem:s3+$0x0] =	vst v3  }
0x1b0: {  	s28 =	simm.s32 $0x7A1400;
	s26 =	simm.s32 $0x3800;
	s29 =	simm.s32 $0x2600;
	[tilespmem:s23+$0x0] =	vst v62  }
0x1b1: {  	[hbm4b:s1+s26] =	stream.strided.scatter [tilespmem:s29], [sflag:$0x5], $0xE000, s28, s26, $0x38;
	[tilespmem:$0x1F680] =	vst v63  }
0x1b2: {  	[dreg:$0xc] =	wrdreg s30;
	s1 =	smul.u32 @!p1 $0xE0, s30  }
0x1b3: {  	s2 =	rddreg [dreg:$0x0];
	s3 =	simm.s32 @!p1 $0x0  }
0x1b4: {  	s5 =	simm.s32 @!p1 $0x1F00;
	s20 =	simm.s32 $0x2;
	s1 =	sadd.s32 @!p1 s2, s1  }
0x1b5: {  	[tilespmem:s5], [sflag:$0x4] =	stream.linear.gather @!p1 [hbm4b:s1+s3], $0x700, $0x38;
	[tilespmem:$0x1F680] =	vst v63  }
0x1b6: {  	_ =	swait.ge [sflag:s20], $0x700  }
0x1b7: {  	[sflag:s20] =	ssyncset.done $0x0  }
0x1b8: {  	s21 =	simm.s32 $0x0;
	s1 =	simm.s32 @!p3 $0x6;
	[sflag:s20] =	ssyncadd.s32 $0xFFFFF900  }
0x1b9: {  	s8 =	sand.u32 $0x60, s21;
	_ =	swait.ge @!p3 [sflag:s1], $0xE000  }
0x1ba: {  	s11 =	sor.u32 $0x10, s8;
	s3 =	sand.u32 $0x780, s21;
	[sflag:s1] =	ssyncset.done @!p3 $0x0  }
0x1bb: {  	s22 =	sor.u32 s11, s3;
	[sflag:s1] =	ssyncadd.s32 @!p3 $0xFFFF2000  }
0x1bc: {  	v0 =	vld [tilespmem:s22+$0x1100];
	_ =	sdelay $0x4  }
0x1bd: {  	v7 =	vmul.u32 $0x1C, v0;
	_ =	sdelay $0x1  }
0x1be: {  	s23 =	simm.s32 $0x1100  }
0x1bf: {  	v0 =	vld [tilespmem:s23+$0x0];
	_ =	sdelay $0x2  }
0x1c0: {  	v1 =	vld.idx.msk [tilespmem:v7+s4+$0x0], $0xffff  }
0x1c1: {  	s24 =	simm.s32 $0x0;
	v3 =	vor.u32 $0x1, v7  }
0x1c2: {  	s30 =	sand.u32 $0x3C00, s24;
	v2 =	vmul.u32 $0x1C, v0  }
0x1c3: {  	s26 =	sadd.s32 $0x10600, s30  }
0x1c4: {  	s2 =	sor.u32 s11, s26  }
0x1c5: {  	[tilespmem:s2+$0x0] =	vst v1  }
0x1c6: {  	v0 =	vld.idx.msk [tilespmem:v3+s4+$0x0], $0xffff  }
0x1c7: {  	v1 =	vor.u32 $0x2, v7  }
0x1c8: {  	v3 =	vld.idx.msk [tilespmem:v2+s4+$0x0], $0xffff  }
0x1c9: {  	v4 =	vor.u32 $0x1, v2;
	_ =	sdelay $0x1  }
0x1ca: {  	[tilespmem:s2+$0x80] =	vst v0  }
0x1cb: {  	s3 =	sor.u32 s8, s26;
	v0 =	vld.idx.msk [tilespmem:v1+s4+$0x0], $0xffff  }
0x1cc: {  	[tilespmem:s3+$0x0] =	vst v3;
	v1 =	vor.u32 $0x3, v7  }
0x1cd: {  	v3 =	vld.idx.msk [tilespmem:v4+s4+$0x0], $0xffff  }
0x1ce: {  	v4 =	vor.u32 $0x2, v2;
	_ =	sdelay $0x1  }
0x1cf: {  	[tilespmem:s2+$0x100] =	vst v0  }
0x1d0: {  	v0 =	vld.idx.msk [tilespmem:v1+s4+$0x0], $0xffff  }
0x1d1: {  	[tilespmem:s3+$0x80] =	vst v3;
	v1 =	vadd.s32 $0x4, v7  }
0x1d2: {  	v3 =	vld.idx.msk [tilespmem:v4+s4+$0x0], $0xffff  }
0x1d3: {  	v4 =	vor.u32 $0x3, v2;
	_ =	sdelay $0x1  }
0x1d4: {  	[tilespmem:s2+$0x180] =	vst v0  }
0x1d5: {  	v0 =	vld.idx.msk [tilespmem:v1+s4+$0x0], $0xffff  }
0x1d6: {  	[tilespmem:s3+$0x100] =	vst v3;
	v1 =	vadd.s32 $0x5, v7  }
0x1d7: {  	v3 =	vld.idx.msk [tilespmem:v4+s4+$0x0], $0xffff  }
0x1d8: {  	v4 =	vadd.s32 $0x4, v2;
	_ =	sdelay $0x1  }
0x1d9: {  	[tilespmem:s2+$0x200] =	vst v0  }
0x1da: {  	v0 =	vld.idx.msk [tilespmem:v1+s4+$0x0], $0xffff  }
0x1db: {  	[tilespmem:s3+$0x180] =	vst v3;
	v1 =	vadd.s32 $0x6, v7  }
0x1dc: {  	v3 =	vld.idx.msk [tilespmem:v4+s4+$0x0], $0xffff  }
0x1dd: {  	v4 =	vadd.s32 $0x5, v2;
	_ =	sdelay $0x1  }
0x1de: {  	s6 =	simm.s32 $0x20;
	[tilespmem:s2+$0x280] =	vst v0  }
0x1df: {  	s26 =	sand.u32 $0x60, s6;
	s1 =	sand.u32 $0x3, s24;
	v0 =	vld.idx.msk [tilespmem:v1+s4+$0x0], $0xffff  }
0x1e0: {  	s5 =	sand.u32 $0x780, s6;
	s28 =	sor.u32 $0x10, s26;
	s1 =	sshll.u32 s1, $0x5;
	[tilespmem:s3+$0x200] =	vst v3;
	v1 =	vadd.s32 $0x7, v7  }
0x1e1: {  	s5 =	sor.u32 s28, s5;
	s1 =	sadd.s32 $0x0, s1;
	v3 =	vld.idx.msk [tilespmem:v4+s4+$0x0], $0xffff  }
0x1e2: {  	s7 =	sadd.s32 $0x10, s1;
	v4 =	vld [tilespmem:s5+$0x1100]  }
0x1e3: {  	s6 =	sor.u32 $0x300, s7;
	v5 =	vadd.s32 $0x6, v2  }
0x1e4: {  	[tilespmem:s6+$0x10600] =	vst v0  }
0x1e5: {  	v1 =	vld.idx.msk [tilespmem:v1+s4+$0x0], $0xffff  }
0x1e6: {  	s9 =	simm.s32 $0x1120;
	v6 =	vadd.s32 $0x8, v7  }
0x1e7: {  	v8 =	vld [tilespmem:s9+$0x0];
	[tilespmem:s3+$0x280] =	vst v3;
	v0 =	vmul.u32 $0x1C, v4  }
0x1e8: {  	v3 =	vld.idx.msk [tilespmem:v5+s4+$0x0], $0xffff  }
0x1e9: {  	s10 =	sor.u32 $0x380, s7;
	v4 =	vadd.s32 $0x7, v2  }
0x1ea: {  	[tilespmem:s10+$0x10600] =	vst v1  }
0x1eb: {  	v5 =	vld.idx.msk [tilespmem:v6+s4+$0x0], $0xffff  }
0x1ec: {  	s12 =	sor.u32 $0x300, s1;
	v1 =	vmul.u32 $0x1C, v8;
	v6 =	vadd.s32 $0x9, v7  }
0x1ed: {  	[tilespmem:s12+$0x10600] =	vst v3;
	v3 =	vld.idx.msk [tilespmem:v0+s4+$0x0], $0xffff  }
0x1ee: {  	s14 =	simm.s32 $0x100;
	s13 =	sadd.s32 $0x13E00, s30;
	v8 =	vor.u32 $0x1, v0;
	v4 =	vld.idx.msk [tilespmem:v4+s4+$0x0], $0xffff  }
0x1ef: {  	s29 =	sand.u32 $0x3C00, s14;
	s15 =	sor.u32 s11, s13;
	v9 =	vadd.s32 $0x8, v2  }
0x1f0: {  	s16 =	sadd.s32 $0x10600, s29;
	[tilespmem:s15+$0x0] =	vst v5  }
0x1f1: {  	s17 =	sor.u32 s28, s16;
	v5 =	vld.idx.msk [tilespmem:v6+s4+$0x0], $0xffff  }
0x1f2: {  	s1 =	sor.u32 $0x380, s1;
	[tilespmem:s17+$0x0] =	vst v3;
	v3 =	vadd.s32 $0xA, v7;
	v6 =	vld.idx.msk [tilespmem:v1+s4+$0x0], $0xffff  }
0x1f3: {  	[tilespmem:s1+$0x10600] =	vst v4;
	v4 =	vor.u32 $0x1, v1;
	v8 =	vld.idx.msk [tilespmem:v8+s4+$0x0], $0xffff  }
0x1f4: {  	s7 =	sadd.s32 $0x13E80, s30;
	v10 =	vor.u32 $0x2, v0;
	v9 =	vld.idx.msk [tilespmem:v9+s4+$0x0], $0xffff  }
0x1f5: {  	s9 =	sor.u32 s11, s7;
	v11 =	vadd.s32 $0x9, v2  }
0x1f6: {  	s1 =	sor.u32 s26, s16;
	[tilespmem:s9+$0x0] =	vst v5  }
0x1f7: {  	[tilespmem:s1+$0x0] =	vst v6;
	v3 =	vld.idx.msk [tilespmem:v3+s4+$0x0], $0xffff  }
0x1f8: {  	s5 =	sor.u32 s8, s13;
	[tilespmem:s17+$0x80] =	vst v8;
	v5 =	vadd.s32 $0xB, v7;
	v4 =	vld.idx.msk [tilespmem:v4+s4+$0x0], $0xffff  }
0x1f9: {  	[tilespmem:s5+$0x0] =	vst v9;
	v6 =	vor.u32 $0x2, v1;
	v8 =	vld.idx.msk [tilespmem:v10+s4+$0x0], $0xffff  }
0x1fa: {  	s18 =	sadd.s32 $0x13F00, s30;
	v10 =	vor.u32 $0x3, v0;
	v9 =	vld.idx.msk [tilespmem:v11+s4+$0x0], $0xffff  }
0x1fb: {  	s19 =	sor.u32 s11, s18;
	v11 =	vadd.s32 $0xA, v2  }
0x1fc: {  	[tilespmem:s19+$0x0] =	vst v3  }
0x1fd: {  	[tilespmem:s1+$0x80] =	vst v4;
	v3 =	vld.idx.msk [tilespmem:v5+s4+$0x0], $0xffff  }
0x1fe: {  	s20 =	sor.u32 s8, s7;
	[tilespmem:s17+$0x100] =	vst v8;
	v4 =	vld.idx.msk [tilespmem:v6+s4+$0x0], $0xffff;
	v5 =	vadd.s32 $0xC, v7  }
0x1ff: {  	[tilespmem:s20+$0x0] =	vst v9;
	v8 =	vld.idx.msk [tilespmem:v10+s4+$0x0], $0xffff;
	v6 =	vor.u32 $0x3, v1  }
0x200: {  	s21 =	sadd.s32 $0x13F80, s30;
	v10 =	vadd.s32 $0x4, v0;
	v9 =	vld.idx.msk [tilespmem:v11+s4+$0x0], $0xffff  }
0x201: {  	s22 =	sor.u32 s11, s21;
	v11 =	vadd.s32 $0xB, v2  }
0x202: {  	[tilespmem:s22+$0x0] =	vst v3  }
0x203: {  	[tilespmem:s1+$0x100] =	vst v4;
	v3 =	vld.idx.msk [tilespmem:v5+s4+$0x0], $0xffff  }
0x204: {  	s5 =	sor.u32 s8, s18;
	[tilespmem:s17+$0x180] =	vst v8;
	v4 =	vld.idx.msk [tilespmem:v6+s4+$0x0], $0xffff;
	v5 =	vadd.s32 $0xD, v7  }
0x205: {  	[tilespmem:s5+$0x0] =	vst v9;
	v8 =	vld.idx.msk [tilespmem:v10+s4+$0x0], $0xffff;
	v6 =	vadd.s32 $0x4, v1  }
0x206: {  	s23 =	sor.u32 $0x14000, s30;
	v10 =	vadd.s32 $0x5, v0;
	v9 =	vld.idx.msk [tilespmem:v11+s4+$0x0], $0xffff  }
0x207: {  	s24 =	sor.u32 s11, s23;
	v11 =	vadd.s32 $0xC, v2  }
0x208: {  	[tilespmem:s24+$0x0] =	vst v3  }
0x209: {  	[tilespmem:s1+$0x180] =	vst v4;
	v3 =	vld.idx.msk [tilespmem:v5+s4+$0x0], $0xffff  }
0x20a: {  	s6 =	sor.u32 s8, s21;
	[tilespmem:s17+$0x200] =	vst v8;
	v4 =	vld.idx.msk [tilespmem:v6+s4+$0x0], $0xffff;
	v5 =	vadd.s32 $0xE, v7  }
0x20b: {  	[tilespmem:s6+$0x0] =	vst v9;
	v8 =	vld.idx.msk [tilespmem:v10+s4+$0x0], $0xffff;
	v6 =	vadd.s32 $0x5, v1  }
0x20c: {  	s2 =	sor.u32 $0x14080, s30;
	v10 =	vadd.s32 $0x6, v0;
	v9 =	vld.idx.msk [tilespmem:v11+s4+$0x0], $0xffff  }
0x20d: {  	s13 =	sor.u32 s11, s2;
	v11 =	vadd.s32 $0xD, v2  }
0x20e: {  	[tilespmem:s13+$0x0] =	vst v3  }
0x20f: {  	s14 =	simm.s32 $0x1140;
	[tilespmem:s1+$0x200] =	vst v4;
	v3 =	vld.idx.msk [tilespmem:v5+s4+$0x0], $0xffff  }
0x210: {  	s10 =	simm.s32 $0x40;
	s15 =	simm.s32 $0x1;
	s5 =	sor.u32 s8, s23;
	[tilespmem:s17+$0x280] =	vst v8;
	v4 =	vld.idx.msk [tilespmem:v6+s4+$0x0], $0xffff;
	v5 =	vadd.s32 $0xF, v7  }
0x211: {  	s16 =	sand.u32 $0x780, s10;
	s3 =	sand.u32 $0x3, s15;
	s9 =	sand.u32 $0x60, s10;
	[tilespmem:s5+$0x0] =	vst v9;
	v8 =	vld.idx.msk [tilespmem:v10+s4+$0x0], $0xffff;
	v6 =	vadd.s32 $0x6, v1  }
0x212: {  	s3 =	sshll.u32 s3, $0x5;
	s12 =	sor.u32 $0x10, s9;
	s17 =	sor.u32 $0x14100, s30;
	v10 =	vadd.s32 $0x7, v0;
	v9 =	vld.idx.msk [tilespmem:v11+s4+$0x0], $0xffff  }
0x213: {  	v12 =	vadd.s32 $0xE, v2;
	s3 =	sadd.s32 $0x100, s3;
	s5 =	sor.u32 s12, s16;
	s18 =	sor.u32 s11, s17;
	v11 =	vld [tilespmem:s14+$0x0]  }
0x214: {  	s19 =	sadd.s32 $0x10, s3;
	v13 =	vld [tilespmem:s5+$0x1100];
	[tilespmem:s18+$0x0] =	vst v3  }
0x215: {  	s20 =	sor.u32 $0x300, s19;
	[tilespmem:s1+$0x280] =	vst v4;
	v5 =	vld.idx.msk [tilespmem:v5+s4+$0x0], $0xffff  }
0x216: {  	s6 =	sor.u32 s8, s2;
	[tilespmem:s20+$0x10600] =	vst v8;
	v8 =	vadd.s32 $0x10, v7;
	v6 =	vld.idx.msk [tilespmem:v6+s4+$0x0], $0xffff  }
0x217: {  	[tilespmem:s6+$0x0] =	vst v9;
	v9 =	vadd.s32 $0x7, v1;
	v10 =	vld.idx.msk [tilespmem:v10+s4+$0x0], $0xffff  }
0x218: {  	s21 =	sor.u32 $0x14180, s30;
	v14 =	vadd.s32 $0x8, v0;
	v12 =	vld.idx.msk [tilespmem:v12+s4+$0x0], $0xffff  }
0x219: {  	v15 =	vadd.s32 $0xF, v2;
	s22 =	sor.u32 s11, s21;
	v4 =	vmul.u32 $0x1C, v13  }
0x21a: {  	s23 =	sor.u32 $0x300, s3;
	v3 =	vmul.u32 $0x1C, v11;
	[tilespmem:s22+$0x0] =	vst v5  }
0x21b: {  	s5 =	sor.u32 $0x380, s19;
	[tilespmem:s23+$0x10600] =	vst v6;
	v5 =	vld.idx.msk [tilespmem:v8+s4+$0x0], $0xffff  }
0x21c: {  	s24 =	sor.u32 s8, s17;
	[tilespmem:s5+$0x10600] =	vst v10;
	v6 =	vld.idx.msk [tilespmem:v9+s4+$0x0], $0xffff;
	v8 =	vadd.s32 $0x11, v7  }
0x21d: {  	[tilespmem:s24+$0x0] =	vst v12;
	v10 =	vld.idx.msk [tilespmem:v14+s4+$0x0], $0xffff;
	v9 =	vadd.s32 $0x8, v1  }
0x21e: {  	s2 =	sadd.s32 $0x17600, s30;
	v12 =	vadd.s32 $0x9, v0;
	v11 =	vld.idx.msk [tilespmem:v15+s4+$0x0], $0xffff  }
0x21f: {  	s14 =	sor.u32 s11, s2;
	v13 =	vadd.s32 $0x10, v2;
	v14 =	vld.idx.msk [tilespmem:v4+s4+$0x0], $0xffff  }
0x220: {  	s15 =	sadd.s32 $0x13E00, s29;
	s3 =	sor.u32 $0x380, s3;
	s16 =	simm.s32 $0x200;
	v16 =	vor.u32 $0x1, v4;
	v15 =	vld.idx.msk [tilespmem:v3+s4+$0x0], $0xffff;
	[tilespmem:s14+$0x0] =	vst v5  }
0x221: {  	s17 =	sor.u32 s28, s15;
	s13 =	sand.u32 $0x3C00, s16;
	[tilespmem:s3+$0x10600] =	vst v6;
	v6 =	vor.u32 $0x1, v3;
	v5 =	vld.idx.msk [tilespmem:v8+s4+$0x0], $0xffff  }
0x222: {  	s1 =	sor.u32 s8, s21;
	s18 =	sadd.s32 $0x10600, s13;
	[tilespmem:s17+$0x0] =	vst v10;
	v8 =	vld.idx.msk [tilespmem:v9+s4+$0x0], $0xffff;
	v9 =	vadd.s32 $0x12, v7  }
0x223: {  	[tilespmem:s1+$0x0] =	vst v11;
	s3 =	sor.u32 s12, s18;
	v10 =	vld.idx.msk [tilespmem:v12+s4+$0x0], $0xffff;
	v11 =	vadd.s32 $0x9, v1  }
0x224: {  	s19 =	sadd.s32 $0x17680, s30;
	s1 =	sor.u32 s9, s18;
	v12 =	vld.idx.msk [tilespmem:v13+s4+$0x0], $0xffff;
	[tilespmem:s3+$0x0] =	vst v14;
	v13 =	vadd.s32 $0xA, v0  }
0x225: {  	s20 =	sor.u32 s11, s19;
	[tilespmem:s1+$0x0] =	vst v15;
	v15 =	vadd.s32 $0x11, v2;
	v14 =	vld.idx.msk [tilespmem:v16+s4+$0x0], $0xffff  }
0x226: {  	s7 =	sor.u32 s26, s15;
	s14 =	sadd.s32 $0x13E80, s29;
	v16 =	vor.u32 $0x2, v4;
	v6 =	vld.idx.msk [tilespmem:v6+s4+$0x0], $0xffff;
	[tilespmem:s20+$0x0] =	vst v5  }
0x227: {  	s21 =	sor.u32 s28, s14;
	[tilespmem:s7+$0x0] =	vst v8;
	v5 =	vld.idx.msk [tilespmem:v9+s4+$0x0], $0xffff  }
0x228: {  	s5 =	sor.u32 s8, s2;
	[tilespmem:s21+$0x0] =	vst v10;
	v8 =	vor.u32 $0x2, v3;
	v9 =	vld.idx.msk [tilespmem:v11+s4+$0x0], $0xffff  }
0x229: {  	v10 =	vadd.s32 $0x13, v7;
	[tilespmem:s5+$0x0] =	vst v12;
	v11 =	vld.idx.msk [tilespmem:v13+s4+$0x0], $0xffff  }
0x22a: {  	s22 =	sadd.s32 $0x17700, s30;
	v12 =	vadd.s32 $0xA, v1;
	[tilespmem:s3+$0x80] =	vst v14;
	v13 =	vld.idx.msk [tilespmem:v15+s4+$0x0], $0xffff  }
0x22b: {  	s23 =	sor.u32 s11, s22;
	v14 =	vadd.s32 $0xB, v0;
	v15 =	vld.idx.msk [tilespmem:v16+s4+$0x0], $0xffff;
	[tilespmem:s1+$0x80] =	vst v6  }
0x22c: {  	s2 =	sadd.s32 $0x13F00, s29;
	s24 =	sor.u32 s26, s14;
	v16 =	vor.u32 $0x3, v4;
	[tilespmem:s23+$0x0] =	vst v5  }
0x22d: {  	s15 =	sor.u32 s28, s2;
	v6 =	vadd.s32 $0x12, v2;
	v8 =	vld.idx.msk [tilespmem:v8+s4+$0x0], $0xffff;
	[tilespmem:s24+$0x0] =	vst v9  }
0x22e: {  	s6 =	sor.u32 s8, s19;
	v9 =	vor.u32 $0x3, v3;
	[tilespmem:s15+$0x0] =	vst v11;
	v5 =	vld.idx.msk [tilespmem:v10+s4+$0x0], $0xffff  }
0x22f: {  	[tilespmem:s6+$0x0] =	vst v13;
	v10 =	vld.idx.msk [tilespmem:v12+s4+$0x0], $0xffff;
	v12 =	vadd.s32 $0x14, v7  }
0x230: {  	v13 =	vadd.s32 $0xB, v1;
	v11 =	vld.idx.msk [tilespmem:v14+s4+$0x0], $0xffff;
	[tilespmem:s3+$0x100] =	vst v15  }
0x231: {  	s17 =	sadd.s32 $0x17780, s30;
	v15 =	vadd.s32 $0xC, v0;
	v14 =	vld.idx.msk [tilespmem:v16+s4+$0x0], $0xffff  }
0x232: {  	v17 =	vadd.s32 $0x4, v4;
	s18 =	sor.u32 s11, s17;
	v6 =	vld.idx.msk [tilespmem:v6+s4+$0x0], $0xffff;
	[tilespmem:s1+$0x100] =	vst v8  }
0x233: {  	s19 =	sor.u32 s26, s2;
	s20 =	sadd.s32 $0x13F80, s29;
	v8 =	vadd.s32 $0x13, v2;
	v9 =	vld.idx.msk [tilespmem:v9+s4+$0x0], $0xffff;
	[tilespmem:s18+$0x0] =	vst v5  }
0x234: {  	s21 =	sor.u32 s28, s20;
	[tilespmem:s19+$0x0] =	vst v10;
	v5 =	vld.idx.msk [tilespmem:v12+s4+$0x0], $0xffff  }
0x235: {  	v10 =	vadd.s32 $0x4, v3;
	[tilespmem:s21+$0x0] =	vst v11;
	v12 =	vld.idx.msk [tilespmem:v13+s4+$0x0], $0xffff  }
0x236: {  	s5 =	sor.u32 s8, s22;
	v11 =	vadd.s32 $0x15, v7;
	v13 =	vld.idx.msk [tilespmem:v15+s4+$0x0], $0xffff;
	[tilespmem:s3+$0x180] =	vst v14  }
0x237: {  	s22 =	sadd.s32 $0x17800, s30;
	[tilespmem:s5+$0x0] =	vst v6;
	v6 =	vadd.s32 $0xC, v1;
	v15 =	vld.idx.msk [tilespmem:v17+s4+$0x0], $0xffff  }
0x238: {  	s16 =	simm.s32 $0x1160;
	s23 =	sor.u32 s11, s22;
	v14 =	vadd.s32 $0xD, v0;
	v8 =	vld.idx.msk [tilespmem:v8+s4+$0x0], $0xffff;
	[tilespmem:s1+$0x180] =	vst v9  }
0x239: {  	s2 =	sor.u32 $0x14000, s29;
	s24 =	sor.u32 s26, s20;
	v16 =	vld [tilespmem:s16+$0x0];
	v17 =	vadd.s32 $0x5, v4;
	[tilespmem:s23+$0x0] =	vst v5  }
0x23a: {  	s10 =	sor.u32 s28, s2;
	v9 =	vadd.s32 $0x14, v2;
	v10 =	vld.idx.msk [tilespmem:v10+s4+$0x0], $0xffff;
	[tilespmem:s24+$0x0] =	vst v12  }
0x23b: {  	[tilespmem:s10+$0x0] =	vst v13;
	v5 =	vld.idx.msk [tilespmem:v11+s4+$0x0], $0xffff;
	v11 =	vadd.s32 $0x5, v3  }
0x23c: {  	s7 =	sor.u32 s8, s17;
	v12 =	vadd.s32 $0x16, v7;
	v6 =	vld.idx.msk [tilespmem:v6+s4+$0x0], $0xffff;
	[tilespmem:s3+$0x200] =	vst v15  }
0x23d: {  	v13 =	vld.idx.msk [tilespmem:v14+s4+$0x0], $0xffff;
	[tilespmem:s7+$0x0] =	vst v8;
	v8 =	vadd.s32 $0xD, v1  }
0x23e: {  	v14 =	vadd.s32 $0xE, v0;
	s7 =	sadd.s32 $0x17880, s30;
	v15 =	vld.idx.msk [tilespmem:v17+s4+$0x0], $0xffff  }
0x23f: {  	v17 =	vadd.s32 $0x6, v4;
	v9 =	vld.idx.msk [tilespmem:v9+s4+$0x0], $0xffff;
	s15 =	sor.u32 s11, s7;
	[tilespmem:s1+$0x200] =	vst v10  }
0x240: {  	s17 =	sor.u32 s26, s2;
	s16 =	sor.u32 $0x14080, s29;
	v10 =	vadd.s32 $0x15, v2;
	v11 =	vld.idx.msk [tilespmem:v11+s4+$0x0], $0xffff;
	[tilespmem:s15+$0x0] =	vst v5  }
0x241: {  	s18 =	sor.u32 s28, s16;
	[tilespmem:s17+$0x0] =	vst v6;
	v5 =	vld.idx.msk [tilespmem:v12+s4+$0x0], $0xffff  }
0x242: {  	s20 =	simm.s32 $0x60;
	[tilespmem:s18+$0x0] =	vst v13;
	v8 =	vld.idx.msk [tilespmem:v8+s4+$0x0], $0xffff  }
0x243: {  	s14 =	simm.s32 $0x2;
	s5 =	sor.u32 s8, s22;
	s10 =	sand.u32 $0x60, s20;
	v6 =	vadd.s32 $0x6, v3;
	v13 =	vld.idx.msk [tilespmem:v14+s4+$0x0], $0xffff;
	[tilespmem:s3+$0x280] =	vst v15  }
0x244: {  	s19 =	sand.u32 $0x3, s14;
	s6 =	sor.u32 $0x10, s10;
	v12 =	vadd.s32 $0x17, v7;
	[tilespmem:s5+$0x0] =	vst v9;
	v14 =	vld.idx.msk [tilespmem:v17+s4+$0x0], $0xffff  }
0x245: {  	s17 =	sand.u32 $0x780, s20;
	s18 =	sor.u32 $0x14100, s29;
	s5 =	sadd.s32 $0x17900, s30;
	v9 =	vld.idx.msk [tilespmem:v10+s4+$0x0], $0xffff;
	v10 =	vadd.s32 $0xF, v0  }
0x246: {  	s3 =	sshll.u32 s19, $0x5;
	s22 =	sor.u32 s6, s17;
	v17 =	vadd.s32 $0x7, v4;
	s21 =	sor.u32 s11, s5;
	[tilespmem:s1+$0x280] =	vst v11  }
0x247: {  	s23 =	sor.u32 s28, s18;
	s3 =	sadd.s32 $0x200, s3;
	v18 =	vld [tilespmem:s22+$0x1100];
	v11 =	vadd.s32 $0xE, v1;
	[tilespmem:s21+$0x0] =	vst v5  }
0x248: {  	s16 =	sor.u32 s26, s16;
	s24 =	sadd.s32 $0x10, s3;
	v15 =	vld.idx.msk [tilespmem:v6+s4+$0x0], $0xffff;
	v5 =	vadd.s32 $0x16, v2;
	[tilespmem:s23+$0x0] =	vst v13  }
0x249: {  	v19 =	vadd.s32 $0x7, v3;
	s2 =	sor.u32 $0x300, s24;
	[tilespmem:s16+$0x0] =	vst v8;
	v6 =	vmul.u32 $0x1C, v16;
	v12 =	vld.idx.msk [tilespmem:v12+s4+$0x0], $0xffff  }
0x24a: {  	s7 =	sor.u32 s8, s7;
	[tilespmem:s2+$0x10600] =	vst v14;
	v8 =	vld.idx.msk [tilespmem:v10+s4+$0x0], $0xffff  }
0x24b: {  	v10 =	vadd.s32 $0x18, v7;
	[tilespmem:s7+$0x0] =	vst v9;
	v9 =	vld.idx.msk [tilespmem:v17+s4+$0x0], $0xffff  }
0x24c: {  	s15 =	sor.u32 $0x300, s3;
	v13 =	vadd.s32 $0x10, v0;
	v11 =	vld.idx.msk [tilespmem:v11+s4+$0x0], $0xffff  }
0x24d: {  	s17 =	sadd.s32 $0x17980, s30;
	v14 =	vadd.s32 $0xF, v1;
	[tilespmem:s15+$0x10600] =	vst v15;
	v15 =	vld.idx.msk [tilespmem:v5+s4+$0x0], $0xffff  }
0x24e: {  	s19 =	sor.u32 s11, s17;
	s21 =	sor.u32 $0x14180, s29;
	v17 =	vadd.s32 $0x8, v4;
	v16 =	vld.idx.msk [tilespmem:v19+s4+$0x0], $0xffff  }
0x24f: {  	s22 =	sor.u32 s28, s21;
	v5 =	vmul.u32 $0x1C, v18;
	[tilespmem:s19+$0x0] =	vst v12;
	v12 =	vadd.s32 $0x17, v2;
	v18 =	vld.idx.msk [tilespmem:v6+s4+$0x0], $0xffff  }
0x250: {  	s18 =	sor.u32 s26, s18;
	v10 =	vld.idx.msk [tilespmem:v10+s4+$0x0], $0xffff;
	[tilespmem:s22+$0x0] =	vst v8  }
0x251: {  	s1 =	sor.u32 $0x380, s24;
	v8 =	vld.idx.msk [tilespmem:v13+s4+$0x0], $0xffff;
	v13 =	vadd.s32 $0x8, v3;
	[tilespmem:s18+$0x0] =	vst v11  }
0x252: {  	s5 =	sor.u32 s8, s5;
	[tilespmem:s1+$0x10600] =	vst v9;
	v11 =	vadd.s32 $0x19, v7;
	v9 =	vld.idx.msk [tilespmem:v14+s4+$0x0], $0xffff  }
0x253: {  	s3 =	sor.u32 $0x380, s3;
	s1 =	sadd.s32 $0x1AE00, s30;
	v14 =	vld.idx.msk [tilespmem:v17+s4+$0x0], $0xffff;
	v17 =	vadd.s32 $0x11, v0;
	[tilespmem:s5+$0x0] =	vst v15  }
0x254: {  	s23 =	sor.u32 s11, s1;
	s18 =	sadd.s32 $0x17600, s29;
	v15 =	vadd.s32 $0x10, v1;
	v12 =	vld.idx.msk [tilespmem:v12+s4+$0x0], $0xffff;
	[tilespmem:s3+$0x10600] =	vst v16  }
0x255: {  	v20 =	vadd.s32 $0x9, v4;
	s24 =	sor.u32 s28, s18;
	v19 =	vld.idx.msk [tilespmem:v5+s4+$0x0], $0xffff;
	[tilespmem:s23+$0x0] =	vst v10  }
0x256: {  	s2 =	sor.u32 s26, s21;
	s15 =	sadd.s32 $0x13E00, s13;
	s19 =	simm.s32 $0x300;
	v10 =	vadd.s32 $0x18, v2;
	v13 =	vld.idx.msk [tilespmem:v13+s4+$0x0], $0xffff;
	[tilespmem:s24+$0x0] =	vst v8  }
0x257: {  	s7 =	sand.u32 $0x3C00, s19;
	s22 =	sor.u32 s12, s15;
	v16 =	vor.u32 $0x1, v5;
	v11 =	vld.idx.msk [tilespmem:v11+s4+$0x0], $0xffff;
	[tilespmem:s2+$0x0] =	vst v9  }
0x258: {  	s17 =	sor.u32 s8, s17;
	v21 =	vor.u32 $0x1, v6;
	s21 =	sadd.s32 $0x10600, s7;
	v9 =	vld.idx.msk [tilespmem:v17+s4+$0x0], $0xffff;
	[tilespmem:s22+$0x0] =	vst v14  }
0x259: {  	s5 =	sor.u32 s6, s21;
	v17 =	vadd.s32 $0x1A, v7;
	v14 =	vld.idx.msk [tilespmem:v15+s4+$0x0], $0xffff;
	[tilespmem:s17+$0x0] =	vst v12  }
0x25a: {  	s22 =	sor.u32 s10, s21;
	v15 =	vld.idx.msk [tilespmem:v20+s4+$0x0], $0xffff;
	v20 =	vadd.s32 $0x12, v0;
	[tilespmem:s5+$0x0] =	vst v19  }
0x25b: {  	s16 =	sor.u32 s9, s15;
	s3 =	sadd.s32 $0x1AE80, s30;
	v12 =	vadd.s32 $0x9, v3;
	[tilespmem:s22+$0x0] =	vst v18;
	v8 =	vld.idx.msk [tilespmem:v10+s4+$0x0], $0xffff  }
0x25c: {  	s23 =	sor.u32 s11, s3;
	s21 =	sadd.s32 $0x17680, s29;
	v10 =	vld.idx.msk [tilespmem:v16+s4+$0x0], $0xffff;
	v16 =	vadd.s32 $0xA, v4;
	[tilespmem:s16+$0x0] =	vst v13  }
0x25d: {  	s24 =	sor.u32 s28, s21;
	v19 =	vor.u32 $0x2, v5;
	v18 =	vld.idx.msk [tilespmem:v21+s4+$0x0], $0xffff;
	[tilespmem:s23+$0x0] =	vst v11;
	s23 =	sadd.s32 $0x13E80, s13  }
0x25e: {  	v11 =	vadd.s32 $0x11, v1;
	v17 =	vld.idx.msk [tilespmem:v17+s4+$0x0], $0xffff;
	[tilespmem:s24+$0x0] =	vst v9;
	s2 =	sor.u32 s12, s23  }
0x25f: {  	s15 =	sor.u32 s26, s18;
	v13 =	vor.u32 $0x2, v6;
	v9 =	vld.idx.msk [tilespmem:v20+s4+$0x0], $0xffff;
	[tilespmem:s2+$0x0] =	vst v15  }
0x260: {  	v7 =	vadd.s32 $0x1B, v7;
	v12 =	vld.idx.msk [tilespmem:v12+s4+$0x0], $0xffff;
	[tilespmem:s15+$0x0] =	vst v14  }
0x261: {  	v14 =	vadd.s32 $0x13, v0;
	v15 =	vld.idx.msk [tilespmem:v16+s4+$0x0], $0xffff;
	[tilespmem:s5+$0x80] =	vst v10  }
0x262: {  	s16 =	sadd.s32 $0x1AF00, s30;
	v20 =	vadd.s32 $0xA, v3;
	v19 =	vld.idx.msk [tilespmem:v19+s4+$0x0], $0xffff  }
0x263: {  	v63 =	vadd.s32 $0xB, v4;
	s18 =	sor.u32 s11, s16;
	s24 =	sadd.s32 $0x17700, s29;
	[tilespmem:s22+$0x80] =	vst v18;
	v11 =	vld.idx.msk [tilespmem:v11+s4+$0x0], $0xffff  }
0x264: {  	s2 =	sor.u32 s28, s24;
	v16 =	vld.idx.msk [tilespmem:v13+s4+$0x0], $0xffff;
	[tilespmem:s18+$0x0] =	vst v17;
	v17 =	vadd.s32 $0x12, v1  }
0x265: {  	v23 =	vor.u32 $0x3, v5;
	s17 =	sadd.s32 $0x13F00, s13;
	s15 =	sor.u32 s9, s23;
	v22 =	vld.idx.msk [tilespmem:v7+s4+$0x0], $0xffff;
	[tilespmem:s2+$0x0] =	vst v9  }
0x266: {  	s23 =	sor.u32 s12, s17;
	[tilespmem:s15+$0x0] =	vst v12;
	v10 =	vld.idx.msk [tilespmem:v14+s4+$0x0], $0xffff  }
0x267: {  	v18 =	vor.u32 $0x3, v6;
	s18 =	sor.u32 s8, s16;
	s2 =	sor.u32 s26, s21;
	[tilespmem:s23+$0x0] =	vst v15;
	v13 =	vld.idx.msk [tilespmem:v20+s4+$0x0], $0xffff  }
0x268: {  	s16 =	sor.u32 s9, s17;
	s21 =	sor.u32 s8, s3;
	s15 =	sadd.s32 $0x1AF80, s30;
	v9 =	vadd.s32 $0x14, v0;
	v12 =	vld.idx.msk [tilespmem:v63+s4+$0x0], $0xffff;
	[tilespmem:s2+$0x0] =	vst v11  }
0x269: {  	s3 =	sadd.s32 $0x17780, s29;
	s23 =	sor.u32 s8, s1;
	s30 =	sor.u32 s11, s15;
	v15 =	vadd.s32 $0xB, v3;
	[tilespmem:s5+$0x100] =	vst v19;
	v7 =	vld.idx.msk [tilespmem:v17+s4+$0x0], $0xffff  }
0x26a: {  	s1 =	sor.u32 s26, s24;
	s8 =	sor.u32 s8, s15;
	s11 =	simm.s32 $0x1180;
	v14 =	vadd.s32 $0xC, v4;
	v17 =	vld.idx.msk [tilespmem:v23+s4+$0x0], $0xffff;
	[tilespmem:s30+$0x0] =	vst v22  }
.LBB2_6:
0x26b: {  	v11 =	vld [tilespmem:s11+$0x0];
	[tilespmem:s22+$0x100] =	vst v16;
	v16 =	vadd.s32 $0x13, v1;
	s17 =	sor.u32 s26, s3;
	s3 =	sor.u32 s28, s3;
	s30 =	smov.u32 s10  }
0x26c: {  	v19 =	vadd.s32 $0x4, v5;
	s10 =	sadd.s32 $0x13F80, s13;
	s24 =	smov.u32 s28;
	s28 =	smov.u32 s12;
	v18 =	vld.idx.msk [tilespmem:v18+s4+$0x0], $0xffff;
	[tilespmem:s3+$0x0] =	vst v10  }
0x26d: {  	s12 =	smov.u32 s6;
	s3 =	sor.u32 s28, s10;
	v10 =	vadd.s32 $0x19, v2;
	[tilespmem:s16+$0x0] =	vst v13;
	s16 =	sor.u32 s9, s10;
	v9 =	vld.idx.msk [tilespmem:v9+s4+$0x0], $0xffff  }
0x26e: {  	v13 =	vadd.s32 $0x4, v6;
	v15 =	vld.idx.msk [tilespmem:v15+s4+$0x0], $0xffff;
	[tilespmem:s3+$0x0] =	vst v12;
	s3 =	smov.u32 s7  }
0x26f: {  	v12 =	vld.idx.msk [tilespmem:v14+s4+$0x0], $0xffff;
	[tilespmem:s1+$0x0] =	vst v7;
	v7 =	vadd.s32 $0x15, v0  }
0x270: {  	v14 =	vadd.s32 $0xC, v3;
	[tilespmem:s5+$0x180] =	vst v17;
	v16 =	vld.idx.msk [tilespmem:v16+s4+$0x0], $0xffff  }
0x271: {  	s1 =	sadd.s32 $0x17800, s29;
	v17 =	vld.idx.msk [tilespmem:v19+s4+$0x0], $0xffff;
	v19 =	vadd.s32 $0xD, v4;
	[tilespmem:s23+$0x0] =	vst v8  }
0x272: {  	s6 =	sor.u32 s26, s1;
	s1 =	sor.u32 s24, s1;
	v8 =	vadd.s32 $0x14, v1;
	[tilespmem:s22+$0x180] =	vst v18;
	v10 =	vld.idx.msk [tilespmem:v10+s4+$0x0], $0xffff  }
0x273: {  	s7 =	sor.u32 $0x14000, s13;
	v18 =	vadd.s32 $0x5, v5;
	v13 =	vld.idx.msk [tilespmem:v13+s4+$0x0], $0xffff;
	[tilespmem:s1+$0x0] =	vst v9  }
0x274: {  	s10 =	sor.u32 s9, s7;
	s1 =	sor.u32 s28, s7;
	v9 =	vadd.s32 $0x1A, v2;
	[tilespmem:s16+$0x0] =	vst v15;
	v7 =	vld.idx.msk [tilespmem:v7+s4+$0x0], $0xffff  }
0x275: {  	v15 =	vadd.s32 $0x5, v6;
	v14 =	vld.idx.msk [tilespmem:v14+s4+$0x0], $0xffff;
	[tilespmem:s1+$0x0] =	vst v12  }
0x276: {  	v12 =	vld.idx.msk [tilespmem:v19+s4+$0x0], $0xffff;
	[tilespmem:s17+$0x0] =	vst v16;
	v16 =	vadd.s32 $0x16, v0  }
0x277: {  	[tilespmem:s5+$0x200] =	vst v17;
	v17 =	vadd.s32 $0xD, v3;
	v8 =	vld.idx.msk [tilespmem:v8+s4+$0x0], $0xffff  }
0x278: {  	s7 =	sadd.s32 $0x17880, s29;
	v19 =	vadd.s32 $0xE, v4;
	v18 =	vld.idx.msk [tilespmem:v18+s4+$0x0], $0xffff;
	[tilespmem:s21+$0x0] =	vst v10  }
0x279: {  	s1 =	sor.u32 s26, s7;
	s7 =	sor.u32 s24, s7;
	v10 =	vadd.s32 $0x15, v1;
	[tilespmem:s22+$0x200] =	vst v13;
	v9 =	vld.idx.msk [tilespmem:v9+s4+$0x0], $0xffff  }
0x27a: {  	s16 =	sor.u32 $0x14080, s13;
	v13 =	vld.idx.msk [tilespmem:v15+s4+$0x0], $0xffff;
	v15 =	vadd.s32 $0x6, v5;
	[tilespmem:s7+$0x0] =	vst v7  }
0x27b: {  	s7 =	sor.u32 s9, s16;
	[tilespmem:s10+$0x0] =	vst v14;
	s10 =	sor.u32 s28, s16;
	v7 =	vld.idx.msk [tilespmem:v16+s4+$0x0], $0xffff;
	v14 =	vadd.s32 $0x1B, v2;
	v2 =	vmovc v1;
	v1 =	vmov v3;
	v3 =	vmov v6  }
0x27c: {  	v6 =	vadd.s32 $0x6, v3;
	v16 =	vld.idx.msk [tilespmem:v17+s4+$0x0], $0xffff;
	[tilespmem:s10+$0x0] =	vst v12  }
0x27d: {  	v12 =	vld.idx.msk [tilespmem:v19+s4+$0x0], $0xffff;
	[tilespmem:s6+$0x0] =	vst v8;
	v8 =	vadd.s32 $0x17, v0  }
0x27e: {  	s14 =	sadd.s32 $0x1, s14;
	[tilespmem:s5+$0x280] =	vst v18;
	v10 =	vld.idx.msk [tilespmem:v10+s4+$0x0], $0xffff  }
0x27f: {  	s20 =	sadd.s32 $0x20, s20;
	s16 =	sadd.s32 $0x17900, s29;
	v17 =	vadd.s32 $0xF, v4;
	s5 =	sand.u32 $0x3, s14;
	v15 =	vld.idx.msk [tilespmem:v15+s4+$0x0], $0xffff;
	[tilespmem:s18+$0x0] =	vst v9  }
0x280: {  	s17 =	sand.u32 $0x780, s20;
	s10 =	sand.u32 $0x60, s20;
	v9 =	vadd.s32 $0xE, v1;
	s18 =	sor.u32 s24, s16;
	[tilespmem:s22+$0x280] =	vst v13;
	v13 =	vld.idx.msk [tilespmem:v14+s4+$0x0], $0xffff  }
0x281: {  	s21 =	sor.u32 $0x14100, s13;
	s6 =	sor.u32 $0x10, s10;
	v18 =	vadd.s32 $0x7, v5;
	s5 =	sshll.u32 s5, $0x5;
	v14 =	vld.idx.msk [tilespmem:v6+s4+$0x0], $0xffff;
	[tilespmem:s18+$0x0] =	vst v7  }
0x282: {  	s17 =	sor.u32 s6, s17;
	s5 =	sadd.s32 s5, s19;
	v7 =	vadd.s32 $0x16, v2;
	[tilespmem:s7+$0x0] =	vst v16;
	s7 =	sor.u32 s28, s21;
	v8 =	vld.idx.msk [tilespmem:v8+s4+$0x0], $0xffff  }
0x283: {  	v19 =	vadd.s32 $0x7, v3;
	s18 =	sor.u32 $0x380, s5;
	v16 =	vld [tilespmem:s17+$0x1100];
	s17 =	sor.u32 $0x300, s5;
	s5 =	sadd.s32 $0x10, s5;
	[tilespmem:s7+$0x0] =	vst v12  }
0x284: {  	s16 =	sor.u32 s26, s16;
	v6 =	vmul.u32 $0x1C, v11;
	s21 =	sor.u32 s9, s21;
	s7 =	sor.u32 $0x300, s5;
	v11 =	vld.idx.msk [tilespmem:v17+s4+$0x0], $0xffff;
	[tilespmem:s1+$0x0] =	vst v10;
	v10 =	vadd.s32 $0x18, v0  }
0x285: {  	p3 =	slt.u32 s20, $0x6E0;
	[tilespmem:s7+$0x10600] =	vst v15;
	v9 =	vld.idx.msk [tilespmem:v9+s4+$0x0], $0xffff  }
0x286: {  	v15 =	vadd.s32 $0x10, v4;
	s7 =	sadd.s32 $0x17980, s29;
	v12 =	vld.idx.msk [tilespmem:v18+s4+$0x0], $0xffff;
	[tilespmem:s8+$0x0] =	vst v13  }
0x287: {  	v13 =	vadd.s32 $0xF, v1;
	s1 =	sor.u32 s26, s7;
	s7 =	sor.u32 s24, s7;
	[tilespmem:s17+$0x10600] =	vst v14;
	v7 =	vld.idx.msk [tilespmem:v7+s4+$0x0], $0xffff  }
0x288: {  	v17 =	vadd.s32 $0x8, v5;
	s8 =	sor.u32 $0x14180, s13;
	v14 =	vld.idx.msk [tilespmem:v19+s4+$0x0], $0xffff;
	[tilespmem:s7+$0x0] =	vst v8  }
0x289: {  	s17 =	sor.u32 s9, s8;
	v16 =	vmul.u32 $0x1C, v16;
	s7 =	sor.u32 s28, s8;
	v8 =	vadd.s32 $0x17, v2;
	v10 =	vld.idx.msk [tilespmem:v10+s4+$0x0], $0xffff  }
0x28a: {  	v18 =	vld.idx.msk [tilespmem:v6+s4+$0x0], $0xffff;
	[tilespmem:s7+$0x0] =	vst v11  }
0x28b: {  	s5 =	sor.u32 $0x380, s5;
	v11 =	vadd.s32 $0x19, v0;
	[tilespmem:s21+$0x0] =	vst v9;
	v9 =	vld.idx.msk [tilespmem:v15+s4+$0x0], $0xffff  }
0x28c: {  	v15 =	vadd.s32 $0x8, v3;
	[tilespmem:s5+$0x10600] =	vst v12;
	v12 =	vld.idx.msk [tilespmem:v13+s4+$0x0], $0xffff  }
0x28d: {  	s5 =	sadd.s32 $0x1AE00, s29;
	v13 =	vld.idx.msk [tilespmem:v17+s4+$0x0], $0xffff;
	v17 =	vadd.s32 $0x11, v4;
	[tilespmem:s16+$0x0] =	vst v7  }
0x28e: {  	v7 =	vadd.s32 $0x10, v1;
	s23 =	sor.u32 s26, s5;
	s5 =	sor.u32 s24, s5;
	[tilespmem:s18+$0x10600] =	vst v14;
	v8 =	vld.idx.msk [tilespmem:v8+s4+$0x0], $0xffff  }
0x28f: {  	v19 =	vadd.s32 $0x9, v5;
	s7 =	sadd.s32 $0x17600, s13;
	v14 =	vld.idx.msk [tilespmem:v16+s4+$0x0], $0xffff;
	[tilespmem:s5+$0x0] =	vst v10  }
0x290: {  	s8 =	sor.u32 s9, s7;
	s5 =	sor.u32 s28, s7;
	v10 =	vadd.s32 $0x18, v2;
	v11 =	vld.idx.msk [tilespmem:v11+s4+$0x0], $0xffff  }
0x291: {  	s19 =	sadd.s32 $0x100, s19;
	v20 =	vor.u32 $0x1, v16;
	s16 =	sadd.s32 $0x13E00, s3;
	v15 =	vld.idx.msk [tilespmem:v15+s4+$0x0], $0xffff;
	[tilespmem:s5+$0x0] =	vst v9  }
0x292: {  	s18 =	sor.u32 s30, s16;
	s7 =	sand.u32 $0x3C00, s19;
	s5 =	sor.u32 s12, s16;
	[tilespmem:s17+$0x0] =	vst v12;
	v9 =	vld.idx.msk [tilespmem:v17+s4+$0x0], $0xffff;
	v12 =	vadd.s32 $0x1A, v0  }
0x293: {  	s16 =	sadd.s32 $0x10600, s7;
	v17 =	vor.u32 $0x1, v6;
	[tilespmem:s5+$0x0] =	vst v13;
	v7 =	vld.idx.msk [tilespmem:v7+s4+$0x0], $0xffff  }
0x294: {  	s22 =	sor.u32 s10, s16;
	s5 =	sor.u32 s6, s16;
	v13 =	vld.idx.msk [tilespmem:v19+s4+$0x0], $0xffff;
	v19 =	vadd.s32 $0x12, v4;
	[tilespmem:s1+$0x0] =	vst v8;
	s1 =	sadd.s32 $0x1AE80, s29  }
0x295: {  	[tilespmem:s5+$0x0] =	vst v14;
	v14 =	vadd.s32 $0x9, v3;
	v8 =	vld.idx.msk [tilespmem:v10+s4+$0x0], $0xffff;
	s21 =	sor.u32 s26, s1;
	s1 =	sor.u32 s24, s1  }
0x296: {  	s16 =	sadd.s32 $0x17680, s13;
	v10 =	vld.idx.msk [tilespmem:v20+s4+$0x0], $0xffff;
	v20 =	vadd.s32 $0xA, v5;
	[tilespmem:s1+$0x0] =	vst v11  }
0x297: {  	s17 =	sor.u32 s9, s16;
	v11 =	vadd.s32 $0x11, v1;
	s1 =	sor.u32 s28, s16;
	[tilespmem:s22+$0x0] =	vst v18;
	v12 =	vld.idx.msk [tilespmem:v12+s4+$0x0], $0xffff  }
0x298: {  	s16 =	sadd.s32 $0x13E80, s3;
	v18 =	vor.u32 $0x2, v16;
	v17 =	vld.idx.msk [tilespmem:v17+s4+$0x0], $0xffff;
	[tilespmem:s1+$0x0] =	vst v9  }
0x299: {  	s15 =	sor.u32 s30, s16;
	s1 =	sor.u32 s12, s16;
	[tilespmem:s18+$0x0] =	vst v15;
	v9 =	vld.idx.msk [tilespmem:v19+s4+$0x0], $0xffff;
	v15 =	vadd.s32 $0x1B, v0;
	v0 =	vmovc v4;
	v4 =	vmov v5;
	v5 =	vmov v16  }
0x29a: {  	v16 =	vor.u32 $0x2, v6;
	v14 =	vld.idx.msk [tilespmem:v14+s4+$0x0], $0xffff;
	[tilespmem:s1+$0x0] =	vst v13  }
0x29b: {  	s1 =	sadd.s32 $0x1AF00, s29;
	v19 =	vld.idx.msk [tilespmem:v20+s4+$0x0], $0xffff;
	[tilespmem:s8+$0x0] =	vst v7;
	v7 =	vadd.s32 $0x13, v0  }
0x29c: {  	v13 =	vadd.s32 $0xA, v3;
	s18 =	sor.u32 s26, s1;
	s1 =	sor.u32 s24, s1;
	[tilespmem:s5+$0x80] =	vst v10;
	v11 =	vld.idx.msk [tilespmem:v11+s4+$0x0], $0xffff  }
0x29d: {  	v21 =	vadd.s32 $0xB, v4;
	s8 =	sadd.s32 $0x17700, s13;
	v20 =	vld.idx.msk [tilespmem:v18+s4+$0x0], $0xffff;
	[tilespmem:s1+$0x0] =	vst v12  }
0x29e: {  	s1 =	sor.u32 s9, s8;
	s8 =	sor.u32 s28, s8;
	[tilespmem:s22+$0x80] =	vst v17;
	v17 =	vadd.s32 $0x12, v1;
	v22 =	vld.idx.msk [tilespmem:v15+s4+$0x0], $0xffff  }
0x29f: {  	s2 =	sadd.s32 $0x13F00, s3;
	v23 =	vor.u32 $0x3, v5;
	v16 =	vld.idx.msk [tilespmem:v16+s4+$0x0], $0xffff;
	[tilespmem:s8+$0x0] =	vst v9  }
.Ltmp7:
0x2a0: {  	s16 =	sor.u32 s30, s2;
	s2 =	sor.u32 s12, s2;
	[tilespmem:s15+$0x0] =	vst v14;
	v10 =	vld.idx.msk [tilespmem:v7+s4+$0x0], $0xffff;
	(pc) =	sbr.rel @p3 .LBB2_6-.Ltmp7, $4  }
0x2a1: {  	v18 =	vor.u32 $0x3, v6;
	v13 =	vld.idx.msk [tilespmem:v13+s4+$0x0], $0xffff;
	[tilespmem:s2+$0x0] =	vst v19  }
0x2a2: {  	v9 =	vadd.s32 $0x14, v0;
	s2 =	sadd.s32 $0x1AF80, s29;
	s29 =	smov.u32 s13;
	s13 =	smov.u32 s3;
	v12 =	vld.idx.msk [tilespmem:v21+s4+$0x0], $0xffff;
	[tilespmem:s17+$0x0] =	vst v11  }
0x2a3: {  	v15 =	vadd.s32 $0xB, v3;
	s8 =	sor.u32 s26, s2;
	s2 =	sor.u32 s24, s2;
	s26 =	smov.u32 s9;
	[tilespmem:s5+$0x100] =	vst v20;
	v7 =	vld.idx.msk [tilespmem:v17+s4+$0x0], $0xffff  }
0x2a4: {  	s11 =	sadd.s32 $0x20, s11;
	v14 =	vadd.s32 $0xC, v4;
	s3 =	sadd.s32 $0x17780, s29;
	s9 =	smov.u32 s30;
	v17 =	vld.idx.msk [tilespmem:v23+s4+$0x0], $0xffff;
	[tilespmem:s2+$0x0] =	vst v22  }
0x2a5: {  	_ =	sdelay $0x2  }
0x2a6: {  	[tilespmem:s22+$0x100] =	vst v16  }
0x2a7: {  	v38 =	vadd.s32 $0x4, v5;
	v11 =	vld.idx.msk [tilespmem:v18+s4+$0x0], $0xffff  }
0x2a8: {  	v39 =	vadd.s32 $0x4, v6;
	_ =	sdelay $0x2  }
0x2a9: {  	[tilespmem:s5+$0x180] =	vst v17  }
0x2aa: {  	v16 =	vld.idx.msk [tilespmem:v38+s4+$0x0], $0xffff;
	[tilespmem:s22+$0x180] =	vst v11  }
0x2ab: {  	v40 =	vadd.s32 $0x5, v5;
	v11 =	vld.idx.msk [tilespmem:v39+s4+$0x0], $0xffff  }
0x2ac: {  	v41 =	vadd.s32 $0x5, v6;
	_ =	sdelay $0x2  }
0x2ad: {  	[tilespmem:s5+$0x200] =	vst v16  }
0x2ae: {  	v16 =	vld.idx.msk [tilespmem:v40+s4+$0x0], $0xffff;
	[tilespmem:s22+$0x200] =	vst v11  }
0x2af: {  	v42 =	vadd.s32 $0x6, v5;
	v11 =	vld.idx.msk [tilespmem:v41+s4+$0x0], $0xffff  }
0x2b0: {  	v43 =	vadd.s32 $0x6, v6;
	_ =	sdelay $0x2  }
0x2b1: {  	s2 =	sadd.s32 $0x1, s14;
	[tilespmem:s5+$0x280] =	vst v16  }
0x2b2: {  	s2 =	sand.u32 $0x3, s2;
	v16 =	vld.idx.msk [tilespmem:v42+s4+$0x0], $0xffff;
	[tilespmem:s22+$0x280] =	vst v11  }
0x2b3: {  	v44 =	vadd.s32 $0x7, v5;
	s2 =	sshll.u32 s2, $0x5;
	v11 =	vld.idx.msk [tilespmem:v43+s4+$0x0], $0xffff  }
0x2b4: {  	v45 =	vadd.s32 $0x7, v6;
	s2 =	sadd.s32 s2, s19  }
0x2b5: {  	s19 =	sadd.s32 $0x10, s2  }
0x2b6: {  	s11 =	sor.u32 $0x300, s19  }
0x2b7: {  	s20 =	sor.u32 $0x300, s2;
	[tilespmem:s11+$0x10600] =	vst v16  }
0x2b8: {  	v46 =	vld.idx.msk [tilespmem:v44+s4+$0x0], $0xffff;
	[tilespmem:s20+$0x10600] =	vst v11  }
0x2b9: {  	v48 =	vadd.s32 $0x8, v5;
	v47 =	vld.idx.msk [tilespmem:v45+s4+$0x0], $0xffff  }
0x2ba: {  	v49 =	vadd.s32 $0x8, v6;
	_ =	sdelay $0x1  }
0x2bb: {  	s5 =	sor.u32 $0x380, s19  }
0x2bc: {  	s2 =	sor.u32 $0x380, s2;
	[tilespmem:s5+$0x10600] =	vst v46  }
0x2bd: {  	v11 =	vld.idx.msk [tilespmem:v48+s4+$0x0], $0xffff;
	[tilespmem:s2+$0x10600] =	vst v47  }
0x2be: {  	v50 =	vadd.s32 $0x9, v5;
	v51 =	vld.idx.msk [tilespmem:v49+s4+$0x0], $0xffff  }
0x2bf: {  	v52 =	vadd.s32 $0x9, v6  }
0x2c0: {  	s22 =	sadd.s32 $0x13E00, s7  }
0x2c1: {  	s24 =	sor.u32 s6, s22  }
0x2c2: {  	s2 =	sor.u32 s10, s22;
	[tilespmem:s24+$0x0] =	vst v11  }
0x2c3: {  	v11 =	vld.idx.msk [tilespmem:v50+s4+$0x0], $0xffff;
	[tilespmem:s2+$0x0] =	vst v51  }
0x2c4: {  	v53 =	vadd.s32 $0xA, v5;
	v17 =	vld.idx.msk [tilespmem:v52+s4+$0x0], $0xffff  }
0x2c5: {  	v54 =	vadd.s32 $0xA, v6  }
0x2c6: {  	s11 =	sadd.s32 $0x13E80, s7  }
0x2c7: {  	s14 =	sor.u32 s6, s11  }
0x2c8: {  	s2 =	sor.u32 s10, s11;
	[tilespmem:s14+$0x0] =	vst v11  }
0x2c9: {  	v11 =	vld.idx.msk [tilespmem:v53+s4+$0x0], $0xffff;
	[tilespmem:s2+$0x0] =	vst v17  }
0x2ca: {  	v55 =	vadd.s32 $0xB, v5;
	v17 =	vld.idx.msk [tilespmem:v54+s4+$0x0], $0xffff  }
0x2cb: {  	v56 =	vadd.s32 $0xB, v6  }
0x2cc: {  	s15 =	sadd.s32 $0x13F00, s7  }
0x2cd: {  	[tilespmem:s16+$0x0] =	vst v13;
	s17 =	sor.u32 s6, s15  }
0x2ce: {  	v13 =	vld.idx.msk [tilespmem:v15+s4+$0x0], $0xffff;
	s2 =	sor.u32 s10, s15;
	[tilespmem:s17+$0x0] =	vst v11  }
0x2cf: {  	v57 =	vadd.s32 $0xC, v3;
	v58 =	vld.idx.msk [tilespmem:v55+s4+$0x0], $0xffff;
	[tilespmem:s2+$0x0] =	vst v17  }
0x2d0: {  	v59 =	vadd.s32 $0xC, v5;
	s19 =	sadd.s32 $0x13F80, s13;
	v17 =	vld.idx.msk [tilespmem:v56+s4+$0x0], $0xffff  }
0x2d1: {  	v60 =	vadd.s32 $0xC, v6;
	s20 =	sor.u32 s12, s19  }
0x2d2: {  	[tilespmem:s20+$0x0] =	vst v12;
	s22 =	sadd.s32 $0x13F80, s7;
	s2 =	sor.u32 s9, s19  }
0x2d3: {  	v12 =	vld.idx.msk [tilespmem:v14+s4+$0x0], $0xffff;
	s24 =	sor.u32 s6, s22;
	[tilespmem:s2+$0x0] =	vst v13  }
0x2d4: {  	v61 =	vadd.s32 $0xD, v4;
	s5 =	sor.u32 s10, s22;
	v11 =	vld.idx.msk [tilespmem:v57+s4+$0x0], $0xffff;
	[tilespmem:s24+$0x0] =	vst v58  }
0x2d5: {  	v62 =	vadd.s32 $0xD, v3;
	v15 =	vld.idx.msk [tilespmem:v59+s4+$0x0], $0xffff;
	[tilespmem:s5+$0x0] =	vst v17  }
0x2d6: {  	v63 =	vadd.s32 $0xD, v5;
	s5 =	sor.u32 $0x14000, s13;
	v17 =	vld.idx.msk [tilespmem:v60+s4+$0x0], $0xffff  }
0x2d7: {  	v21 =	vadd.s32 $0xD, v6;
	s11 =	sor.u32 s12, s5  }
0x2d8: {  	s14 =	sor.u32 $0x14000, s7;
	s2 =	sor.u32 s9, s5;
	[tilespmem:s11+$0x0] =	vst v12  }
0x2d9: {  	s15 =	sor.u32 s6, s14;
	[tilespmem:s2+$0x0] =	vst v11;
	v12 =	vld.idx.msk [tilespmem:v61+s4+$0x0], $0xffff  }
0x2da: {  	v22 =	vadd.s32 $0xE, v4;
	s5 =	sor.u32 s10, s14;
	v23 =	vld.idx.msk [tilespmem:v62+s4+$0x0], $0xffff;
	[tilespmem:s15+$0x0] =	vst v15  }
0x2db: {  	v24 =	vadd.s32 $0xE, v3;
	v15 =	vld.idx.msk [tilespmem:v63+s4+$0x0], $0xffff;
	[tilespmem:s5+$0x0] =	vst v17  }
0x2dc: {  	v25 =	vadd.s32 $0xE, v5;
	s16 =	sor.u32 $0x14080, s13;
	v17 =	vld.idx.msk [tilespmem:v21+s4+$0x0], $0xffff  }
0x2dd: {  	v26 =	vadd.s32 $0xE, v6;
	s17 =	sor.u32 s12, s16  }
0x2de: {  	s19 =	sor.u32 $0x14080, s7;
	s2 =	sor.u32 s9, s16;
	[tilespmem:s17+$0x0] =	vst v12  }
0x2df: {  	s20 =	sor.u32 s6, s19;
	[tilespmem:s2+$0x0] =	vst v23;
	v11 =	vld.idx.msk [tilespmem:v22+s4+$0x0], $0xffff  }
0x2e0: {  	v27 =	vadd.s32 $0xF, v4;
	s5 =	sor.u32 s10, s19;
	v13 =	vld.idx.msk [tilespmem:v24+s4+$0x0], $0xffff;
	[tilespmem:s20+$0x0] =	vst v15  }
0x2e1: {  	v28 =	vadd.s32 $0xF, v3;
	v15 =	vld.idx.msk [tilespmem:v25+s4+$0x0], $0xffff;
	[tilespmem:s5+$0x0] =	vst v17  }
0x2e2: {  	v29 =	vadd.s32 $0xF, v5;
	s22 =	sor.u32 $0x14100, s13;
	v17 =	vld.idx.msk [tilespmem:v26+s4+$0x0], $0xffff  }
0x2e3: {  	v30 =	vadd.s32 $0xF, v6;
	s24 =	sor.u32 s12, s22  }
0x2e4: {  	s11 =	sor.u32 $0x14100, s7;
	s2 =	sor.u32 s9, s22;
	[tilespmem:s24+$0x0] =	vst v11  }
0x2e5: {  	s14 =	sor.u32 s6, s11;
	[tilespmem:s2+$0x0] =	vst v13;
	v11 =	vld.idx.msk [tilespmem:v27+s4+$0x0], $0xffff  }
0x2e6: {  	v31 =	vadd.s32 $0x10, v4;
	s15 =	sor.u32 s10, s11;
	v13 =	vld.idx.msk [tilespmem:v28+s4+$0x0], $0xffff;
	[tilespmem:s14+$0x0] =	vst v15  }
0x2e7: {  	v32 =	vadd.s32 $0x10, v3;
	v15 =	vld.idx.msk [tilespmem:v29+s4+$0x0], $0xffff;
	[tilespmem:s15+$0x0] =	vst v17  }
0x2e8: {  	v33 =	vadd.s32 $0x10, v5;
	s16 =	sor.u32 $0x14180, s13;
	v17 =	vld.idx.msk [tilespmem:v30+s4+$0x0], $0xffff  }
0x2e9: {  	v34 =	vadd.s32 $0x10, v6;
	s17 =	sor.u32 s12, s16  }
0x2ea: {  	s19 =	sor.u32 $0x14180, s7;
	s2 =	sor.u32 s9, s16;
	[tilespmem:s17+$0x0] =	vst v11  }
0x2eb: {  	s20 =	sor.u32 s6, s19;
	[tilespmem:s2+$0x0] =	vst v13;
	v11 =	vld.idx.msk [tilespmem:v31+s4+$0x0], $0xffff  }
0x2ec: {  	v35 =	vadd.s32 $0x11, v4;
	s5 =	sor.u32 s10, s19;
	v13 =	vld.idx.msk [tilespmem:v32+s4+$0x0], $0xffff;
	[tilespmem:s20+$0x0] =	vst v15  }
0x2ed: {  	v36 =	vadd.s32 $0x11, v3;
	v15 =	vld.idx.msk [tilespmem:v33+s4+$0x0], $0xffff;
	[tilespmem:s5+$0x0] =	vst v17  }
0x2ee: {  	v37 =	vadd.s32 $0x11, v5;
	s24 =	sadd.s32 $0x17600, s13;
	v17 =	vld.idx.msk [tilespmem:v34+s4+$0x0], $0xffff  }
0x2ef: {  	[tilespmem:s1+$0x0] =	vst v7;
	v38 =	vadd.s32 $0x11, v6;
	s11 =	sor.u32 s12, s24  }
0x2f0: {  	v39 =	vadd.s32 $0x13, v1;
	s14 =	sadd.s32 $0x17600, s7;
	s5 =	sor.u32 s9, s24;
	[tilespmem:s11+$0x0] =	vst v11  }
0x2f1: {  	s15 =	sor.u32 s6, s14;
	[tilespmem:s5+$0x0] =	vst v13;
	v12 =	vld.idx.msk [tilespmem:v35+s4+$0x0], $0xffff  }
0x2f2: {  	v40 =	vadd.s32 $0x12, v4;
	s2 =	sor.u32 s10, s14;
	v14 =	vld.idx.msk [tilespmem:v36+s4+$0x0], $0xffff;
	[tilespmem:s15+$0x0] =	vst v15  }
0x2f3: {  	v41 =	vadd.s32 $0x12, v3;
	s22 =	sor.u32 s28, s3;
	v16 =	vld.idx.msk [tilespmem:v37+s4+$0x0], $0xffff;
	[tilespmem:s2+$0x0] =	vst v17  }
0x2f4: {  	v42 =	vadd.s32 $0x12, v5;
	[tilespmem:s22+$0x0] =	vst v10;
	s16 =	sadd.s32 $0x17680, s13;
	v10 =	vld.idx.msk [tilespmem:v38+s4+$0x0], $0xffff  }
0x2f5: {  	[tilespmem:s23+$0x0] =	vst v8;
	v43 =	vadd.s32 $0x12, v6;
	s17 =	sor.u32 s12, s16;
	v11 =	vld.idx.msk [tilespmem:v39+s4+$0x0], $0xffff  }
0x2f6: {  	v44 =	vadd.s32 $0x19, v2;
	v9 =	vld.idx.msk [tilespmem:v9+s4+$0x0], $0xffff;
	s19 =	sadd.s32 $0x17680, s7;
	s1 =	sor.u32 s9, s16;
	[tilespmem:s17+$0x0] =	vst v12  }
0x2f7: {  	v51 =	vadd.s32 $0x14, v1;
	s20 =	sor.u32 s6, s19;
	[tilespmem:s1+$0x0] =	vst v14;
	v13 =	vld.idx.msk [tilespmem:v40+s4+$0x0], $0xffff  }
0x2f8: {  	v46 =	vadd.s32 $0x13, v4;
	s2 =	sor.u32 s10, s19;
	v15 =	vld.idx.msk [tilespmem:v41+s4+$0x0], $0xffff;
	[tilespmem:s20+$0x0] =	vst v16  }
0x2f9: {  	s23 =	sor.u32 s26, s3;
	v47 =	vadd.s32 $0x13, v3;
	s1 =	sadd.s32 $0x17800, s29;
	v7 =	vld.idx.msk [tilespmem:v42+s4+$0x0], $0xffff;
	[tilespmem:s2+$0x0] =	vst v10  }
0x2fa: {  	v48 =	vadd.s32 $0x13, v5;
	s24 =	sadd.s32 $0x17700, s13;
	[tilespmem:s23+$0x0] =	vst v11;
	s22 =	sor.u32 s28, s1;
	v8 =	vld.idx.msk [tilespmem:v43+s4+$0x0], $0xffff  }
0x2fb: {  	v49 =	vld.idx.msk [tilespmem:v44+s4+$0x0], $0xffff;
	v50 =	vadd.s32 $0x13, v6;
	s5 =	sor.u32 s12, s24;
	[tilespmem:s22+$0x0] =	vst v9  }
0x2fc: {  	v45 =	vadd.s32 $0x15, v0;
	s11 =	sadd.s32 $0x17700, s7;
	v56 =	vld.idx.msk [tilespmem:v51+s4+$0x0], $0xffff;
	s2 =	sor.u32 s9, s24;
	[tilespmem:s5+$0x0] =	vst v13  }
0x2fd: {  	v52 =	vadd.s32 $0x1A, v2;
	s14 =	sor.u32 s6, s11;
	[tilespmem:s2+$0x0] =	vst v15;
	v14 =	vld.idx.msk [tilespmem:v46+s4+$0x0], $0xffff  }
0x2fe: {  	v53 =	vadd.s32 $0x14, v4;
	s3 =	sor.u32 s10, s11;
	v10 =	vld.idx.msk [tilespmem:v47+s4+$0x0], $0xffff;
	[tilespmem:s14+$0x0] =	vst v7  }
0x2ff: {  	v54 =	vadd.s32 $0x14, v3;
	v9 =	vld.idx.msk [tilespmem:v48+s4+$0x0], $0xffff;
	[tilespmem:s3+$0x0] =	vst v8  }
0x300: {  	[tilespmem:s21+$0x0] =	vst v49;
	v55 =	vadd.s32 $0x14, v5;
	s17 =	sadd.s32 $0x17780, s13;
	s1 =	sor.u32 s26, s1;
	v11 =	vld.idx.msk [tilespmem:v50+s4+$0x0], $0xffff  }
0x301: {  	v57 =	vadd.s32 $0x14, v6;
	s19 =	sor.u32 s12, s17;
	v12 =	vld.idx.msk [tilespmem:v45+s4+$0x0], $0xffff;
	[tilespmem:s1+$0x0] =	vst v56  }
0x302: {  	v58 =	vadd.s32 $0x16, v0;
	s20 =	sadd.s32 $0x17780, s7;
	v13 =	vld.idx.msk [tilespmem:v52+s4+$0x0], $0xffff;
	s5 =	sor.u32 s9, s17;
	[tilespmem:s19+$0x0] =	vst v14  }
0x303: {  	v59 =	vadd.s32 $0x15, v1;
	s21 =	sor.u32 s6, s20;
	[tilespmem:s5+$0x0] =	vst v10;
	v15 =	vld.idx.msk [tilespmem:v53+s4+$0x0], $0xffff  }
0x304: {  	v60 =	vadd.s32 $0x15, v4;
	s15 =	sadd.s32 $0x17880, s29;
	s3 =	sor.u32 s10, s20;
	v7 =	vld.idx.msk [tilespmem:v54+s4+$0x0], $0xffff;
	[tilespmem:s21+$0x0] =	vst v9  }
0x305: {  	v61 =	vadd.s32 $0x15, v3;
	s16 =	sor.u32 s28, s15;
	v8 =	vld.idx.msk [tilespmem:v55+s4+$0x0], $0xffff;
	[tilespmem:s3+$0x0] =	vst v11  }
0x306: {  	v62 =	vadd.s32 $0x15, v5;
	s22 =	sadd.s32 $0x17800, s13;
	[tilespmem:s16+$0x0] =	vst v12;
	v12 =	vld.idx.msk [tilespmem:v57+s4+$0x0], $0xffff  }
0x307: {  	v20 =	vadd.s32 $0x15, v6;
	s23 =	sor.u32 s12, s22;
	v63 =	vld.idx.msk [tilespmem:v58+s4+$0x0], $0xffff;
	[tilespmem:s18+$0x0] =	vst v13  }
0x308: {  	v21 =	vadd.s32 $0x1B, v2;
	s24 =	sadd.s32 $0x17800, s7;
	s1 =	sor.u32 s9, s22;
	v14 =	vld.idx.msk [tilespmem:v59+s4+$0x0], $0xffff;
	[tilespmem:s23+$0x0] =	vst v15  }
0x309: {  	v22 =	vadd.s32 $0x16, v1;
	s5 =	sor.u32 s6, s24;
	[tilespmem:s1+$0x0] =	vst v7;
	v9 =	vld.idx.msk [tilespmem:v60+s4+$0x0], $0xffff  }
0x30a: {  	v23 =	vadd.s32 $0x16, v4;
	s11 =	sadd.s32 $0x17900, s29;
	s3 =	sor.u32 s10, s24;
	v24 =	vld.idx.msk [tilespmem:v61+s4+$0x0], $0xffff;
	[tilespmem:s5+$0x0] =	vst v8  }
0x30b: {  	v25 =	vadd.s32 $0x16, v3;
	s14 =	sor.u32 s28, s11;
	v11 =	vld.idx.msk [tilespmem:v62+s4+$0x0], $0xffff;
	[tilespmem:s3+$0x0] =	vst v12  }
0x30c: {  	v26 =	vadd.s32 $0x16, v5;
	s2 =	sor.u32 s26, s15;
	s15 =	sadd.s32 $0x17880, s13;
	[tilespmem:s14+$0x0] =	vst v63;
	v13 =	vld.idx.msk [tilespmem:v20+s4+$0x0], $0xffff  }
0x30d: {  	v27 =	vadd.s32 $0x16, v6;
	s16 =	sor.u32 s12, s15;
	v2 =	vld.idx.msk [tilespmem:v21+s4+$0x0], $0xffff;
	[tilespmem:s2+$0x0] =	vst v14  }
0x30e: {  	v28 =	vadd.s32 $0x17, v0;
	s17 =	sadd.s32 $0x17880, s7;
	v15 =	vld.idx.msk [tilespmem:v22+s4+$0x0], $0xffff;
	s3 =	sor.u32 s9, s15;
	[tilespmem:s16+$0x0] =	vst v9  }
0x30f: {  	v29 =	vadd.s32 $0x17, v1;
	s18 =	sor.u32 s6, s17;
	[tilespmem:s3+$0x0] =	vst v24;
	v7 =	vld.idx.msk [tilespmem:v23+s4+$0x0], $0xffff  }
0x310: {  	v30 =	vadd.s32 $0x17, v4;
	s2 =	sor.u32 s10, s17;
	v10 =	vld.idx.msk [tilespmem:v25+s4+$0x0], $0xffff;
	[tilespmem:s18+$0x0] =	vst v11  }
0x311: {  	v31 =	vadd.s32 $0x17, v3;
	v12 =	vld.idx.msk [tilespmem:v26+s4+$0x0], $0xffff;
	[tilespmem:s2+$0x0] =	vst v13  }
0x312: {  	v32 =	vadd.s32 $0x17, v5;
	s19 =	sadd.s32 $0x17900, s13;
	[tilespmem:s8+$0x0] =	vst v2;
	s1 =	sor.u32 s26, s11;
	v13 =	vld.idx.msk [tilespmem:v27+s4+$0x0], $0xffff  }
0x313: {  	v34 =	vadd.s32 $0x17, v6;
	s20 =	sor.u32 s12, s19;
	v33 =	vld.idx.msk [tilespmem:v28+s4+$0x0], $0xffff;
	[tilespmem:s1+$0x0] =	vst v15  }
0x314: {  	v35 =	vadd.s32 $0x18, v0;
	s22 =	sadd.s32 $0x17900, s7;
	s21 =	sor.u32 s9, s19;
	v9 =	vld.idx.msk [tilespmem:v29+s4+$0x0], $0xffff;
	[tilespmem:s20+$0x0] =	vst v7  }
0x315: {  	v36 =	vadd.s32 $0x18, v1;
	s23 =	sor.u32 s6, s22;
	[tilespmem:s21+$0x0] =	vst v10;
	v8 =	vld.idx.msk [tilespmem:v30+s4+$0x0], $0xffff  }
0x316: {  	v37 =	vadd.s32 $0x18, v4;
	s24 =	sadd.s32 $0x17980, s29;
	s2 =	sor.u32 s10, s22;
	v11 =	vld.idx.msk [tilespmem:v31+s4+$0x0], $0xffff;
	[tilespmem:s23+$0x0] =	vst v12  }
0x317: {  	v38 =	vadd.s32 $0x18, v3;
	s3 =	sor.u32 s28, s24;
	v2 =	vld.idx.msk [tilespmem:v32+s4+$0x0], $0xffff;
	[tilespmem:s2+$0x0] =	vst v13  }
0x318: {  	v39 =	vadd.s32 $0x18, v5;
	s5 =	sadd.s32 $0x17980, s13;
	s1 =	sor.u32 s26, s24;
	[tilespmem:s3+$0x0] =	vst v33;
	v40 =	vld.idx.msk [tilespmem:v34+s4+$0x0], $0xffff  }
0x319: {  	v42 =	vadd.s32 $0x18, v6;
	s8 =	sor.u32 s12, s5;
	v41 =	vld.idx.msk [tilespmem:v35+s4+$0x0], $0xffff;
	[tilespmem:s1+$0x0] =	vst v9  }
0x31a: {  	v43 =	vadd.s32 $0x19, v0;
	s11 =	sadd.s32 $0x17980, s7;
	v7 =	vld.idx.msk [tilespmem:v36+s4+$0x0], $0xffff;
	s2 =	sor.u32 s9, s5;
	[tilespmem:s8+$0x0] =	vst v8  }
0x31b: {  	v44 =	vadd.s32 $0x19, v1;
	s14 =	sor.u32 s6, s11;
	[tilespmem:s2+$0x0] =	vst v11;
	v10 =	vld.idx.msk [tilespmem:v37+s4+$0x0], $0xffff  }
0x31c: {  	v45 =	vadd.s32 $0x19, v4;
	s15 =	sadd.s32 $0x1AE00, s29;
	s1 =	sor.u32 s10, s11;
	v11 =	vld.idx.msk [tilespmem:v38+s4+$0x0], $0xffff;
	[tilespmem:s14+$0x0] =	vst v2  }
0x31d: {  	v46 =	vadd.s32 $0x19, v3;
	s16 =	sor.u32 s28, s15;
	v13 =	vld.idx.msk [tilespmem:v39+s4+$0x0], $0xffff;
	[tilespmem:s1+$0x0] =	vst v40  }
0x31e: {  	v47 =	vadd.s32 $0x19, v5;
	s17 =	sadd.s32 $0x1AE00, s13;
	[tilespmem:s16+$0x0] =	vst v41;
	s2 =	sor.u32 s26, s15;
	v9 =	vld.idx.msk [tilespmem:v42+s4+$0x0], $0xffff  }
0x31f: {  	v48 =	vadd.s32 $0x19, v6;
	s18 =	sor.u32 s12, s17;
	v15 =	vld.idx.msk [tilespmem:v43+s4+$0x0], $0xffff;
	[tilespmem:s2+$0x0] =	vst v7  }
0x320: {  	v49 =	vadd.s32 $0x1A, v0;
	s19 =	sadd.s32 $0x1AE00, s7;
	v8 =	vld.idx.msk [tilespmem:v44+s4+$0x0], $0xffff;
	s1 =	sor.u32 s9, s17;
	[tilespmem:s18+$0x0] =	vst v10  }
0x321: {  	v50 =	vadd.s32 $0x1A, v1;
	s20 =	sor.u32 s6, s19;
	[tilespmem:s1+$0x0] =	vst v11;
	v2 =	vld.idx.msk [tilespmem:v45+s4+$0x0], $0xffff  }
0x322: {  	v51 =	vadd.s32 $0x1A, v4;
	s21 =	sadd.s32 $0x1AE80, s29;
	s2 =	sor.u32 s10, s19;
	v12 =	vld.idx.msk [tilespmem:v46+s4+$0x0], $0xffff;
	[tilespmem:s20+$0x0] =	vst v13  }
0x323: {  	v52 =	vadd.s32 $0x1A, v3;
	s22 =	sor.u32 s28, s21;
	v13 =	vld.idx.msk [tilespmem:v47+s4+$0x0], $0xffff;
	[tilespmem:s2+$0x0] =	vst v9  }
0x324: {  	v53 =	vadd.s32 $0x1A, v5;
	s23 =	sadd.s32 $0x1AE80, s13;
	[tilespmem:s22+$0x0] =	vst v15;
	s1 =	sor.u32 s26, s21;
	v7 =	vld.idx.msk [tilespmem:v48+s4+$0x0], $0xffff  }
0x325: {  	v54 =	vadd.s32 $0x1A, v6;
	s24 =	sor.u32 s12, s23;
	v15 =	vld.idx.msk [tilespmem:v49+s4+$0x0], $0xffff;
	[tilespmem:s1+$0x0] =	vst v8  }
0x326: {  	v55 =	vadd.s32 $0x1B, v0;
	s3 =	sadd.s32 $0x1AE80, s7;
	v10 =	vld.idx.msk [tilespmem:v50+s4+$0x0], $0xffff;
	s2 =	sor.u32 s9, s23;
	[tilespmem:s24+$0x0] =	vst v2  }
0x327: {  	v56 =	vadd.s32 $0x1B, v1;
	s5 =	sor.u32 s6, s3;
	[tilespmem:s2+$0x0] =	vst v12;
	v2 =	vld.idx.msk [tilespmem:v51+s4+$0x0], $0xffff  }
0x328: {  	v57 =	vadd.s32 $0x1B, v4;
	s8 =	sadd.s32 $0x1AF00, s29;
	s1 =	sor.u32 s10, s3;
	v9 =	vld.idx.msk [tilespmem:v52+s4+$0x0], $0xffff;
	[tilespmem:s5+$0x0] =	vst v13  }
0x329: {  	v58 =	vadd.s32 $0x1B, v3;
	s11 =	sor.u32 s28, s8;
	v59 =	vld.idx.msk [tilespmem:v53+s4+$0x0], $0xffff;
	[tilespmem:s1+$0x0] =	vst v7  }
0x32a: {  	v60 =	vadd.s32 $0x1B, v5;
	s14 =	sadd.s32 $0x1AF00, s13;
	[tilespmem:s11+$0x0] =	vst v15;
	s2 =	sor.u32 s26, s8;
	v8 =	vld.idx.msk [tilespmem:v54+s4+$0x0], $0xffff  }
0x32b: {  	v61 =	vadd.s32 $0x1B, v6;
	s15 =	sor.u32 s12, s14;
	v0 =	vld.idx.msk [tilespmem:v55+s4+$0x0], $0xffff;
	[tilespmem:s2+$0x0] =	vst v10  }
0x32c: {  	s16 =	sadd.s32 $0x1AF00, s7;
	v1 =	vld.idx.msk [tilespmem:v56+s4+$0x0], $0xffff;
	s1 =	sor.u32 s9, s14;
	[tilespmem:s15+$0x0] =	vst v2  }
0x32d: {  	s17 =	sor.u32 s6, s16;
	[tilespmem:s1+$0x0] =	vst v9;
	v2 =	vld.idx.msk [tilespmem:v57+s4+$0x0], $0xffff  }
0x32e: {  	s18 =	sadd.s32 $0x1AF80, s29;
	s2 =	sor.u32 s10, s16;
	v3 =	vld.idx.msk [tilespmem:v58+s4+$0x0], $0xffff;
	[tilespmem:s17+$0x0] =	vst v59  }
0x32f: {  	s19 =	sor.u32 s28, s18;
	v62 =	vld.idx.msk [tilespmem:v60+s4+$0x0], $0xffff;
	[tilespmem:s2+$0x0] =	vst v8  }
0x330: {  	s20 =	sadd.s32 $0x1AF80, s13;
	[tilespmem:s19+$0x0] =	vst v0;
	s1 =	sor.u32 s26, s18;
	v63 =	vld.idx.msk [tilespmem:v61+s4+$0x0], $0xffff  }
0x331: {  	s21 =	sor.u32 s12, s20;
	[tilespmem:s1+$0x0] =	vst v1  }
0x332: {  	s22 =	sadd.s32 $0x1AF80, s7;
	s2 =	sor.u32 s9, s20;
	[tilespmem:s21+$0x0] =	vst v2  }
0x333: {  	s23 =	sor.u32 s6, s22;
	s24 =	smul.u32 $0x700, s25;
	[tilespmem:s2+$0x0] =	vst v3  }
0x334: {  	s29 =	simm.s32 $0x10600;
	s25 =	rddreg [dreg:$0x2];
	s1 =	sor.u32 s10, s22;
	[tilespmem:s23+$0x0] =	vst v62  }
0x335: {  	s28 =	simm.s32 $0x7A1400;
	s26 =	simm.s32 $0x3800;
	[tilespmem:s1+$0x0] =	vst v63;
	s1 =	sadd.s32 s25, s24  }
0x336: {  	[hbm4b:s1+s26] =	stream.strided.scatter [tilespmem:s29], [sflag:$0x6], $0xE000, s28, s26, $0x38;
	[tilespmem:$0x1F680] =	vst v63  }
0x337: {  	s30 =	rddreg [dreg:$0xc]  }
.LBB2_8:
.Ltmp8:
0x338: {  	(pc) =	sbr.rel @p2 .LBB2_12-.Ltmp8, $1  }
0x339: {  	_ =	sdelay $0x3  }
0x33a: {  	p2 =	sgt.u32 s0, $0x1ED  }
0x33b: {  	s1 =	smul.u32 @!p2 $0x700, s0;
	_ =	sdelay $0x1  }
0x33c: {  	s2 =	rddreg [dreg:$0x0];
	s1 =	sshrl.u32 @!p2 s1, $0x3  }
0x33d: {  	s5 =	simm.s32 $0x3;
	s1 =	sadd.s32 @!p2 s2, s1  }
0x33e: {  	s3 =	simm.s32 @!p2 $0xA00;
	s2 =	simm.s32 @!p2 $0x0;
	s1 =	sadd.s32 @!p2 $0x3800, s1  }
0x33f: {  	[tilespmem:s3], [sflag:$0x1] =	stream.linear.gather @!p2 [hbm4b:s1+s2], $0x700, $0x38;
	[tilespmem:$0x1F680] =	vst v63  }
0x340: {  	_ =	swait.ge [sflag:s5], $0x700  }
0x341: {  	[sflag:s5] =	ssyncset.done $0x0  }
0x342: {  	s6 =	simm.s32 $0x0;
	s7 =	simm.s32 $0x5;
	[sflag:s5] =	ssyncadd.s32 $0xFFFFF900  }
0x343: {  	s8 =	sand.u32 $0x60, s6;
	_ =	swait.ge [sflag:s7], $0xE000  }
0x344: {  	s11 =	sor.u32 $0x10, s8;
	s1 =	sand.u32 $0x780, s6;
	[sflag:s7] =	ssyncset.done $0x0  }
0x345: {  	s1 =	sor.u32 s11, s1;
	[sflag:s7] =	ssyncadd.s32 $0xFFFF2000  }
0x346: {  	v0 =	vld [tilespmem:s1+$0x1800];
	_ =	sdelay $0x4  }
0x347: {  	v7 =	vmul.u32 $0x1C, v0;
	_ =	sdelay $0x1  }
0x348: {  	s9 =	simm.s32 $0x1800  }
0x349: {  	v0 =	vld [tilespmem:s9+$0x0];
	_ =	sdelay $0x2  }
0x34a: {  	v1 =	vld.idx.msk [tilespmem:v7+s4+$0x0], $0xffff  }
0x34b: {  	s10 =	simm.s32 $0x0;
	v3 =	vor.u32 $0x1, v7  }
0x34c: {  	s29 =	sand.u32 $0x3C00, s10;
	v2 =	vmul.u32 $0x1C, v0  }
0x34d: {  	s12 =	sadd.s32 $0x2600, s29  }
0x34e: {  	s13 =	sor.u32 s11, s12  }
0x34f: {  	[tilespmem:s13+$0x0] =	vst v1  }
0x350: {  	v0 =	vld.idx.msk [tilespmem:v3+s4+$0x0], $0xffff  }
0x351: {  	v1 =	vor.u32 $0x2, v7  }
0x352: {  	v3 =	vld.idx.msk [tilespmem:v2+s4+$0x0], $0xffff  }
0x353: {  	v4 =	vor.u32 $0x1, v2;
	_ =	sdelay $0x1  }
0x354: {  	[tilespmem:s13+$0x80] =	vst v0  }
0x355: {  	s2 =	sor.u32 s8, s12;
	v0 =	vld.idx.msk [tilespmem:v1+s4+$0x0], $0xffff  }
0x356: {  	[tilespmem:s2+$0x0] =	vst v3;
	v1 =	vor.u32 $0x3, v7  }
0x357: {  	v3 =	vld.idx.msk [tilespmem:v4+s4+$0x0], $0xffff  }
0x358: {  	v4 =	vor.u32 $0x2, v2;
	_ =	sdelay $0x1  }
0x359: {  	[tilespmem:s13+$0x100] =	vst v0  }
0x35a: {  	v0 =	vld.idx.msk [tilespmem:v1+s4+$0x0], $0xffff  }
0x35b: {  	[tilespmem:s2+$0x80] =	vst v3;
	v1 =	vadd.s32 $0x4, v7  }
0x35c: {  	v3 =	vld.idx.msk [tilespmem:v4+s4+$0x0], $0xffff  }
0x35d: {  	v4 =	vor.u32 $0x3, v2;
	_ =	sdelay $0x1  }
0x35e: {  	[tilespmem:s13+$0x180] =	vst v0  }
0x35f: {  	v0 =	vld.idx.msk [tilespmem:v1+s4+$0x0], $0xffff  }
0x360: {  	[tilespmem:s2+$0x100] =	vst v3;
	v1 =	vadd.s32 $0x5, v7  }
0x361: {  	v3 =	vld.idx.msk [tilespmem:v4+s4+$0x0], $0xffff  }
0x362: {  	v4 =	vadd.s32 $0x4, v2;
	_ =	sdelay $0x1  }
0x363: {  	[tilespmem:s13+$0x200] =	vst v0  }
0x364: {  	v0 =	vld.idx.msk [tilespmem:v1+s4+$0x0], $0xffff  }
0x365: {  	[tilespmem:s2+$0x180] =	vst v3;
	v1 =	vadd.s32 $0x6, v7  }
0x366: {  	v3 =	vld.idx.msk [tilespmem:v4+s4+$0x0], $0xffff  }
0x367: {  	v4 =	vadd.s32 $0x5, v2;
	_ =	sdelay $0x1  }
0x368: {  	s14 =	simm.s32 $0x20;
	[tilespmem:s13+$0x280] =	vst v0  }
0x369: {  	s25 =	sand.u32 $0x60, s14;
	s1 =	sand.u32 $0x3, s10;
	v0 =	vld.idx.msk [tilespmem:v1+s4+$0x0], $0xffff  }
0x36a: {  	s26 =	sor.u32 $0x10, s25;
	s3 =	sand.u32 $0x780, s14;
	s1 =	sshll.u32 s1, $0x5;
	[tilespmem:s2+$0x200] =	vst v3;
	v1 =	vadd.s32 $0x7, v7  }
0x36b: {  	s3 =	sor.u32 s26, s3;
	s1 =	sadd.s32 $0x0, s1;
	v3 =	vld.idx.msk [tilespmem:v4+s4+$0x0], $0xffff  }
0x36c: {  	s15 =	sadd.s32 $0x10, s1;
	v4 =	vld [tilespmem:s3+$0x1800]  }
0x36d: {  	s5 =	sor.u32 $0x300, s15;
	v5 =	vadd.s32 $0x6, v2  }
0x36e: {  	[tilespmem:s5+$0x2600] =	vst v0  }
0x36f: {  	v1 =	vld.idx.msk [tilespmem:v1+s4+$0x0], $0xffff  }
0x370: {  	s16 =	simm.s32 $0x1820;
	v6 =	vadd.s32 $0x8, v7  }
0x371: {  	v8 =	vld [tilespmem:s16+$0x0];
	[tilespmem:s2+$0x280] =	vst v3;
	v0 =	vmul.u32 $0x1C, v4  }
0x372: {  	v3 =	vld.idx.msk [tilespmem:v5+s4+$0x0], $0xffff  }
0x373: {  	s17 =	sor.u32 $0x380, s15;
	v4 =	vadd.s32 $0x7, v2  }
0x374: {  	[tilespmem:s17+$0x2600] =	vst v1  }
0x375: {  	v5 =	vld.idx.msk [tilespmem:v6+s4+$0x0], $0xffff  }
0x376: {  	s18 =	sor.u32 $0x300, s1;
	v1 =	vmul.u32 $0x1C, v8;
	v6 =	vadd.s32 $0x9, v7  }
0x377: {  	[tilespmem:s18+$0x2600] =	vst v3;
	v3 =	vld.idx.msk [tilespmem:v0+s4+$0x0], $0xffff  }
0x378: {  	s20 =	simm.s32 $0x100;
	s19 =	sadd.s32 $0x5E00, s29;
	v8 =	vor.u32 $0x1, v0;
	v4 =	vld.idx.msk [tilespmem:v4+s4+$0x0], $0xffff  }
0x379: {  	s28 =	sand.u32 $0x3C00, s20;
	s21 =	sor.u32 s11, s19;
	v9 =	vadd.s32 $0x8, v2  }
0x37a: {  	s22 =	sadd.s32 $0x2600, s28;
	[tilespmem:s21+$0x0] =	vst v5  }
0x37b: {  	s23 =	sor.u32 s26, s22;
	v5 =	vld.idx.msk [tilespmem:v6+s4+$0x0], $0xffff  }
0x37c: {  	s1 =	sor.u32 $0x380, s1;
	[tilespmem:s23+$0x0] =	vst v3;
	v3 =	vadd.s32 $0xA, v7;
	v6 =	vld.idx.msk [tilespmem:v1+s4+$0x0], $0xffff  }
0x37d: {  	[tilespmem:s1+$0x2600] =	vst v4;
	v4 =	vor.u32 $0x1, v1;
	v8 =	vld.idx.msk [tilespmem:v8+s4+$0x0], $0xffff  }
0x37e: {  	s6 =	sadd.s32 $0x5E80, s29;
	v10 =	vor.u32 $0x2, v0;
	v9 =	vld.idx.msk [tilespmem:v9+s4+$0x0], $0xffff  }
0x37f: {  	s7 =	sor.u32 s11, s6;
	v11 =	vadd.s32 $0x9, v2  }
0x380: {  	s1 =	sor.u32 s25, s22;
	[tilespmem:s7+$0x0] =	vst v5  }
0x381: {  	[tilespmem:s1+$0x0] =	vst v6;
	v3 =	vld.idx.msk [tilespmem:v3+s4+$0x0], $0xffff  }
0x382: {  	s2 =	sor.u32 s8, s19;
	[tilespmem:s23+$0x80] =	vst v8;
	v5 =	vadd.s32 $0xB, v7;
	v4 =	vld.idx.msk [tilespmem:v4+s4+$0x0], $0xffff  }
0x383: {  	[tilespmem:s2+$0x0] =	vst v9;
	v6 =	vor.u32 $0x2, v1;
	v8 =	vld.idx.msk [tilespmem:v10+s4+$0x0], $0xffff  }
0x384: {  	s24 =	sadd.s32 $0x5F00, s29;
	v10 =	vor.u32 $0x3, v0;
	v9 =	vld.idx.msk [tilespmem:v11+s4+$0x0], $0xffff  }
0x385: {  	s7 =	sor.u32 s11, s24;
	v11 =	vadd.s32 $0xA, v2  }
0x386: {  	[tilespmem:s7+$0x0] =	vst v3  }
0x387: {  	[tilespmem:s1+$0x80] =	vst v4;
	v3 =	vld.idx.msk [tilespmem:v5+s4+$0x0], $0xffff  }
0x388: {  	s9 =	sor.u32 s8, s6;
	[tilespmem:s23+$0x100] =	vst v8;
	v4 =	vld.idx.msk [tilespmem:v6+s4+$0x0], $0xffff;
	v5 =	vadd.s32 $0xC, v7  }
0x389: {  	[tilespmem:s9+$0x0] =	vst v9;
	v8 =	vld.idx.msk [tilespmem:v10+s4+$0x0], $0xffff;
	v6 =	vor.u32 $0x3, v1  }
0x38a: {  	s10 =	sadd.s32 $0x5F80, s29;
	v10 =	vadd.s32 $0x4, v0;
	v9 =	vld.idx.msk [tilespmem:v11+s4+$0x0], $0xffff  }
0x38b: {  	s12 =	sor.u32 s11, s10;
	v11 =	vadd.s32 $0xB, v2  }
0x38c: {  	[tilespmem:s12+$0x0] =	vst v3  }
0x38d: {  	[tilespmem:s1+$0x100] =	vst v4;
	v3 =	vld.idx.msk [tilespmem:v5+s4+$0x0], $0xffff  }
0x38e: {  	s2 =	sor.u32 s8, s24;
	[tilespmem:s23+$0x180] =	vst v8;
	v4 =	vld.idx.msk [tilespmem:v6+s4+$0x0], $0xffff;
	v5 =	vadd.s32 $0xD, v7  }
0x38f: {  	[tilespmem:s2+$0x0] =	vst v9;
	v8 =	vld.idx.msk [tilespmem:v10+s4+$0x0], $0xffff;
	v6 =	vadd.s32 $0x4, v1  }
0x390: {  	s13 =	sadd.s32 $0x6000, s29;
	v10 =	vadd.s32 $0x5, v0;
	v9 =	vld.idx.msk [tilespmem:v11+s4+$0x0], $0xffff  }
0x391: {  	s14 =	sor.u32 s11, s13;
	v11 =	vadd.s32 $0xC, v2  }
0x392: {  	[tilespmem:s14+$0x0] =	vst v3  }
0x393: {  	[tilespmem:s1+$0x180] =	vst v4;
	v3 =	vld.idx.msk [tilespmem:v5+s4+$0x0], $0xffff  }
0x394: {  	s5 =	sor.u32 s8, s10;
	[tilespmem:s23+$0x200] =	vst v8;
	v4 =	vld.idx.msk [tilespmem:v6+s4+$0x0], $0xffff;
	v5 =	vadd.s32 $0xE, v7  }
0x395: {  	[tilespmem:s5+$0x0] =	vst v9;
	v8 =	vld.idx.msk [tilespmem:v10+s4+$0x0], $0xffff;
	v6 =	vadd.s32 $0x5, v1  }
0x396: {  	s15 =	sadd.s32 $0x6080, s29;
	v10 =	vadd.s32 $0x6, v0;
	v9 =	vld.idx.msk [tilespmem:v11+s4+$0x0], $0xffff  }
0x397: {  	s16 =	sor.u32 s11, s15;
	v11 =	vadd.s32 $0xD, v2  }
0x398: {  	[tilespmem:s16+$0x0] =	vst v3  }
0x399: {  	s19 =	simm.s32 $0x40;
	[tilespmem:s1+$0x200] =	vst v4;
	v3 =	vld.idx.msk [tilespmem:v5+s4+$0x0], $0xffff  }
0x39a: {  	s18 =	simm.s32 $0x1;
	s9 =	sand.u32 $0x60, s19;
	s2 =	sor.u32 s8, s13;
	[tilespmem:s23+$0x280] =	vst v8;
	v4 =	vld.idx.msk [tilespmem:v6+s4+$0x0], $0xffff;
	v5 =	vadd.s32 $0xF, v7  }
0x39b: {  	s20 =	sand.u32 $0x3, s18;
	s21 =	sand.u32 $0x780, s19;
	s12 =	sor.u32 $0x10, s9;
	[tilespmem:s2+$0x0] =	vst v9;
	v8 =	vld.idx.msk [tilespmem:v10+s4+$0x0], $0xffff;
	v6 =	vadd.s32 $0x6, v1  }
0x39c: {  	s22 =	sadd.s32 $0x6100, s29;
	s3 =	sor.u32 s12, s21;
	s2 =	sshll.u32 s20, $0x5;
	v10 =	vadd.s32 $0x7, v0;
	v9 =	vld.idx.msk [tilespmem:v11+s4+$0x0], $0xffff  }
0x39d: {  	v12 =	vadd.s32 $0xE, v2;
	s17 =	simm.s32 $0x1840;
	v13 =	vld [tilespmem:s3+$0x1800];
	s23 =	sor.u32 s11, s22;
	s2 =	sadd.s32 $0x100, s2  }
0x39e: {  	v11 =	vld [tilespmem:s17+$0x0];
	s24 =	sadd.s32 $0x10, s2;
	[tilespmem:s23+$0x0] =	vst v3  }
0x39f: {  	s6 =	sor.u32 $0x300, s24;
	[tilespmem:s1+$0x280] =	vst v4;
	v5 =	vld.idx.msk [tilespmem:v5+s4+$0x0], $0xffff  }
0x3a0: {  	s5 =	sor.u32 s8, s15;
	[tilespmem:s6+$0x2600] =	vst v8;
	v8 =	vadd.s32 $0x10, v7;
	v6 =	vld.idx.msk [tilespmem:v6+s4+$0x0], $0xffff  }
0x3a1: {  	[tilespmem:s5+$0x0] =	vst v9;
	v9 =	vadd.s32 $0x7, v1;
	v10 =	vld.idx.msk [tilespmem:v10+s4+$0x0], $0xffff  }
0x3a2: {  	s10 =	sadd.s32 $0x6180, s29;
	v14 =	vadd.s32 $0x8, v0;
	v12 =	vld.idx.msk [tilespmem:v12+s4+$0x0], $0xffff  }
0x3a3: {  	v15 =	vadd.s32 $0xF, v2;
	s13 =	sor.u32 s11, s10;
	v4 =	vmul.u32 $0x1C, v13  }
0x3a4: {  	s14 =	sor.u32 $0x300, s2;
	v3 =	vmul.u32 $0x1C, v11;
	[tilespmem:s13+$0x0] =	vst v5  }
0x3a5: {  	s3 =	sor.u32 $0x380, s24;
	[tilespmem:s14+$0x2600] =	vst v6;
	v5 =	vld.idx.msk [tilespmem:v8+s4+$0x0], $0xffff  }
0x3a6: {  	s15 =	sor.u32 s8, s22;
	[tilespmem:s3+$0x2600] =	vst v10;
	v6 =	vld.idx.msk [tilespmem:v9+s4+$0x0], $0xffff;
	v8 =	vadd.s32 $0x11, v7  }
0x3a7: {  	[tilespmem:s15+$0x0] =	vst v12;
	v10 =	vld.idx.msk [tilespmem:v14+s4+$0x0], $0xffff;
	v9 =	vadd.s32 $0x8, v1  }
0x3a8: {  	s16 =	sadd.s32 $0x9600, s29;
	v12 =	vadd.s32 $0x9, v0;
	v11 =	vld.idx.msk [tilespmem:v15+s4+$0x0], $0xffff  }
0x3a9: {  	s17 =	sor.u32 s11, s16;
	v13 =	vadd.s32 $0x10, v2;
	v14 =	vld.idx.msk [tilespmem:v4+s4+$0x0], $0xffff  }
0x3aa: {  	s18 =	sadd.s32 $0x5E00, s28;
	s19 =	simm.s32 $0x200;
	s2 =	sor.u32 $0x380, s2;
	v16 =	vor.u32 $0x1, v4;
	v15 =	vld.idx.msk [tilespmem:v3+s4+$0x0], $0xffff;
	[tilespmem:s17+$0x0] =	vst v5  }
0x3ab: {  	s20 =	sor.u32 s26, s18;
	s13 =	sand.u32 $0x3C00, s19;
	[tilespmem:s2+$0x2600] =	vst v6;
	v6 =	vor.u32 $0x1, v3;
	v5 =	vld.idx.msk [tilespmem:v8+s4+$0x0], $0xffff  }
0x3ac: {  	s1 =	sor.u32 s8, s10;
	s7 =	sadd.s32 $0x2600, s13;
	[tilespmem:s20+$0x0] =	vst v10;
	v8 =	vld.idx.msk [tilespmem:v9+s4+$0x0], $0xffff;
	v9 =	vadd.s32 $0x12, v7  }
0x3ad: {  	s3 =	sor.u32 s12, s7;
	[tilespmem:s1+$0x0] =	vst v11;
	v10 =	vld.idx.msk [tilespmem:v12+s4+$0x0], $0xffff;
	v11 =	vadd.s32 $0x9, v1  }
0x3ae: {  	s21 =	sadd.s32 $0x9680, s29;
	[tilespmem:s3+$0x0] =	vst v14;
	s1 =	sor.u32 s9, s7;
	v12 =	vld.idx.msk [tilespmem:v13+s4+$0x0], $0xffff;
	v13 =	vadd.s32 $0xA, v0  }
0x3af: {  	s22 =	sor.u32 s11, s21;
	v14 =	vld.idx.msk [tilespmem:v16+s4+$0x0], $0xffff;
	[tilespmem:s1+$0x0] =	vst v15;
	v15 =	vadd.s32 $0x11, v2  }
0x3b0: {  	s6 =	sor.u32 s25, s18;
	s10 =	sadd.s32 $0x5E80, s28;
	v16 =	vor.u32 $0x2, v4;
	v6 =	vld.idx.msk [tilespmem:v6+s4+$0x0], $0xffff;
	[tilespmem:s22+$0x0] =	vst v5  }
0x3b1: {  	s23 =	sor.u32 s26, s10;
	[tilespmem:s6+$0x0] =	vst v8;
	v5 =	vld.idx.msk [tilespmem:v9+s4+$0x0], $0xffff  }
0x3b2: {  	s5 =	sor.u32 s8, s16;
	[tilespmem:s23+$0x0] =	vst v10;
	v8 =	vor.u32 $0x2, v3;
	v9 =	vld.idx.msk [tilespmem:v11+s4+$0x0], $0xffff  }
0x3b3: {  	v10 =	vadd.s32 $0x13, v7;
	[tilespmem:s5+$0x0] =	vst v12;
	v11 =	vld.idx.msk [tilespmem:v13+s4+$0x0], $0xffff  }
0x3b4: {  	s24 =	sadd.s32 $0x9700, s29;
	[tilespmem:s3+$0x80] =	vst v14;
	v12 =	vadd.s32 $0xA, v1;
	v13 =	vld.idx.msk [tilespmem:v15+s4+$0x0], $0xffff  }
0x3b5: {  	s14 =	sor.u32 s11, s24;
	v14 =	vadd.s32 $0xB, v0;
	v15 =	vld.idx.msk [tilespmem:v16+s4+$0x0], $0xffff;
	[tilespmem:s1+$0x80] =	vst v6  }
0x3b6: {  	s16 =	sadd.s32 $0x5F00, s28;
	s15 =	sor.u32 s25, s10;
	v16 =	vor.u32 $0x3, v4;
	[tilespmem:s14+$0x0] =	vst v5  }
0x3b7: {  	s17 =	sor.u32 s26, s16;
	v6 =	vadd.s32 $0x12, v2;
	v8 =	vld.idx.msk [tilespmem:v8+s4+$0x0], $0xffff;
	[tilespmem:s15+$0x0] =	vst v9  }
0x3b8: {  	s2 =	sor.u32 s8, s21;
	v9 =	vor.u32 $0x3, v3;
	[tilespmem:s17+$0x0] =	vst v11;
	v5 =	vld.idx.msk [tilespmem:v10+s4+$0x0], $0xffff  }
0x3b9: {  	[tilespmem:s2+$0x0] =	vst v13;
	v10 =	vld.idx.msk [tilespmem:v12+s4+$0x0], $0xffff;
	v12 =	vadd.s32 $0x14, v7  }
0x3ba: {  	[tilespmem:s3+$0x100] =	vst v15;
	v13 =	vadd.s32 $0xB, v1;
	v11 =	vld.idx.msk [tilespmem:v14+s4+$0x0], $0xffff  }
0x3bb: {  	s19 =	sadd.s32 $0x9780, s29;
	v15 =	vadd.s32 $0xC, v0;
	v14 =	vld.idx.msk [tilespmem:v16+s4+$0x0], $0xffff  }
0x3bc: {  	v17 =	vadd.s32 $0x4, v4;
	s20 =	sor.u32 s11, s19;
	v6 =	vld.idx.msk [tilespmem:v6+s4+$0x0], $0xffff;
	[tilespmem:s1+$0x100] =	vst v8  }
0x3bd: {  	s21 =	sor.u32 s25, s16;
	s22 =	sadd.s32 $0x5F80, s28;
	v8 =	vadd.s32 $0x13, v2;
	v9 =	vld.idx.msk [tilespmem:v9+s4+$0x0], $0xffff;
	[tilespmem:s20+$0x0] =	vst v5  }
0x3be: {  	s23 =	sor.u32 s26, s22;
	[tilespmem:s21+$0x0] =	vst v10;
	v5 =	vld.idx.msk [tilespmem:v12+s4+$0x0], $0xffff  }
0x3bf: {  	v10 =	vadd.s32 $0x4, v3;
	[tilespmem:s23+$0x0] =	vst v11;
	v12 =	vld.idx.msk [tilespmem:v13+s4+$0x0], $0xffff  }
0x3c0: {  	s5 =	sor.u32 s8, s24;
	v11 =	vadd.s32 $0x15, v7;
	[tilespmem:s3+$0x180] =	vst v14;
	v13 =	vld.idx.msk [tilespmem:v15+s4+$0x0], $0xffff  }
0x3c1: {  	s24 =	sadd.s32 $0x9800, s29;
	v15 =	vld.idx.msk [tilespmem:v17+s4+$0x0], $0xffff;
	[tilespmem:s5+$0x0] =	vst v6;
	v6 =	vadd.s32 $0xC, v1  }
0x3c2: {  	s18 =	simm.s32 $0x1860;
	s7 =	sor.u32 s11, s24;
	v14 =	vadd.s32 $0xD, v0;
	v8 =	vld.idx.msk [tilespmem:v8+s4+$0x0], $0xffff;
	[tilespmem:s1+$0x180] =	vst v9  }
0x3c3: {  	s10 =	sor.u32 s25, s22;
	s14 =	sadd.s32 $0x6000, s28;
	v16 =	vld [tilespmem:s18+$0x0];
	v17 =	vadd.s32 $0x5, v4;
	[tilespmem:s7+$0x0] =	vst v5  }
0x3c4: {  	s15 =	sor.u32 s26, s14;
	v9 =	vadd.s32 $0x14, v2;
	v10 =	vld.idx.msk [tilespmem:v10+s4+$0x0], $0xffff;
	[tilespmem:s10+$0x0] =	vst v12  }
0x3c5: {  	[tilespmem:s15+$0x0] =	vst v13;
	v5 =	vld.idx.msk [tilespmem:v11+s4+$0x0], $0xffff;
	v11 =	vadd.s32 $0x5, v3  }
0x3c6: {  	s6 =	sor.u32 s8, s19;
	v12 =	vadd.s32 $0x16, v7;
	[tilespmem:s3+$0x200] =	vst v15;
	v6 =	vld.idx.msk [tilespmem:v6+s4+$0x0], $0xffff  }
0x3c7: {  	v13 =	vld.idx.msk [tilespmem:v14+s4+$0x0], $0xffff;
	[tilespmem:s6+$0x0] =	vst v8;
	v8 =	vadd.s32 $0xD, v1  }
0x3c8: {  	s5 =	sadd.s32 $0x9880, s29;
	v14 =	vadd.s32 $0xE, v0;
	v15 =	vld.idx.msk [tilespmem:v17+s4+$0x0], $0xffff  }
0x3c9: {  	s16 =	sor.u32 s11, s5;
	v17 =	vadd.s32 $0x6, v4;
	v9 =	vld.idx.msk [tilespmem:v9+s4+$0x0], $0xffff;
	[tilespmem:s1+$0x200] =	vst v10  }
0x3ca: {  	s17 =	sor.u32 s25, s14;
	s15 =	sadd.s32 $0x6080, s28;
	v10 =	vadd.s32 $0x15, v2;
	v11 =	vld.idx.msk [tilespmem:v11+s4+$0x0], $0xffff;
	[tilespmem:s16+$0x0] =	vst v5  }
0x3cb: {  	s18 =	sor.u32 s26, s15;
	[tilespmem:s17+$0x0] =	vst v6;
	v5 =	vld.idx.msk [tilespmem:v12+s4+$0x0], $0xffff  }
0x3cc: {  	s20 =	simm.s32 $0x60;
	[tilespmem:s18+$0x0] =	vst v13;
	v8 =	vld.idx.msk [tilespmem:v8+s4+$0x0], $0xffff  }
0x3cd: {  	s2 =	sor.u32 s8, s24;
	s6 =	sand.u32 $0x60, s20;
	v6 =	vadd.s32 $0x6, v3;
	[tilespmem:s3+$0x280] =	vst v15;
	v13 =	vld.idx.msk [tilespmem:v14+s4+$0x0], $0xffff  }
0x3ce: {  	s14 =	simm.s32 $0x2;
	s21 =	sand.u32 $0x780, s20;
	s10 =	sor.u32 $0x10, s6;
	v12 =	vadd.s32 $0x17, v7;
	v14 =	vld.idx.msk [tilespmem:v17+s4+$0x0], $0xffff;
	[tilespmem:s2+$0x0] =	vst v9  }
0x3cf: {  	s19 =	sand.u32 $0x3, s14;
	s23 =	sor.u32 s10, s21;
	s3 =	sadd.s32 $0x9900, s29;
	v9 =	vld.idx.msk [tilespmem:v10+s4+$0x0], $0xffff;
	v10 =	vadd.s32 $0xF, v0  }
0x3d0: {  	s16 =	sadd.s32 $0x6100, s28;
	s22 =	sor.u32 s11, s3;
	v17 =	vadd.s32 $0x7, v4;
	s2 =	sshll.u32 s19, $0x5;
	[tilespmem:s1+$0x280] =	vst v11  }
0x3d1: {  	v18 =	vld [tilespmem:s23+$0x1800];
	s24 =	sor.u32 s26, s16;
	s2 =	sadd.s32 $0x200, s2;
	v11 =	vadd.s32 $0xE, v1;
	[tilespmem:s22+$0x0] =	vst v5  }
0x3d2: {  	s15 =	sor.u32 s25, s15;
	s17 =	sadd.s32 $0x10, s2;
	v15 =	vld.idx.msk [tilespmem:v6+s4+$0x0], $0xffff;
	v5 =	vadd.s32 $0x16, v2;
	[tilespmem:s24+$0x0] =	vst v13  }
0x3d3: {  	v19 =	vadd.s32 $0x7, v3;
	s18 =	sor.u32 $0x300, s17;
	[tilespmem:s15+$0x0] =	vst v8;
	v6 =	vmul.u32 $0x1C, v16;
	v12 =	vld.idx.msk [tilespmem:v12+s4+$0x0], $0xffff  }
0x3d4: {  	s5 =	sor.u32 s8, s5;
	[tilespmem:s18+$0x2600] =	vst v14;
	v8 =	vld.idx.msk [tilespmem:v10+s4+$0x0], $0xffff  }
0x3d5: {  	v10 =	vadd.s32 $0x18, v7;
	[tilespmem:s5+$0x0] =	vst v9;
	v9 =	vld.idx.msk [tilespmem:v17+s4+$0x0], $0xffff  }
0x3d6: {  	s19 =	sor.u32 $0x300, s2;
	v13 =	vadd.s32 $0x10, v0;
	v11 =	vld.idx.msk [tilespmem:v11+s4+$0x0], $0xffff  }
0x3d7: {  	v14 =	vadd.s32 $0xF, v1;
	s5 =	sadd.s32 $0x9980, s29;
	[tilespmem:s19+$0x2600] =	vst v15;
	v15 =	vld.idx.msk [tilespmem:v5+s4+$0x0], $0xffff  }
0x3d8: {  	s22 =	sadd.s32 $0x6180, s28;
	v17 =	vadd.s32 $0x8, v4;
	s21 =	sor.u32 s11, s5;
	v16 =	vld.idx.msk [tilespmem:v19+s4+$0x0], $0xffff  }
0x3d9: {  	s23 =	sor.u32 s26, s22;
	v5 =	vmul.u32 $0x1C, v18;
	[tilespmem:s21+$0x0] =	vst v12;
	v12 =	vadd.s32 $0x17, v2;
	v18 =	vld.idx.msk [tilespmem:v6+s4+$0x0], $0xffff  }
0x3da: {  	s16 =	sor.u32 s25, s16;
	v10 =	vld.idx.msk [tilespmem:v10+s4+$0x0], $0xffff;
	[tilespmem:s23+$0x0] =	vst v8  }
0x3db: {  	s1 =	sor.u32 $0x380, s17;
	v8 =	vld.idx.msk [tilespmem:v13+s4+$0x0], $0xffff;
	v13 =	vadd.s32 $0x8, v3;
	[tilespmem:s16+$0x0] =	vst v11  }
0x3dc: {  	s3 =	sor.u32 s8, s3;
	[tilespmem:s1+$0x2600] =	vst v9;
	v11 =	vadd.s32 $0x19, v7;
	v9 =	vld.idx.msk [tilespmem:v14+s4+$0x0], $0xffff  }
0x3dd: {  	v14 =	vld.idx.msk [tilespmem:v17+s4+$0x0], $0xffff;
	v17 =	vadd.s32 $0x11, v0;
	[tilespmem:s3+$0x0] =	vst v15  }
0x3de: {  	s2 =	sor.u32 $0x380, s2;
	s1 =	sadd.s32 $0xCE00, s29;
	v15 =	vadd.s32 $0x10, v1;
	v12 =	vld.idx.msk [tilespmem:v12+s4+$0x0], $0xffff  }
0x3df: {  	v20 =	vadd.s32 $0x9, v4;
	s24 =	sor.u32 s11, s1;
	s16 =	sadd.s32 $0x9600, s28;
	v19 =	vld.idx.msk [tilespmem:v5+s4+$0x0], $0xffff;
	[tilespmem:s2+$0x2600] =	vst v16  }
0x3e0: {  	s7 =	sor.u32 s26, s16;
	[tilespmem:s24+$0x0] =	vst v10;
	v10 =	vadd.s32 $0x18, v2;
	v13 =	vld.idx.msk [tilespmem:v13+s4+$0x0], $0xffff  }
0x3e1: {  	s18 =	sadd.s32 $0x5E00, s13;
	s17 =	sor.u32 s25, s22;
	s19 =	simm.s32 $0x300;
	v16 =	vor.u32 $0x1, v5;
	[tilespmem:s7+$0x0] =	vst v8;
	v11 =	vld.idx.msk [tilespmem:v11+s4+$0x0], $0xffff  }
0x3e2: {  	v21 =	vor.u32 $0x1, v6;
	s21 =	sor.u32 s12, s18;
	s7 =	sand.u32 $0x3C00, s19;
	[tilespmem:s17+$0x0] =	vst v9;
	v9 =	vld.idx.msk [tilespmem:v17+s4+$0x0], $0xffff  }
0x3e3: {  	s22 =	sor.u32 s8, s5;
	v17 =	vadd.s32 $0x1A, v7;
	s17 =	sadd.s32 $0x2600, s7;
	[tilespmem:s21+$0x0] =	vst v14;
	v14 =	vld.idx.msk [tilespmem:v15+s4+$0x0], $0xffff  }
0x3e4: {  	s5 =	sor.u32 s10, s17;
	v15 =	vld.idx.msk [tilespmem:v20+s4+$0x0], $0xffff;
	v20 =	vadd.s32 $0x12, v0;
	[tilespmem:s22+$0x0] =	vst v12  }
0x3e5: {  	s2 =	sadd.s32 $0xCE80, s29;
	v12 =	vadd.s32 $0x9, v3;
	s22 =	sor.u32 s6, s17;
	[tilespmem:s5+$0x0] =	vst v19;
	v8 =	vld.idx.msk [tilespmem:v10+s4+$0x0], $0xffff  }
0x3e6: {  	s23 =	sor.u32 s11, s2;
	s17 =	sadd.s32 $0x9680, s28;
	[tilespmem:s22+$0x0] =	vst v18;
	v10 =	vld.idx.msk [tilespmem:v16+s4+$0x0], $0xffff;
	v16 =	vadd.s32 $0xA, v4  }
0x3e7: {  	s24 =	sor.u32 s26, s17;
	v18 =	vld.idx.msk [tilespmem:v21+s4+$0x0], $0xffff;
	[tilespmem:s23+$0x0] =	vst v11;
	v11 =	vadd.s32 $0x11, v1  }
0x3e8: {  	s15 =	sor.u32 s9, s18;
	s18 =	sadd.s32 $0x5E80, s13;
	v19 =	vor.u32 $0x2, v5;
	v17 =	vld.idx.msk [tilespmem:v17+s4+$0x0], $0xffff;
	[tilespmem:s24+$0x0] =	vst v9  }
0x3e9: {  	[tilespmem:s15+$0x0] =	vst v13;
	s15 =	sor.u32 s12, s18;
	v13 =	vor.u32 $0x2, v6;
	v9 =	vld.idx.msk [tilespmem:v20+s4+$0x0], $0xffff  }
0x3ea: {  	s16 =	sor.u32 s25, s16;
	v7 =	vadd.s32 $0x1B, v7;
	v12 =	vld.idx.msk [tilespmem:v12+s4+$0x0], $0xffff;
	[tilespmem:s15+$0x0] =	vst v15  }
0x3eb: {  	[tilespmem:s16+$0x0] =	vst v14;
	v14 =	vadd.s32 $0x13, v0;
	v15 =	vld.idx.msk [tilespmem:v16+s4+$0x0], $0xffff  }
0x3ec: {  	s3 =	sadd.s32 $0xCF00, s29;
	v20 =	vadd.s32 $0xA, v3;
	[tilespmem:s5+$0x80] =	vst v10;
	v11 =	vld.idx.msk [tilespmem:v11+s4+$0x0], $0xffff  }
0x3ed: {  	v63 =	vadd.s32 $0xB, v4;
	s21 =	sor.u32 s11, s3;
	s16 =	sadd.s32 $0x9700, s28;
	[tilespmem:s22+$0x80] =	vst v18;
	v19 =	vld.idx.msk [tilespmem:v19+s4+$0x0], $0xffff  }
0x3ee: {  	s23 =	sor.u32 s26, s16;
	v16 =	vld.idx.msk [tilespmem:v13+s4+$0x0], $0xffff;
	[tilespmem:s21+$0x0] =	vst v17;
	v17 =	vadd.s32 $0x12, v1  }
0x3ef: {  	v23 =	vor.u32 $0x3, v5;
	s18 =	sor.u32 s9, s18;
	s15 =	sadd.s32 $0x5F00, s13;
	v22 =	vld.idx.msk [tilespmem:v7+s4+$0x0], $0xffff;
	[tilespmem:s23+$0x0] =	vst v9  }
0x3f0: {  	s24 =	sor.u32 s12, s15;
	[tilespmem:s18+$0x0] =	vst v12;
	v10 =	vld.idx.msk [tilespmem:v14+s4+$0x0], $0xffff  }
0x3f1: {  	v18 =	vor.u32 $0x3, v6;
	s21 =	sor.u32 s25, s17;
	s23 =	sor.u32 s8, s1;
	v13 =	vld.idx.msk [tilespmem:v20+s4+$0x0], $0xffff;
	[tilespmem:s24+$0x0] =	vst v15  }
0x3f2: {  	s18 =	sor.u32 s8, s3;
	s1 =	sor.u32 s25, s16;
	v9 =	vadd.s32 $0x14, v0;
	s24 =	sadd.s32 $0xCF80, s29;
	[tilespmem:s21+$0x0] =	vst v11;
	v12 =	vld.idx.msk [tilespmem:v63+s4+$0x0], $0xffff  }
0x3f3: {  	s16 =	sor.u32 s9, s15;
	s3 =	sadd.s32 $0x9780, s28;
	v15 =	vadd.s32 $0xB, v3;
	[tilespmem:s5+$0x100] =	vst v19;
	s29 =	sor.u32 s11, s24;
	v7 =	vld.idx.msk [tilespmem:v17+s4+$0x0], $0xffff  }
0x3f4: {  	v14 =	vadd.s32 $0xC, v4;
	s21 =	sor.u32 s8, s2;
	s8 =	sor.u32 s8, s24;
	s11 =	simm.s32 $0x1880;
	v17 =	vld.idx.msk [tilespmem:v23+s4+$0x0], $0xffff;
	[tilespmem:s29+$0x0] =	vst v22  }
.LBB2_10:
0x3f5: {  	v11 =	vld [tilespmem:s11+$0x0];
	[tilespmem:s22+$0x100] =	vst v16;
	v16 =	vadd.s32 $0x13, v1;
	s2 =	sor.u32 s25, s3;
	s3 =	sor.u32 s26, s3;
	s29 =	smov.u32 s6  }
0x3f6: {  	v19 =	vadd.s32 $0x4, v5;
	s6 =	sadd.s32 $0x5F80, s13;
	s24 =	smov.u32 s26;
	s26 =	smov.u32 s12;
	v18 =	vld.idx.msk [tilespmem:v18+s4+$0x0], $0xffff;
	[tilespmem:s3+$0x0] =	vst v10  }
0x3f7: {  	s12 =	smov.u32 s10;
	s15 =	sor.u32 s9, s6;
	s3 =	sor.u32 s26, s6;
	v10 =	vadd.s32 $0x19, v2;
	[tilespmem:s16+$0x0] =	vst v13;
	v9 =	vld.idx.msk [tilespmem:v9+s4+$0x0], $0xffff  }
0x3f8: {  	v13 =	vadd.s32 $0x4, v6;
	v15 =	vld.idx.msk [tilespmem:v15+s4+$0x0], $0xffff;
	[tilespmem:s3+$0x0] =	vst v12;
	s3 =	smov.u32 s7  }
0x3f9: {  	v12 =	vld.idx.msk [tilespmem:v14+s4+$0x0], $0xffff;
	[tilespmem:s1+$0x0] =	vst v7;
	v7 =	vadd.s32 $0x15, v0  }
0x3fa: {  	v14 =	vadd.s32 $0xC, v3;
	[tilespmem:s5+$0x180] =	vst v17;
	v16 =	vld.idx.msk [tilespmem:v16+s4+$0x0], $0xffff  }
0x3fb: {  	s1 =	sadd.s32 $0x9800, s28;
	v17 =	vld.idx.msk [tilespmem:v19+s4+$0x0], $0xffff;
	v19 =	vadd.s32 $0xD, v4;
	[tilespmem:s23+$0x0] =	vst v8  }
0x3fc: {  	s6 =	sor.u32 s25, s1;
	s1 =	sor.u32 s24, s1;
	v8 =	vadd.s32 $0x14, v1;
	[tilespmem:s22+$0x180] =	vst v18;
	v10 =	vld.idx.msk [tilespmem:v10+s4+$0x0], $0xffff  }
0x3fd: {  	s7 =	sadd.s32 $0x6000, s13;
	v18 =	vadd.s32 $0x5, v5;
	v13 =	vld.idx.msk [tilespmem:v13+s4+$0x0], $0xffff;
	[tilespmem:s1+$0x0] =	vst v9  }
0x3fe: {  	s10 =	sor.u32 s9, s7;
	s1 =	sor.u32 s26, s7;
	v9 =	vadd.s32 $0x1A, v2;
	[tilespmem:s15+$0x0] =	vst v15;
	v7 =	vld.idx.msk [tilespmem:v7+s4+$0x0], $0xffff  }
0x3ff: {  	v15 =	vadd.s32 $0x5, v6;
	v14 =	vld.idx.msk [tilespmem:v14+s4+$0x0], $0xffff;
	[tilespmem:s1+$0x0] =	vst v12  }
0x400: {  	v12 =	vld.idx.msk [tilespmem:v19+s4+$0x0], $0xffff;
	[tilespmem:s2+$0x0] =	vst v16;
	v16 =	vadd.s32 $0x16, v0  }
0x401: {  	[tilespmem:s5+$0x200] =	vst v17;
	v17 =	vadd.s32 $0xD, v3;
	v8 =	vld.idx.msk [tilespmem:v8+s4+$0x0], $0xffff  }
0x402: {  	v19 =	vadd.s32 $0xE, v4;
	s2 =	sadd.s32 $0x9880, s28;
	v18 =	vld.idx.msk [tilespmem:v18+s4+$0x0], $0xffff;
	[tilespmem:s21+$0x0] =	vst v10  }
0x403: {  	s1 =	sor.u32 s25, s2;
	s2 =	sor.u32 s24, s2;
	v10 =	vadd.s32 $0x15, v1;
	[tilespmem:s22+$0x200] =	vst v13;
	v9 =	vld.idx.msk [tilespmem:v9+s4+$0x0], $0xffff  }
0x404: {  	s7 =	sadd.s32 $0x6080, s13;
	v13 =	vld.idx.msk [tilespmem:v15+s4+$0x0], $0xffff;
	v15 =	vadd.s32 $0x6, v5;
	[tilespmem:s2+$0x0] =	vst v7  }
0x405: {  	s2 =	sor.u32 s9, s7;
	s7 =	sor.u32 s26, s7;
	[tilespmem:s10+$0x0] =	vst v14;
	v7 =	vld.idx.msk [tilespmem:v16+s4+$0x0], $0xffff;
	v14 =	vadd.s32 $0x1B, v2;
	v2 =	vmovc v1;
	v1 =	vmov v3;
	v3 =	vmov v6  }
0x406: {  	v6 =	vadd.s32 $0x6, v3;
	v16 =	vld.idx.msk [tilespmem:v17+s4+$0x0], $0xffff;
	[tilespmem:s7+$0x0] =	vst v12  }
0x407: {  	v12 =	vld.idx.msk [tilespmem:v19+s4+$0x0], $0xffff;
	[tilespmem:s6+$0x0] =	vst v8;
	v8 =	vadd.s32 $0x17, v0  }
0x408: {  	s14 =	sadd.s32 $0x1, s14;
	[tilespmem:s5+$0x280] =	vst v18;
	v10 =	vld.idx.msk [tilespmem:v10+s4+$0x0], $0xffff  }
0x409: {  	s20 =	sadd.s32 $0x20, s20;
	v17 =	vadd.s32 $0xF, v4;
	s7 =	sadd.s32 $0x9900, s28;
	s5 =	sand.u32 $0x3, s14;
	v15 =	vld.idx.msk [tilespmem:v15+s4+$0x0], $0xffff;
	[tilespmem:s18+$0x0] =	vst v9  }
0x40a: {  	s15 =	sand.u32 $0x780, s20;
	s6 =	sand.u32 $0x60, s20;
	s16 =	sor.u32 s24, s7;
	v9 =	vadd.s32 $0xE, v1;
	[tilespmem:s22+$0x280] =	vst v13;
	v13 =	vld.idx.msk [tilespmem:v14+s4+$0x0], $0xffff  }
0x40b: {  	s17 =	sadd.s32 $0x6100, s13;
	s10 =	sor.u32 $0x10, s6;
	v18 =	vadd.s32 $0x7, v5;
	s5 =	sshll.u32 s5, $0x5;
	v14 =	vld.idx.msk [tilespmem:v6+s4+$0x0], $0xffff;
	[tilespmem:s16+$0x0] =	vst v7  }
0x40c: {  	s15 =	sor.u32 s10, s15;
	s5 =	sadd.s32 s5, s19;
	v7 =	vadd.s32 $0x16, v2;
	[tilespmem:s2+$0x0] =	vst v16;
	s2 =	sor.u32 s26, s17;
	v8 =	vld.idx.msk [tilespmem:v8+s4+$0x0], $0xffff  }
0x40d: {  	v19 =	vadd.s32 $0x7, v3;
	s16 =	sor.u32 $0x380, s5;
	v16 =	vld [tilespmem:s15+$0x1800];
	s15 =	sor.u32 $0x300, s5;
	s5 =	sadd.s32 $0x10, s5;
	[tilespmem:s2+$0x0] =	vst v12  }
0x40e: {  	s7 =	sor.u32 s25, s7;
	v6 =	vmul.u32 $0x1C, v11;
	s17 =	sor.u32 s9, s17;
	s2 =	sor.u32 $0x300, s5;
	v11 =	vld.idx.msk [tilespmem:v17+s4+$0x0], $0xffff;
	[tilespmem:s1+$0x0] =	vst v10;
	v10 =	vadd.s32 $0x18, v0  }
0x40f: {  	p2 =	slt.u32 s20, $0x6E0;
	[tilespmem:s2+$0x2600] =	vst v15;
	v9 =	vld.idx.msk [tilespmem:v9+s4+$0x0], $0xffff  }
0x410: {  	v15 =	vadd.s32 $0x10, v4;
	s2 =	sadd.s32 $0x9980, s28;
	v12 =	vld.idx.msk [tilespmem:v18+s4+$0x0], $0xffff;
	[tilespmem:s8+$0x0] =	vst v13  }
0x411: {  	v13 =	vadd.s32 $0xF, v1;
	s1 =	sor.u32 s25, s2;
	s2 =	sor.u32 s24, s2;
	[tilespmem:s15+$0x2600] =	vst v14;
	v7 =	vld.idx.msk [tilespmem:v7+s4+$0x0], $0xffff  }
0x412: {  	v17 =	vadd.s32 $0x8, v5;
	s8 =	sadd.s32 $0x6180, s13;
	v14 =	vld.idx.msk [tilespmem:v19+s4+$0x0], $0xffff;
	[tilespmem:s2+$0x0] =	vst v8  }
0x413: {  	v16 =	vmul.u32 $0x1C, v16;
	s2 =	sor.u32 s9, s8;
	s8 =	sor.u32 s26, s8;
	v8 =	vadd.s32 $0x17, v2;
	v10 =	vld.idx.msk [tilespmem:v10+s4+$0x0], $0xffff  }
0x414: {  	v18 =	vld.idx.msk [tilespmem:v6+s4+$0x0], $0xffff;
	[tilespmem:s8+$0x0] =	vst v11  }
0x415: {  	s5 =	sor.u32 $0x380, s5;
	v11 =	vadd.s32 $0x19, v0;
	[tilespmem:s17+$0x0] =	vst v9;
	v9 =	vld.idx.msk [tilespmem:v15+s4+$0x0], $0xffff  }
0x416: {  	v15 =	vadd.s32 $0x8, v3;
	[tilespmem:s5+$0x2600] =	vst v12;
	v12 =	vld.idx.msk [tilespmem:v13+s4+$0x0], $0xffff  }
0x417: {  	s5 =	sadd.s32 $0xCE00, s28;
	v13 =	vld.idx.msk [tilespmem:v17+s4+$0x0], $0xffff;
	v17 =	vadd.s32 $0x11, v4;
	[tilespmem:s7+$0x0] =	vst v7  }
0x418: {  	v7 =	vadd.s32 $0x10, v1;
	s23 =	sor.u32 s25, s5;
	s5 =	sor.u32 s24, s5;
	[tilespmem:s16+$0x2600] =	vst v14;
	v8 =	vld.idx.msk [tilespmem:v8+s4+$0x0], $0xffff  }
0x419: {  	v19 =	vadd.s32 $0x9, v5;
	s7 =	sadd.s32 $0x9600, s13;
	v14 =	vld.idx.msk [tilespmem:v16+s4+$0x0], $0xffff;
	[tilespmem:s5+$0x0] =	vst v10  }
0x41a: {  	s8 =	sor.u32 s9, s7;
	s5 =	sor.u32 s26, s7;
	v10 =	vadd.s32 $0x18, v2;
	v11 =	vld.idx.msk [tilespmem:v11+s4+$0x0], $0xffff  }
0x41b: {  	s19 =	sadd.s32 $0x100, s19;
	s15 =	sadd.s32 $0x5E00, s3;
	v20 =	vor.u32 $0x1, v16;
	v15 =	vld.idx.msk [tilespmem:v15+s4+$0x0], $0xffff;
	[tilespmem:s5+$0x0] =	vst v9  }
0x41c: {  	s16 =	sor.u32 s29, s15;
	s7 =	sand.u32 $0x3C00, s19;
	s5 =	sor.u32 s12, s15;
	[tilespmem:s2+$0x0] =	vst v12;
	v9 =	vld.idx.msk [tilespmem:v17+s4+$0x0], $0xffff;
	v12 =	vadd.s32 $0x1A, v0  }
0x41d: {  	s2 =	sadd.s32 $0x2600, s7;
	v17 =	vor.u32 $0x1, v6;
	[tilespmem:s5+$0x0] =	vst v13;
	v7 =	vld.idx.msk [tilespmem:v7+s4+$0x0], $0xffff  }
0x41e: {  	s22 =	sor.u32 s6, s2;
	s5 =	sor.u32 s10, s2;
	v13 =	vld.idx.msk [tilespmem:v19+s4+$0x0], $0xffff;
	v19 =	vadd.s32 $0x12, v4;
	[tilespmem:s1+$0x0] =	vst v8;
	s1 =	sadd.s32 $0xCE80, s28  }
0x41f: {  	[tilespmem:s5+$0x0] =	vst v14;
	v14 =	vadd.s32 $0x9, v3;
	v8 =	vld.idx.msk [tilespmem:v10+s4+$0x0], $0xffff;
	s21 =	sor.u32 s25, s1;
	s1 =	sor.u32 s24, s1  }
0x420: {  	s2 =	sadd.s32 $0x9680, s13;
	v10 =	vld.idx.msk [tilespmem:v20+s4+$0x0], $0xffff;
	v20 =	vadd.s32 $0xA, v5;
	[tilespmem:s1+$0x0] =	vst v11  }
0x421: {  	s15 =	sor.u32 s9, s2;
	v11 =	vadd.s32 $0x11, v1;
	s1 =	sor.u32 s26, s2;
	[tilespmem:s22+$0x0] =	vst v18;
	v12 =	vld.idx.msk [tilespmem:v12+s4+$0x0], $0xffff  }
0x422: {  	s2 =	sadd.s32 $0x5E80, s3;
	v18 =	vor.u32 $0x2, v16;
	v17 =	vld.idx.msk [tilespmem:v17+s4+$0x0], $0xffff;
	[tilespmem:s1+$0x0] =	vst v9  }
0x423: {  	s1 =	sor.u32 s12, s2;
	[tilespmem:s16+$0x0] =	vst v15;
	s16 =	sor.u32 s29, s2;
	v9 =	vld.idx.msk [tilespmem:v19+s4+$0x0], $0xffff;
	v15 =	vadd.s32 $0x1B, v0;
	v0 =	vmovc v4;
	v4 =	vmov v5;
	v5 =	vmov v16  }
0x424: {  	v16 =	vor.u32 $0x2, v6;
	v14 =	vld.idx.msk [tilespmem:v14+s4+$0x0], $0xffff;
	[tilespmem:s1+$0x0] =	vst v13  }
0x425: {  	s1 =	sadd.s32 $0xCF00, s28;
	v19 =	vld.idx.msk [tilespmem:v20+s4+$0x0], $0xffff;
	[tilespmem:s8+$0x0] =	vst v7;
	v7 =	vadd.s32 $0x13, v0  }
0x426: {  	v13 =	vadd.s32 $0xA, v3;
	s18 =	sor.u32 s25, s1;
	s1 =	sor.u32 s24, s1;
	[tilespmem:s5+$0x80] =	vst v10;
	v11 =	vld.idx.msk [tilespmem:v11+s4+$0x0], $0xffff  }
0x427: {  	s2 =	sadd.s32 $0x9700, s13;
	v21 =	vadd.s32 $0xB, v4;
	v20 =	vld.idx.msk [tilespmem:v18+s4+$0x0], $0xffff;
	[tilespmem:s1+$0x0] =	vst v12  }
0x428: {  	s1 =	sor.u32 s9, s2;
	s2 =	sor.u32 s26, s2;
	[tilespmem:s22+$0x80] =	vst v17;
	v17 =	vadd.s32 $0x12, v1;
	v22 =	vld.idx.msk [tilespmem:v15+s4+$0x0], $0xffff  }
0x429: {  	v23 =	vor.u32 $0x3, v5;
	s8 =	sadd.s32 $0x5F00, s3;
	v16 =	vld.idx.msk [tilespmem:v16+s4+$0x0], $0xffff;
	[tilespmem:s2+$0x0] =	vst v9  }
.Ltmp9:
0x42a: {  	s2 =	sor.u32 s12, s8;
	[tilespmem:s16+$0x0] =	vst v14;
	s16 =	sor.u32 s29, s8;
	v10 =	vld.idx.msk [tilespmem:v7+s4+$0x0], $0xffff;
	(pc) =	sbr.rel @p2 .LBB2_10-.Ltmp9, $4  }
0x42b: {  	v18 =	vor.u32 $0x3, v6;
	v13 =	vld.idx.msk [tilespmem:v13+s4+$0x0], $0xffff;
	[tilespmem:s2+$0x0] =	vst v19  }
0x42c: {  	v9 =	vadd.s32 $0x14, v0;
	s2 =	sadd.s32 $0xCF80, s28;
	s28 =	smov.u32 s13;
	s13 =	smov.u32 s3;
	v12 =	vld.idx.msk [tilespmem:v21+s4+$0x0], $0xffff;
	[tilespmem:s15+$0x0] =	vst v11  }
0x42d: {  	v15 =	vadd.s32 $0xB, v3;
	s8 =	sor.u32 s25, s2;
	s2 =	sor.u32 s24, s2;
	s25 =	smov.u32 s9;
	[tilespmem:s5+$0x100] =	vst v20;
	v7 =	vld.idx.msk [tilespmem:v17+s4+$0x0], $0xffff  }
0x42e: {  	s11 =	sadd.s32 $0x20, s11;
	v14 =	vadd.s32 $0xC, v4;
	s3 =	sadd.s32 $0x9780, s28;
	s9 =	smov.u32 s29;
	v17 =	vld.idx.msk [tilespmem:v23+s4+$0x0], $0xffff;
	[tilespmem:s2+$0x0] =	vst v22  }
0x42f: {  	_ =	sdelay $0x2  }
0x430: {  	[tilespmem:s22+$0x100] =	vst v16  }
0x431: {  	v38 =	vadd.s32 $0x4, v5;
	v11 =	vld.idx.msk [tilespmem:v18+s4+$0x0], $0xffff  }
0x432: {  	v39 =	vadd.s32 $0x4, v6;
	_ =	sdelay $0x2  }
0x433: {  	[tilespmem:s5+$0x180] =	vst v17  }
0x434: {  	v16 =	vld.idx.msk [tilespmem:v38+s4+$0x0], $0xffff;
	[tilespmem:s22+$0x180] =	vst v11  }
0x435: {  	v40 =	vadd.s32 $0x5, v5;
	v11 =	vld.idx.msk [tilespmem:v39+s4+$0x0], $0xffff  }
0x436: {  	v41 =	vadd.s32 $0x5, v6;
	_ =	sdelay $0x2  }
0x437: {  	[tilespmem:s5+$0x200] =	vst v16  }
0x438: {  	v16 =	vld.idx.msk [tilespmem:v40+s4+$0x0], $0xffff;
	[tilespmem:s22+$0x200] =	vst v11  }
0x439: {  	v42 =	vadd.s32 $0x6, v5;
	v11 =	vld.idx.msk [tilespmem:v41+s4+$0x0], $0xffff  }
0x43a: {  	v43 =	vadd.s32 $0x6, v6;
	_ =	sdelay $0x2  }
0x43b: {  	s2 =	sadd.s32 $0x1, s14;
	[tilespmem:s5+$0x280] =	vst v16  }
0x43c: {  	s2 =	sand.u32 $0x3, s2;
	v16 =	vld.idx.msk [tilespmem:v42+s4+$0x0], $0xffff;
	[tilespmem:s22+$0x280] =	vst v11  }
0x43d: {  	v44 =	vadd.s32 $0x7, v5;
	s2 =	sshll.u32 s2, $0x5;
	v11 =	vld.idx.msk [tilespmem:v43+s4+$0x0], $0xffff  }
0x43e: {  	v45 =	vadd.s32 $0x7, v6;
	s2 =	sadd.s32 s2, s19  }
0x43f: {  	s17 =	sadd.s32 $0x10, s2  }
0x440: {  	s11 =	sor.u32 $0x300, s17  }
0x441: {  	s19 =	sor.u32 $0x300, s2;
	[tilespmem:s11+$0x2600] =	vst v16  }
0x442: {  	v46 =	vld.idx.msk [tilespmem:v44+s4+$0x0], $0xffff;
	[tilespmem:s19+$0x2600] =	vst v11  }
0x443: {  	v48 =	vadd.s32 $0x8, v5;
	v47 =	vld.idx.msk [tilespmem:v45+s4+$0x0], $0xffff  }
0x444: {  	v49 =	vadd.s32 $0x8, v6;
	_ =	sdelay $0x1  }
0x445: {  	s5 =	sor.u32 $0x380, s17  }
0x446: {  	s2 =	sor.u32 $0x380, s2;
	[tilespmem:s5+$0x2600] =	vst v46  }
0x447: {  	v11 =	vld.idx.msk [tilespmem:v48+s4+$0x0], $0xffff;
	[tilespmem:s2+$0x2600] =	vst v47  }
0x448: {  	v50 =	vadd.s32 $0x9, v5;
	v51 =	vld.idx.msk [tilespmem:v49+s4+$0x0], $0xffff  }
0x449: {  	v52 =	vadd.s32 $0x9, v6  }
0x44a: {  	s20 =	sadd.s32 $0x5E00, s7  }
0x44b: {  	s22 =	sor.u32 s10, s20  }
0x44c: {  	s2 =	sor.u32 s6, s20;
	[tilespmem:s22+$0x0] =	vst v11  }
0x44d: {  	v11 =	vld.idx.msk [tilespmem:v50+s4+$0x0], $0xffff;
	[tilespmem:s2+$0x0] =	vst v51  }
0x44e: {  	v53 =	vadd.s32 $0xA, v5;
	v17 =	vld.idx.msk [tilespmem:v52+s4+$0x0], $0xffff  }
0x44f: {  	v54 =	vadd.s32 $0xA, v6  }
0x450: {  	s24 =	sadd.s32 $0x5E80, s7  }
0x451: {  	s29 =	sor.u32 s10, s24  }
0x452: {  	s2 =	sor.u32 s6, s24;
	[tilespmem:s29+$0x0] =	vst v11  }
0x453: {  	v11 =	vld.idx.msk [tilespmem:v53+s4+$0x0], $0xffff;
	[tilespmem:s2+$0x0] =	vst v17  }
0x454: {  	v55 =	vadd.s32 $0xB, v5;
	v17 =	vld.idx.msk [tilespmem:v54+s4+$0x0], $0xffff  }
0x455: {  	v56 =	vadd.s32 $0xB, v6  }
0x456: {  	s11 =	sadd.s32 $0x5F00, s7  }
0x457: {  	[tilespmem:s16+$0x0] =	vst v13;
	s14 =	sor.u32 s10, s11  }
0x458: {  	v13 =	vld.idx.msk [tilespmem:v15+s4+$0x0], $0xffff;
	s2 =	sor.u32 s6, s11;
	[tilespmem:s14+$0x0] =	vst v11  }
0x459: {  	v57 =	vadd.s32 $0xC, v3;
	v58 =	vld.idx.msk [tilespmem:v55+s4+$0x0], $0xffff;
	[tilespmem:s2+$0x0] =	vst v17  }
0x45a: {  	s15 =	sadd.s32 $0x5F80, s13;
	v59 =	vadd.s32 $0xC, v5;
	v17 =	vld.idx.msk [tilespmem:v56+s4+$0x0], $0xffff  }
0x45b: {  	v60 =	vadd.s32 $0xC, v6;
	s16 =	sor.u32 s12, s15  }
0x45c: {  	[tilespmem:s16+$0x0] =	vst v12;
	s17 =	sadd.s32 $0x5F80, s7;
	s2 =	sor.u32 s9, s15  }
0x45d: {  	v12 =	vld.idx.msk [tilespmem:v14+s4+$0x0], $0xffff;
	s19 =	sor.u32 s10, s17;
	[tilespmem:s2+$0x0] =	vst v13  }
0x45e: {  	v61 =	vadd.s32 $0xD, v4;
	s5 =	sor.u32 s6, s17;
	v11 =	vld.idx.msk [tilespmem:v57+s4+$0x0], $0xffff;
	[tilespmem:s19+$0x0] =	vst v58  }
0x45f: {  	v62 =	vadd.s32 $0xD, v3;
	v15 =	vld.idx.msk [tilespmem:v59+s4+$0x0], $0xffff;
	[tilespmem:s5+$0x0] =	vst v17  }
0x460: {  	v63 =	vadd.s32 $0xD, v5;
	s20 =	sadd.s32 $0x6000, s13;
	v17 =	vld.idx.msk [tilespmem:v60+s4+$0x0], $0xffff  }
0x461: {  	v21 =	vadd.s32 $0xD, v6;
	s22 =	sor.u32 s12, s20  }
0x462: {  	[tilespmem:s22+$0x0] =	vst v12;
	s24 =	sadd.s32 $0x6000, s7;
	s2 =	sor.u32 s9, s20  }
0x463: {  	v12 =	vld.idx.msk [tilespmem:v61+s4+$0x0], $0xffff;
	s29 =	sor.u32 s10, s24;
	[tilespmem:s2+$0x0] =	vst v11  }
0x464: {  	v22 =	vadd.s32 $0xE, v4;
	s5 =	sor.u32 s6, s24;
	v23 =	vld.idx.msk [tilespmem:v62+s4+$0x0], $0xffff;
	[tilespmem:s29+$0x0] =	vst v15  }
0x465: {  	v24 =	vadd.s32 $0xE, v3;
	v15 =	vld.idx.msk [tilespmem:v63+s4+$0x0], $0xffff;
	[tilespmem:s5+$0x0] =	vst v17  }
0x466: {  	v25 =	vadd.s32 $0xE, v5;
	s5 =	sadd.s32 $0x6080, s13;
	v17 =	vld.idx.msk [tilespmem:v21+s4+$0x0], $0xffff  }
0x467: {  	v26 =	vadd.s32 $0xE, v6;
	s11 =	sor.u32 s12, s5  }
0x468: {  	s14 =	sadd.s32 $0x6080, s7;
	s2 =	sor.u32 s9, s5;
	[tilespmem:s11+$0x0] =	vst v12  }
0x469: {  	s15 =	sor.u32 s10, s14;
	[tilespmem:s2+$0x0] =	vst v23;
	v11 =	vld.idx.msk [tilespmem:v22+s4+$0x0], $0xffff  }
0x46a: {  	v27 =	vadd.s32 $0xF, v4;
	s5 =	sor.u32 s6, s14;
	v13 =	vld.idx.msk [tilespmem:v24+s4+$0x0], $0xffff;
	[tilespmem:s15+$0x0] =	vst v15  }
0x46b: {  	v28 =	vadd.s32 $0xF, v3;
	v15 =	vld.idx.msk [tilespmem:v25+s4+$0x0], $0xffff;
	[tilespmem:s5+$0x0] =	vst v17  }
0x46c: {  	v29 =	vadd.s32 $0xF, v5;
	s16 =	sadd.s32 $0x6100, s13;
	v17 =	vld.idx.msk [tilespmem:v26+s4+$0x0], $0xffff  }
0x46d: {  	v30 =	vadd.s32 $0xF, v6;
	s17 =	sor.u32 s12, s16  }
0x46e: {  	s19 =	sadd.s32 $0x6100, s7;
	s2 =	sor.u32 s9, s16;
	[tilespmem:s17+$0x0] =	vst v11  }
0x46f: {  	s20 =	sor.u32 s10, s19;
	[tilespmem:s2+$0x0] =	vst v13;
	v11 =	vld.idx.msk [tilespmem:v27+s4+$0x0], $0xffff  }
0x470: {  	v31 =	vadd.s32 $0x10, v4;
	s22 =	sor.u32 s6, s19;
	v13 =	vld.idx.msk [tilespmem:v28+s4+$0x0], $0xffff;
	[tilespmem:s20+$0x0] =	vst v15  }
0x471: {  	v32 =	vadd.s32 $0x10, v3;
	v15 =	vld.idx.msk [tilespmem:v29+s4+$0x0], $0xffff;
	[tilespmem:s22+$0x0] =	vst v17  }
0x472: {  	v33 =	vadd.s32 $0x10, v5;
	s24 =	sadd.s32 $0x6180, s13;
	v17 =	vld.idx.msk [tilespmem:v30+s4+$0x0], $0xffff  }
0x473: {  	v34 =	vadd.s32 $0x10, v6;
	s29 =	sor.u32 s12, s24  }
0x474: {  	s11 =	sadd.s32 $0x6180, s7;
	s2 =	sor.u32 s9, s24;
	[tilespmem:s29+$0x0] =	vst v11  }
0x475: {  	s14 =	sor.u32 s10, s11;
	[tilespmem:s2+$0x0] =	vst v13;
	v11 =	vld.idx.msk [tilespmem:v31+s4+$0x0], $0xffff  }
0x476: {  	v35 =	vadd.s32 $0x11, v4;
	s5 =	sor.u32 s6, s11;
	v13 =	vld.idx.msk [tilespmem:v32+s4+$0x0], $0xffff;
	[tilespmem:s14+$0x0] =	vst v15  }
0x477: {  	v36 =	vadd.s32 $0x11, v3;
	v15 =	vld.idx.msk [tilespmem:v33+s4+$0x0], $0xffff;
	[tilespmem:s5+$0x0] =	vst v17  }
0x478: {  	v37 =	vadd.s32 $0x11, v5;
	s16 =	sadd.s32 $0x9600, s13;
	v17 =	vld.idx.msk [tilespmem:v34+s4+$0x0], $0xffff  }
0x479: {  	[tilespmem:s1+$0x0] =	vst v7;
	v38 =	vadd.s32 $0x11, v6;
	s17 =	sor.u32 s12, s16  }
0x47a: {  	v39 =	vadd.s32 $0x13, v1;
	s19 =	sadd.s32 $0x9600, s7;
	s5 =	sor.u32 s9, s16;
	[tilespmem:s17+$0x0] =	vst v11  }
0x47b: {  	s20 =	sor.u32 s10, s19;
	[tilespmem:s5+$0x0] =	vst v13;
	v12 =	vld.idx.msk [tilespmem:v35+s4+$0x0], $0xffff  }
0x47c: {  	v40 =	vadd.s32 $0x12, v4;
	s2 =	sor.u32 s6, s19;
	v14 =	vld.idx.msk [tilespmem:v36+s4+$0x0], $0xffff;
	[tilespmem:s20+$0x0] =	vst v15  }
0x47d: {  	v41 =	vadd.s32 $0x12, v3;
	s15 =	sor.u32 s26, s3;
	v16 =	vld.idx.msk [tilespmem:v37+s4+$0x0], $0xffff;
	[tilespmem:s2+$0x0] =	vst v17  }
0x47e: {  	v42 =	vadd.s32 $0x12, v5;
	[tilespmem:s15+$0x0] =	vst v10;
	s22 =	sadd.s32 $0x9680, s13;
	v10 =	vld.idx.msk [tilespmem:v38+s4+$0x0], $0xffff  }
0x47f: {  	[tilespmem:s23+$0x0] =	vst v8;
	v43 =	vadd.s32 $0x12, v6;
	s24 =	sor.u32 s12, s22;
	v11 =	vld.idx.msk [tilespmem:v39+s4+$0x0], $0xffff  }
0x480: {  	v44 =	vadd.s32 $0x19, v2;
	v9 =	vld.idx.msk [tilespmem:v9+s4+$0x0], $0xffff;
	s1 =	sor.u32 s9, s22;
	s29 =	sadd.s32 $0x9680, s7;
	[tilespmem:s24+$0x0] =	vst v12  }
0x481: {  	v51 =	vadd.s32 $0x14, v1;
	s5 =	sor.u32 s10, s29;
	[tilespmem:s1+$0x0] =	vst v14;
	v13 =	vld.idx.msk [tilespmem:v40+s4+$0x0], $0xffff  }
0x482: {  	v46 =	vadd.s32 $0x13, v4;
	s2 =	sor.u32 s6, s29;
	v15 =	vld.idx.msk [tilespmem:v41+s4+$0x0], $0xffff;
	[tilespmem:s5+$0x0] =	vst v16  }
0x483: {  	v47 =	vadd.s32 $0x13, v3;
	s14 =	sor.u32 s25, s3;
	s1 =	sadd.s32 $0x9800, s28;
	v7 =	vld.idx.msk [tilespmem:v42+s4+$0x0], $0xffff;
	[tilespmem:s2+$0x0] =	vst v10  }
0x484: {  	v48 =	vadd.s32 $0x13, v5;
	s15 =	sadd.s32 $0x9700, s13;
	[tilespmem:s14+$0x0] =	vst v11;
	s11 =	sor.u32 s26, s1;
	v8 =	vld.idx.msk [tilespmem:v43+s4+$0x0], $0xffff  }
0x485: {  	v49 =	vld.idx.msk [tilespmem:v44+s4+$0x0], $0xffff;
	v50 =	vadd.s32 $0x13, v6;
	s16 =	sor.u32 s12, s15;
	[tilespmem:s11+$0x0] =	vst v9  }
0x486: {  	v45 =	vadd.s32 $0x15, v0;
	s17 =	sadd.s32 $0x9700, s7;
	v56 =	vld.idx.msk [tilespmem:v51+s4+$0x0], $0xffff;
	s2 =	sor.u32 s9, s15;
	[tilespmem:s16+$0x0] =	vst v13  }
0x487: {  	v52 =	vadd.s32 $0x1A, v2;
	s19 =	sor.u32 s10, s17;
	[tilespmem:s2+$0x0] =	vst v15;
	v14 =	vld.idx.msk [tilespmem:v46+s4+$0x0], $0xffff  }
0x488: {  	v53 =	vadd.s32 $0x14, v4;
	s3 =	sor.u32 s6, s17;
	v10 =	vld.idx.msk [tilespmem:v47+s4+$0x0], $0xffff;
	[tilespmem:s19+$0x0] =	vst v7  }
0x489: {  	v54 =	vadd.s32 $0x14, v3;
	v9 =	vld.idx.msk [tilespmem:v48+s4+$0x0], $0xffff;
	[tilespmem:s3+$0x0] =	vst v8  }
0x48a: {  	[tilespmem:s21+$0x0] =	vst v49;
	v55 =	vadd.s32 $0x14, v5;
	s22 =	sadd.s32 $0x9780, s13;
	s1 =	sor.u32 s25, s1;
	v11 =	vld.idx.msk [tilespmem:v50+s4+$0x0], $0xffff  }
0x48b: {  	v57 =	vadd.s32 $0x14, v6;
	s23 =	sor.u32 s12, s22;
	v12 =	vld.idx.msk [tilespmem:v45+s4+$0x0], $0xffff;
	[tilespmem:s1+$0x0] =	vst v56  }
0x48c: {  	v58 =	vadd.s32 $0x16, v0;
	s24 =	sadd.s32 $0x9780, s7;
	s5 =	sor.u32 s9, s22;
	v13 =	vld.idx.msk [tilespmem:v52+s4+$0x0], $0xffff;
	[tilespmem:s23+$0x0] =	vst v14  }
0x48d: {  	v59 =	vadd.s32 $0x15, v1;
	s29 =	sor.u32 s10, s24;
	[tilespmem:s5+$0x0] =	vst v10;
	v15 =	vld.idx.msk [tilespmem:v53+s4+$0x0], $0xffff  }
0x48e: {  	v60 =	vadd.s32 $0x15, v4;
	s20 =	sadd.s32 $0x9880, s28;
	s3 =	sor.u32 s6, s24;
	v7 =	vld.idx.msk [tilespmem:v54+s4+$0x0], $0xffff;
	[tilespmem:s29+$0x0] =	vst v9  }
0x48f: {  	v61 =	vadd.s32 $0x15, v3;
	s21 =	sor.u32 s26, s20;
	v8 =	vld.idx.msk [tilespmem:v55+s4+$0x0], $0xffff;
	[tilespmem:s3+$0x0] =	vst v11  }
0x490: {  	v62 =	vadd.s32 $0x15, v5;
	[tilespmem:s21+$0x0] =	vst v12;
	s5 =	sadd.s32 $0x9800, s13;
	v12 =	vld.idx.msk [tilespmem:v57+s4+$0x0], $0xffff  }
0x491: {  	v20 =	vadd.s32 $0x15, v6;
	v63 =	vld.idx.msk [tilespmem:v58+s4+$0x0], $0xffff;
	[tilespmem:s18+$0x0] =	vst v13;
	s11 =	sor.u32 s12, s5  }
0x492: {  	v21 =	vadd.s32 $0x1B, v2;
	s14 =	sadd.s32 $0x9800, s7;
	v14 =	vld.idx.msk [tilespmem:v59+s4+$0x0], $0xffff;
	s1 =	sor.u32 s9, s5;
	[tilespmem:s11+$0x0] =	vst v15  }
0x493: {  	v22 =	vadd.s32 $0x16, v1;
	s15 =	sor.u32 s10, s14;
	[tilespmem:s1+$0x0] =	vst v7;
	v9 =	vld.idx.msk [tilespmem:v60+s4+$0x0], $0xffff  }
0x494: {  	v23 =	vadd.s32 $0x16, v4;
	s16 =	sadd.s32 $0x9900, s28;
	s3 =	sor.u32 s6, s14;
	v24 =	vld.idx.msk [tilespmem:v61+s4+$0x0], $0xffff;
	[tilespmem:s15+$0x0] =	vst v8  }
0x495: {  	v25 =	vadd.s32 $0x16, v3;
	s17 =	sor.u32 s26, s16;
	v11 =	vld.idx.msk [tilespmem:v62+s4+$0x0], $0xffff;
	[tilespmem:s3+$0x0] =	vst v12  }
0x496: {  	v26 =	vadd.s32 $0x16, v5;
	s2 =	sor.u32 s25, s20;
	s18 =	sadd.s32 $0x9880, s13;
	[tilespmem:s17+$0x0] =	vst v63;
	v13 =	vld.idx.msk [tilespmem:v20+s4+$0x0], $0xffff  }
0x497: {  	v27 =	vadd.s32 $0x16, v6;
	v2 =	vld.idx.msk [tilespmem:v21+s4+$0x0], $0xffff;
	s19 =	sor.u32 s12, s18;
	[tilespmem:s2+$0x0] =	vst v14  }
0x498: {  	v28 =	vadd.s32 $0x17, v0;
	s20 =	sadd.s32 $0x9880, s7;
	v15 =	vld.idx.msk [tilespmem:v22+s4+$0x0], $0xffff;
	s3 =	sor.u32 s9, s18;
	[tilespmem:s19+$0x0] =	vst v9  }
0x499: {  	v29 =	vadd.s32 $0x17, v1;
	s21 =	sor.u32 s10, s20;
	[tilespmem:s3+$0x0] =	vst v24;
	v7 =	vld.idx.msk [tilespmem:v23+s4+$0x0], $0xffff  }
0x49a: {  	v30 =	vadd.s32 $0x17, v4;
	s2 =	sor.u32 s6, s20;
	v10 =	vld.idx.msk [tilespmem:v25+s4+$0x0], $0xffff;
	[tilespmem:s21+$0x0] =	vst v11  }
0x49b: {  	v31 =	vadd.s32 $0x17, v3;
	v12 =	vld.idx.msk [tilespmem:v26+s4+$0x0], $0xffff;
	[tilespmem:s2+$0x0] =	vst v13  }
0x49c: {  	v32 =	vadd.s32 $0x17, v5;
	s22 =	sadd.s32 $0x9900, s13;
	[tilespmem:s8+$0x0] =	vst v2;
	s1 =	sor.u32 s25, s16;
	v13 =	vld.idx.msk [tilespmem:v27+s4+$0x0], $0xffff  }
0x49d: {  	v34 =	vadd.s32 $0x17, v6;
	s23 =	sor.u32 s12, s22;
	v33 =	vld.idx.msk [tilespmem:v28+s4+$0x0], $0xffff;
	[tilespmem:s1+$0x0] =	vst v15  }
0x49e: {  	v35 =	vadd.s32 $0x18, v0;
	s24 =	sor.u32 s9, s22;
	s29 =	sadd.s32 $0x9900, s7;
	v9 =	vld.idx.msk [tilespmem:v29+s4+$0x0], $0xffff;
	[tilespmem:s23+$0x0] =	vst v7  }
0x49f: {  	v36 =	vadd.s32 $0x18, v1;
	s3 =	sor.u32 s10, s29;
	[tilespmem:s24+$0x0] =	vst v10;
	v8 =	vld.idx.msk [tilespmem:v30+s4+$0x0], $0xffff  }
0x4a0: {  	v37 =	vadd.s32 $0x18, v4;
	s5 =	sadd.s32 $0x9980, s28;
	s2 =	sor.u32 s6, s29;
	v11 =	vld.idx.msk [tilespmem:v31+s4+$0x0], $0xffff;
	[tilespmem:s3+$0x0] =	vst v12  }
0x4a1: {  	v38 =	vadd.s32 $0x18, v3;
	s8 =	sor.u32 s26, s5;
	v2 =	vld.idx.msk [tilespmem:v32+s4+$0x0], $0xffff;
	[tilespmem:s2+$0x0] =	vst v13  }
0x4a2: {  	v39 =	vadd.s32 $0x18, v5;
	s11 =	sadd.s32 $0x9980, s13;
	[tilespmem:s8+$0x0] =	vst v33;
	s1 =	sor.u32 s25, s5;
	v40 =	vld.idx.msk [tilespmem:v34+s4+$0x0], $0xffff  }
0x4a3: {  	v42 =	vadd.s32 $0x18, v6;
	s14 =	sor.u32 s12, s11;
	v41 =	vld.idx.msk [tilespmem:v35+s4+$0x0], $0xffff;
	[tilespmem:s1+$0x0] =	vst v9  }
0x4a4: {  	v43 =	vadd.s32 $0x19, v0;
	s15 =	sadd.s32 $0x9980, s7;
	v7 =	vld.idx.msk [tilespmem:v36+s4+$0x0], $0xffff;
	s2 =	sor.u32 s9, s11;
	[tilespmem:s14+$0x0] =	vst v8  }
0x4a5: {  	v44 =	vadd.s32 $0x19, v1;
	s16 =	sor.u32 s10, s15;
	[tilespmem:s2+$0x0] =	vst v11;
	v10 =	vld.idx.msk [tilespmem:v37+s4+$0x0], $0xffff  }
0x4a6: {  	v45 =	vadd.s32 $0x19, v4;
	s17 =	sadd.s32 $0xCE00, s28;
	s1 =	sor.u32 s6, s15;
	v11 =	vld.idx.msk [tilespmem:v38+s4+$0x0], $0xffff;
	[tilespmem:s16+$0x0] =	vst v2  }
0x4a7: {  	v46 =	vadd.s32 $0x19, v3;
	s18 =	sor.u32 s26, s17;
	v13 =	vld.idx.msk [tilespmem:v39+s4+$0x0], $0xffff;
	[tilespmem:s1+$0x0] =	vst v40  }
0x4a8: {  	v47 =	vadd.s32 $0x19, v5;
	s19 =	sadd.s32 $0xCE00, s13;
	[tilespmem:s18+$0x0] =	vst v41;
	s2 =	sor.u32 s25, s17;
	v9 =	vld.idx.msk [tilespmem:v42+s4+$0x0], $0xffff  }
0x4a9: {  	v48 =	vadd.s32 $0x19, v6;
	s20 =	sor.u32 s12, s19;
	v15 =	vld.idx.msk [tilespmem:v43+s4+$0x0], $0xffff;
	[tilespmem:s2+$0x0] =	vst v7  }
0x4aa: {  	v49 =	vadd.s32 $0x1A, v0;
	s21 =	sadd.s32 $0xCE00, s7;
	v8 =	vld.idx.msk [tilespmem:v44+s4+$0x0], $0xffff;
	s1 =	sor.u32 s9, s19;
	[tilespmem:s20+$0x0] =	vst v10  }
0x4ab: {  	v50 =	vadd.s32 $0x1A, v1;
	s22 =	sor.u32 s10, s21;
	[tilespmem:s1+$0x0] =	vst v11;
	v2 =	vld.idx.msk [tilespmem:v45+s4+$0x0], $0xffff  }
0x4ac: {  	v51 =	vadd.s32 $0x1A, v4;
	s23 =	sadd.s32 $0xCE80, s28;
	s2 =	sor.u32 s6, s21;
	v12 =	vld.idx.msk [tilespmem:v46+s4+$0x0], $0xffff;
	[tilespmem:s22+$0x0] =	vst v13  }
0x4ad: {  	v52 =	vadd.s32 $0x1A, v3;
	s24 =	sor.u32 s26, s23;
	v13 =	vld.idx.msk [tilespmem:v47+s4+$0x0], $0xffff;
	[tilespmem:s2+$0x0] =	vst v9  }
0x4ae: {  	v53 =	vadd.s32 $0x1A, v5;
	s29 =	sadd.s32 $0xCE80, s13;
	[tilespmem:s24+$0x0] =	vst v15;
	s1 =	sor.u32 s25, s23;
	v7 =	vld.idx.msk [tilespmem:v48+s4+$0x0], $0xffff  }
0x4af: {  	v54 =	vadd.s32 $0x1A, v6;
	s3 =	sor.u32 s12, s29;
	v15 =	vld.idx.msk [tilespmem:v49+s4+$0x0], $0xffff;
	[tilespmem:s1+$0x0] =	vst v8  }
0x4b0: {  	v55 =	vadd.s32 $0x1B, v0;
	s5 =	sadd.s32 $0xCE80, s7;
	v10 =	vld.idx.msk [tilespmem:v50+s4+$0x0], $0xffff;
	s2 =	sor.u32 s9, s29;
	[tilespmem:s3+$0x0] =	vst v2  }
0x4b1: {  	v56 =	vadd.s32 $0x1B, v1;
	s8 =	sor.u32 s10, s5;
	[tilespmem:s2+$0x0] =	vst v12;
	v2 =	vld.idx.msk [tilespmem:v51+s4+$0x0], $0xffff  }
0x4b2: {  	v57 =	vadd.s32 $0x1B, v4;
	s11 =	sadd.s32 $0xCF00, s28;
	s1 =	sor.u32 s6, s5;
	v9 =	vld.idx.msk [tilespmem:v52+s4+$0x0], $0xffff;
	[tilespmem:s8+$0x0] =	vst v13  }
0x4b3: {  	v58 =	vadd.s32 $0x1B, v3;
	s14 =	sor.u32 s26, s11;
	v59 =	vld.idx.msk [tilespmem:v53+s4+$0x0], $0xffff;
	[tilespmem:s1+$0x0] =	vst v7  }
0x4b4: {  	v60 =	vadd.s32 $0x1B, v5;
	s15 =	sadd.s32 $0xCF00, s13;
	[tilespmem:s14+$0x0] =	vst v15;
	s2 =	sor.u32 s25, s11;
	v8 =	vld.idx.msk [tilespmem:v54+s4+$0x0], $0xffff  }
0x4b5: {  	v61 =	vadd.s32 $0x1B, v6;
	s16 =	sor.u32 s12, s15;
	v0 =	vld.idx.msk [tilespmem:v55+s4+$0x0], $0xffff;
	[tilespmem:s2+$0x0] =	vst v10  }
0x4b6: {  	s17 =	sadd.s32 $0xCF00, s7;
	v1 =	vld.idx.msk [tilespmem:v56+s4+$0x0], $0xffff;
	s1 =	sor.u32 s9, s15;
	[tilespmem:s16+$0x0] =	vst v2  }
0x4b7: {  	s18 =	sor.u32 s10, s17;
	[tilespmem:s1+$0x0] =	vst v9;
	v2 =	vld.idx.msk [tilespmem:v57+s4+$0x0], $0xffff  }
0x4b8: {  	s19 =	sadd.s32 $0xCF80, s28;
	s2 =	sor.u32 s6, s17;
	v3 =	vld.idx.msk [tilespmem:v58+s4+$0x0], $0xffff;
	[tilespmem:s18+$0x0] =	vst v59  }
0x4b9: {  	s20 =	sor.u32 s26, s19;
	v62 =	vld.idx.msk [tilespmem:v60+s4+$0x0], $0xffff;
	[tilespmem:s2+$0x0] =	vst v8  }
0x4ba: {  	s21 =	sadd.s32 $0xCF80, s13;
	[tilespmem:s20+$0x0] =	vst v0;
	s1 =	sor.u32 s25, s19;
	v63 =	vld.idx.msk [tilespmem:v61+s4+$0x0], $0xffff  }
0x4bb: {  	s22 =	sor.u32 s12, s21;
	[tilespmem:s1+$0x0] =	vst v1  }
0x4bc: {  	s23 =	sadd.s32 $0xCF80, s7;
	s2 =	sor.u32 s9, s21;
	[tilespmem:s22+$0x0] =	vst v2  }
0x4bd: {  	s0 =	smul.u32 $0x700, s0;
	s24 =	sor.u32 s10, s23;
	[tilespmem:s2+$0x0] =	vst v3  }
0x4be: {  	s28 =	simm.s32 $0x7A1400;
	s25 =	rddreg [dreg:$0x2];
	s1 =	sor.u32 s6, s23;
	[tilespmem:s24+$0x0] =	vst v62  }
0x4bf: {  	s26 =	simm.s32 $0x3800;
	s29 =	simm.s32 $0x2600;
	s0 =	sadd.s32 s25, s0;
	[tilespmem:s1+$0x0] =	vst v63  }
0x4c0: {  	[hbm4b:s0+s26] =	stream.strided.scatter [tilespmem:s29], [sflag:$0x5], $0xE000, s28, s26, $0x38;
	[tilespmem:$0x1F680] =	vst v63  }
.LBB2_12:
.Ltmp10:
0x4c1: {  	(pc) =	sbr.rel @p1 .LBB2_16-.Ltmp10, $1  }
0x4c2: {  	_ =	sdelay $0x3  }
0x4c3: {  	p1 =	sgt.u32 s30, $0x1ED  }
0x4c4: {  	s0 =	smul.u32 @!p1 $0x700, s30;
	_ =	sdelay $0x1  }
0x4c5: {  	s1 =	rddreg [dreg:$0x0];
	s0 =	sshrl.u32 @!p1 s0, $0x3  }
0x4c6: {  	s15 =	simm.s32 $0x4;
	s0 =	sadd.s32 @!p1 s1, s0  }
0x4c7: {  	s2 =	simm.s32 @!p1 $0x1100;
	s1 =	simm.s32 @!p1 $0x0;
	s0 =	sadd.s32 @!p1 $0x3800, s0  }
0x4c8: {  	[tilespmem:s2], [sflag:$0x2] =	stream.linear.gather @!p1 [hbm4b:s0+s1], $0x700, $0x38;
	[tilespmem:$0x1F680] =	vst v63  }
0x4c9: {  	_ =	swait.ge [sflag:s15], $0x700  }
0x4ca: {  	[sflag:s15] =	ssyncset.done $0x0  }
0x4cb: {  	s16 =	simm.s32 $0x0;
	s17 =	simm.s32 $0x6;
	[sflag:s15] =	ssyncadd.s32 $0xFFFFF900  }
0x4cc: {  	s8 =	sand.u32 $0x60, s16;
	_ =	swait.ge [sflag:s17], $0xE000  }
0x4cd: {  	s11 =	sor.u32 $0x10, s8;
	s0 =	sand.u32 $0x780, s16;
	[sflag:s17] =	ssyncset.done $0x0  }
0x4ce: {  	s0 =	sor.u32 s11, s0;
	[sflag:s17] =	ssyncadd.s32 $0xFFFF2000  }
0x4cf: {  	v0 =	vld [tilespmem:s0+$0x1F00];
	_ =	sdelay $0x4  }
0x4d0: {  	v7 =	vmul.u32 $0x1C, v0;
	_ =	sdelay $0x1  }
0x4d1: {  	s18 =	simm.s32 $0x1F00  }
0x4d2: {  	v0 =	vld [tilespmem:s18+$0x0];
	_ =	sdelay $0x2  }
0x4d3: {  	v1 =	vld.idx.msk [tilespmem:v7+s4+$0x0], $0xffff  }
0x4d4: {  	s19 =	simm.s32 $0x0;
	v3 =	vor.u32 $0x1, v7  }
0x4d5: {  	s28 =	sand.u32 $0x3C00, s19;
	v2 =	vmul.u32 $0x1C, v0  }
0x4d6: {  	s20 =	sadd.s32 $0x10600, s28  }
0x4d7: {  	s21 =	sor.u32 s11, s20  }
0x4d8: {  	[tilespmem:s21+$0x0] =	vst v1  }
0x4d9: {  	v0 =	vld.idx.msk [tilespmem:v3+s4+$0x0], $0xffff  }
0x4da: {  	v1 =	vor.u32 $0x2, v7  }
0x4db: {  	v3 =	vld.idx.msk [tilespmem:v2+s4+$0x0], $0xffff  }
0x4dc: {  	v4 =	vor.u32 $0x1, v2;
	_ =	sdelay $0x1  }
0x4dd: {  	[tilespmem:s21+$0x80] =	vst v0  }
0x4de: {  	s1 =	sor.u32 s8, s20;
	v0 =	vld.idx.msk [tilespmem:v1+s4+$0x0], $0xffff  }
0x4df: {  	[tilespmem:s1+$0x0] =	vst v3;
	v1 =	vor.u32 $0x3, v7  }
0x4e0: {  	v3 =	vld.idx.msk [tilespmem:v4+s4+$0x0], $0xffff  }
0x4e1: {  	v4 =	vor.u32 $0x2, v2;
	_ =	sdelay $0x1  }
0x4e2: {  	[tilespmem:s21+$0x100] =	vst v0  }
0x4e3: {  	v0 =	vld.idx.msk [tilespmem:v1+s4+$0x0], $0xffff  }
0x4e4: {  	[tilespmem:s1+$0x80] =	vst v3;
	v1 =	vadd.s32 $0x4, v7  }
0x4e5: {  	v3 =	vld.idx.msk [tilespmem:v4+s4+$0x0], $0xffff  }
0x4e6: {  	v4 =	vor.u32 $0x3, v2;
	_ =	sdelay $0x1  }
0x4e7: {  	[tilespmem:s21+$0x180] =	vst v0  }
0x4e8: {  	v0 =	vld.idx.msk [tilespmem:v1+s4+$0x0], $0xffff  }
0x4e9: {  	[tilespmem:s1+$0x100] =	vst v3;
	v1 =	vadd.s32 $0x5, v7  }
0x4ea: {  	v3 =	vld.idx.msk [tilespmem:v4+s4+$0x0], $0xffff  }
0x4eb: {  	v4 =	vadd.s32 $0x4, v2;
	_ =	sdelay $0x1  }
0x4ec: {  	[tilespmem:s21+$0x200] =	vst v0  }
0x4ed: {  	v0 =	vld.idx.msk [tilespmem:v1+s4+$0x0], $0xffff  }
0x4ee: {  	[tilespmem:s1+$0x180] =	vst v3;
	v1 =	vadd.s32 $0x6, v7  }
0x4ef: {  	v3 =	vld.idx.msk [tilespmem:v4+s4+$0x0], $0xffff  }
0x4f0: {  	v4 =	vadd.s32 $0x5, v2;
	_ =	sdelay $0x1  }
0x4f1: {  	s22 =	simm.s32 $0x20;
	[tilespmem:s21+$0x280] =	vst v0  }
0x4f2: {  	s3 =	sand.u32 $0x3, s19;
	s0 =	sand.u32 $0x60, s22;
	v0 =	vld.idx.msk [tilespmem:v1+s4+$0x0], $0xffff  }
0x4f3: {  	s3 =	sshll.u32 s3, $0x5;
	s2 =	sand.u32 $0x780, s22;
	s25 =	sor.u32 $0x10, s0;
	[tilespmem:s1+$0x200] =	vst v3;
	v1 =	vadd.s32 $0x7, v7  }
0x4f4: {  	s5 =	sadd.s32 $0x0, s3;
	s2 =	sor.u32 s25, s2;
	v3 =	vld.idx.msk [tilespmem:v4+s4+$0x0], $0xffff  }
0x4f5: {  	s23 =	sadd.s32 $0x10, s5;
	v4 =	vld [tilespmem:s2+$0x1F00]  }
0x4f6: {  	s24 =	sor.u32 $0x300, s23;
	v5 =	vadd.s32 $0x6, v2  }
0x4f7: {  	[tilespmem:s24+$0x10600] =	vst v0  }
0x4f8: {  	v1 =	vld.idx.msk [tilespmem:v1+s4+$0x0], $0xffff  }
0x4f9: {  	s26 =	simm.s32 $0x1F20;
	v6 =	vadd.s32 $0x8, v7  }
0x4fa: {  	v8 =	vld [tilespmem:s26+$0x0];
	[tilespmem:s1+$0x280] =	vst v3;
	v0 =	vmul.u32 $0x1C, v4  }
0x4fb: {  	v3 =	vld.idx.msk [tilespmem:v5+s4+$0x0], $0xffff  }
0x4fc: {  	s29 =	sor.u32 $0x380, s23;
	v4 =	vadd.s32 $0x7, v2  }
0x4fd: {  	[tilespmem:s29+$0x10600] =	vst v1  }
0x4fe: {  	v5 =	vld.idx.msk [tilespmem:v6+s4+$0x0], $0xffff  }
0x4ff: {  	s2 =	sor.u32 $0x300, s5;
	v1 =	vmul.u32 $0x1C, v8;
	v6 =	vadd.s32 $0x9, v7  }
0x500: {  	[tilespmem:s2+$0x10600] =	vst v3;
	v3 =	vld.idx.msk [tilespmem:v0+s4+$0x0], $0xffff  }
0x501: {  	s9 =	simm.s32 $0x100;
	s3 =	sadd.s32 $0x13E00, s28;
	v8 =	vor.u32 $0x1, v0;
	v4 =	vld.idx.msk [tilespmem:v4+s4+$0x0], $0xffff  }
0x502: {  	s10 =	sor.u32 s11, s3;
	s26 =	sand.u32 $0x3C00, s9;
	v9 =	vadd.s32 $0x8, v2  }
0x503: {  	s6 =	sadd.s32 $0x10600, s26;
	[tilespmem:s10+$0x0] =	vst v5  }
0x504: {  	s12 =	sor.u32 s25, s6;
	v5 =	vld.idx.msk [tilespmem:v6+s4+$0x0], $0xffff  }
0x505: {  	s13 =	sor.u32 $0x380, s5;
	[tilespmem:s12+$0x0] =	vst v3;
	v3 =	vadd.s32 $0xA, v7;
	v6 =	vld.idx.msk [tilespmem:v1+s4+$0x0], $0xffff  }
0x506: {  	[tilespmem:s13+$0x10600] =	vst v4;
	v4 =	vor.u32 $0x1, v1;
	v8 =	vld.idx.msk [tilespmem:v8+s4+$0x0], $0xffff  }
0x507: {  	s14 =	sadd.s32 $0x13E80, s28;
	v10 =	vor.u32 $0x2, v0;
	v9 =	vld.idx.msk [tilespmem:v9+s4+$0x0], $0xffff  }
0x508: {  	s7 =	sor.u32 s11, s14;
	v11 =	vadd.s32 $0x9, v2  }
0x509: {  	s1 =	sor.u32 s0, s6;
	[tilespmem:s7+$0x0] =	vst v5  }
0x50a: {  	[tilespmem:s1+$0x0] =	vst v6;
	v3 =	vld.idx.msk [tilespmem:v3+s4+$0x0], $0xffff  }
0x50b: {  	s2 =	sor.u32 s8, s3;
	[tilespmem:s12+$0x80] =	vst v8;
	v5 =	vadd.s32 $0xB, v7;
	v4 =	vld.idx.msk [tilespmem:v4+s4+$0x0], $0xffff  }
0x50c: {  	[tilespmem:s2+$0x0] =	vst v9;
	v6 =	vor.u32 $0x2, v1;
	v8 =	vld.idx.msk [tilespmem:v10+s4+$0x0], $0xffff  }
0x50d: {  	s15 =	sadd.s32 $0x13F00, s28;
	v10 =	vor.u32 $0x3, v0;
	v9 =	vld.idx.msk [tilespmem:v11+s4+$0x0], $0xffff  }
0x50e: {  	s16 =	sor.u32 s11, s15;
	v11 =	vadd.s32 $0xA, v2  }
0x50f: {  	[tilespmem:s16+$0x0] =	vst v3  }
0x510: {  	[tilespmem:s1+$0x80] =	vst v4;
	v3 =	vld.idx.msk [tilespmem:v5+s4+$0x0], $0xffff  }
0x511: {  	s5 =	sor.u32 s8, s14;
	[tilespmem:s12+$0x100] =	vst v8;
	v4 =	vld.idx.msk [tilespmem:v6+s4+$0x0], $0xffff;
	v5 =	vadd.s32 $0xC, v7  }
0x512: {  	[tilespmem:s5+$0x0] =	vst v9;
	v8 =	vld.idx.msk [tilespmem:v10+s4+$0x0], $0xffff;
	v6 =	vor.u32 $0x3, v1  }
0x513: {  	s17 =	sadd.s32 $0x13F80, s28;
	v10 =	vadd.s32 $0x4, v0;
	v9 =	vld.idx.msk [tilespmem:v11+s4+$0x0], $0xffff  }
0x514: {  	s18 =	sor.u32 s11, s17;
	v11 =	vadd.s32 $0xB, v2  }
0x515: {  	[tilespmem:s18+$0x0] =	vst v3  }
0x516: {  	[tilespmem:s1+$0x100] =	vst v4;
	v3 =	vld.idx.msk [tilespmem:v5+s4+$0x0], $0xffff  }
0x517: {  	s2 =	sor.u32 s8, s15;
	[tilespmem:s12+$0x180] =	vst v8;
	v4 =	vld.idx.msk [tilespmem:v6+s4+$0x0], $0xffff;
	v5 =	vadd.s32 $0xD, v7  }
0x518: {  	[tilespmem:s2+$0x0] =	vst v9;
	v8 =	vld.idx.msk [tilespmem:v10+s4+$0x0], $0xffff;
	v6 =	vadd.s32 $0x4, v1  }
0x519: {  	s19 =	sor.u32 $0x14000, s28;
	v10 =	vadd.s32 $0x5, v0;
	v9 =	vld.idx.msk [tilespmem:v11+s4+$0x0], $0xffff  }
0x51a: {  	s20 =	sor.u32 s11, s19;
	v11 =	vadd.s32 $0xC, v2  }
0x51b: {  	[tilespmem:s20+$0x0] =	vst v3  }
0x51c: {  	[tilespmem:s1+$0x180] =	vst v4;
	v3 =	vld.idx.msk [tilespmem:v5+s4+$0x0], $0xffff  }
0x51d: {  	s5 =	sor.u32 s8, s17;
	[tilespmem:s12+$0x200] =	vst v8;
	v4 =	vld.idx.msk [tilespmem:v6+s4+$0x0], $0xffff;
	v5 =	vadd.s32 $0xE, v7  }
0x51e: {  	[tilespmem:s5+$0x0] =	vst v9;
	v8 =	vld.idx.msk [tilespmem:v10+s4+$0x0], $0xffff;
	v6 =	vadd.s32 $0x5, v1  }
0x51f: {  	s21 =	sor.u32 $0x14080, s28;
	v10 =	vadd.s32 $0x6, v0;
	v9 =	vld.idx.msk [tilespmem:v11+s4+$0x0], $0xffff  }
0x520: {  	s22 =	sor.u32 s11, s21;
	v11 =	vadd.s32 $0xD, v2  }
0x521: {  	[tilespmem:s22+$0x0] =	vst v3  }
0x522: {  	s23 =	simm.s32 $0x1F40;
	[tilespmem:s1+$0x200] =	vst v4;
	v3 =	vld.idx.msk [tilespmem:v5+s4+$0x0], $0xffff  }
0x523: {  	s24 =	simm.s32 $0x1;
	s29 =	simm.s32 $0x40;
	s2 =	sor.u32 s8, s19;
	[tilespmem:s12+$0x280] =	vst v8;
	v4 =	vld.idx.msk [tilespmem:v6+s4+$0x0], $0xffff;
	v5 =	vadd.s32 $0xF, v7  }
0x524: {  	s3 =	sand.u32 $0x3, s24;
	s9 =	sand.u32 $0x60, s29;
	s10 =	sor.u32 $0x14100, s28;
	[tilespmem:s2+$0x0] =	vst v9;
	v8 =	vld.idx.msk [tilespmem:v10+s4+$0x0], $0xffff;
	v6 =	vadd.s32 $0x6, v1  }
0x525: {  	s7 =	sand.u32 $0x780, s29;
	s12 =	sor.u32 $0x10, s9;
	s2 =	sshll.u32 s3, $0x5;
	v10 =	vadd.s32 $0x7, v0;
	v9 =	vld.idx.msk [tilespmem:v11+s4+$0x0], $0xffff  }
0x526: {  	v12 =	vadd.s32 $0xE, v2;
	s13 =	sor.u32 s11, s10;
	s3 =	sor.u32 s12, s7;
	v11 =	vld [tilespmem:s23+$0x0];
	s2 =	sadd.s32 $0x100, s2  }
0x527: {  	v13 =	vld [tilespmem:s3+$0x1F00];
	s14 =	sadd.s32 $0x10, s2;
	[tilespmem:s13+$0x0] =	vst v3  }
0x528: {  	s15 =	sor.u32 $0x300, s14;
	[tilespmem:s1+$0x280] =	vst v4;
	v5 =	vld.idx.msk [tilespmem:v5+s4+$0x0], $0xffff  }
0x529: {  	s5 =	sor.u32 s8, s21;
	[tilespmem:s15+$0x10600] =	vst v8;
	v8 =	vadd.s32 $0x10, v7;
	v6 =	vld.idx.msk [tilespmem:v6+s4+$0x0], $0xffff  }
0x52a: {  	[tilespmem:s5+$0x0] =	vst v9;
	v9 =	vadd.s32 $0x7, v1;
	v10 =	vld.idx.msk [tilespmem:v10+s4+$0x0], $0xffff  }
0x52b: {  	v14 =	vadd.s32 $0x8, v0;
	s16 =	sor.u32 $0x14180, s28;
	v12 =	vld.idx.msk [tilespmem:v12+s4+$0x0], $0xffff  }
0x52c: {  	v15 =	vadd.s32 $0xF, v2;
	s17 =	sor.u32 s11, s16;
	v4 =	vmul.u32 $0x1C, v13  }
0x52d: {  	s18 =	sor.u32 $0x300, s2;
	v3 =	vmul.u32 $0x1C, v11;
	[tilespmem:s17+$0x0] =	vst v5  }
0x52e: {  	s3 =	sor.u32 $0x380, s14;
	[tilespmem:s18+$0x10600] =	vst v6;
	v5 =	vld.idx.msk [tilespmem:v8+s4+$0x0], $0xffff  }
0x52f: {  	s19 =	sor.u32 s8, s10;
	[tilespmem:s3+$0x10600] =	vst v10;
	v6 =	vld.idx.msk [tilespmem:v9+s4+$0x0], $0xffff;
	v8 =	vadd.s32 $0x11, v7  }
0x530: {  	[tilespmem:s19+$0x0] =	vst v12;
	v10 =	vld.idx.msk [tilespmem:v14+s4+$0x0], $0xffff;
	v9 =	vadd.s32 $0x8, v1  }
0x531: {  	s20 =	sadd.s32 $0x17600, s28;
	v12 =	vadd.s32 $0x9, v0;
	v11 =	vld.idx.msk [tilespmem:v15+s4+$0x0], $0xffff  }
0x532: {  	s21 =	sor.u32 s11, s20;
	v13 =	vadd.s32 $0x10, v2;
	v14 =	vld.idx.msk [tilespmem:v4+s4+$0x0], $0xffff  }
0x533: {  	s22 =	sadd.s32 $0x13E00, s26;
	s23 =	simm.s32 $0x200;
	s2 =	sor.u32 $0x380, s2;
	v16 =	vor.u32 $0x1, v4;
	v15 =	vld.idx.msk [tilespmem:v3+s4+$0x0], $0xffff;
	[tilespmem:s21+$0x0] =	vst v5  }
0x534: {  	s24 =	sor.u32 s25, s22;
	s13 =	sand.u32 $0x3C00, s23;
	[tilespmem:s2+$0x10600] =	vst v6;
	v6 =	vor.u32 $0x1, v3;
	v5 =	vld.idx.msk [tilespmem:v8+s4+$0x0], $0xffff  }
0x535: {  	s1 =	sor.u32 s8, s16;
	s7 =	sadd.s32 $0x10600, s13;
	[tilespmem:s24+$0x0] =	vst v10;
	v8 =	vld.idx.msk [tilespmem:v9+s4+$0x0], $0xffff;
	v9 =	vadd.s32 $0x12, v7  }
0x536: {  	s3 =	sor.u32 s12, s7;
	[tilespmem:s1+$0x0] =	vst v11;
	v10 =	vld.idx.msk [tilespmem:v12+s4+$0x0], $0xffff;
	v11 =	vadd.s32 $0x9, v1  }
0x537: {  	s29 =	sadd.s32 $0x17680, s28;
	[tilespmem:s3+$0x0] =	vst v14;
	s1 =	sor.u32 s9, s7;
	v12 =	vld.idx.msk [tilespmem:v13+s4+$0x0], $0xffff;
	v13 =	vadd.s32 $0xA, v0  }
0x538: {  	s14 =	sor.u32 s11, s29;
	v14 =	vld.idx.msk [tilespmem:v16+s4+$0x0], $0xffff;
	[tilespmem:s1+$0x0] =	vst v15;
	v15 =	vadd.s32 $0x11, v2  }
0x539: {  	s10 =	sadd.s32 $0x13E80, s26;
	s6 =	sor.u32 s0, s22;
	v16 =	vor.u32 $0x2, v4;
	v6 =	vld.idx.msk [tilespmem:v6+s4+$0x0], $0xffff;
	[tilespmem:s14+$0x0] =	vst v5  }
0x53a: {  	s15 =	sor.u32 s25, s10;
	[tilespmem:s6+$0x0] =	vst v8;
	v5 =	vld.idx.msk [tilespmem:v9+s4+$0x0], $0xffff  }
0x53b: {  	s5 =	sor.u32 s8, s20;
	[tilespmem:s15+$0x0] =	vst v10;
	v8 =	vor.u32 $0x2, v3;
	v9 =	vld.idx.msk [tilespmem:v11+s4+$0x0], $0xffff  }
0x53c: {  	v10 =	vadd.s32 $0x13, v7;
	[tilespmem:s5+$0x0] =	vst v12;
	v11 =	vld.idx.msk [tilespmem:v13+s4+$0x0], $0xffff  }
0x53d: {  	s16 =	sadd.s32 $0x17700, s28;
	[tilespmem:s3+$0x80] =	vst v14;
	v12 =	vadd.s32 $0xA, v1;
	v13 =	vld.idx.msk [tilespmem:v15+s4+$0x0], $0xffff  }
0x53e: {  	s17 =	sor.u32 s11, s16;
	v14 =	vadd.s32 $0xB, v0;
	v15 =	vld.idx.msk [tilespmem:v16+s4+$0x0], $0xffff;
	[tilespmem:s1+$0x80] =	vst v6  }
0x53f: {  	s18 =	sor.u32 s0, s10;
	s19 =	sadd.s32 $0x13F00, s26;
	v16 =	vor.u32 $0x3, v4;
	[tilespmem:s17+$0x0] =	vst v5  }
0x540: {  	s20 =	sor.u32 s25, s19;
	v6 =	vadd.s32 $0x12, v2;
	v8 =	vld.idx.msk [tilespmem:v8+s4+$0x0], $0xffff;
	[tilespmem:s18+$0x0] =	vst v9  }
0x541: {  	s2 =	sor.u32 s8, s29;
	v9 =	vor.u32 $0x3, v3;
	[tilespmem:s20+$0x0] =	vst v11;
	v5 =	vld.idx.msk [tilespmem:v10+s4+$0x0], $0xffff  }
0x542: {  	[tilespmem:s2+$0x0] =	vst v13;
	v10 =	vld.idx.msk [tilespmem:v12+s4+$0x0], $0xffff;
	v12 =	vadd.s32 $0x14, v7  }
0x543: {  	[tilespmem:s3+$0x100] =	vst v15;
	v13 =	vadd.s32 $0xB, v1;
	v11 =	vld.idx.msk [tilespmem:v14+s4+$0x0], $0xffff  }
0x544: {  	s22 =	sadd.s32 $0x17780, s28;
	v15 =	vadd.s32 $0xC, v0;
	v14 =	vld.idx.msk [tilespmem:v16+s4+$0x0], $0xffff  }
0x545: {  	s23 =	sor.u32 s11, s22;
	v17 =	vadd.s32 $0x4, v4;
	v6 =	vld.idx.msk [tilespmem:v6+s4+$0x0], $0xffff;
	[tilespmem:s1+$0x100] =	vst v8  }
0x546: {  	s24 =	sor.u32 s0, s19;
	s29 =	sadd.s32 $0x13F80, s26;
	v8 =	vadd.s32 $0x13, v2;
	v9 =	vld.idx.msk [tilespmem:v9+s4+$0x0], $0xffff;
	[tilespmem:s23+$0x0] =	vst v5  }
0x547: {  	s7 =	sor.u32 s25, s29;
	[tilespmem:s24+$0x0] =	vst v10;
	v5 =	vld.idx.msk [tilespmem:v12+s4+$0x0], $0xffff  }
0x548: {  	v10 =	vadd.s32 $0x4, v3;
	[tilespmem:s7+$0x0] =	vst v11;
	v12 =	vld.idx.msk [tilespmem:v13+s4+$0x0], $0xffff  }
0x549: {  	s5 =	sor.u32 s8, s16;
	v11 =	vadd.s32 $0x15, v7;
	[tilespmem:s3+$0x180] =	vst v14;
	v13 =	vld.idx.msk [tilespmem:v15+s4+$0x0], $0xffff  }
0x54a: {  	s14 =	sadd.s32 $0x17800, s28;
	v15 =	vld.idx.msk [tilespmem:v17+s4+$0x0], $0xffff;
	[tilespmem:s5+$0x0] =	vst v6;
	v6 =	vadd.s32 $0xC, v1  }
0x54b: {  	s21 =	simm.s32 $0x1F60;
	s16 =	sor.u32 s11, s14;
	v14 =	vadd.s32 $0xD, v0;
	v8 =	vld.idx.msk [tilespmem:v8+s4+$0x0], $0xffff;
	[tilespmem:s1+$0x180] =	vst v9  }
0x54c: {  	s17 =	sor.u32 s0, s29;
	s18 =	sor.u32 $0x14000, s26;
	v16 =	vld [tilespmem:s21+$0x0];
	v17 =	vadd.s32 $0x5, v4;
	[tilespmem:s16+$0x0] =	vst v5  }
0x54d: {  	s19 =	sor.u32 s25, s18;
	v9 =	vadd.s32 $0x14, v2;
	v10 =	vld.idx.msk [tilespmem:v10+s4+$0x0], $0xffff;
	[tilespmem:s17+$0x0] =	vst v12  }
0x54e: {  	[tilespmem:s19+$0x0] =	vst v13;
	v5 =	vld.idx.msk [tilespmem:v11+s4+$0x0], $0xffff;
	v11 =	vadd.s32 $0x5, v3  }
0x54f: {  	s6 =	sor.u32 s8, s22;
	v12 =	vadd.s32 $0x16, v7;
	[tilespmem:s3+$0x200] =	vst v15;
	v6 =	vld.idx.msk [tilespmem:v6+s4+$0x0], $0xffff  }
0x550: {  	v13 =	vld.idx.msk [tilespmem:v14+s4+$0x0], $0xffff;
	[tilespmem:s6+$0x0] =	vst v8;
	v8 =	vadd.s32 $0xD, v1  }
0x551: {  	s5 =	sadd.s32 $0x17880, s28;
	v14 =	vadd.s32 $0xE, v0;
	v15 =	vld.idx.msk [tilespmem:v17+s4+$0x0], $0xffff  }
0x552: {  	s20 =	sor.u32 s11, s5;
	v17 =	vadd.s32 $0x6, v4;
	v9 =	vld.idx.msk [tilespmem:v9+s4+$0x0], $0xffff;
	[tilespmem:s1+$0x200] =	vst v10  }
0x553: {  	s15 =	sor.u32 $0x14080, s26;
	s21 =	sor.u32 s0, s18;
	v10 =	vadd.s32 $0x15, v2;
	v11 =	vld.idx.msk [tilespmem:v11+s4+$0x0], $0xffff;
	[tilespmem:s20+$0x0] =	vst v5  }
0x554: {  	s22 =	sor.u32 s25, s15;
	[tilespmem:s21+$0x0] =	vst v6;
	v5 =	vld.idx.msk [tilespmem:v12+s4+$0x0], $0xffff  }
0x555: {  	[tilespmem:s22+$0x0] =	vst v13;
	v8 =	vld.idx.msk [tilespmem:v8+s4+$0x0], $0xffff  }
0x556: {  	s2 =	sor.u32 s8, s14;
	s14 =	simm.s32 $0x2;
	v6 =	vadd.s32 $0x6, v3;
	[tilespmem:s3+$0x280] =	vst v15;
	s20 =	simm.s32 $0x60;
	v13 =	vld.idx.msk [tilespmem:v14+s4+$0x0], $0xffff  }
0x557: {  	s23 =	sand.u32 $0x3, s14;
	s16 =	sor.u32 $0x14100, s26;
	v12 =	vadd.s32 $0x17, v7;
	v14 =	vld.idx.msk [tilespmem:v17+s4+$0x0], $0xffff;
	s6 =	sand.u32 $0x60, s20;
	[tilespmem:s2+$0x0] =	vst v9  }
0x558: {  	s3 =	sadd.s32 $0x17900, s28;
	s24 =	sand.u32 $0x780, s20;
	s10 =	sor.u32 $0x10, s6;
	v9 =	vld.idx.msk [tilespmem:v10+s4+$0x0], $0xffff;
	v10 =	vadd.s32 $0xF, v0  }
0x559: {  	s29 =	sor.u32 s11, s3;
	v17 =	vadd.s32 $0x7, v4;
	s2 =	sshll.u32 s23, $0x5;
	s17 =	sor.u32 s10, s24;
	[tilespmem:s1+$0x280] =	vst v11  }
0x55a: {  	s18 =	sor.u32 s25, s16;
	s2 =	sadd.s32 $0x200, s2;
	v18 =	vld [tilespmem:s17+$0x1F00];
	v11 =	vadd.s32 $0xE, v1;
	[tilespmem:s29+$0x0] =	vst v5  }
0x55b: {  	s15 =	sor.u32 s0, s15;
	s19 =	sadd.s32 $0x10, s2;
	v15 =	vld.idx.msk [tilespmem:v6+s4+$0x0], $0xffff;
	v5 =	vadd.s32 $0x16, v2;
	[tilespmem:s18+$0x0] =	vst v13  }
0x55c: {  	v19 =	vadd.s32 $0x7, v3;
	s21 =	sor.u32 $0x300, s19;
	[tilespmem:s15+$0x0] =	vst v8;
	v6 =	vmul.u32 $0x1C, v16;
	v12 =	vld.idx.msk [tilespmem:v12+s4+$0x0], $0xffff  }
0x55d: {  	s5 =	sor.u32 s8, s5;
	[tilespmem:s21+$0x10600] =	vst v14;
	v8 =	vld.idx.msk [tilespmem:v10+s4+$0x0], $0xffff  }
0x55e: {  	v10 =	vadd.s32 $0x18, v7;
	[tilespmem:s5+$0x0] =	vst v9;
	v9 =	vld.idx.msk [tilespmem:v17+s4+$0x0], $0xffff  }
0x55f: {  	s22 =	sor.u32 $0x300, s2;
	v13 =	vadd.s32 $0x10, v0;
	v11 =	vld.idx.msk [tilespmem:v11+s4+$0x0], $0xffff  }
0x560: {  	v14 =	vadd.s32 $0xF, v1;
	s5 =	sadd.s32 $0x17980, s28;
	[tilespmem:s22+$0x10600] =	vst v15;
	v15 =	vld.idx.msk [tilespmem:v5+s4+$0x0], $0xffff  }
0x561: {  	s24 =	sor.u32 $0x14180, s26;
	v17 =	vadd.s32 $0x8, v4;
	s23 =	sor.u32 s11, s5;
	v16 =	vld.idx.msk [tilespmem:v19+s4+$0x0], $0xffff  }
0x562: {  	s29 =	sor.u32 s25, s24;
	v5 =	vmul.u32 $0x1C, v18;
	[tilespmem:s23+$0x0] =	vst v12;
	v12 =	vadd.s32 $0x17, v2;
	v18 =	vld.idx.msk [tilespmem:v6+s4+$0x0], $0xffff  }
0x563: {  	s16 =	sor.u32 s0, s16;
	v10 =	vld.idx.msk [tilespmem:v10+s4+$0x0], $0xffff;
	[tilespmem:s29+$0x0] =	vst v8  }
0x564: {  	s1 =	sor.u32 $0x380, s19;
	v8 =	vld.idx.msk [tilespmem:v13+s4+$0x0], $0xffff;
	v13 =	vadd.s32 $0x8, v3;
	[tilespmem:s16+$0x0] =	vst v11  }
0x565: {  	s3 =	sor.u32 s8, s3;
	[tilespmem:s1+$0x10600] =	vst v9;
	v11 =	vadd.s32 $0x19, v7;
	v9 =	vld.idx.msk [tilespmem:v14+s4+$0x0], $0xffff  }
0x566: {  	s2 =	sor.u32 $0x380, s2;
	s1 =	sadd.s32 $0x1AE00, s28;
	v14 =	vld.idx.msk [tilespmem:v17+s4+$0x0], $0xffff;
	v17 =	vadd.s32 $0x11, v0;
	[tilespmem:s3+$0x0] =	vst v15  }
0x567: {  	s7 =	sor.u32 s11, s1;
	s16 =	sadd.s32 $0x17600, s26;
	v15 =	vadd.s32 $0x10, v1;
	v12 =	vld.idx.msk [tilespmem:v12+s4+$0x0], $0xffff;
	[tilespmem:s2+$0x10600] =	vst v16  }
0x568: {  	v20 =	vadd.s32 $0x9, v4;
	s17 =	sor.u32 s25, s16;
	v19 =	vld.idx.msk [tilespmem:v5+s4+$0x0], $0xffff;
	[tilespmem:s7+$0x0] =	vst v10  }
0x569: {  	s19 =	simm.s32 $0x300;
	s18 =	sor.u32 s0, s24;
	s21 =	sadd.s32 $0x13E00, s13;
	v10 =	vadd.s32 $0x18, v2;
	v13 =	vld.idx.msk [tilespmem:v13+s4+$0x0], $0xffff;
	[tilespmem:s17+$0x0] =	vst v8  }
0x56a: {  	s22 =	sor.u32 s12, s21;
	v16 =	vor.u32 $0x1, v5;
	s7 =	sand.u32 $0x3C00, s19;
	v11 =	vld.idx.msk [tilespmem:v11+s4+$0x0], $0xffff;
	[tilespmem:s18+$0x0] =	vst v9  }
0x56b: {  	v21 =	vor.u32 $0x1, v6;
	s23 =	sor.u32 s8, s5;
	s17 =	sadd.s32 $0x10600, s7;
	v9 =	vld.idx.msk [tilespmem:v17+s4+$0x0], $0xffff;
	[tilespmem:s22+$0x0] =	vst v14  }
0x56c: {  	s5 =	sor.u32 s10, s17;
	v17 =	vadd.s32 $0x1A, v7;
	v14 =	vld.idx.msk [tilespmem:v15+s4+$0x0], $0xffff;
	[tilespmem:s23+$0x0] =	vst v12  }
0x56d: {  	s22 =	sor.u32 s6, s17;
	v15 =	vld.idx.msk [tilespmem:v20+s4+$0x0], $0xffff;
	v20 =	vadd.s32 $0x12, v0;
	[tilespmem:s5+$0x0] =	vst v19  }
0x56e: {  	s15 =	sor.u32 s9, s21;
	s2 =	sadd.s32 $0x1AE80, s28;
	v12 =	vadd.s32 $0x9, v3;
	[tilespmem:s22+$0x0] =	vst v18;
	v8 =	vld.idx.msk [tilespmem:v10+s4+$0x0], $0xffff  }
0x56f: {  	s24 =	sor.u32 s11, s2;
	s17 =	sadd.s32 $0x17680, s26;
	v10 =	vld.idx.msk [tilespmem:v16+s4+$0x0], $0xffff;
	v16 =	vadd.s32 $0xA, v4;
	[tilespmem:s15+$0x0] =	vst v13  }
0x570: {  	s18 =	sadd.s32 $0x13E80, s13;
	s29 =	sor.u32 s25, s17;
	v19 =	vor.u32 $0x2, v5;
	v18 =	vld.idx.msk [tilespmem:v21+s4+$0x0], $0xffff;
	[tilespmem:s24+$0x0] =	vst v11  }
0x571: {  	s15 =	sor.u32 s12, s18;
	v11 =	vadd.s32 $0x11, v1;
	v17 =	vld.idx.msk [tilespmem:v17+s4+$0x0], $0xffff;
	[tilespmem:s29+$0x0] =	vst v9  }
0x572: {  	s21 =	sor.u32 s0, s16;
	v13 =	vor.u32 $0x2, v6;
	v9 =	vld.idx.msk [tilespmem:v20+s4+$0x0], $0xffff;
	[tilespmem:s15+$0x0] =	vst v15  }
0x573: {  	v7 =	vadd.s32 $0x1B, v7;
	v12 =	vld.idx.msk [tilespmem:v12+s4+$0x0], $0xffff;
	[tilespmem:s21+$0x0] =	vst v14  }
0x574: {  	v14 =	vadd.s32 $0x13, v0;
	v15 =	vld.idx.msk [tilespmem:v16+s4+$0x0], $0xffff;
	[tilespmem:s5+$0x80] =	vst v10  }
0x575: {  	s3 =	sadd.s32 $0x1AF00, s28;
	v20 =	vadd.s32 $0xA, v3;
	v19 =	vld.idx.msk [tilespmem:v19+s4+$0x0], $0xffff  }
0x576: {  	v63 =	vadd.s32 $0xB, v4;
	s16 =	sadd.s32 $0x17700, s26;
	s23 =	sor.u32 s11, s3;
	[tilespmem:s22+$0x80] =	vst v18;
	v11 =	vld.idx.msk [tilespmem:v11+s4+$0x0], $0xffff  }
0x577: {  	s24 =	sor.u32 s25, s16;
	v16 =	vld.idx.msk [tilespmem:v13+s4+$0x0], $0xffff;
	[tilespmem:s23+$0x0] =	vst v17;
	v17 =	vadd.s32 $0x12, v1  }
0x578: {  	v23 =	vor.u32 $0x3, v5;
	s18 =	sor.u32 s9, s18;
	s29 =	sadd.s32 $0x13F00, s13;
	v22 =	vld.idx.msk [tilespmem:v7+s4+$0x0], $0xffff;
	[tilespmem:s24+$0x0] =	vst v9  }
0x579: {  	s23 =	sor.u32 s12, s29;
	[tilespmem:s18+$0x0] =	vst v12;
	v10 =	vld.idx.msk [tilespmem:v14+s4+$0x0], $0xffff  }
0x57a: {  	s28 =	sadd.s32 $0x1AF80, s28;
	v18 =	vor.u32 $0x3, v6;
	s24 =	sor.u32 s0, s17;
	[tilespmem:s23+$0x0] =	vst v15;
	v13 =	vld.idx.msk [tilespmem:v20+s4+$0x0], $0xffff  }
0x57b: {  	s21 =	sor.u32 s8, s2;
	s18 =	sor.u32 s8, s3;
	v9 =	vadd.s32 $0x14, v0;
	s23 =	sor.u32 s8, s1;
	v12 =	vld.idx.msk [tilespmem:v63+s4+$0x0], $0xffff;
	[tilespmem:s24+$0x0] =	vst v11  }
0x57c: {  	s1 =	sor.u32 s0, s16;
	s16 =	sor.u32 s9, s29;
	s29 =	sor.u32 s11, s28;
	v15 =	vadd.s32 $0xB, v3;
	[tilespmem:s5+$0x100] =	vst v19;
	v7 =	vld.idx.msk [tilespmem:v17+s4+$0x0], $0xffff  }
0x57d: {  	s3 =	sadd.s32 $0x17780, s26;
	s8 =	sor.u32 s8, s28;
	s11 =	simm.s32 $0x1F80;
	v14 =	vadd.s32 $0xC, v4;
	v17 =	vld.idx.msk [tilespmem:v23+s4+$0x0], $0xffff;
	[tilespmem:s29+$0x0] =	vst v22  }
.LBB2_14:
0x57e: {  	v11 =	vld [tilespmem:s11+$0x0];
	[tilespmem:s22+$0x100] =	vst v16;
	v16 =	vadd.s32 $0x13, v1;
	s2 =	sor.u32 s0, s3;
	s3 =	sor.u32 s25, s3;
	s28 =	smov.u32 s6  }
0x57f: {  	v19 =	vadd.s32 $0x4, v5;
	s6 =	sadd.s32 $0x13F80, s13;
	s24 =	smov.u32 s25;
	s25 =	smov.u32 s12;
	v18 =	vld.idx.msk [tilespmem:v18+s4+$0x0], $0xffff;
	[tilespmem:s3+$0x0] =	vst v10  }
0x580: {  	s12 =	smov.u32 s10;
	s15 =	sor.u32 s9, s6;
	s3 =	sor.u32 s25, s6;
	v10 =	vadd.s32 $0x19, v2;
	[tilespmem:s16+$0x0] =	vst v13;
	v9 =	vld.idx.msk [tilespmem:v9+s4+$0x0], $0xffff  }
0x581: {  	v13 =	vadd.s32 $0x4, v6;
	v15 =	vld.idx.msk [tilespmem:v15+s4+$0x0], $0xffff;
	[tilespmem:s3+$0x0] =	vst v12;
	s3 =	smov.u32 s7  }
0x582: {  	v12 =	vld.idx.msk [tilespmem:v14+s4+$0x0], $0xffff;
	[tilespmem:s1+$0x0] =	vst v7;
	v7 =	vadd.s32 $0x15, v0  }
0x583: {  	v14 =	vadd.s32 $0xC, v3;
	[tilespmem:s5+$0x180] =	vst v17;
	v16 =	vld.idx.msk [tilespmem:v16+s4+$0x0], $0xffff  }
0x584: {  	s1 =	sadd.s32 $0x17800, s26;
	v17 =	vld.idx.msk [tilespmem:v19+s4+$0x0], $0xffff;
	v19 =	vadd.s32 $0xD, v4;
	[tilespmem:s23+$0x0] =	vst v8  }
0x585: {  	s6 =	sor.u32 s0, s1;
	s1 =	sor.u32 s24, s1;
	v8 =	vadd.s32 $0x14, v1;
	[tilespmem:s22+$0x180] =	vst v18;
	v10 =	vld.idx.msk [tilespmem:v10+s4+$0x0], $0xffff  }
0x586: {  	s7 =	sor.u32 $0x14000, s13;
	v18 =	vadd.s32 $0x5, v5;
	v13 =	vld.idx.msk [tilespmem:v13+s4+$0x0], $0xffff;
	[tilespmem:s1+$0x0] =	vst v9  }
0x587: {  	s10 =	sor.u32 s9, s7;
	s1 =	sor.u32 s25, s7;
	v9 =	vadd.s32 $0x1A, v2;
	[tilespmem:s15+$0x0] =	vst v15;
	v7 =	vld.idx.msk [tilespmem:v7+s4+$0x0], $0xffff  }
0x588: {  	v15 =	vadd.s32 $0x5, v6;
	v14 =	vld.idx.msk [tilespmem:v14+s4+$0x0], $0xffff;
	[tilespmem:s1+$0x0] =	vst v12  }
0x589: {  	v12 =	vld.idx.msk [tilespmem:v19+s4+$0x0], $0xffff;
	[tilespmem:s2+$0x0] =	vst v16;
	v16 =	vadd.s32 $0x16, v0  }
0x58a: {  	[tilespmem:s5+$0x200] =	vst v17;
	v17 =	vadd.s32 $0xD, v3;
	v8 =	vld.idx.msk [tilespmem:v8+s4+$0x0], $0xffff  }
0x58b: {  	v19 =	vadd.s32 $0xE, v4;
	s2 =	sadd.s32 $0x17880, s26;
	v18 =	vld.idx.msk [tilespmem:v18+s4+$0x0], $0xffff;
	[tilespmem:s21+$0x0] =	vst v10  }
0x58c: {  	s1 =	sor.u32 s0, s2;
	s2 =	sor.u32 s24, s2;
	v10 =	vadd.s32 $0x15, v1;
	[tilespmem:s22+$0x200] =	vst v13;
	v9 =	vld.idx.msk [tilespmem:v9+s4+$0x0], $0xffff  }
0x58d: {  	s7 =	sor.u32 $0x14080, s13;
	v13 =	vld.idx.msk [tilespmem:v15+s4+$0x0], $0xffff;
	v15 =	vadd.s32 $0x6, v5;
	[tilespmem:s2+$0x0] =	vst v7  }
0x58e: {  	s2 =	sor.u32 s9, s7;
	s7 =	sor.u32 s25, s7;
	[tilespmem:s10+$0x0] =	vst v14;
	v7 =	vld.idx.msk [tilespmem:v16+s4+$0x0], $0xffff;
	v14 =	vadd.s32 $0x1B, v2;
	v2 =	vmovc v1;
	v1 =	vmov v3;
	v3 =	vmov v6  }
0x58f: {  	v6 =	vadd.s32 $0x6, v3;
	v16 =	vld.idx.msk [tilespmem:v17+s4+$0x0], $0xffff;
	[tilespmem:s7+$0x0] =	vst v12  }
0x590: {  	v12 =	vld.idx.msk [tilespmem:v19+s4+$0x0], $0xffff;
	[tilespmem:s6+$0x0] =	vst v8;
	v8 =	vadd.s32 $0x17, v0  }
0x591: {  	s14 =	sadd.s32 $0x1, s14;
	[tilespmem:s5+$0x280] =	vst v18;
	v10 =	vld.idx.msk [tilespmem:v10+s4+$0x0], $0xffff  }
0x592: {  	s20 =	sadd.s32 $0x20, s20;
	v17 =	vadd.s32 $0xF, v4;
	s7 =	sadd.s32 $0x17900, s26;
	s5 =	sand.u32 $0x3, s14;
	v15 =	vld.idx.msk [tilespmem:v15+s4+$0x0], $0xffff;
	[tilespmem:s18+$0x0] =	vst v9  }
0x593: {  	s15 =	sand.u32 $0x780, s20;
	s6 =	sand.u32 $0x60, s20;
	s16 =	sor.u32 s24, s7;
	v9 =	vadd.s32 $0xE, v1;
	[tilespmem:s22+$0x280] =	vst v13;
	v13 =	vld.idx.msk [tilespmem:v14+s4+$0x0], $0xffff  }
0x594: {  	s17 =	sor.u32 $0x14100, s13;
	s10 =	sor.u32 $0x10, s6;
	v18 =	vadd.s32 $0x7, v5;
	s5 =	sshll.u32 s5, $0x5;
	v14 =	vld.idx.msk [tilespmem:v6+s4+$0x0], $0xffff;
	[tilespmem:s16+$0x0] =	vst v7  }
0x595: {  	s15 =	sor.u32 s10, s15;
	s5 =	sadd.s32 s5, s19;
	v7 =	vadd.s32 $0x16, v2;
	[tilespmem:s2+$0x0] =	vst v16;
	s2 =	sor.u32 s25, s17;
	v8 =	vld.idx.msk [tilespmem:v8+s4+$0x0], $0xffff  }
0x596: {  	v19 =	vadd.s32 $0x7, v3;
	s16 =	sor.u32 $0x380, s5;
	v16 =	vld [tilespmem:s15+$0x1F00];
	s15 =	sor.u32 $0x300, s5;
	s5 =	sadd.s32 $0x10, s5;
	[tilespmem:s2+$0x0] =	vst v12  }
0x597: {  	s7 =	sor.u32 s0, s7;
	v6 =	vmul.u32 $0x1C, v11;
	s17 =	sor.u32 s9, s17;
	s2 =	sor.u32 $0x300, s5;
	v11 =	vld.idx.msk [tilespmem:v17+s4+$0x0], $0xffff;
	[tilespmem:s1+$0x0] =	vst v10;
	v10 =	vadd.s32 $0x18, v0  }
0x598: {  	p1 =	slt.u32 s20, $0x6E0;
	[tilespmem:s2+$0x10600] =	vst v15;
	v9 =	vld.idx.msk [tilespmem:v9+s4+$0x0], $0xffff  }
0x599: {  	v15 =	vadd.s32 $0x10, v4;
	s2 =	sadd.s32 $0x17980, s26;
	v12 =	vld.idx.msk [tilespmem:v18+s4+$0x0], $0xffff;
	[tilespmem:s8+$0x0] =	vst v13  }
0x59a: {  	v13 =	vadd.s32 $0xF, v1;
	s1 =	sor.u32 s0, s2;
	s2 =	sor.u32 s24, s2;
	[tilespmem:s15+$0x10600] =	vst v14;
	v7 =	vld.idx.msk [tilespmem:v7+s4+$0x0], $0xffff  }
0x59b: {  	v17 =	vadd.s32 $0x8, v5;
	s8 =	sor.u32 $0x14180, s13;
	v14 =	vld.idx.msk [tilespmem:v19+s4+$0x0], $0xffff;
	[tilespmem:s2+$0x0] =	vst v8  }
0x59c: {  	v16 =	vmul.u32 $0x1C, v16;
	s2 =	sor.u32 s9, s8;
	s8 =	sor.u32 s25, s8;
	v8 =	vadd.s32 $0x17, v2;
	v10 =	vld.idx.msk [tilespmem:v10+s4+$0x0], $0xffff  }
0x59d: {  	v18 =	vld.idx.msk [tilespmem:v6+s4+$0x0], $0xffff;
	[tilespmem:s8+$0x0] =	vst v11  }
0x59e: {  	s5 =	sor.u32 $0x380, s5;
	v11 =	vadd.s32 $0x19, v0;
	[tilespmem:s17+$0x0] =	vst v9;
	v9 =	vld.idx.msk [tilespmem:v15+s4+$0x0], $0xffff  }
0x59f: {  	v15 =	vadd.s32 $0x8, v3;
	[tilespmem:s5+$0x10600] =	vst v12;
	v12 =	vld.idx.msk [tilespmem:v13+s4+$0x0], $0xffff  }
0x5a0: {  	s5 =	sadd.s32 $0x1AE00, s26;
	v13 =	vld.idx.msk [tilespmem:v17+s4+$0x0], $0xffff;
	v17 =	vadd.s32 $0x11, v4;
	[tilespmem:s7+$0x0] =	vst v7  }
0x5a1: {  	v7 =	vadd.s32 $0x10, v1;
	s23 =	sor.u32 s0, s5;
	s5 =	sor.u32 s24, s5;
	[tilespmem:s16+$0x10600] =	vst v14;
	v8 =	vld.idx.msk [tilespmem:v8+s4+$0x0], $0xffff  }
0x5a2: {  	v19 =	vadd.s32 $0x9, v5;
	s7 =	sadd.s32 $0x17600, s13;
	v14 =	vld.idx.msk [tilespmem:v16+s4+$0x0], $0xffff;
	[tilespmem:s5+$0x0] =	vst v10  }
0x5a3: {  	s8 =	sor.u32 s9, s7;
	s5 =	sor.u32 s25, s7;
	v10 =	vadd.s32 $0x18, v2;
	v11 =	vld.idx.msk [tilespmem:v11+s4+$0x0], $0xffff  }
0x5a4: {  	s19 =	sadd.s32 $0x100, s19;
	s15 =	sadd.s32 $0x13E00, s3;
	v20 =	vor.u32 $0x1, v16;
	v15 =	vld.idx.msk [tilespmem:v15+s4+$0x0], $0xffff;
	[tilespmem:s5+$0x0] =	vst v9  }
0x5a5: {  	s16 =	sor.u32 s28, s15;
	s7 =	sand.u32 $0x3C00, s19;
	s5 =	sor.u32 s12, s15;
	[tilespmem:s2+$0x0] =	vst v12;
	v9 =	vld.idx.msk [tilespmem:v17+s4+$0x0], $0xffff;
	v12 =	vadd.s32 $0x1A, v0  }
0x5a6: {  	s2 =	sadd.s32 $0x10600, s7;
	v17 =	vor.u32 $0x1, v6;
	[tilespmem:s5+$0x0] =	vst v13;
	v7 =	vld.idx.msk [tilespmem:v7+s4+$0x0], $0xffff  }
0x5a7: {  	s22 =	sor.u32 s6, s2;
	s5 =	sor.u32 s10, s2;
	v13 =	vld.idx.msk [tilespmem:v19+s4+$0x0], $0xffff;
	v19 =	vadd.s32 $0x12, v4;
	[tilespmem:s1+$0x0] =	vst v8;
	s1 =	sadd.s32 $0x1AE80, s26  }
0x5a8: {  	[tilespmem:s5+$0x0] =	vst v14;
	v14 =	vadd.s32 $0x9, v3;
	v8 =	vld.idx.msk [tilespmem:v10+s4+$0x0], $0xffff;
	s21 =	sor.u32 s0, s1;
	s1 =	sor.u32 s24, s1  }
0x5a9: {  	s2 =	sadd.s32 $0x17680, s13;
	v10 =	vld.idx.msk [tilespmem:v20+s4+$0x0], $0xffff;
	v20 =	vadd.s32 $0xA, v5;
	[tilespmem:s1+$0x0] =	vst v11  }
0x5aa: {  	s15 =	sor.u32 s9, s2;
	v11 =	vadd.s32 $0x11, v1;
	s1 =	sor.u32 s25, s2;
	[tilespmem:s22+$0x0] =	vst v18;
	v12 =	vld.idx.msk [tilespmem:v12+s4+$0x0], $0xffff  }
0x5ab: {  	s2 =	sadd.s32 $0x13E80, s3;
	v18 =	vor.u32 $0x2, v16;
	v17 =	vld.idx.msk [tilespmem:v17+s4+$0x0], $0xffff;
	[tilespmem:s1+$0x0] =	vst v9  }
0x5ac: {  	s1 =	sor.u32 s12, s2;
	[tilespmem:s16+$0x0] =	vst v15;
	s16 =	sor.u32 s28, s2;
	v9 =	vld.idx.msk [tilespmem:v19+s4+$0x0], $0xffff;
	v15 =	vadd.s32 $0x1B, v0;
	v0 =	vmovc v4;
	v4 =	vmov v5;
	v5 =	vmov v16  }
0x5ad: {  	v16 =	vor.u32 $0x2, v6;
	v14 =	vld.idx.msk [tilespmem:v14+s4+$0x0], $0xffff;
	[tilespmem:s1+$0x0] =	vst v13  }
0x5ae: {  	s1 =	sadd.s32 $0x1AF00, s26;
	v19 =	vld.idx.msk [tilespmem:v20+s4+$0x0], $0xffff;
	[tilespmem:s8+$0x0] =	vst v7;
	v7 =	vadd.s32 $0x13, v0  }
0x5af: {  	v13 =	vadd.s32 $0xA, v3;
	s18 =	sor.u32 s0, s1;
	s1 =	sor.u32 s24, s1;
	[tilespmem:s5+$0x80] =	vst v10;
	v11 =	vld.idx.msk [tilespmem:v11+s4+$0x0], $0xffff  }
0x5b0: {  	s2 =	sadd.s32 $0x17700, s13;
	v21 =	vadd.s32 $0xB, v4;
	v20 =	vld.idx.msk [tilespmem:v18+s4+$0x0], $0xffff;
	[tilespmem:s1+$0x0] =	vst v12  }
0x5b1: {  	s1 =	sor.u32 s9, s2;
	s2 =	sor.u32 s25, s2;
	[tilespmem:s22+$0x80] =	vst v17;
	v17 =	vadd.s32 $0x12, v1;
	v22 =	vld.idx.msk [tilespmem:v15+s4+$0x0], $0xffff  }
0x5b2: {  	v23 =	vor.u32 $0x3, v5;
	s8 =	sadd.s32 $0x13F00, s3;
	v16 =	vld.idx.msk [tilespmem:v16+s4+$0x0], $0xffff;
	[tilespmem:s2+$0x0] =	vst v9  }
.Ltmp11:
0x5b3: {  	s2 =	sor.u32 s12, s8;
	[tilespmem:s16+$0x0] =	vst v14;
	s16 =	sor.u32 s28, s8;
	v10 =	vld.idx.msk [tilespmem:v7+s4+$0x0], $0xffff;
	(pc) =	sbr.rel @p1 .LBB2_14-.Ltmp11, $4  }
0x5b4: {  	v18 =	vor.u32 $0x3, v6;
	v13 =	vld.idx.msk [tilespmem:v13+s4+$0x0], $0xffff;
	[tilespmem:s2+$0x0] =	vst v19  }
0x5b5: {  	v9 =	vadd.s32 $0x14, v0;
	s2 =	sadd.s32 $0x1AF80, s26;
	s26 =	smov.u32 s13;
	s13 =	smov.u32 s3;
	v12 =	vld.idx.msk [tilespmem:v21+s4+$0x0], $0xffff;
	[tilespmem:s15+$0x0] =	vst v11  }
0x5b6: {  	v15 =	vadd.s32 $0xB, v3;
	s8 =	sor.u32 s0, s2;
	s2 =	sor.u32 s24, s2;
	s0 =	smov.u32 s9;
	[tilespmem:s5+$0x100] =	vst v20;
	v7 =	vld.idx.msk [tilespmem:v17+s4+$0x0], $0xffff  }
0x5b7: {  	s11 =	sadd.s32 $0x20, s11;
	v14 =	vadd.s32 $0xC, v4;
	s3 =	sadd.s32 $0x17780, s26;
	s9 =	smov.u32 s28;
	v17 =	vld.idx.msk [tilespmem:v23+s4+$0x0], $0xffff;
	[tilespmem:s2+$0x0] =	vst v22  }
0x5b8: {  	_ =	sdelay $0x2  }
0x5b9: {  	[tilespmem:s22+$0x100] =	vst v16  }
0x5ba: {  	v38 =	vadd.s32 $0x4, v5;
	v11 =	vld.idx.msk [tilespmem:v18+s4+$0x0], $0xffff  }
0x5bb: {  	v39 =	vadd.s32 $0x4, v6;
	_ =	sdelay $0x2  }
0x5bc: {  	[tilespmem:s5+$0x180] =	vst v17  }
0x5bd: {  	v16 =	vld.idx.msk [tilespmem:v38+s4+$0x0], $0xffff;
	[tilespmem:s22+$0x180] =	vst v11  }
0x5be: {  	v40 =	vadd.s32 $0x5, v5;
	v11 =	vld.idx.msk [tilespmem:v39+s4+$0x0], $0xffff  }
0x5bf: {  	v41 =	vadd.s32 $0x5, v6;
	_ =	sdelay $0x2  }
0x5c0: {  	[tilespmem:s5+$0x200] =	vst v16  }
0x5c1: {  	v16 =	vld.idx.msk [tilespmem:v40+s4+$0x0], $0xffff;
	[tilespmem:s22+$0x200] =	vst v11  }
0x5c2: {  	v42 =	vadd.s32 $0x6, v5;
	v11 =	vld.idx.msk [tilespmem:v41+s4+$0x0], $0xffff  }
0x5c3: {  	v43 =	vadd.s32 $0x6, v6;
	_ =	sdelay $0x2  }
0x5c4: {  	s2 =	sadd.s32 $0x1, s14;
	[tilespmem:s5+$0x280] =	vst v16  }
0x5c5: {  	s2 =	sand.u32 $0x3, s2;
	v16 =	vld.idx.msk [tilespmem:v42+s4+$0x0], $0xffff;
	[tilespmem:s22+$0x280] =	vst v11  }
0x5c6: {  	v44 =	vadd.s32 $0x7, v5;
	s2 =	sshll.u32 s2, $0x5;
	v11 =	vld.idx.msk [tilespmem:v43+s4+$0x0], $0xffff  }
0x5c7: {  	v45 =	vadd.s32 $0x7, v6;
	s2 =	sadd.s32 s2, s19  }
0x5c8: {  	s22 =	sadd.s32 $0x10, s2  }
0x5c9: {  	s11 =	sor.u32 $0x300, s22  }
0x5ca: {  	s24 =	sor.u32 $0x300, s2;
	[tilespmem:s11+$0x10600] =	vst v16  }
0x5cb: {  	v46 =	vld.idx.msk [tilespmem:v44+s4+$0x0], $0xffff;
	[tilespmem:s24+$0x10600] =	vst v11  }
0x5cc: {  	v48 =	vadd.s32 $0x8, v5;
	v47 =	vld.idx.msk [tilespmem:v45+s4+$0x0], $0xffff  }
0x5cd: {  	v49 =	vadd.s32 $0x8, v6;
	_ =	sdelay $0x1  }
0x5ce: {  	s5 =	sor.u32 $0x380, s22  }
0x5cf: {  	s2 =	sor.u32 $0x380, s2;
	[tilespmem:s5+$0x10600] =	vst v46  }
0x5d0: {  	v11 =	vld.idx.msk [tilespmem:v48+s4+$0x0], $0xffff;
	[tilespmem:s2+$0x10600] =	vst v47  }
0x5d1: {  	v50 =	vadd.s32 $0x9, v5;
	v51 =	vld.idx.msk [tilespmem:v49+s4+$0x0], $0xffff  }
0x5d2: {  	v52 =	vadd.s32 $0x9, v6  }
0x5d3: {  	s28 =	sadd.s32 $0x13E00, s7  }
0x5d4: {  	s29 =	sor.u32 s10, s28  }
0x5d5: {  	s2 =	sor.u32 s6, s28;
	[tilespmem:s29+$0x0] =	vst v11  }
0x5d6: {  	v11 =	vld.idx.msk [tilespmem:v50+s4+$0x0], $0xffff;
	[tilespmem:s2+$0x0] =	vst v51  }
0x5d7: {  	v53 =	vadd.s32 $0xA, v5;
	v17 =	vld.idx.msk [tilespmem:v52+s4+$0x0], $0xffff  }
0x5d8: {  	v54 =	vadd.s32 $0xA, v6  }
0x5d9: {  	s11 =	sadd.s32 $0x13E80, s7  }
0x5da: {  	s14 =	sor.u32 s10, s11  }
0x5db: {  	s2 =	sor.u32 s6, s11;
	[tilespmem:s14+$0x0] =	vst v11  }
0x5dc: {  	v11 =	vld.idx.msk [tilespmem:v53+s4+$0x0], $0xffff;
	[tilespmem:s2+$0x0] =	vst v17  }
0x5dd: {  	v55 =	vadd.s32 $0xB, v5;
	v17 =	vld.idx.msk [tilespmem:v54+s4+$0x0], $0xffff  }
0x5de: {  	v56 =	vadd.s32 $0xB, v6  }
0x5df: {  	s15 =	sadd.s32 $0x13F00, s7  }
0x5e0: {  	[tilespmem:s16+$0x0] =	vst v13;
	s17 =	sor.u32 s10, s15  }
0x5e1: {  	v13 =	vld.idx.msk [tilespmem:v15+s4+$0x0], $0xffff;
	s2 =	sor.u32 s6, s15;
	[tilespmem:s17+$0x0] =	vst v11  }
0x5e2: {  	v57 =	vadd.s32 $0xC, v3;
	s19 =	sadd.s32 $0x13F80, s13;
	v58 =	vld.idx.msk [tilespmem:v55+s4+$0x0], $0xffff;
	[tilespmem:s2+$0x0] =	vst v17  }
0x5e3: {  	v59 =	vadd.s32 $0xC, v5;
	s20 =	sor.u32 s12, s19;
	v17 =	vld.idx.msk [tilespmem:v56+s4+$0x0], $0xffff  }
0x5e4: {  	v60 =	vadd.s32 $0xC, v6;
	[tilespmem:s20+$0x0] =	vst v12  }
0x5e5: {  	v12 =	vld.idx.msk [tilespmem:v14+s4+$0x0], $0xffff;
	s22 =	sadd.s32 $0x13F80, s7;
	s2 =	sor.u32 s9, s19  }
0x5e6: {  	v61 =	vadd.s32 $0xD, v4;
	s24 =	sor.u32 s10, s22;
	[tilespmem:s2+$0x0] =	vst v13  }
0x5e7: {  	s5 =	sor.u32 s6, s22;
	v11 =	vld.idx.msk [tilespmem:v57+s4+$0x0], $0xffff;
	[tilespmem:s24+$0x0] =	vst v58  }
0x5e8: {  	v62 =	vadd.s32 $0xD, v3;
	s28 =	sor.u32 $0x14000, s13;
	v15 =	vld.idx.msk [tilespmem:v59+s4+$0x0], $0xffff;
	[tilespmem:s5+$0x0] =	vst v17  }
0x5e9: {  	v63 =	vadd.s32 $0xD, v5;
	s29 =	sor.u32 s12, s28;
	v17 =	vld.idx.msk [tilespmem:v60+s4+$0x0], $0xffff  }
0x5ea: {  	v21 =	vadd.s32 $0xD, v6;
	[tilespmem:s29+$0x0] =	vst v12  }
0x5eb: {  	s11 =	sor.u32 $0x14000, s7;
	v12 =	vld.idx.msk [tilespmem:v61+s4+$0x0], $0xffff;
	s2 =	sor.u32 s9, s28  }
0x5ec: {  	v22 =	vadd.s32 $0xE, v4;
	s14 =	sor.u32 s10, s11;
	[tilespmem:s2+$0x0] =	vst v11  }
0x5ed: {  	s5 =	sor.u32 s6, s11;
	v23 =	vld.idx.msk [tilespmem:v62+s4+$0x0], $0xffff;
	[tilespmem:s14+$0x0] =	vst v15  }
0x5ee: {  	v24 =	vadd.s32 $0xE, v3;
	s15 =	sor.u32 $0x14080, s13;
	v15 =	vld.idx.msk [tilespmem:v63+s4+$0x0], $0xffff;
	[tilespmem:s5+$0x0] =	vst v17  }
0x5ef: {  	v25 =	vadd.s32 $0xE, v5;
	s16 =	sor.u32 s12, s15;
	v17 =	vld.idx.msk [tilespmem:v21+s4+$0x0], $0xffff  }
0x5f0: {  	v26 =	vadd.s32 $0xE, v6;
	[tilespmem:s16+$0x0] =	vst v12  }
0x5f1: {  	s17 =	sor.u32 $0x14080, s7;
	s2 =	sor.u32 s9, s15;
	v11 =	vld.idx.msk [tilespmem:v22+s4+$0x0], $0xffff  }
0x5f2: {  	v27 =	vadd.s32 $0xF, v4;
	s19 =	sor.u32 s10, s17;
	[tilespmem:s2+$0x0] =	vst v23  }
0x5f3: {  	s5 =	sor.u32 s6, s17;
	v13 =	vld.idx.msk [tilespmem:v24+s4+$0x0], $0xffff;
	[tilespmem:s19+$0x0] =	vst v15  }
0x5f4: {  	v28 =	vadd.s32 $0xF, v3;
	s20 =	sor.u32 $0x14100, s13;
	v15 =	vld.idx.msk [tilespmem:v25+s4+$0x0], $0xffff;
	[tilespmem:s5+$0x0] =	vst v17  }
0x5f5: {  	v29 =	vadd.s32 $0xF, v5;
	s22 =	sor.u32 s12, s20;
	v17 =	vld.idx.msk [tilespmem:v26+s4+$0x0], $0xffff  }
0x5f6: {  	v30 =	vadd.s32 $0xF, v6;
	[tilespmem:s22+$0x0] =	vst v11  }
0x5f7: {  	s24 =	sor.u32 $0x14100, s7;
	s2 =	sor.u32 s9, s20;
	v11 =	vld.idx.msk [tilespmem:v27+s4+$0x0], $0xffff  }
0x5f8: {  	v31 =	vadd.s32 $0x10, v4;
	s28 =	sor.u32 s10, s24;
	[tilespmem:s2+$0x0] =	vst v13  }
0x5f9: {  	s29 =	sor.u32 s6, s24;
	v13 =	vld.idx.msk [tilespmem:v28+s4+$0x0], $0xffff;
	[tilespmem:s28+$0x0] =	vst v15  }
0x5fa: {  	v32 =	vadd.s32 $0x10, v3;
	s5 =	sor.u32 $0x14180, s13;
	v15 =	vld.idx.msk [tilespmem:v29+s4+$0x0], $0xffff;
	[tilespmem:s29+$0x0] =	vst v17  }
0x5fb: {  	v33 =	vadd.s32 $0x10, v5;
	s11 =	sor.u32 s12, s5;
	v17 =	vld.idx.msk [tilespmem:v30+s4+$0x0], $0xffff  }
0x5fc: {  	v34 =	vadd.s32 $0x10, v6;
	[tilespmem:s11+$0x0] =	vst v11  }
0x5fd: {  	s14 =	sor.u32 $0x14180, s7;
	s2 =	sor.u32 s9, s5;
	v11 =	vld.idx.msk [tilespmem:v31+s4+$0x0], $0xffff  }
0x5fe: {  	v35 =	vadd.s32 $0x11, v4;
	s15 =	sor.u32 s10, s14;
	[tilespmem:s2+$0x0] =	vst v13  }
0x5ff: {  	s5 =	sor.u32 s6, s14;
	v13 =	vld.idx.msk [tilespmem:v32+s4+$0x0], $0xffff;
	[tilespmem:s15+$0x0] =	vst v15  }
0x600: {  	v36 =	vadd.s32 $0x11, v3;
	s17 =	sadd.s32 $0x17600, s13;
	v15 =	vld.idx.msk [tilespmem:v33+s4+$0x0], $0xffff;
	[tilespmem:s5+$0x0] =	vst v17  }
0x601: {  	v37 =	vadd.s32 $0x11, v5;
	s19 =	sor.u32 s12, s17;
	v17 =	vld.idx.msk [tilespmem:v34+s4+$0x0], $0xffff  }
0x602: {  	v38 =	vadd.s32 $0x11, v6;
	[tilespmem:s19+$0x0] =	vst v11  }
0x603: {  	[tilespmem:s1+$0x0] =	vst v7;
	v39 =	vadd.s32 $0x13, v1;
	s20 =	sadd.s32 $0x17600, s7;
	v12 =	vld.idx.msk [tilespmem:v35+s4+$0x0], $0xffff;
	s5 =	sor.u32 s9, s17  }
0x604: {  	v40 =	vadd.s32 $0x12, v4;
	s22 =	sor.u32 s10, s20;
	[tilespmem:s5+$0x0] =	vst v13  }
0x605: {  	s2 =	sor.u32 s6, s20;
	v14 =	vld.idx.msk [tilespmem:v36+s4+$0x0], $0xffff;
	[tilespmem:s22+$0x0] =	vst v15  }
0x606: {  	v41 =	vadd.s32 $0x12, v3;
	s16 =	sor.u32 s25, s3;
	s24 =	sadd.s32 $0x17680, s13;
	v16 =	vld.idx.msk [tilespmem:v37+s4+$0x0], $0xffff;
	[tilespmem:s2+$0x0] =	vst v17  }
0x607: {  	v42 =	vadd.s32 $0x12, v5;
	[tilespmem:s16+$0x0] =	vst v10;
	s28 =	sor.u32 s12, s24;
	v10 =	vld.idx.msk [tilespmem:v38+s4+$0x0], $0xffff  }
0x608: {  	v43 =	vadd.s32 $0x12, v6;
	v11 =	vld.idx.msk [tilespmem:v39+s4+$0x0], $0xffff;
	[tilespmem:s28+$0x0] =	vst v12  }
0x609: {  	[tilespmem:s23+$0x0] =	vst v8;
	v44 =	vadd.s32 $0x19, v2;
	s1 =	sor.u32 s9, s24;
	s29 =	sadd.s32 $0x17680, s7;
	v13 =	vld.idx.msk [tilespmem:v40+s4+$0x0], $0xffff  }
0x60a: {  	v51 =	vadd.s32 $0x14, v1;
	v9 =	vld.idx.msk [tilespmem:v9+s4+$0x0], $0xffff;
	s5 =	sor.u32 s10, s29;
	[tilespmem:s1+$0x0] =	vst v14  }
0x60b: {  	v46 =	vadd.s32 $0x13, v4;
	s2 =	sor.u32 s6, s29;
	v15 =	vld.idx.msk [tilespmem:v41+s4+$0x0], $0xffff;
	[tilespmem:s5+$0x0] =	vst v16  }
0x60c: {  	v47 =	vadd.s32 $0x13, v3;
	s14 =	sor.u32 s0, s3;
	s15 =	sadd.s32 $0x17700, s13;
	v7 =	vld.idx.msk [tilespmem:v42+s4+$0x0], $0xffff;
	[tilespmem:s2+$0x0] =	vst v10  }
0x60d: {  	v48 =	vadd.s32 $0x13, v5;
	s16 =	sor.u32 s12, s15;
	[tilespmem:s14+$0x0] =	vst v11;
	s1 =	sadd.s32 $0x17800, s26;
	v8 =	vld.idx.msk [tilespmem:v43+s4+$0x0], $0xffff  }
0x60e: {  	v49 =	vld.idx.msk [tilespmem:v44+s4+$0x0], $0xffff;
	v50 =	vadd.s32 $0x13, v6;
	s11 =	sor.u32 s25, s1;
	[tilespmem:s16+$0x0] =	vst v13  }
0x60f: {  	v45 =	vadd.s32 $0x15, v0;
	s17 =	sadd.s32 $0x17700, s7;
	v56 =	vld.idx.msk [tilespmem:v51+s4+$0x0], $0xffff;
	[tilespmem:s11+$0x0] =	vst v9;
	s2 =	sor.u32 s9, s15  }
0x610: {  	v52 =	vadd.s32 $0x1A, v2;
	s19 =	sor.u32 s10, s17;
	v14 =	vld.idx.msk [tilespmem:v46+s4+$0x0], $0xffff;
	[tilespmem:s2+$0x0] =	vst v15  }
0x611: {  	v53 =	vadd.s32 $0x14, v4;
	s3 =	sor.u32 s6, s17;
	v10 =	vld.idx.msk [tilespmem:v47+s4+$0x0], $0xffff;
	[tilespmem:s19+$0x0] =	vst v7  }
0x612: {  	v54 =	vadd.s32 $0x14, v3;
	v9 =	vld.idx.msk [tilespmem:v48+s4+$0x0], $0xffff;
	[tilespmem:s3+$0x0] =	vst v8  }
0x613: {  	s23 =	sadd.s32 $0x17780, s13;
	[tilespmem:s21+$0x0] =	vst v49;
	v55 =	vadd.s32 $0x14, v5;
	s1 =	sor.u32 s0, s1;
	v11 =	vld.idx.msk [tilespmem:v50+s4+$0x0], $0xffff  }
0x614: {  	v57 =	vadd.s32 $0x14, v6;
	s24 =	sor.u32 s12, s23;
	[tilespmem:s1+$0x0] =	vst v56;
	v12 =	vld.idx.msk [tilespmem:v45+s4+$0x0], $0xffff  }
0x615: {  	v59 =	vadd.s32 $0x15, v1;
	s28 =	sadd.s32 $0x17780, s7;
	v13 =	vld.idx.msk [tilespmem:v52+s4+$0x0], $0xffff;
	s5 =	sor.u32 s9, s23;
	[tilespmem:s24+$0x0] =	vst v14  }
0x616: {  	v21 =	vadd.s32 $0x1B, v2;
	s29 =	sor.u32 s10, s28;
	v15 =	vld.idx.msk [tilespmem:v53+s4+$0x0], $0xffff;
	[tilespmem:s5+$0x0] =	vst v10  }
0x617: {  	v60 =	vadd.s32 $0x15, v4;
	s20 =	sadd.s32 $0x17880, s26;
	s3 =	sor.u32 s6, s28;
	v7 =	vld.idx.msk [tilespmem:v54+s4+$0x0], $0xffff;
	[tilespmem:s29+$0x0] =	vst v9  }
0x618: {  	v61 =	vadd.s32 $0x15, v3;
	s22 =	sor.u32 s25, s20;
	v8 =	vld.idx.msk [tilespmem:v55+s4+$0x0], $0xffff;
	[tilespmem:s3+$0x0] =	vst v11  }
0x619: {  	v62 =	vadd.s32 $0x15, v5;
	s11 =	sadd.s32 $0x17800, s13;
	[tilespmem:s22+$0x0] =	vst v12;
	v12 =	vld.idx.msk [tilespmem:v57+s4+$0x0], $0xffff  }
0x61a: {  	v20 =	vadd.s32 $0x15, v6;
	s14 =	sor.u32 s12, s11;
	[tilespmem:s18+$0x0] =	vst v13;
	v14 =	vld.idx.msk [tilespmem:v59+s4+$0x0], $0xffff  }
0x61b: {  	v58 =	vadd.s32 $0x16, v0;
	s1 =	sor.u32 s9, s11;
	s15 =	sadd.s32 $0x17800, s7;
	v2 =	vld.idx.msk [tilespmem:v21+s4+$0x0], $0xffff;
	[tilespmem:s14+$0x0] =	vst v15  }
0x61c: {  	v22 =	vadd.s32 $0x16, v1;
	s16 =	sor.u32 s10, s15;
	v9 =	vld.idx.msk [tilespmem:v60+s4+$0x0], $0xffff;
	[tilespmem:s1+$0x0] =	vst v7  }
0x61d: {  	v23 =	vadd.s32 $0x16, v4;
	s3 =	sor.u32 s6, s15;
	v24 =	vld.idx.msk [tilespmem:v61+s4+$0x0], $0xffff;
	[tilespmem:s16+$0x0] =	vst v8  }
0x61e: {  	v25 =	vadd.s32 $0x16, v3;
	s2 =	sor.u32 s0, s20;
	v11 =	vld.idx.msk [tilespmem:v62+s4+$0x0], $0xffff;
	[tilespmem:s3+$0x0] =	vst v12  }
0x61f: {  	v26 =	vadd.s32 $0x16, v5;
	s19 =	sadd.s32 $0x17880, s13;
	[tilespmem:s2+$0x0] =	vst v14;
	v13 =	vld.idx.msk [tilespmem:v20+s4+$0x0], $0xffff  }
0x620: {  	v27 =	vadd.s32 $0x16, v6;
	v63 =	vld.idx.msk [tilespmem:v58+s4+$0x0], $0xffff;
	s20 =	sor.u32 s12, s19;
	[tilespmem:s8+$0x0] =	vst v2  }
0x621: {  	s21 =	sadd.s32 $0x17880, s7;
	v28 =	vadd.s32 $0x17, v0;
	v15 =	vld.idx.msk [tilespmem:v22+s4+$0x0], $0xffff;
	[tilespmem:s20+$0x0] =	vst v9;
	s3 =	sor.u32 s9, s19  }
0x622: {  	v29 =	vadd.s32 $0x17, v1;
	s22 =	sor.u32 s10, s21;
	v7 =	vld.idx.msk [tilespmem:v23+s4+$0x0], $0xffff;
	[tilespmem:s3+$0x0] =	vst v24  }
0x623: {  	v30 =	vadd.s32 $0x17, v4;
	s17 =	sadd.s32 $0x17900, s26;
	s2 =	sor.u32 s6, s21;
	v10 =	vld.idx.msk [tilespmem:v25+s4+$0x0], $0xffff;
	[tilespmem:s22+$0x0] =	vst v11  }
0x624: {  	v31 =	vadd.s32 $0x17, v3;
	s18 =	sor.u32 s25, s17;
	v12 =	vld.idx.msk [tilespmem:v26+s4+$0x0], $0xffff;
	[tilespmem:s2+$0x0] =	vst v13  }
0x625: {  	v32 =	vadd.s32 $0x17, v5;
	s23 =	sadd.s32 $0x17900, s13;
	[tilespmem:s18+$0x0] =	vst v63;
	s1 =	sor.u32 s0, s17;
	v13 =	vld.idx.msk [tilespmem:v27+s4+$0x0], $0xffff  }
0x626: {  	v34 =	vadd.s32 $0x17, v6;
	s24 =	sor.u32 s12, s23;
	v33 =	vld.idx.msk [tilespmem:v28+s4+$0x0], $0xffff;
	[tilespmem:s1+$0x0] =	vst v15  }
0x627: {  	v35 =	vadd.s32 $0x18, v0;
	s28 =	sor.u32 s9, s23;
	s29 =	sadd.s32 $0x17900, s7;
	v9 =	vld.idx.msk [tilespmem:v29+s4+$0x0], $0xffff;
	[tilespmem:s24+$0x0] =	vst v7  }
0x628: {  	v36 =	vadd.s32 $0x18, v1;
	s3 =	sor.u32 s10, s29;
	v8 =	vld.idx.msk [tilespmem:v30+s4+$0x0], $0xffff;
	[tilespmem:s28+$0x0] =	vst v10  }
0x629: {  	v37 =	vadd.s32 $0x18, v4;
	s5 =	sadd.s32 $0x17980, s26;
	s2 =	sor.u32 s6, s29;
	v11 =	vld.idx.msk [tilespmem:v31+s4+$0x0], $0xffff;
	[tilespmem:s3+$0x0] =	vst v12  }
0x62a: {  	v38 =	vadd.s32 $0x18, v3;
	s8 =	sor.u32 s25, s5;
	v2 =	vld.idx.msk [tilespmem:v32+s4+$0x0], $0xffff;
	[tilespmem:s2+$0x0] =	vst v13  }
0x62b: {  	v39 =	vadd.s32 $0x18, v5;
	s11 =	sadd.s32 $0x17980, s13;
	s1 =	sor.u32 s0, s5;
	[tilespmem:s8+$0x0] =	vst v33;
	v40 =	vld.idx.msk [tilespmem:v34+s4+$0x0], $0xffff  }
0x62c: {  	v42 =	vadd.s32 $0x18, v6;
	s14 =	sor.u32 s12, s11;
	v41 =	vld.idx.msk [tilespmem:v35+s4+$0x0], $0xffff;
	[tilespmem:s1+$0x0] =	vst v9  }
0x62d: {  	v43 =	vadd.s32 $0x19, v0;
	s15 =	sadd.s32 $0x17980, s7;
	v7 =	vld.idx.msk [tilespmem:v36+s4+$0x0], $0xffff;
	[tilespmem:s14+$0x0] =	vst v8;
	s2 =	sor.u32 s9, s11  }
0x62e: {  	v44 =	vadd.s32 $0x19, v1;
	s16 =	sor.u32 s10, s15;
	v10 =	vld.idx.msk [tilespmem:v37+s4+$0x0], $0xffff;
	[tilespmem:s2+$0x0] =	vst v11  }
0x62f: {  	v45 =	vadd.s32 $0x19, v4;
	s17 =	sadd.s32 $0x1AE00, s26;
	s1 =	sor.u32 s6, s15;
	v11 =	vld.idx.msk [tilespmem:v38+s4+$0x0], $0xffff;
	[tilespmem:s16+$0x0] =	vst v2  }
0x630: {  	v46 =	vadd.s32 $0x19, v3;
	s18 =	sor.u32 s25, s17;
	v13 =	vld.idx.msk [tilespmem:v39+s4+$0x0], $0xffff;
	[tilespmem:s1+$0x0] =	vst v40  }
0x631: {  	v47 =	vadd.s32 $0x19, v5;
	s19 =	sadd.s32 $0x1AE00, s13;
	[tilespmem:s18+$0x0] =	vst v41;
	s2 =	sor.u32 s0, s17;
	v9 =	vld.idx.msk [tilespmem:v42+s4+$0x0], $0xffff  }
0x632: {  	v48 =	vadd.s32 $0x19, v6;
	s20 =	sor.u32 s12, s19;
	v15 =	vld.idx.msk [tilespmem:v43+s4+$0x0], $0xffff;
	[tilespmem:s2+$0x0] =	vst v7  }
0x633: {  	v49 =	vadd.s32 $0x1A, v0;
	s21 =	sadd.s32 $0x1AE00, s7;
	v8 =	vld.idx.msk [tilespmem:v44+s4+$0x0], $0xffff;
	[tilespmem:s20+$0x0] =	vst v10;
	s1 =	sor.u32 s9, s19  }
0x634: {  	v50 =	vadd.s32 $0x1A, v1;
	s22 =	sor.u32 s10, s21;
	v2 =	vld.idx.msk [tilespmem:v45+s4+$0x0], $0xffff;
	[tilespmem:s1+$0x0] =	vst v11  }
0x635: {  	v51 =	vadd.s32 $0x1A, v4;
	s23 =	sadd.s32 $0x1AE80, s26;
	s2 =	sor.u32 s6, s21;
	v12 =	vld.idx.msk [tilespmem:v46+s4+$0x0], $0xffff;
	[tilespmem:s22+$0x0] =	vst v13  }
0x636: {  	v52 =	vadd.s32 $0x1A, v3;
	s24 =	sor.u32 s25, s23;
	v13 =	vld.idx.msk [tilespmem:v47+s4+$0x0], $0xffff;
	[tilespmem:s2+$0x0] =	vst v9  }
0x637: {  	v53 =	vadd.s32 $0x1A, v5;
	s28 =	sadd.s32 $0x1AE80, s13;
	[tilespmem:s24+$0x0] =	vst v15;
	s1 =	sor.u32 s0, s23;
	v7 =	vld.idx.msk [tilespmem:v48+s4+$0x0], $0xffff  }
0x638: {  	v54 =	vadd.s32 $0x1A, v6;
	s29 =	sor.u32 s12, s28;
	v15 =	vld.idx.msk [tilespmem:v49+s4+$0x0], $0xffff;
	[tilespmem:s1+$0x0] =	vst v8  }
0x639: {  	v55 =	vadd.s32 $0x1B, v0;
	s3 =	sadd.s32 $0x1AE80, s7;
	v10 =	vld.idx.msk [tilespmem:v50+s4+$0x0], $0xffff;
	[tilespmem:s29+$0x0] =	vst v2;
	s2 =	sor.u32 s9, s28  }
0x63a: {  	v56 =	vadd.s32 $0x1B, v1;
	s5 =	sor.u32 s10, s3;
	v2 =	vld.idx.msk [tilespmem:v51+s4+$0x0], $0xffff;
	[tilespmem:s2+$0x0] =	vst v12  }
0x63b: {  	v57 =	vadd.s32 $0x1B, v4;
	s8 =	sadd.s32 $0x1AF00, s26;
	s1 =	sor.u32 s6, s3;
	v9 =	vld.idx.msk [tilespmem:v52+s4+$0x0], $0xffff;
	[tilespmem:s5+$0x0] =	vst v13  }
0x63c: {  	v58 =	vadd.s32 $0x1B, v3;
	s11 =	sor.u32 s25, s8;
	v59 =	vld.idx.msk [tilespmem:v53+s4+$0x0], $0xffff;
	[tilespmem:s1+$0x0] =	vst v7  }
0x63d: {  	v60 =	vadd.s32 $0x1B, v5;
	s14 =	sadd.s32 $0x1AF00, s13;
	[tilespmem:s11+$0x0] =	vst v15;
	s2 =	sor.u32 s0, s8;
	v8 =	vld.idx.msk [tilespmem:v54+s4+$0x0], $0xffff  }
0x63e: {  	v61 =	vadd.s32 $0x1B, v6;
	s15 =	sor.u32 s12, s14;
	v0 =	vld.idx.msk [tilespmem:v55+s4+$0x0], $0xffff;
	[tilespmem:s2+$0x0] =	vst v10  }
0x63f: {  	s16 =	sadd.s32 $0x1AF00, s7;
	v1 =	vld.idx.msk [tilespmem:v56+s4+$0x0], $0xffff;
	[tilespmem:s15+$0x0] =	vst v2;
	s1 =	sor.u32 s9, s14  }
0x640: {  	s17 =	sor.u32 s10, s16;
	v2 =	vld.idx.msk [tilespmem:v57+s4+$0x0], $0xffff;
	[tilespmem:s1+$0x0] =	vst v9  }
0x641: {  	s18 =	sadd.s32 $0x1AF80, s26;
	s2 =	sor.u32 s6, s16;
	v3 =	vld.idx.msk [tilespmem:v58+s4+$0x0], $0xffff;
	[tilespmem:s17+$0x0] =	vst v59  }
0x642: {  	s19 =	sor.u32 s25, s18;
	v62 =	vld.idx.msk [tilespmem:v60+s4+$0x0], $0xffff;
	[tilespmem:s2+$0x0] =	vst v8  }
0x643: {  	s21 =	sadd.s32 $0x1AF80, s13;
	s20 =	sor.u32 s0, s18;
	[tilespmem:s19+$0x0] =	vst v0;
	v63 =	vld.idx.msk [tilespmem:v61+s4+$0x0], $0xffff  }
0x644: {  	s22 =	sor.u32 s12, s21;
	[tilespmem:s20+$0x0] =	vst v1  }
.Ltmp12:
0x645: {  	s23 =	sadd.s32 $0x1AF80, s7;
	s1 =	sor.u32 s9, s21;
	[tilespmem:s22+$0x0] =	vst v2;
	(pc) =	sbr.rel .LBB2_16-.Ltmp12, $4  }
0x646: {  	s25 =	smul.u32 $0x700, s30;
	s24 =	sor.u32 s10, s23;
	[tilespmem:s1+$0x0] =	vst v3  }
0x647: {  	s26 =	rddreg [dreg:$0x2];
	s30 =	simm.s32 $0x10600;
	s0 =	sor.u32 s6, s23;
	[tilespmem:s24+$0x0] =	vst v62  }
0x648: {  	s29 =	simm.s32 $0x7A1400;
	s28 =	simm.s32 $0x3800;
	[tilespmem:s0+$0x0] =	vst v63;
	s0 =	sadd.s32 s26, s25  }
0x649: {  	[hbm4b:s0+s28] =	stream.strided.scatter [tilespmem:s30], [sflag:$0x6], $0xE000, s29, s28, $0x38;
	[tilespmem:$0x1F680] =	vst v63  }
.LBB2_18:
0x64a: {  	s0 =	simm.s32 $0x0  }
0x64b: {  	s1 =	rddreg [dreg:$0x8];
	s2 =	simm.s32 $0x1E600;
	s31 =	simm.s32 $0x7  }
0x64c: {  	[tilespmem:s2], [sflag:$0x7] =	stream.linear.gather [hbm4b:s1+s0], $0x40, $0x38;
	[tilespmem:$0x1F680] =	vst v63  }
0x64d: {  	_ =	swait.ge [sflag:s31], $0x40  }
0x64e: {  	[sflag:s31] =	ssyncset.done $0x0  }
0x64f: {  	p1 =	por $0x1, $0x1;
	[sflag:s31] =	ssyncadd.s32 $0xFFFFFFC0  }
.LBB2_19:
0x650: {  	v0 =	vld [tilespmem:s0+$0x1E600]  }
0x651: {  	v2 =	vld [tilespmem:s0+$0x1E610];
	_ =	sdelay $0x3  }
0x652: {  	v1 =	vmul.u32 $0x1C, v0  }
0x653: {  	v11 =	vmul.u32 $0x1C, v2;
	_ =	sdelay $0x4  }
0x654: {  	v12 =	vld.idx.msk [tilespmem:v1+s4+$0x0], $0xffff  }
0x655: {  	v3 =	vor.u32 $0x1, v1;
	v4 =	vld.idx.msk [tilespmem:v11+s4+$0x0], $0xffff  }
0x656: {  	v5 =	vor.u32 $0x1, v11;
	_ =	sdelay $0x2  }
0x657: {  	[tilespmem:s0+$0x1E680] =	vst v12  }
0x658: {  	[tilespmem:s0+$0x1E690] =	vst v4;
	v2 =	vld.idx.msk [tilespmem:v3+s4+$0x0], $0xffff  }
0x659: {  	v13 =	vor.u32 $0x2, v1;
	v4 =	vld.idx.msk [tilespmem:v5+s4+$0x0], $0xffff  }
0x65a: {  	v14 =	vor.u32 $0x2, v11;
	_ =	sdelay $0x2  }
0x65b: {  	[tilespmem:s0+$0x1E700] =	vst v2  }
0x65c: {  	[tilespmem:s0+$0x1E710] =	vst v4;
	v2 =	vld.idx.msk [tilespmem:v13+s4+$0x0], $0xffff  }
0x65d: {  	v15 =	vor.u32 $0x3, v1;
	v4 =	vld.idx.msk [tilespmem:v14+s4+$0x0], $0xffff  }
0x65e: {  	v16 =	vor.u32 $0x3, v11;
	_ =	sdelay $0x2  }
0x65f: {  	[tilespmem:s0+$0x1E780] =	vst v2  }
0x660: {  	[tilespmem:s0+$0x1E790] =	vst v4;
	v2 =	vld.idx.msk [tilespmem:v15+s4+$0x0], $0xffff  }
0x661: {  	v17 =	vadd.s32 $0x4, v1;
	v4 =	vld.idx.msk [tilespmem:v16+s4+$0x0], $0xffff  }
0x662: {  	v18 =	vadd.s32 $0x4, v11;
	_ =	sdelay $0x2  }
0x663: {  	[tilespmem:s0+$0x1E800] =	vst v2  }
0x664: {  	[tilespmem:s0+$0x1E810] =	vst v4;
	v2 =	vld.idx.msk [tilespmem:v17+s4+$0x0], $0xffff  }
0x665: {  	v19 =	vadd.s32 $0x5, v1;
	v4 =	vld.idx.msk [tilespmem:v18+s4+$0x0], $0xffff  }
0x666: {  	v20 =	vadd.s32 $0x5, v11;
	_ =	sdelay $0x2  }
0x667: {  	[tilespmem:s0+$0x1E880] =	vst v2  }
0x668: {  	[tilespmem:s0+$0x1E890] =	vst v4;
	v2 =	vld.idx.msk [tilespmem:v19+s4+$0x0], $0xffff  }
0x669: {  	v21 =	vadd.s32 $0x6, v1;
	v4 =	vld.idx.msk [tilespmem:v20+s4+$0x0], $0xffff  }
0x66a: {  	v22 =	vadd.s32 $0x6, v11;
	_ =	sdelay $0x2  }
0x66b: {  	[tilespmem:s0+$0x1E900] =	vst v2  }
0x66c: {  	[tilespmem:s0+$0x1E910] =	vst v4;
	v2 =	vld.idx.msk [tilespmem:v21+s4+$0x0], $0xffff  }
0x66d: {  	v23 =	vadd.s32 $0x7, v1;
	v4 =	vld.idx.msk [tilespmem:v22+s4+$0x0], $0xffff  }
0x66e: {  	v24 =	vadd.s32 $0x7, v11;
	_ =	sdelay $0x2  }
0x66f: {  	[tilespmem:s0+$0x1E980] =	vst v2  }
0x670: {  	[tilespmem:s0+$0x1E990] =	vst v4;
	v2 =	vld.idx.msk [tilespmem:v23+s4+$0x0], $0xffff  }
0x671: {  	v25 =	vadd.s32 $0x8, v1;
	v4 =	vld.idx.msk [tilespmem:v24+s4+$0x0], $0xffff  }
0x672: {  	v26 =	vadd.s32 $0x8, v11;
	_ =	sdelay $0x2  }
0x673: {  	[tilespmem:s0+$0x1EA00] =	vst v2  }
0x674: {  	[tilespmem:s0+$0x1EA10] =	vst v4;
	v2 =	vld.idx.msk [tilespmem:v25+s4+$0x0], $0xffff  }
0x675: {  	v27 =	vadd.s32 $0x9, v1;
	v4 =	vld.idx.msk [tilespmem:v26+s4+$0x0], $0xffff  }
0x676: {  	v28 =	vadd.s32 $0x9, v11;
	_ =	sdelay $0x2  }
0x677: {  	[tilespmem:s0+$0x1EA80] =	vst v2  }
0x678: {  	[tilespmem:s0+$0x1EA90] =	vst v4;
	v2 =	vld.idx.msk [tilespmem:v27+s4+$0x0], $0xffff  }
0x679: {  	v29 =	vadd.s32 $0xA, v1;
	v4 =	vld.idx.msk [tilespmem:v28+s4+$0x0], $0xffff  }
0x67a: {  	v30 =	vadd.s32 $0xA, v11;
	_ =	sdelay $0x2  }
0x67b: {  	[tilespmem:s0+$0x1EB00] =	vst v2  }
0x67c: {  	[tilespmem:s0+$0x1EB10] =	vst v4;
	v2 =	vld.idx.msk [tilespmem:v29+s4+$0x0], $0xffff  }
0x67d: {  	v31 =	vadd.s32 $0xB, v1;
	v4 =	vld.idx.msk [tilespmem:v30+s4+$0x0], $0xffff  }
0x67e: {  	v32 =	vadd.s32 $0xB, v11;
	_ =	sdelay $0x2  }
0x67f: {  	[tilespmem:s0+$0x1EB80] =	vst v2  }
0x680: {  	[tilespmem:s0+$0x1EB90] =	vst v4;
	v2 =	vld.idx.msk [tilespmem:v31+s4+$0x0], $0xffff  }
0x681: {  	v33 =	vadd.s32 $0xC, v1;
	v4 =	vld.idx.msk [tilespmem:v32+s4+$0x0], $0xffff  }
0x682: {  	v34 =	vadd.s32 $0xC, v11;
	_ =	sdelay $0x2  }
0x683: {  	[tilespmem:s0+$0x1EC00] =	vst v2  }
0x684: {  	[tilespmem:s0+$0x1EC10] =	vst v4;
	v2 =	vld.idx.msk [tilespmem:v33+s4+$0x0], $0xffff  }
0x685: {  	v35 =	vadd.s32 $0xD, v1;
	v4 =	vld.idx.msk [tilespmem:v34+s4+$0x0], $0xffff  }
0x686: {  	v36 =	vadd.s32 $0xD, v11;
	_ =	sdelay $0x2  }
0x687: {  	[tilespmem:s0+$0x1EC80] =	vst v2  }
0x688: {  	[tilespmem:s0+$0x1EC90] =	vst v4;
	v2 =	vld.idx.msk [tilespmem:v35+s4+$0x0], $0xffff  }
0x689: {  	v37 =	vadd.s32 $0xE, v1;
	v4 =	vld.idx.msk [tilespmem:v36+s4+$0x0], $0xffff  }
0x68a: {  	v38 =	vadd.s32 $0xE, v11;
	_ =	sdelay $0x2  }
0x68b: {  	[tilespmem:s0+$0x1ED00] =	vst v2  }
0x68c: {  	[tilespmem:s0+$0x1ED10] =	vst v4;
	v2 =	vld.idx.msk [tilespmem:v37+s4+$0x0], $0xffff  }
0x68d: {  	v39 =	vadd.s32 $0xF, v1;
	v4 =	vld.idx.msk [tilespmem:v38+s4+$0x0], $0xffff  }
0x68e: {  	v40 =	vadd.s32 $0xF, v11;
	_ =	sdelay $0x2  }
0x68f: {  	[tilespmem:s0+$0x1ED80] =	vst v2  }
0x690: {  	[tilespmem:s0+$0x1ED90] =	vst v4;
	v2 =	vld.idx.msk [tilespmem:v39+s4+$0x0], $0xffff  }
0x691: {  	v41 =	vadd.s32 $0x10, v1;
	v4 =	vld.idx.msk [tilespmem:v40+s4+$0x0], $0xffff  }
0x692: {  	v42 =	vadd.s32 $0x10, v11;
	_ =	sdelay $0x2  }
0x693: {  	[tilespmem:s0+$0x1EE00] =	vst v2  }
0x694: {  	[tilespmem:s0+$0x1EE10] =	vst v4;
	v2 =	vld.idx.msk [tilespmem:v41+s4+$0x0], $0xffff  }
0x695: {  	v43 =	vadd.s32 $0x11, v1;
	v4 =	vld.idx.msk [tilespmem:v42+s4+$0x0], $0xffff  }
0x696: {  	v44 =	vadd.s32 $0x11, v11;
	_ =	sdelay $0x2  }
0x697: {  	[tilespmem:s0+$0x1EE80] =	vst v2  }
0x698: {  	[tilespmem:s0+$0x1EE90] =	vst v4;
	v2 =	vld.idx.msk [tilespmem:v43+s4+$0x0], $0xffff  }
0x699: {  	v45 =	vadd.s32 $0x12, v1;
	v4 =	vld.idx.msk [tilespmem:v44+s4+$0x0], $0xffff  }
0x69a: {  	v46 =	vadd.s32 $0x12, v11;
	_ =	sdelay $0x2  }
0x69b: {  	[tilespmem:s0+$0x1EF00] =	vst v2  }
0x69c: {  	[tilespmem:s0+$0x1EF10] =	vst v4;
	v2 =	vld.idx.msk [tilespmem:v45+s4+$0x0], $0xffff  }
0x69d: {  	v47 =	vadd.s32 $0x13, v1;
	v4 =	vld.idx.msk [tilespmem:v46+s4+$0x0], $0xffff  }
0x69e: {  	v48 =	vadd.s32 $0x13, v11;
	_ =	sdelay $0x2  }
0x69f: {  	[tilespmem:s0+$0x1EF80] =	vst v2  }
0x6a0: {  	[tilespmem:s0+$0x1EF90] =	vst v4;
	v2 =	vld.idx.msk [tilespmem:v47+s4+$0x0], $0xffff  }
0x6a1: {  	v49 =	vadd.s32 $0x14, v1;
	v4 =	vld.idx.msk [tilespmem:v48+s4+$0x0], $0xffff  }
0x6a2: {  	v50 =	vadd.s32 $0x14, v11;
	_ =	sdelay $0x2  }
0x6a3: {  	[tilespmem:s0+$0x1F000] =	vst v2  }
0x6a4: {  	[tilespmem:s0+$0x1F010] =	vst v4;
	v2 =	vld.idx.msk [tilespmem:v49+s4+$0x0], $0xffff  }
0x6a5: {  	v51 =	vadd.s32 $0x15, v1;
	v4 =	vld.idx.msk [tilespmem:v50+s4+$0x0], $0xffff  }
0x6a6: {  	v52 =	vadd.s32 $0x15, v11;
	_ =	sdelay $0x2  }
0x6a7: {  	[tilespmem:s0+$0x1F080] =	vst v2  }
0x6a8: {  	[tilespmem:s0+$0x1F090] =	vst v4;
	v2 =	vld.idx.msk [tilespmem:v51+s4+$0x0], $0xffff  }
0x6a9: {  	v53 =	vadd.s32 $0x16, v1;
	v4 =	vld.idx.msk [tilespmem:v52+s4+$0x0], $0xffff  }
0x6aa: {  	v54 =	vadd.s32 $0x16, v11;
	_ =	sdelay $0x2  }
0x6ab: {  	[tilespmem:s0+$0x1F100] =	vst v2  }
0x6ac: {  	[tilespmem:s0+$0x1F110] =	vst v4;
	v2 =	vld.idx.msk [tilespmem:v53+s4+$0x0], $0xffff  }
0x6ad: {  	v55 =	vadd.s32 $0x17, v1;
	v4 =	vld.idx.msk [tilespmem:v54+s4+$0x0], $0xffff  }
0x6ae: {  	v56 =	vadd.s32 $0x17, v11;
	_ =	sdelay $0x2  }
0x6af: {  	[tilespmem:s0+$0x1F180] =	vst v2  }
0x6b0: {  	[tilespmem:s0+$0x1F190] =	vst v4;
	v2 =	vld.idx.msk [tilespmem:v55+s4+$0x0], $0xffff  }
0x6b1: {  	v57 =	vadd.s32 $0x18, v1;
	v4 =	vld.idx.msk [tilespmem:v56+s4+$0x0], $0xffff  }
0x6b2: {  	v58 =	vadd.s32 $0x18, v11;
	_ =	sdelay $0x2  }
0x6b3: {  	[tilespmem:s0+$0x1F200] =	vst v2  }
0x6b4: {  	[tilespmem:s0+$0x1F210] =	vst v4;
	v2 =	vld.idx.msk [tilespmem:v57+s4+$0x0], $0xffff  }
0x6b5: {  	v59 =	vadd.s32 $0x19, v1;
	v4 =	vld.idx.msk [tilespmem:v58+s4+$0x0], $0xffff  }
0x6b6: {  	v60 =	vadd.s32 $0x19, v11;
	_ =	sdelay $0x2  }
0x6b7: {  	[tilespmem:s0+$0x1F280] =	vst v2  }
0x6b8: {  	[tilespmem:s0+$0x1F290] =	vst v4;
	v2 =	vld.idx.msk [tilespmem:v59+s4+$0x0], $0xffff  }
0x6b9: {  	v61 =	vadd.s32 $0x1A, v1;
	v4 =	vld.idx.msk [tilespmem:v60+s4+$0x0], $0xffff  }
0x6ba: {  	v62 =	vadd.s32 $0x1A, v11;
	_ =	sdelay $0x2  }
0x6bb: {  	[tilespmem:s0+$0x1F300] =	vst v2  }
0x6bc: {  	[tilespmem:s0+$0x1F310] =	vst v4;
	v2 =	vld.idx.msk [tilespmem:v61+s4+$0x0], $0xffff  }
0x6bd: {  	v1 =	vadd.s32 $0x1B, v1;
	v63 =	vld.idx.msk [tilespmem:v62+s4+$0x0], $0xffff  }
0x6be: {  	v0 =	vadd.s32 $0x1B, v11;
	_ =	sdelay $0x2  }
0x6bf: {  	[tilespmem:s0+$0x1F380] =	vst v2  }
0x6c0: {  	[tilespmem:s0+$0x1F390] =	vst v63;
	v1 =	vld.idx.msk [tilespmem:v1+s4+$0x0], $0xffff  }
0x6c1: {  	p2 =	por p1, p1;
	v0 =	vld.idx.msk [tilespmem:v0+s4+$0x0], $0xffff  }
.Ltmp13:
0x6c2: {  	_ = 	snop;
	(pc) =	sbr.rel @p2 .LBB2_19-.Ltmp13, $3  }
0x6c3: {  	_ =	sdelay $0x1  }
0x6c4: {  	[tilespmem:s0+$0x1F400] =	vst v1  }
0x6c5: {  	p1 =	por $0x0, $0x0;
	[tilespmem:s0+$0x1F410] =	vst v0;
	s0 =	simm.s32 $0x20  }
0x6c6: {  	s0 =	rddreg [dreg:$0x9];
	s1 =	simm.s32 $0x7A1400  }
0x6c7: {  	s2 =	simm.s32 $0x400;
	s3 =	simm.s32 $0x1E680;
	s30 =	simm.s32 $0x1F280  }
0x6c8: {  	[hbm4b:s0+s2] =	stream.strided.scatter [tilespmem:s3], [sflag:$0x7], $0xC00, s1, s2, $0x38;
	[tilespmem:$0x1F680] =	vst v63  }
.Ltmp14:
0x6c9: {  	s31 =	simm.s32 $0x7;
	s0 =	sadd.s32 $0x2DC780, s0;
	(pc) =	sbr.rel .LBB2_21-.Ltmp14, $4  }
0x6ca: {  	[hbm4b:s0+s4] =	stream.linear.scatter [tilespmem:s30], [sflag:$0x7], $0x200, $0x38;
	[tilespmem:$0x1F680] =	vst v63  }
0x6cb: {  	_ =	swait.ge [sflag:s31], $0xE00  }
0x6cc: {  	[sflag:s31] =	ssyncset.done $0x0  }
0x6cd: {  	s1 =	rddreg [dreg:$0xb];
	[sflag:s31] =	ssyncadd.s32 $0xFFFFF200  }
.LBB2_22:
0x6ce: {  	_ =	sfence.sel $0x180000  }
0x6cf: {  	[bflag:$0x0] =	sbarrier.arrive $0xFFFF  }
0x6d0: {  	_ =	strace $0x90000047  }
0x6d1: {  	s0 =	stileid.u32;
	[bflag:$0x2] =	sbarrier.arrive $0xFFFF  }
0x6d2: {  	p0 =	sne.s32 s0, $0x0;
	s0 =	rddreg [dreg:$0x3]  }
0x6d3: {  	s0 =	sadd.s32 @!p0 $0x100000, s0  }
0x6d4: {  	[sflag:s0] =	ssyncadd.tile.s32 @!p0 $0x1;
	_ =	shalt  }
.Lfunc_end2:
_tile_overlayer_lowered:
.L_overlay_start_2:
0x6d5: {  	(tag) =	ssettag $0x2  }
0x6d6: {  	s0 =	rddreg [dreg:$0x0];
	s2 =	stileid.u32  }
0x6d7: {  	s1 =	rddreg [dreg:$0x1];
	p0 =	sne.s32 s2, $0x0  }
0x6d8: {  	s3 =	rddreg [dreg:$0x2];
	[bflag:$0x3] =	sbarrier.arrive $0xFFFF;
	s2 =	simm.s32 @!p0 $0x1C07  }
0x6d9: {  	[timem:s3], [sflag:s2] =	dma.local @!p0 [hbm:s0], s1  }
0x6da: {  	s0 =	simm.s32 @!p0 $0x7  }
0x6db: {  	_ =	swait.ge @!p0 [sflag:s0], s1  }
0x6dc: {  	s1 =	ssub.s32 @!p0 $0x0, s1;
	[sflag:s0] =	ssyncset.done @!p0 $0x0  }
0x6dd: {  	[sflag:s0] =	ssyncadd.s32 @!p0 s1  }
0x6de: {  	[bflag:$0x3] =	sbarrier.arrive $0xFFFF  }
0x6df: {  	_ =	shalt  }

</sc_bundles>
